<compile_context>
chip_gen: v7x
topology: tpu7x:2x2x1
jax: 0.10.2.dev20260603
libtpu: 0.0.44.dev20260713+nightly
codegen_flags: <defaults>
</compile_context>

<pallas_src>
import functools

import jax
import jax.numpy as jnp
from jax import lax
from jax.experimental import pallas as pl
from jax.experimental.pallas import tpu as pltpu
from jax.experimental.pallas import tpu_sc as plsc

_N = 10000
_E = 320000
_NSC = 2
_NSUB = 16
_NW = _NSC * _NSUB
_K = 128
_CHUNKS = 80
_EPW = _CHUNKS * _K
_EPAD = _EPW * _NW
_NPAD = 10240
_RPT = _NPAD // _NSUB
_EPS = 1e-5

@functools.lru_cache(maxsize=None)
def _sc_mesh():
    return plsc.VectorSubcoreMesh(core_axis_name="c", subcore_axis_name="s",
                                  num_cores=_NSC, num_subcores=_NSUB)



def _zero_vmem(buf, f):
    @pl.loop(0, _K)
    def _(r):
        for j in range(f // 16):
            buf[r, pl.ds(j * 16, 16)] = jnp.zeros((16,), jnp.float32)


def _hist_sc(dstp):
    @functools.partial(
        pl.kernel,
        out_type=jax.ShapeDtypeStruct((_NSC, _NPAD, 128), jnp.float32),
        mesh=_sc_mesh(),
        compiler_params=pltpu.CompilerParams(use_tc_tiling_on_sc=False),
        scratch_types=[
            pltpu.VMEM((_CHUNKS, _K), jnp.int32),
            pltpu.VMEM((_K, 16), jnp.float32),
            pltpu.VMEM_SHARED((_NPAD, 16), jnp.float32),
            pltpu.SemaphoreType.DMA,
        ],
    )
    def hist(dst_hbm, out_hbm, didx, ones, acc, semh):
        cid = lax.axis_index("c")
        sid = lax.axis_index("s")
        wid = sid * _NSC + cid
        _zero_vmem(ones, 16)
        for t in range(_RPT // _K):
            pltpu.sync_copy(ones, acc.at[pl.ds(sid * _RPT + t * _K, _K), :])

        @pl.loop(0, _K)
        def _(r):
            ones[r, pl.ds(0, 16)] = jnp.ones((16,), jnp.float32)

        pltpu.sync_copy(dst_hbm.at[wid], didx)
        plsc.subcore_barrier()

        @pl.loop(0, _CHUNKS, step=16)
        def _(c0):
            for j in range(16):
                pltpu.async_copy(ones, acc.at[didx.at[c0 + j]], semh,
                                 add=True)
            for j in range(16):
                pltpu.make_async_copy(ones, acc.at[didx.at[c0 + j]],
                                      semh).wait()

        plsc.subcore_barrier()
        pltpu.sync_copy(acc.at[pl.ds(sid * _RPT, _RPT), :],
                        out_hbm.at[cid, pl.ds(sid * _RPT, _RPT), pl.ds(0, 16)])

    return hist(dstp)


def _agg_sc(g, srcp, dstp, f):
    _NBUF = 4
    _GROUPS = _CHUNKS // _NBUF

    @functools.partial(
        pl.kernel,
        out_type=jax.ShapeDtypeStruct((_NSC, _NPAD, 128), jnp.float32),
        mesh=_sc_mesh(),
        compiler_params=pltpu.CompilerParams(use_tc_tiling_on_sc=False),
        scratch_types=[
            pltpu.VMEM((_CHUNKS, _K), jnp.int32),
            pltpu.VMEM((_CHUNKS, _K), jnp.int32),
            pltpu.VMEM((_NBUF, _K, f), jnp.float32),
            pltpu.VMEM_SHARED((_NPAD, f), jnp.float32),
            pltpu.SemaphoreType.DMA((_NBUF,)),
        ],
    )
    def agg(g_hbm, src_hbm, dst_hbm, out_hbm, sidx, didx, rows, acc, sem):
        cid = lax.axis_index("c")
        sid = lax.axis_index("s")
        wid = sid * _NSC + cid
        _zero_vmem(rows.at[0], f)
        for t in range(_RPT // _K):
            pltpu.sync_copy(rows.at[0],
                            acc.at[pl.ds(sid * _RPT + t * _K, _K), :])
        pltpu.sync_copy(src_hbm.at[wid], sidx)
        pltpu.sync_copy(dst_hbm.at[wid], didx)
        plsc.subcore_barrier()

        for b in range(_NBUF):
            pltpu.async_copy(g_hbm.at[sidx.at[b]], rows.at[b], sem.at[b])

        @pl.loop(0, _GROUPS - 1)
        def _(gb):
            c0 = gb * _NBUF
            for b in range(_NBUF):
                c = c0 + b
                pltpu.make_async_copy(g_hbm.at[sidx.at[c]], rows.at[b],
                                      sem.at[b]).wait()
                pltpu.sync_copy(rows.at[b], acc.at[didx.at[c]], add=True)
                pltpu.async_copy(g_hbm.at[sidx.at[c + _NBUF]], rows.at[b],
                                 sem.at[b])

        for b in range(_NBUF):
            c = (_GROUPS - 1) * _NBUF + b
            pltpu.make_async_copy(g_hbm.at[sidx.at[c]], rows.at[b],
                                  sem.at[b]).wait()
            pltpu.sync_copy(rows.at[b], acc.at[didx.at[c]], add=True)

        plsc.subcore_barrier()
        pltpu.sync_copy(acc.at[pl.ds(sid * _RPT, _RPT), :],
                        out_hbm.at[cid, pl.ds(sid * _RPT, _RPT), pl.ds(0, f)])

    return agg(g, srcp, dstp)



def _stage_ln_mm(x, ln_g, ln_b, w1):
    def body(x_ref, g_ref, b_ref, w_ref, h1_ref):
        xv = x_ref[...]
        m = jnp.mean(xv, axis=1, keepdims=True)
        v = jnp.mean((xv - m) ** 2, axis=1, keepdims=True)
        xn = (xv - m) * lax.rsqrt(v + _EPS) * g_ref[...] + b_ref[...]
        h1_ref[...] = jnp.dot(xn, w_ref[...],
                              preferred_element_type=jnp.float32)

    return pl.pallas_call(
        body,
        out_shape=jax.ShapeDtypeStruct((_N, 96), jnp.float32),
    )(x, ln_g, ln_b, w1)


def _stage_scale(h1, histp):
    def body(h1_ref, h_ref, g1_ref, dinv_ref):
        deg = h_ref[0, :_N, 0:1] + h_ref[1, :_N, 0:1] + 1.0
        dinv = lax.rsqrt(deg)
        g1_ref[...] = h1_ref[...] * dinv
        dinv_ref[...] = dinv

    return pl.pallas_call(
        body,
        out_shape=(jax.ShapeDtypeStruct((_N, 96), jnp.float32),
                   jax.ShapeDtypeStruct((_N, 1), jnp.float32)),
    )(h1, histp)


def _stage_mid(aggp, gprev, dinv, bias, bn_g, bn_b, wn, fr, fout, pad_to):
    def body(a_ref, g_ref, d_ref, b_ref, bg_ref, bb_ref, w_ref, o_ref):
        s = a_ref[0, :_N, :fr] + a_ref[1, :_N, :fr] + g_ref[:, :fr]
        dinv = d_ref[...]
        pre = dinv * s + b_ref[...]
        m = jnp.mean(pre, axis=0, keepdims=True)
        v = jnp.mean((pre - m) ** 2, axis=0, keepdims=True)
        h = (pre - m) * lax.rsqrt(v + _EPS) * bg_ref[...] + bb_ref[...]
        h = jnp.maximum(h, 0.0)
        gn = jnp.dot(h, w_ref[...], preferred_element_type=jnp.float32) * dinv
        if pad_to > fout:
            gn = jnp.pad(gn, ((0, 0), (0, pad_to - fout)))
        o_ref[...] = gn

    return pl.pallas_call(
        body,
        out_shape=jax.ShapeDtypeStruct((_N, pad_to), jnp.float32),
    )(aggp, gprev, dinv, bias, bn_g, bn_b, wn)


def _stage_out(aggp, gprev, dinv, b3, bn_g, bn_b, cw1, cb1, cln_g, cln_b,
               cw2, cb2):
    def body(a_ref, g_ref, d_ref, b_ref, bg_ref, bb_ref, w1_ref, c1_ref,
             lg_ref, lb_ref, w2_ref, c2_ref, o_ref):
        s = a_ref[0, :_N, :24] + a_ref[1, :_N, :24] + g_ref[:, :24]
        pre = d_ref[...] * s + b_ref[...]
        m = jnp.mean(pre, axis=0, keepdims=True)
        v = jnp.mean((pre - m) ** 2, axis=0, keepdims=True)
        h = (pre - m) * lax.rsqrt(v + _EPS) * bg_ref[...] + bb_ref[...]
        h = jnp.maximum(h, 0.0)
        h = jnp.dot(h, w1_ref[...], preferred_element_type=jnp.float32)
        h = h + c1_ref[...]
        m2 = jnp.mean(h, axis=1, keepdims=True)
        v2 = jnp.mean((h - m2) ** 2, axis=1, keepdims=True)
        h = (h - m2) * lax.rsqrt(v2 + _EPS) * lg_ref[...] + lb_ref[...]
        h = jnp.maximum(h, 0.0)
        out = jnp.dot(h, w2_ref[...], preferred_element_type=jnp.float32)
        o_ref[...] = out + c2_ref[...]

    return pl.pallas_call(
        body,
        out_shape=jax.ShapeDtypeStruct((_N, 8), jnp.float32),
    )(aggp, gprev, dinv, b3, bn_g, bn_b, cw1, cb1, cln_g, cln_b, cw2, cb2)



def kernel(x, edge_index, ln_in_g, ln_in_b, W1, b1, bn1_g, bn1_b, W2, b2,
           bn2_g, bn2_b, W3, b3, bn3_g, bn3_b, cW1, cb1, cln_g, cln_b,
           cW2, cb2):
    src, dst = edge_index[0], edge_index[1]
    npad = _EPAD - _E
    ar = jnp.arange(npad, dtype=jnp.int32)
    pad_src = (ar * 97) % _N
    pad_dst = _N + ar % (_NPAD - _N)
    srcp = jnp.concatenate([src, pad_src]).reshape(_NW, _CHUNKS, _K)
    dstp = jnp.concatenate([dst, pad_dst]).reshape(_NW, _CHUNKS, _K)

    histp = _hist_sc(dstp)
    h1 = _stage_ln_mm(x, ln_in_g, ln_in_b, W1)
    g1, dinv = _stage_scale(h1, histp)
    agg1 = _agg_sc(g1, srcp, dstp, 96)
    g2 = _stage_mid(agg1, g1, dinv, b1, bn1_g, bn1_b, W2, 96, 48, 48)
    agg2 = _agg_sc(g2, srcp, dstp, 48)
    g3 = _stage_mid(agg2, g2, dinv, b2, bn2_g, bn2_b, W3, 48, 24, 32)
    agg3 = _agg_sc(g3, srcp, dstp, 32)
    return _stage_out(agg3, g3, dinv, b3, bn3_g, bn3_b, cW1, cb1,
                      cln_g, cln_b, cW2, cb2)

# --- scband reference (transcript-rebuilt; emitter-appended) ---
"""Pipeline reference for scband-balanced-spatial-gnn-17188459119259 (READ-ONLY COPY).

The authoritative reference and input builder live on the scoring server;
editing this copy changes nothing except your own understanding.
"""

import jax, jax.numpy as jnp
import numpy as np

N = 10000
E = 320000


def layer_norm(x, g, b, eps=1e-5):
    m = jnp.mean(x, axis=-1, keepdims=True)
    v = jnp.var(x, axis=-1, keepdims=True)
    return (x - m) / jnp.sqrt(v + eps) * g + b


def batch_norm(x, g, b, eps=1e-5):
    m = jnp.mean(x, axis=0)
    v = jnp.var(x, axis=0)
    return (x - m) / jnp.sqrt(v + eps) * g + b


def gcn_conv(x, src, dst, W, bias, n):
    # PyG GCNConv: linear transform, then symmetric-normalized scatter-add aggregation
    h = x @ W
    deg = jnp.zeros((n,), x.dtype).at[dst].add(1.0)
    dinv = jnp.where(deg > 0, deg ** -0.5, 0.0)
    w = dinv[src] * dinv[dst]
    msg = h[src] * w[:, None]
    out = jax.ops.segment_sum(msg, dst, num_segments=n)
    return out + bias


def setup_inputs(seed: int = 0) -> dict:
    key = jax.random.key(seed)
    ks = jax.random.split(key, 8)
    d_in, hd, nc = 128, 96, 8
    return {
        "x": jax.random.normal(ks[0], (N, d_in), jnp.float32),
        "edge_index": jax.random.randint(ks[1], (2, E), 0, N, dtype=jnp.int32),
        "ln_in_g": jnp.ones((d_in,), jnp.float32),
        "ln_in_b": jnp.zeros((d_in,), jnp.float32),
        "W1": jax.random.normal(ks[2], (d_in, hd), jnp.float32) / np.sqrt(d_in),
        "b1": jnp.zeros((hd,), jnp.float32),
        "bn1_g": jnp.ones((hd,), jnp.float32),
        "bn1_b": jnp.zeros((hd,), jnp.float32),
        "W2": jax.random.normal(ks[3], (hd, hd // 2), jnp.float32) / np.sqrt(hd),
        "b2": jnp.zeros((hd // 2,), jnp.float32),
        "bn2_g": jnp.ones((hd // 2,), jnp.float32),
        "bn2_b": jnp.zeros((hd // 2,), jnp.float32),
        "W3": jax.random.normal(ks[4], (hd // 2, hd // 4), jnp.float32) / np.sqrt(hd // 2),
        "b3": jnp.zeros((hd // 4,), jnp.float32),
        "bn3_g": jnp.ones((hd // 4,), jnp.float32),
        "bn3_b": jnp.zeros((hd // 4,), jnp.float32),
        "cW1": jax.random.normal(ks[5], (hd // 4, hd // 8), jnp.float32) / np.sqrt(hd // 4),
        "cb1": jnp.zeros((hd // 8,), jnp.float32),
        "cln_g": jnp.ones((hd // 8,), jnp.float32),
        "cln_b": jnp.zeros((hd // 8,), jnp.float32),
        "cW2": jax.random.normal(ks[6], (hd // 8, nc), jnp.float32) / np.sqrt(hd // 8),
        "cb2": jnp.zeros((nc,), jnp.float32),
    }


def reference(x, edge_index, ln_in_g, ln_in_b, W1, b1, bn1_g, bn1_b, W2, b2, bn2_g, bn2_b, W3, b3, bn3_g, bn3_b, cW1, cb1, cln_g, cln_b, cW2, cb2):
    # eval-mode: dropout/dropout_adj are identity; BN uses batch statistics math
    src, dst = edge_index[0], edge_index[1]
    loop = jnp.arange(N, dtype=src.dtype)
    src = jnp.concatenate([src, loop])
    dst = jnp.concatenate([dst, loop])
    h = layer_norm(x, ln_in_g, ln_in_b)
    h = gcn_conv(h, src, dst, W1, b1, N)
    h = jax.nn.relu(batch_norm(h, bn1_g, bn1_b))
    h = gcn_conv(h, src, dst, W2, b2, N)
    h = jax.nn.relu(batch_norm(h, bn2_g, bn2_b))
    h = gcn_conv(h, src, dst, W3, b3, N)
    h = jax.nn.relu(batch_norm(h, bn3_g, bn3_b))
    h = h @ cW1 + cb1
    h = jax.nn.relu(layer_norm(h, cln_g, cln_b))
    out = h @ cW2 + cb2
    return out

if __name__ == "__main__":
    import jax
    _d = setup_inputs()
    print(jax.jit(kernel)(*tuple(_d.values())))

</pallas_src>

<mosaic_0001>
#map = affine_map<(d0, d1) -> (0, 0)>
#map1 = affine_map<(d0, d1) -> (0, 0, 0)>
module attributes {stable_mosaic.version = 14 : i64} {
  func.func @agg(%arg0: i32, %arg1: i32, %arg2: memref<10000x96xf32, #tpu.memory_space<hbm>>, %arg3: memref<32x80x128xi32, #tpu.memory_space<hbm>>, %arg4: memref<32x80x128xi32, #tpu.memory_space<hbm>>, %arg5: memref<2x10240x128xf32, #tpu.memory_space<hbm>>, %arg6: memref<80x128xi32, #tpu.memory_space<vmem>>, %arg7: memref<80x128xi32, #tpu.memory_space<vmem>>, %arg8: memref<4x128x96xf32, #tpu.memory_space<vmem>>, %arg9: memref<10240x96xf32, #tpu.memory_space<vmem_shared>>, %arg10: memref<4x!tpu.dma_semaphore, #tpu.memory_space<semaphore_mem>>) attributes {dimension_semantics = [#tpu.dimension_semantics<core_parallel>, #tpu.dimension_semantics<subcore_parallel>], iteration_bounds = array<i64: 2, 16>, scalar_prefetch = 0 : i64, scratch_operands = 5 : i64, tpu.core_type = #tpu.core_type<sc_vector_subcore>, window_params = [{transform_indices = #map}, {transform_indices = #map1}, {transform_indices = #map1}, {transform_indices = #map1}]} {
    %mul3A = arith.constant 2 : i32
    %mul3A_0 = arith.muli %arg1, %mul3A : i32
    %add3A = arith.addi %mul3A_0, %arg0 : i32
    %scan3A = arith.constant 0 : i32
    %scan3A_1 = arith.constant 0 : i32
    %scan3A_2 = arith.constant 128 : i32
    %scan3A_3 = arith.addi %scan3A_1, %scan3A_2 : i32
    %scan3A_4 = arith.constant 1 : i32
    scf.for %scan3A_166 = %scan3A_1 to %scan3A_3 step %scan3A_4  : i32 {
      %mul3A_167 = arith.constant 1 : i32
      %mul3A_168 = arith.muli %scan3A_166, %mul3A_167 : i32
      %add3A_169 = arith.constant 0 : i32
      %add3A_170 = arith.addi %add3A_169, %mul3A_168 : i32
      %broadcast_in_dim3A = arith.constant 0.000000e+00 : f32
      %broadcast_in_dim3A_171 = vector.broadcast %broadcast_in_dim3A : f32 to vector<16xf32>
      %swap3A = arith.constant 0 : i32
      %swap3A_172 = arith.constant 0 : i32
      %swap3A_173 = tpu.memref_slice %arg8[%scan3A, %swap3A, %swap3A_172] : memref<4x128x96xf32, #tpu.memory_space<vmem>> -> memref<1x128x96xf32, #tpu.memory_space<vmem>>
      %swap3A_174 = tpu.memref_squeeze %swap3A_173 : memref<1x128x96xf32, #tpu.memory_space<vmem>> -> memref<128x96xf32, #tpu.memory_space<vmem>>
      %swap3A_175 = arith.index_cast %add3A_170 : i32 to index
      %swap3A_176 = arith.constant 0 : index
      %swap3A_177 = tpu.vector_load %swap3A_174[%swap3A_175, %swap3A_176] {strides = array<i32>} : memref<128x96xf32, #tpu.memory_space<vmem>>, vector<1x16xf32>,
      %swap3A_178 = vector.shape_cast %swap3A_177 : vector<1x16xf32> to vector<16xf32>
      %swap3A_179 = vector.shape_cast %broadcast_in_dim3A_171 : vector<16xf32> to vector<1x16xf32>
      tpu.vector_store %swap3A_174[%swap3A_175, %swap3A_176], %swap3A_179 {strides = array<i32>} : memref<128x96xf32, #tpu.memory_space<vmem>>, vector<1x16xf32>,
      %broadcast_in_dim3A_180 = arith.constant 0.000000e+00 : f32
      %broadcast_in_dim3A_181 = vector.broadcast %broadcast_in_dim3A_180 : f32 to vector<16xf32>
      %swap3A_182 = arith.constant 0 : i32
      %swap3A_183 = arith.constant 0 : i32
      %swap3A_184 = tpu.memref_slice %arg8[%scan3A, %swap3A_182, %swap3A_183] : memref<4x128x96xf32, #tpu.memory_space<vmem>> -> memref<1x128x96xf32, #tpu.memory_space<vmem>>
      %swap3A_185 = tpu.memref_squeeze %swap3A_184 : memref<1x128x96xf32, #tpu.memory_space<vmem>> -> memref<128x96xf32, #tpu.memory_space<vmem>>
      %swap3A_186 = arith.index_cast %add3A_170 : i32 to index
      %swap3A_187 = arith.constant 16 : index
      %swap3A_188 = tpu.vector_load %swap3A_185[%swap3A_186, %swap3A_187] {strides = array<i32>} : memref<128x96xf32, #tpu.memory_space<vmem>>, vector<1x16xf32>,
      %swap3A_189 = vector.shape_cast %swap3A_188 : vector<1x16xf32> to vector<16xf32>
      %swap3A_190 = vector.shape_cast %broadcast_in_dim3A_181 : vector<16xf32> to vector<1x16xf32>
      tpu.vector_store %swap3A_185[%swap3A_186, %swap3A_187], %swap3A_190 {strides = array<i32>} : memref<128x96xf32, #tpu.memory_space<vmem>>, vector<1x16xf32>,
      %broadcast_in_dim3A_191 = arith.constant 0.000000e+00 : f32
      %broadcast_in_dim3A_192 = vector.broadcast %broadcast_in_dim3A_191 : f32 to vector<16xf32>
      %swap3A_193 = arith.constant 0 : i32
      %swap3A_194 = arith.constant 0 : i32
      %swap3A_195 = tpu.memref_slice %arg8[%scan3A, %swap3A_193, %swap3A_194] : memref<4x128x96xf32, #tpu.memory_space<vmem>> -> memref<1x128x96xf32, #tpu.memory_space<vmem>>
      %swap3A_196 = tpu.memref_squeeze %swap3A_195 : memref<1x128x96xf32, #tpu.memory_space<vmem>> -> memref<128x96xf32, #tpu.memory_space<vmem>>
      %swap3A_197 = arith.index_cast %add3A_170 : i32 to index
      %swap3A_198 = arith.constant 32 : index
      %swap3A_199 = tpu.vector_load %swap3A_196[%swap3A_197, %swap3A_198] {strides = array<i32>} : memref<128x96xf32, #tpu.memory_space<vmem>>, vector<1x16xf32>,
      %swap3A_200 = vector.shape_cast %swap3A_199 : vector<1x16xf32> to vector<16xf32>
      %swap3A_201 = vector.shape_cast %broadcast_in_dim3A_192 : vector<16xf32> to vector<1x16xf32>
      tpu.vector_store %swap3A_196[%swap3A_197, %swap3A_198], %swap3A_201 {strides = array<i32>} : memref<128x96xf32, #tpu.memory_space<vmem>>, vector<1x16xf32>,
      %broadcast_in_dim3A_202 = arith.constant 0.000000e+00 : f32
      %broadcast_in_dim3A_203 = vector.broadcast %broadcast_in_dim3A_202 : f32 to vector<16xf32>
      %swap3A_204 = arith.constant 0 : i32
      %swap3A_205 = arith.constant 0 : i32
      %swap3A_206 = tpu.memref_slice %arg8[%scan3A, %swap3A_204, %swap3A_205] : memref<4x128x96xf32, #tpu.memory_space<vmem>> -> memref<1x128x96xf32, #tpu.memory_space<vmem>>
      %swap3A_207 = tpu.memref_squeeze %swap3A_206 : memref<1x128x96xf32, #tpu.memory_space<vmem>> -> memref<128x96xf32, #tpu.memory_space<vmem>>
      %swap3A_208 = arith.index_cast %add3A_170 : i32 to index
      %swap3A_209 = arith.constant 48 : index
      %swap3A_210 = tpu.vector_load %swap3A_207[%swap3A_208, %swap3A_209] {strides = array<i32>} : memref<128x96xf32, #tpu.memory_space<vmem>>, vector<1x16xf32>,
      %swap3A_211 = vector.shape_cast %swap3A_210 : vector<1x16xf32> to vector<16xf32>
      %swap3A_212 = vector.shape_cast %broadcast_in_dim3A_203 : vector<16xf32> to vector<1x16xf32>
      tpu.vector_store %swap3A_207[%swap3A_208, %swap3A_209], %swap3A_212 {strides = array<i32>} : memref<128x96xf32, #tpu.memory_space<vmem>>, vector<1x16xf32>,
      %broadcast_in_dim3A_213 = arith.constant 0.000000e+00 : f32
      %broadcast_in_dim3A_214 = vector.broadcast %broadcast_in_dim3A_213 : f32 to vector<16xf32>
      %swap3A_215 = arith.constant 0 : i32
      %swap3A_216 = arith.constant 0 : i32
      %swap3A_217 = tpu.memref_slice %arg8[%scan3A, %swap3A_215, %swap3A_216] : memref<4x128x96xf32, #tpu.memory_space<vmem>> -> memref<1x128x96xf32, #tpu.memory_space<vmem>>
      %swap3A_218 = tpu.memref_squeeze %swap3A_217 : memref<1x128x96xf32, #tpu.memory_space<vmem>> -> memref<128x96xf32, #tpu.memory_space<vmem>>
      %swap3A_219 = arith.index_cast %add3A_170 : i32 to index
      %swap3A_220 = arith.constant 64 : index
      %swap3A_221 = tpu.vector_load %swap3A_218[%swap3A_219, %swap3A_220] {strides = array<i32>} : memref<128x96xf32, #tpu.memory_space<vmem>>, vector<1x16xf32>,
      %swap3A_222 = vector.shape_cast %swap3A_221 : vector<1x16xf32> to vector<16xf32>
      %swap3A_223 = vector.shape_cast %broadcast_in_dim3A_214 : vector<16xf32> to vector<1x16xf32>
      tpu.vector_store %swap3A_218[%swap3A_219, %swap3A_220], %swap3A_223 {strides = array<i32>} : memref<128x96xf32, #tpu.memory_space<vmem>>, vector<1x16xf32>,
      %broadcast_in_dim3A_224 = arith.constant 0.000000e+00 : f32
      %broadcast_in_dim3A_225 = vector.broadcast %broadcast_in_dim3A_224 : f32 to vector<16xf32>
      %swap3A_226 = arith.constant 0 : i32
      %swap3A_227 = arith.constant 0 : i32
      %swap3A_228 = tpu.memref_slice %arg8[%scan3A, %swap3A_226, %swap3A_227] : memref<4x128x96xf32, #tpu.memory_space<vmem>> -> memref<1x128x96xf32, #tpu.memory_space<vmem>>
      %swap3A_229 = tpu.memref_squeeze %swap3A_228 : memref<1x128x96xf32, #tpu.memory_space<vmem>> -> memref<128x96xf32, #tpu.memory_space<vmem>>
      %swap3A_230 = arith.index_cast %add3A_170 : i32 to index
      %swap3A_231 = arith.constant 80 : index
      %swap3A_232 = tpu.vector_load %swap3A_229[%swap3A_230, %swap3A_231] {strides = array<i32>} : memref<128x96xf32, #tpu.memory_space<vmem>>, vector<1x16xf32>,
      %swap3A_233 = vector.shape_cast %swap3A_232 : vector<1x16xf32> to vector<16xf32>
      %swap3A_234 = vector.shape_cast %broadcast_in_dim3A_225 : vector<16xf32> to vector<1x16xf32>
      tpu.vector_store %swap3A_229[%swap3A_230, %swap3A_231], %swap3A_234 {strides = array<i32>} : memref<128x96xf32, #tpu.memory_space<vmem>>, vector<1x16xf32>,
    }
    %scan3A_5 = arith.constant 128 : i32
    %mul3A_6 = arith.constant 640 : i32
    %mul3A_7 = arith.muli %arg1, %mul3A_6 : i32
    %add3A_8 = arith.constant 0 : i32
    %add3A_9 = arith.addi %mul3A_7, %add3A_8 : i32
    %run_scoped3A = arith.constant 0 : i32
    "tpu.region"() ({
      %run_scoped3A_166 = tpu.sem_alloc : memref<!tpu.dma_semaphore, #tpu.memory_space<semaphore_mem>>
      %dma_start3A_167 = arith.constant 0 : i32
      %dma_start3A_168 = arith.constant 0 : i32
      %dma_start3A_169 = tpu.memref_slice %arg8[%run_scoped3A, %dma_start3A_167, %dma_start3A_168] : memref<4x128x96xf32, #tpu.memory_space<vmem>> -> memref<1x128x96xf32, #tpu.memory_space<vmem>>
      %dma_start3A_170 = tpu.memref_squeeze %dma_start3A_169 : memref<1x128x96xf32, #tpu.memory_space<vmem>> -> memref<128x96xf32, #tpu.memory_space<vmem>>
      %dma_start3A_171 = arith.constant 0 : i32
      %dma_start3A_172 = tpu.memref_slice %arg9[%add3A_9, %dma_start3A_171] : memref<10240x96xf32, #tpu.memory_space<vmem_shared>> -> memref<128x96xf32, #tpu.memory_space<vmem_shared>>
      %dma_start3A_173 = arith.constant 0 : i32
      %dma_start3A_174 = tpu.memref_slice %arg9[%add3A_9, %dma_start3A_173] : memref<10240x96xf32, #tpu.memory_space<vmem_shared>> -> memref<128x96xf32, #tpu.memory_space<vmem_shared>>
      %dma_start3A_175 = arith.constant 0 : i32
      %dma_start3A_176 = arith.constant 0 : i32
      %dma_start3A_177 = tpu.memref_slice %arg8[%run_scoped3A, %dma_start3A_175, %dma_start3A_176] : memref<4x128x96xf32, #tpu.memory_space<vmem>> -> memref<1x128x96xf32, #tpu.memory_space<vmem>>
      %dma_start3A_178 = tpu.memref_squeeze %dma_start3A_177 : memref<1x128x96xf32, #tpu.memory_space<vmem>> -> memref<128x96xf32, #tpu.memory_space<vmem>>
      tpu.enqueue_dma source(%dma_start3A_178 : memref<128x96xf32, #tpu.memory_space<vmem>>) target(%dma_start3A_174 : memref<128x96xf32, #tpu.memory_space<vmem_shared>>) target_semaphore(%run_scoped3A_166 : memref<!tpu.dma_semaphore, #tpu.memory_space<semaphore_mem>>)
      %dma_wait3A_179 = arith.constant 0 : i32
      %dma_wait3A_180 = arith.constant 0 : i32
      %dma_wait3A_181 = tpu.memref_slice %arg8[%run_scoped3A, %dma_wait3A_179, %dma_wait3A_180] : memref<4x128x96xf32, #tpu.memory_space<vmem>> -> memref<1x128x96xf32, #tpu.memory_space<vmem>>
      %dma_wait3A_182 = tpu.memref_squeeze %dma_wait3A_181 : memref<1x128x96xf32, #tpu.memory_space<vmem>> -> memref<128x96xf32, #tpu.memory_space<vmem>>
      %dma_wait3A_183 = arith.constant 0 : i32
      %dma_wait3A_184 = tpu.memref_slice %arg9[%add3A_9, %dma_wait3A_183] : memref<10240x96xf32, #tpu.memory_space<vmem_shared>> -> memref<128x96xf32, #tpu.memory_space<vmem_shared>>
      %dma_wait3A_185 = arith.constant 0 : i32
      %dma_wait3A_186 = tpu.memref_slice %arg9[%add3A_9, %dma_wait3A_185] : memref<10240x96xf32, #tpu.memory_space<vmem_shared>> -> memref<128x96xf32, #tpu.memory_space<vmem_shared>>
      %dma_wait3A_187 = arith.constant 0 : i32
      %dma_wait3A_188 = arith.constant 0 : i32
      %dma_wait3A_189 = tpu.memref_slice %arg8[%run_scoped3A, %dma_wait3A_187, %dma_wait3A_188] : memref<4x128x96xf32, #tpu.memory_space<vmem>> -> memref<1x128x96xf32, #tpu.memory_space<vmem>>
      %dma_wait3A_190 = tpu.memref_squeeze %dma_wait3A_189 : memref<1x128x96xf32, #tpu.memory_space<vmem>> -> memref<128x96xf32, #tpu.memory_space<vmem>>
      tpu.wait_dma2 semaphore(%run_scoped3A_166 : memref<!tpu.dma_semaphore, #tpu.memory_space<semaphore_mem>>) src(%dma_wait3A_190 : memref<128x96xf32, #tpu.memory_space<vmem>>) dst(%dma_wait3A_186 : memref<128x96xf32, #tpu.memory_space<vmem_shared>>)
      tpu.yield
    }) : () -> ()
    %mul3A_10 = arith.constant 640 : i32
    %mul3A_11 = arith.muli %arg1, %mul3A_10 : i32
    %add3A_12 = arith.constant 128 : i32
    %add3A_13 = arith.addi %mul3A_11, %add3A_12 : i32
    %run_scoped3A_14 = arith.constant 0 : i32
    "tpu.region"() ({
      %run_scoped3A_166 = tpu.sem_alloc : memref<!tpu.dma_semaphore, #tpu.memory_space<semaphore_mem>>
      %dma_start3A_167 = arith.constant 0 : i32
      %dma_start3A_168 = arith.constant 0 : i32
      %dma_start3A_169 = tpu.memref_slice %arg8[%run_scoped3A_14, %dma_start3A_167, %dma_start3A_168] : memref<4x128x96xf32, #tpu.memory_space<vmem>> -> memref<1x128x96xf32, #tpu.memory_space<vmem>>
      %dma_start3A_170 = tpu.memref_squeeze %dma_start3A_169 : memref<1x128x96xf32, #tpu.memory_space<vmem>> -> memref<128x96xf32, #tpu.memory_space<vmem>>
      %dma_start3A_171 = arith.constant 0 : i32
      %dma_start3A_172 = tpu.memref_slice %arg9[%add3A_13, %dma_start3A_171] : memref<10240x96xf32, #tpu.memory_space<vmem_shared>> -> memref<128x96xf32, #tpu.memory_space<vmem_shared>>
      %dma_start3A_173 = arith.constant 0 : i32
      %dma_start3A_174 = tpu.memref_slice %arg9[%add3A_13, %dma_start3A_173] : memref<10240x96xf32, #tpu.memory_space<vmem_shared>> -> memref<128x96xf32, #tpu.memory_space<vmem_shared>>
      %dma_start3A_175 = arith.constant 0 : i32
      %dma_start3A_176 = arith.constant 0 : i32
      %dma_start3A_177 = tpu.memref_slice %arg8[%run_scoped3A_14, %dma_start3A_175, %dma_start3A_176] : memref<4x128x96xf32, #tpu.memory_space<vmem>> -> memref<1x128x96xf32, #tpu.memory_space<vmem>>
      %dma_start3A_178 = tpu.memref_squeeze %dma_start3A_177 : memref<1x128x96xf32, #tpu.memory_space<vmem>> -> memref<128x96xf32, #tpu.memory_space<vmem>>
      tpu.enqueue_dma source(%dma_start3A_178 : memref<128x96xf32, #tpu.memory_space<vmem>>) target(%dma_start3A_174 : memref<128x96xf32, #tpu.memory_space<vmem_shared>>) target_semaphore(%run_scoped3A_166 : memref<!tpu.dma_semaphore, #tpu.memory_space<semaphore_mem>>)
      %dma_wait3A_179 = arith.constant 0 : i32
      %dma_wait3A_180 = arith.constant 0 : i32
      %dma_wait3A_181 = tpu.memref_slice %arg8[%run_scoped3A_14, %dma_wait3A_179, %dma_wait3A_180] : memref<4x128x96xf32, #tpu.memory_space<vmem>> -> memref<1x128x96xf32, #tpu.memory_space<vmem>>
      %dma_wait3A_182 = tpu.memref_squeeze %dma_wait3A_181 : memref<1x128x96xf32, #tpu.memory_space<vmem>> -> memref<128x96xf32, #tpu.memory_space<vmem>>
      %dma_wait3A_183 = arith.constant 0 : i32
      %dma_wait3A_184 = tpu.memref_slice %arg9[%add3A_13, %dma_wait3A_183] : memref<10240x96xf32, #tpu.memory_space<vmem_shared>> -> memref<128x96xf32, #tpu.memory_space<vmem_shared>>
      %dma_wait3A_185 = arith.constant 0 : i32
      %dma_wait3A_186 = tpu.memref_slice %arg9[%add3A_13, %dma_wait3A_185] : memref<10240x96xf32, #tpu.memory_space<vmem_shared>> -> memref<128x96xf32, #tpu.memory_space<vmem_shared>>
      %dma_wait3A_187 = arith.constant 0 : i32
      %dma_wait3A_188 = arith.constant 0 : i32
      %dma_wait3A_189 = tpu.memref_slice %arg8[%run_scoped3A_14, %dma_wait3A_187, %dma_wait3A_188] : memref<4x128x96xf32, #tpu.memory_space<vmem>> -> memref<1x128x96xf32, #tpu.memory_space<vmem>>
      %dma_wait3A_190 = tpu.memref_squeeze %dma_wait3A_189 : memref<1x128x96xf32, #tpu.memory_space<vmem>> -> memref<128x96xf32, #tpu.memory_space<vmem>>
      tpu.wait_dma2 semaphore(%run_scoped3A_166 : memref<!tpu.dma_semaphore, #tpu.memory_space<semaphore_mem>>) src(%dma_wait3A_190 : memref<128x96xf32, #tpu.memory_space<vmem>>) dst(%dma_wait3A_186 : memref<128x96xf32, #tpu.memory_space<vmem_shared>>)
      tpu.yield
    }) : () -> ()
    %mul3A_15 = arith.constant 640 : i32
    %mul3A_16 = arith.muli %arg1, %mul3A_15 : i32
    %add3A_17 = arith.constant 256 : i32
    %add3A_18 = arith.addi %mul3A_16, %add3A_17 : i32
    %run_scoped3A_19 = arith.constant 0 : i32
    "tpu.region"() ({
      %run_scoped3A_166 = tpu.sem_alloc : memref<!tpu.dma_semaphore, #tpu.memory_space<semaphore_mem>>
      %dma_start3A_167 = arith.constant 0 : i32
      %dma_start3A_168 = arith.constant 0 : i32
      %dma_start3A_169 = tpu.memref_slice %arg8[%run_scoped3A_19, %dma_start3A_167, %dma_start3A_168] : memref<4x128x96xf32, #tpu.memory_space<vmem>> -> memref<1x128x96xf32, #tpu.memory_space<vmem>>
      %dma_start3A_170 = tpu.memref_squeeze %dma_start3A_169 : memref<1x128x96xf32, #tpu.memory_space<vmem>> -> memref<128x96xf32, #tpu.memory_space<vmem>>
      %dma_start3A_171 = arith.constant 0 : i32
      %dma_start3A_172 = tpu.memref_slice %arg9[%add3A_18, %dma_start3A_171] : memref<10240x96xf32, #tpu.memory_space<vmem_shared>> -> memref<128x96xf32, #tpu.memory_space<vmem_shared>>
      %dma_start3A_173 = arith.constant 0 : i32
      %dma_start3A_174 = tpu.memref_slice %arg9[%add3A_18, %dma_start3A_173] : memref<10240x96xf32, #tpu.memory_space<vmem_shared>> -> memref<128x96xf32, #tpu.memory_space<vmem_shared>>
      %dma_start3A_175 = arith.constant 0 : i32
      %dma_start3A_176 = arith.constant 0 : i32
      %dma_start3A_177 = tpu.memref_slice %arg8[%run_scoped3A_19, %dma_start3A_175, %dma_start3A_176] : memref<4x128x96xf32, #tpu.memory_space<vmem>> -> memref<1x128x96xf32, #tpu.memory_space<vmem>>
      %dma_start3A_178 = tpu.memref_squeeze %dma_start3A_177 : memref<1x128x96xf32, #tpu.memory_space<vmem>> -> memref<128x96xf32, #tpu.memory_space<vmem>>
      tpu.enqueue_dma source(%dma_start3A_178 : memref<128x96xf32, #tpu.memory_space<vmem>>) target(%dma_start3A_174 : memref<128x96xf32, #tpu.memory_space<vmem_shared>>) target_semaphore(%run_scoped3A_166 : memref<!tpu.dma_semaphore, #tpu.memory_space<semaphore_mem>>)
      %dma_wait3A_179 = arith.constant 0 : i32
      %dma_wait3A_180 = arith.constant 0 : i32
      %dma_wait3A_181 = tpu.memref_slice %arg8[%run_scoped3A_19, %dma_wait3A_179, %dma_wait3A_180] : memref<4x128x96xf32, #tpu.memory_space<vmem>> -> memref<1x128x96xf32, #tpu.memory_space<vmem>>
      %dma_wait3A_182 = tpu.memref_squeeze %dma_wait3A_181 : memref<1x128x96xf32, #tpu.memory_space<vmem>> -> memref<128x96xf32, #tpu.memory_space<vmem>>
      %dma_wait3A_183 = arith.constant 0 : i32
      %dma_wait3A_184 = tpu.memref_slice %arg9[%add3A_18, %dma_wait3A_183] : memref<10240x96xf32, #tpu.memory_space<vmem_shared>> -> memref<128x96xf32, #tpu.memory_space<vmem_shared>>
      %dma_wait3A_185 = arith.constant 0 : i32
      %dma_wait3A_186 = tpu.memref_slice %arg9[%add3A_18, %dma_wait3A_185] : memref<10240x96xf32, #tpu.memory_space<vmem_shared>> -> memref<128x96xf32, #tpu.memory_space<vmem_shared>>
      %dma_wait3A_187 = arith.constant 0 : i32
      %dma_wait3A_188 = arith.constant 0 : i32
      %dma_wait3A_189 = tpu.memref_slice %arg8[%run_scoped3A_19, %dma_wait3A_187, %dma_wait3A_188] : memref<4x128x96xf32, #tpu.memory_space<vmem>> -> memref<1x128x96xf32, #tpu.memory_space<vmem>>
      %dma_wait3A_190 = tpu.memref_squeeze %dma_wait3A_189 : memref<1x128x96xf32, #tpu.memory_space<vmem>> -> memref<128x96xf32, #tpu.memory_space<vmem>>
      tpu.wait_dma2 semaphore(%run_scoped3A_166 : memref<!tpu.dma_semaphore, #tpu.memory_space<semaphore_mem>>) src(%dma_wait3A_190 : memref<128x96xf32, #tpu.memory_space<vmem>>) dst(%dma_wait3A_186 : memref<128x96xf32, #tpu.memory_space<vmem_shared>>)
      tpu.yield
    }) : () -> ()
    %mul3A_20 = arith.constant 640 : i32
    %mul3A_21 = arith.muli %arg1, %mul3A_20 : i32
    %add3A_22 = arith.constant 384 : i32
    %add3A_23 = arith.addi %mul3A_21, %add3A_22 : i32
    %run_scoped3A_24 = arith.constant 0 : i32
    "tpu.region"() ({
      %run_scoped3A_166 = tpu.sem_alloc : memref<!tpu.dma_semaphore, #tpu.memory_space<semaphore_mem>>
      %dma_start3A_167 = arith.constant 0 : i32
      %dma_start3A_168 = arith.constant 0 : i32
      %dma_start3A_169 = tpu.memref_slice %arg8[%run_scoped3A_24, %dma_start3A_167, %dma_start3A_168] : memref<4x128x96xf32, #tpu.memory_space<vmem>> -> memref<1x128x96xf32, #tpu.memory_space<vmem>>
      %dma_start3A_170 = tpu.memref_squeeze %dma_start3A_169 : memref<1x128x96xf32, #tpu.memory_space<vmem>> -> memref<128x96xf32, #tpu.memory_space<vmem>>
      %dma_start3A_171 = arith.constant 0 : i32
      %dma_start3A_172 = tpu.memref_slice %arg9[%add3A_23, %dma_start3A_171] : memref<10240x96xf32, #tpu.memory_space<vmem_shared>> -> memref<128x96xf32, #tpu.memory_space<vmem_shared>>
      %dma_start3A_173 = arith.constant 0 : i32
      %dma_start3A_174 = tpu.memref_slice %arg9[%add3A_23, %dma_start3A_173] : memref<10240x96xf32, #tpu.memory_space<vmem_shared>> -> memref<128x96xf32, #tpu.memory_space<vmem_shared>>
      %dma_start3A_175 = arith.constant 0 : i32
      %dma_start3A_176 = arith.constant 0 : i32
      %dma_start3A_177 = tpu.memref_slice %arg8[%run_scoped3A_24, %dma_start3A_175, %dma_start3A_176] : memref<4x128x96xf32, #tpu.memory_space<vmem>> -> memref<1x128x96xf32, #tpu.memory_space<vmem>>
      %dma_start3A_178 = tpu.memref_squeeze %dma_start3A_177 : memref<1x128x96xf32, #tpu.memory_space<vmem>> -> memref<128x96xf32, #tpu.memory_space<vmem>>
      tpu.enqueue_dma source(%dma_start3A_178 : memref<128x96xf32, #tpu.memory_space<vmem>>) target(%dma_start3A_174 : memref<128x96xf32, #tpu.memory_space<vmem_shared>>) target_semaphore(%run_scoped3A_166 : memref<!tpu.dma_semaphore, #tpu.memory_space<semaphore_mem>>)
      %dma_wait3A_179 = arith.constant 0 : i32
      %dma_wait3A_180 = arith.constant 0 : i32
      %dma_wait3A_181 = tpu.memref_slice %arg8[%run_scoped3A_24, %dma_wait3A_179, %dma_wait3A_180] : memref<4x128x96xf32, #tpu.memory_space<vmem>> -> memref<1x128x96xf32, #tpu.memory_space<vmem>>
      %dma_wait3A_182 = tpu.memref_squeeze %dma_wait3A_181 : memref<1x128x96xf32, #tpu.memory_space<vmem>> -> memref<128x96xf32, #tpu.memory_space<vmem>>
      %dma_wait3A_183 = arith.constant 0 : i32
      %dma_wait3A_184 = tpu.memref_slice %arg9[%add3A_23, %dma_wait3A_183] : memref<10240x96xf32, #tpu.memory_space<vmem_shared>> -> memref<128x96xf32, #tpu.memory_space<vmem_shared>>
      %dma_wait3A_185 = arith.constant 0 : i32
      %dma_wait3A_186 = tpu.memref_slice %arg9[%add3A_23, %dma_wait3A_185] : memref<10240x96xf32, #tpu.memory_space<vmem_shared>> -> memref<128x96xf32, #tpu.memory_space<vmem_shared>>
      %dma_wait3A_187 = arith.constant 0 : i32
      %dma_wait3A_188 = arith.constant 0 : i32
      %dma_wait3A_189 = tpu.memref_slice %arg8[%run_scoped3A_24, %dma_wait3A_187, %dma_wait3A_188] : memref<4x128x96xf32, #tpu.memory_space<vmem>> -> memref<1x128x96xf32, #tpu.memory_space<vmem>>
      %dma_wait3A_190 = tpu.memref_squeeze %dma_wait3A_189 : memref<1x128x96xf32, #tpu.memory_space<vmem>> -> memref<128x96xf32, #tpu.memory_space<vmem>>
      tpu.wait_dma2 semaphore(%run_scoped3A_166 : memref<!tpu.dma_semaphore, #tpu.memory_space<semaphore_mem>>) src(%dma_wait3A_190 : memref<128x96xf32, #tpu.memory_space<vmem>>) dst(%dma_wait3A_186 : memref<128x96xf32, #tpu.memory_space<vmem_shared>>)
      tpu.yield
    }) : () -> ()
    %mul3A_25 = arith.constant 640 : i32
    %mul3A_26 = arith.muli %arg1, %mul3A_25 : i32
    %add3A_27 = arith.constant 512 : i32
    %add3A_28 = arith.addi %mul3A_26, %add3A_27 : i32
    %run_scoped3A_29 = arith.constant 0 : i32
    "tpu.region"() ({
      %run_scoped3A_166 = tpu.sem_alloc : memref<!tpu.dma_semaphore, #tpu.memory_space<semaphore_mem>>
      %dma_start3A_167 = arith.constant 0 : i32
      %dma_start3A_168 = arith.constant 0 : i32
      %dma_start3A_169 = tpu.memref_slice %arg8[%run_scoped3A_29, %dma_start3A_167, %dma_start3A_168] : memref<4x128x96xf32, #tpu.memory_space<vmem>> -> memref<1x128x96xf32, #tpu.memory_space<vmem>>
      %dma_start3A_170 = tpu.memref_squeeze %dma_start3A_169 : memref<1x128x96xf32, #tpu.memory_space<vmem>> -> memref<128x96xf32, #tpu.memory_space<vmem>>
      %dma_start3A_171 = arith.constant 0 : i32
      %dma_start3A_172 = tpu.memref_slice %arg9[%add3A_28, %dma_start3A_171] : memref<10240x96xf32, #tpu.memory_space<vmem_shared>> -> memref<128x96xf32, #tpu.memory_space<vmem_shared>>
      %dma_start3A_173 = arith.constant 0 : i32
      %dma_start3A_174 = tpu.memref_slice %arg9[%add3A_28, %dma_start3A_173] : memref<10240x96xf32, #tpu.memory_space<vmem_shared>> -> memref<128x96xf32, #tpu.memory_space<vmem_shared>>
      %dma_start3A_175 = arith.constant 0 : i32
      %dma_start3A_176 = arith.constant 0 : i32
      %dma_start3A_177 = tpu.memref_slice %arg8[%run_scoped3A_29, %dma_start3A_175, %dma_start3A_176] : memref<4x128x96xf32, #tpu.memory_space<vmem>> -> memref<1x128x96xf32, #tpu.memory_space<vmem>>
      %dma_start3A_178 = tpu.memref_squeeze %dma_start3A_177 : memref<1x128x96xf32, #tpu.memory_space<vmem>> -> memref<128x96xf32, #tpu.memory_space<vmem>>
      tpu.enqueue_dma source(%dma_start3A_178 : memref<128x96xf32, #tpu.memory_space<vmem>>) target(%dma_start3A_174 : memref<128x96xf32, #tpu.memory_space<vmem_shared>>) target_semaphore(%run_scoped3A_166 : memref<!tpu.dma_semaphore, #tpu.memory_space<semaphore_mem>>)
      %dma_wait3A_179 = arith.constant 0 : i32
      %dma_wait3A_180 = arith.constant 0 : i32
      %dma_wait3A_181 = tpu.memref_slice %arg8[%run_scoped3A_29, %dma_wait3A_179, %dma_wait3A_180] : memref<4x128x96xf32, #tpu.memory_space<vmem>> -> memref<1x128x96xf32, #tpu.memory_space<vmem>>
      %dma_wait3A_182 = tpu.memref_squeeze %dma_wait3A_181 : memref<1x128x96xf32, #tpu.memory_space<vmem>> -> memref<128x96xf32, #tpu.memory_space<vmem>>
      %dma_wait3A_183 = arith.constant 0 : i32
      %dma_wait3A_184 = tpu.memref_slice %arg9[%add3A_28, %dma_wait3A_183] : memref<10240x96xf32, #tpu.memory_space<vmem_shared>> -> memref<128x96xf32, #tpu.memory_space<vmem_shared>>
      %dma_wait3A_185 = arith.constant 0 : i32
      %dma_wait3A_186 = tpu.memref_slice %arg9[%add3A_28, %dma_wait3A_185] : memref<10240x96xf32, #tpu.memory_space<vmem_shared>> -> memref<128x96xf32, #tpu.memory_space<vmem_shared>>
      %dma_wait3A_187 = arith.constant 0 : i32
      %dma_wait3A_188 = arith.constant 0 : i32
      %dma_wait3A_189 = tpu.memref_slice %arg8[%run_scoped3A_29, %dma_wait3A_187, %dma_wait3A_188] : memref<4x128x96xf32, #tpu.memory_space<vmem>> -> memref<1x128x96xf32, #tpu.memory_space<vmem>>
      %dma_wait3A_190 = tpu.memref_squeeze %dma_wait3A_189 : memref<1x128x96xf32, #tpu.memory_space<vmem>> -> memref<128x96xf32, #tpu.memory_space<vmem>>
      tpu.wait_dma2 semaphore(%run_scoped3A_166 : memref<!tpu.dma_semaphore, #tpu.memory_space<semaphore_mem>>) src(%dma_wait3A_190 : memref<128x96xf32, #tpu.memory_space<vmem>>) dst(%dma_wait3A_186 : memref<128x96xf32, #tpu.memory_space<vmem_shared>>)
      tpu.yield
    }) : () -> ()
    "tpu.region"() ({
      %run_scoped3A_166 = tpu.sem_alloc : memref<!tpu.dma_semaphore, #tpu.memory_space<semaphore_mem>>
      %dma_start3A_167 = arith.constant 0 : i32
      %dma_start3A_168 = arith.constant 0 : i32
      %dma_start3A_169 = tpu.memref_slice %arg3[%add3A, %dma_start3A_167, %dma_start3A_168] : memref<32x80x128xi32, #tpu.memory_space<hbm>> -> memref<1x80x128xi32, #tpu.memory_space<hbm>>
      %dma_start3A_170 = tpu.memref_squeeze %dma_start3A_169 : memref<1x80x128xi32, #tpu.memory_space<hbm>> -> memref<80x128xi32, #tpu.memory_space<hbm>>
      %dma_start3A_171 = arith.constant 0 : i32
      %dma_start3A_172 = arith.constant 0 : i32
      %dma_start3A_173 = tpu.memref_slice %arg3[%add3A, %dma_start3A_171, %dma_start3A_172] : memref<32x80x128xi32, #tpu.memory_space<hbm>> -> memref<1x80x128xi32, #tpu.memory_space<hbm>>
      %dma_start3A_174 = tpu.memref_squeeze %dma_start3A_173 : memref<1x80x128xi32, #tpu.memory_space<hbm>> -> memref<80x128xi32, #tpu.memory_space<hbm>>
      tpu.enqueue_dma source(%dma_start3A_174 : memref<80x128xi32, #tpu.memory_space<hbm>>) target(%arg6 : memref<80x128xi32, #tpu.memory_space<vmem>>) target_semaphore(%run_scoped3A_166 : memref<!tpu.dma_semaphore, #tpu.memory_space<semaphore_mem>>)
      %dma_wait3A_175 = arith.constant 0 : i32
      %dma_wait3A_176 = arith.constant 0 : i32
      %dma_wait3A_177 = tpu.memref_slice %arg3[%add3A, %dma_wait3A_175, %dma_wait3A_176] : memref<32x80x128xi32, #tpu.memory_space<hbm>> -> memref<1x80x128xi32, #tpu.memory_space<hbm>>
      %dma_wait3A_178 = tpu.memref_squeeze %dma_wait3A_177 : memref<1x80x128xi32, #tpu.memory_space<hbm>> -> memref<80x128xi32, #tpu.memory_space<hbm>>
      %dma_wait3A_179 = arith.constant 0 : i32
      %dma_wait3A_180 = arith.constant 0 : i32
      %dma_wait3A_181 = tpu.memref_slice %arg3[%add3A, %dma_wait3A_179, %dma_wait3A_180] : memref<32x80x128xi32, #tpu.memory_space<hbm>> -> memref<1x80x128xi32, #tpu.memory_space<hbm>>
      %dma_wait3A_182 = tpu.memref_squeeze %dma_wait3A_181 : memref<1x80x128xi32, #tpu.memory_space<hbm>> -> memref<80x128xi32, #tpu.memory_space<hbm>>
      tpu.wait_dma2 semaphore(%run_scoped3A_166 : memref<!tpu.dma_semaphore, #tpu.memory_space<semaphore_mem>>) src(%dma_wait3A_182 : memref<80x128xi32, #tpu.memory_space<hbm>>) dst(%arg6 : memref<80x128xi32, #tpu.memory_space<vmem>>)
      tpu.yield
    }) : () -> ()
    "tpu.region"() ({
      %run_scoped3A_166 = tpu.sem_alloc : memref<!tpu.dma_semaphore, #tpu.memory_space<semaphore_mem>>
      %dma_start3A_167 = arith.constant 0 : i32
      %dma_start3A_168 = arith.constant 0 : i32
      %dma_start3A_169 = tpu.memref_slice %arg4[%add3A, %dma_start3A_167, %dma_start3A_168] : memref<32x80x128xi32, #tpu.memory_space<hbm>> -> memref<1x80x128xi32, #tpu.memory_space<hbm>>
      %dma_start3A_170 = tpu.memref_squeeze %dma_start3A_169 : memref<1x80x128xi32, #tpu.memory_space<hbm>> -> memref<80x128xi32, #tpu.memory_space<hbm>>
      %dma_start3A_171 = arith.constant 0 : i32
      %dma_start3A_172 = arith.constant 0 : i32
      %dma_start3A_173 = tpu.memref_slice %arg4[%add3A, %dma_start3A_171, %dma_start3A_172] : memref<32x80x128xi32, #tpu.memory_space<hbm>> -> memref<1x80x128xi32, #tpu.memory_space<hbm>>
      %dma_start3A_174 = tpu.memref_squeeze %dma_start3A_173 : memref<1x80x128xi32, #tpu.memory_space<hbm>> -> memref<80x128xi32, #tpu.memory_space<hbm>>
      tpu.enqueue_dma source(%dma_start3A_174 : memref<80x128xi32, #tpu.memory_space<hbm>>) target(%arg7 : memref<80x128xi32, #tpu.memory_space<vmem>>) target_semaphore(%run_scoped3A_166 : memref<!tpu.dma_semaphore, #tpu.memory_space<semaphore_mem>>)
      %dma_wait3A_175 = arith.constant 0 : i32
      %dma_wait3A_176 = arith.constant 0 : i32
      %dma_wait3A_177 = tpu.memref_slice %arg4[%add3A, %dma_wait3A_175, %dma_wait3A_176] : memref<32x80x128xi32, #tpu.memory_space<hbm>> -> memref<1x80x128xi32, #tpu.memory_space<hbm>>
      %dma_wait3A_178 = tpu.memref_squeeze %dma_wait3A_177 : memref<1x80x128xi32, #tpu.memory_space<hbm>> -> memref<80x128xi32, #tpu.memory_space<hbm>>
      %dma_wait3A_179 = arith.constant 0 : i32
      %dma_wait3A_180 = arith.constant 0 : i32
      %dma_wait3A_181 = tpu.memref_slice %arg4[%add3A, %dma_wait3A_179, %dma_wait3A_180] : memref<32x80x128xi32, #tpu.memory_space<hbm>> -> memref<1x80x128xi32, #tpu.memory_space<hbm>>
      %dma_wait3A_182 = tpu.memref_squeeze %dma_wait3A_181 : memref<1x80x128xi32, #tpu.memory_space<hbm>> -> memref<80x128xi32, #tpu.memory_space<hbm>>
      tpu.wait_dma2 semaphore(%run_scoped3A_166 : memref<!tpu.dma_semaphore, #tpu.memory_space<semaphore_mem>>) src(%dma_wait3A_182 : memref<80x128xi32, #tpu.memory_space<hbm>>) dst(%arg7 : memref<80x128xi32, #tpu.memory_space<vmem>>)
      tpu.yield
    }) : () -> ()
    %barrier3A = arith.constant 0 : index
    tpu.barrier barrier_id(%barrier3A)
    %dma_start3A = arith.constant 0 : i32
    %dma_start3A_30 = arith.constant 0 : i32
    %dma_start3A_31 = arith.constant 0 : i32
    %dma_start3A_32 = arith.constant 0 : i32
    %dma_start3A_33 = arith.constant 0 : i32
    %dma_start3A_34 = tpu.memref_slice %arg8[%dma_start3A_30, %dma_start3A_32, %dma_start3A_33] : memref<4x128x96xf32, #tpu.memory_space<vmem>> -> memref<1x128x96xf32, #tpu.memory_space<vmem>>
    %dma_start3A_35 = tpu.memref_squeeze %dma_start3A_34 : memref<1x128x96xf32, #tpu.memory_space<vmem>> -> memref<128x96xf32, #tpu.memory_space<vmem>>
    %dma_start3A_36 = arith.constant 0 : i32
    %dma_start3A_37 = tpu.memref_slice %arg6[%dma_start3A, %dma_start3A_36] : memref<80x128xi32, #tpu.memory_space<vmem>> -> memref<1x128xi32, #tpu.memory_space<vmem>>
    %dma_start3A_38 = tpu.memref_squeeze %dma_start3A_37 : memref<1x128xi32, #tpu.memory_space<vmem>> -> memref<128xi32, #tpu.memory_space<vmem>>
    %dma_start3A_39 = arith.constant 0 : i32
    %dma_start3A_40 = arith.constant 0 : i32
    %dma_start3A_41 = tpu.memref_slice %arg2[%dma_start3A_39, %dma_start3A_40] : memref<10000x96xf32, #tpu.memory_space<hbm>> -> memref<10000x96xf32, #tpu.memory_space<hbm>>
    %dma_start3A_42 = tpu.memref_slice %arg10[%dma_start3A_31] : memref<4x!tpu.dma_semaphore, #tpu.memory_space<semaphore_mem>> -> memref<1x!tpu.dma_semaphore, #tpu.memory_space<semaphore_mem>>
    %dma_start3A_43 = tpu.memref_squeeze %dma_start3A_42 : memref<1x!tpu.dma_semaphore, #tpu.memory_space<semaphore_mem>> -> memref<!tpu.dma_semaphore, #tpu.memory_space<semaphore_mem>>
    tpu.enqueue_indirect_dma source(%dma_start3A_41 : memref<10000x96xf32, #tpu.memory_space<hbm>>) target(%dma_start3A_35 : memref<128x96xf32, #tpu.memory_space<vmem>>) offsets(%dma_start3A_38 : memref<128xi32, #tpu.memory_space<vmem>>) semaphore(%dma_start3A_43 : memref<!tpu.dma_semaphore, #tpu.memory_space<semaphore_mem>>)
    %dma_start3A_44 = arith.constant 1 : i32
    %dma_start3A_45 = arith.constant 1 : i32
    %dma_start3A_46 = arith.constant 1 : i32
    %dma_start3A_47 = arith.constant 0 : i32
    %dma_start3A_48 = arith.constant 0 : i32
    %dma_start3A_49 = tpu.memref_slice %arg8[%dma_start3A_45, %dma_start3A_47, %dma_start3A_48] : memref<4x128x96xf32, #tpu.memory_space<vmem>> -> memref<1x128x96xf32, #tpu.memory_space<vmem>>
    %dma_start3A_50 = tpu.memref_squeeze %dma_start3A_49 : memref<1x128x96xf32, #tpu.memory_space<vmem>> -> memref<128x96xf32, #tpu.memory_space<vmem>>
    %dma_start3A_51 = arith.constant 0 : i32
    %dma_start3A_52 = tpu.memref_slice %arg6[%dma_start3A_44, %dma_start3A_51] : memref<80x128xi32, #tpu.memory_space<vmem>> -> memref<1x128xi32, #tpu.memory_space<vmem>>
    %dma_start3A_53 = tpu.memref_squeeze %dma_start3A_52 : memref<1x128xi32, #tpu.memory_space<vmem>> -> memref<128xi32, #tpu.memory_space<vmem>>
    %dma_start3A_54 = arith.constant 0 : i32
    %dma_start3A_55 = arith.constant 0 : i32
    %dma_start3A_56 = tpu.memref_slice %arg2[%dma_start3A_54, %dma_start3A_55] : memref<10000x96xf32, #tpu.memory_space<hbm>> -> memref<10000x96xf32, #tpu.memory_space<hbm>>
    %dma_start3A_57 = tpu.memref_slice %arg10[%dma_start3A_46] : memref<4x!tpu.dma_semaphore, #tpu.memory_space<semaphore_mem>> -> memref<1x!tpu.dma_semaphore, #tpu.memory_space<semaphore_mem>>
    %dma_start3A_58 = tpu.memref_squeeze %dma_start3A_57 : memref<1x!tpu.dma_semaphore, #tpu.memory_space<semaphore_mem>> -> memref<!tpu.dma_semaphore, #tpu.memory_space<semaphore_mem>>
    tpu.enqueue_indirect_dma source(%dma_start3A_56 : memref<10000x96xf32, #tpu.memory_space<hbm>>) target(%dma_start3A_50 : memref<128x96xf32, #tpu.memory_space<vmem>>) offsets(%dma_start3A_53 : memref<128xi32, #tpu.memory_space<vmem>>) semaphore(%dma_start3A_58 : memref<!tpu.dma_semaphore, #tpu.memory_space<semaphore_mem>>)
    %dma_start3A_59 = arith.constant 2 : i32
    %dma_start3A_60 = arith.constant 2 : i32
    %dma_start3A_61 = arith.constant 2 : i32
    %dma_start3A_62 = arith.constant 0 : i32
    %dma_start3A_63 = arith.constant 0 : i32
    %dma_start3A_64 = tpu.memref_slice %arg8[%dma_start3A_60, %dma_start3A_62, %dma_start3A_63] : memref<4x128x96xf32, #tpu.memory_space<vmem>> -> memref<1x128x96xf32, #tpu.memory_space<vmem>>
    %dma_start3A_65 = tpu.memref_squeeze %dma_start3A_64 : memref<1x128x96xf32, #tpu.memory_space<vmem>> -> memref<128x96xf32, #tpu.memory_space<vmem>>
    %dma_start3A_66 = arith.constant 0 : i32
    %dma_start3A_67 = tpu.memref_slice %arg6[%dma_start3A_59, %dma_start3A_66] : memref<80x128xi32, #tpu.memory_space<vmem>> -> memref<1x128xi32, #tpu.memory_space<vmem>>
    %dma_start3A_68 = tpu.memref_squeeze %dma_start3A_67 : memref<1x128xi32, #tpu.memory_space<vmem>> -> memref<128xi32, #tpu.memory_space<vmem>>
    %dma_start3A_69 = arith.constant 0 : i32
    %dma_start3A_70 = arith.constant 0 : i32
    %dma_start3A_71 = tpu.memref_slice %arg2[%dma_start3A_69, %dma_start3A_70] : memref<10000x96xf32, #tpu.memory_space<hbm>> -> memref<10000x96xf32, #tpu.memory_space<hbm>>
    %dma_start3A_72 = tpu.memref_slice %arg10[%dma_start3A_61] : memref<4x!tpu.dma_semaphore, #tpu.memory_space<semaphore_mem>> -> memref<1x!tpu.dma_semaphore, #tpu.memory_space<semaphore_mem>>
    %dma_start3A_73 = tpu.memref_squeeze %dma_start3A_72 : memref<1x!tpu.dma_semaphore, #tpu.memory_space<semaphore_mem>> -> memref<!tpu.dma_semaphore, #tpu.memory_space<semaphore_mem>>
    tpu.enqueue_indirect_dma source(%dma_start3A_71 : memref<10000x96xf32, #tpu.memory_space<hbm>>) target(%dma_start3A_65 : memref<128x96xf32, #tpu.memory_space<vmem>>) offsets(%dma_start3A_68 : memref<128xi32, #tpu.memory_space<vmem>>) semaphore(%dma_start3A_73 : memref<!tpu.dma_semaphore, #tpu.memory_space<semaphore_mem>>)
    %dma_start3A_74 = arith.constant 3 : i32
    %dma_start3A_75 = arith.constant 3 : i32
    %dma_start3A_76 = arith.constant 3 : i32
    %dma_start3A_77 = arith.constant 0 : i32
    %dma_start3A_78 = arith.constant 0 : i32
    %dma_start3A_79 = tpu.memref_slice %arg8[%dma_start3A_75, %dma_start3A_77, %dma_start3A_78] : memref<4x128x96xf32, #tpu.memory_space<vmem>> -> memref<1x128x96xf32, #tpu.memory_space<vmem>>
    %dma_start3A_80 = tpu.memref_squeeze %dma_start3A_79 : memref<1x128x96xf32, #tpu.memory_space<vmem>> -> memref<128x96xf32, #tpu.memory_space<vmem>>
    %dma_start3A_81 = arith.constant 0 : i32
    %dma_start3A_82 = tpu.memref_slice %arg6[%dma_start3A_74, %dma_start3A_81] : memref<80x128xi32, #tpu.memory_space<vmem>> -> memref<1x128xi32, #tpu.memory_space<vmem>>
    %dma_start3A_83 = tpu.memref_squeeze %dma_start3A_82 : memref<1x128xi32, #tpu.memory_space<vmem>> -> memref<128xi32, #tpu.memory_space<vmem>>
    %dma_start3A_84 = arith.constant 0 : i32
    %dma_start3A_85 = arith.constant 0 : i32
    %dma_start3A_86 = tpu.memref_slice %arg2[%dma_start3A_84, %dma_start3A_85] : memref<10000x96xf32, #tpu.memory_space<hbm>> -> memref<10000x96xf32, #tpu.memory_space<hbm>>
    %dma_start3A_87 = tpu.memref_slice %arg10[%dma_start3A_76] : memref<4x!tpu.dma_semaphore, #tpu.memory_space<semaphore_mem>> -> memref<1x!tpu.dma_semaphore, #tpu.memory_space<semaphore_mem>>
    %dma_start3A_88 = tpu.memref_squeeze %dma_start3A_87 : memref<1x!tpu.dma_semaphore, #tpu.memory_space<semaphore_mem>> -> memref<!tpu.dma_semaphore, #tpu.memory_space<semaphore_mem>>
    tpu.enqueue_indirect_dma source(%dma_start3A_86 : memref<10000x96xf32, #tpu.memory_space<hbm>>) target(%dma_start3A_80 : memref<128x96xf32, #tpu.memory_space<vmem>>) offsets(%dma_start3A_83 : memref<128xi32, #tpu.memory_space<vmem>>) semaphore(%dma_start3A_88 : memref<!tpu.dma_semaphore, #tpu.memory_space<semaphore_mem>>)
    %scan3A_89 = arith.constant 0 : i32
    %scan3A_90 = arith.constant 19 : i32
    %scan3A_91 = arith.addi %scan3A_89, %scan3A_90 : i32
    %scan3A_92 = arith.constant 1 : i32
    scf.for %scan3A_166 = %scan3A_89 to %scan3A_91 step %scan3A_92  : i32 {
      %mul3A_167 = arith.constant 1 : i32
      %mul3A_168 = arith.muli %scan3A_166, %mul3A_167 : i32
      %add3A_169 = arith.constant 0 : i32
      %add3A_170 = arith.addi %add3A_169, %mul3A_168 : i32
      %mul3A_171 = arith.constant 4 : i32
      %mul3A_172 = arith.muli %add3A_170, %mul3A_171 : i32
      %add3A_173 = arith.constant 0 : i32
      %add3A_174 = arith.addi %mul3A_172, %add3A_173 : i32
      %dma_wait3A_175 = arith.constant 0 : i32
      %dma_wait3A_176 = arith.constant 0 : i32
      %dma_wait3A_177 = arith.constant 0 : i32
      %dma_wait3A_178 = arith.constant 0 : i32
      %dma_wait3A_179 = tpu.memref_slice %arg8[%dma_wait3A_175, %dma_wait3A_177, %dma_wait3A_178] : memref<4x128x96xf32, #tpu.memory_space<vmem>> -> memref<1x128x96xf32, #tpu.memory_space<vmem>>
      %dma_wait3A_180 = tpu.memref_squeeze %dma_wait3A_179 : memref<1x128x96xf32, #tpu.memory_space<vmem>> -> memref<128x96xf32, #tpu.memory_space<vmem>>
      %dma_wait3A_181 = arith.constant 0 : i32
      %dma_wait3A_182 = tpu.memref_slice %arg6[%add3A_174, %dma_wait3A_181] : memref<80x128xi32, #tpu.memory_space<vmem>> -> memref<1x128xi32, #tpu.memory_space<vmem>>
      %dma_wait3A_183 = tpu.memref_squeeze %dma_wait3A_182 : memref<1x128xi32, #tpu.memory_space<vmem>> -> memref<128xi32, #tpu.memory_space<vmem>>
      %dma_wait3A_184 = arith.constant 0 : i32
      %dma_wait3A_185 = arith.constant 0 : i32
      %dma_wait3A_186 = tpu.memref_slice %arg2[%dma_wait3A_184, %dma_wait3A_185] : memref<10000x96xf32, #tpu.memory_space<hbm>> -> memref<10000x96xf32, #tpu.memory_space<hbm>>
      %dma_wait3A_187 = tpu.memref_slice %arg10[%dma_wait3A_176] : memref<4x!tpu.dma_semaphore, #tpu.memory_space<semaphore_mem>> -> memref<1x!tpu.dma_semaphore, #tpu.memory_space<semaphore_mem>>
      %dma_wait3A_188 = tpu.memref_squeeze %dma_wait3A_187 : memref<1x!tpu.dma_semaphore, #tpu.memory_space<semaphore_mem>> -> memref<!tpu.dma_semaphore, #tpu.memory_space<semaphore_mem>>
      tpu.wait_indirect_dma semaphore(%dma_wait3A_188 : memref<!tpu.dma_semaphore, #tpu.memory_space<semaphore_mem>>) src(%dma_wait3A_186 : memref<10000x96xf32, #tpu.memory_space<hbm>>) dst(%dma_wait3A_180 : memref<128x96xf32, #tpu.memory_space<vmem>>)
      %run_scoped3A_189 = arith.constant 0 : i32
      "tpu.region"() ({
        %run_scoped3A_305 = tpu.sem_alloc : memref<!tpu.dma_semaphore, #tpu.memory_space<semaphore_mem>>
        %dma_start3A_306 = arith.constant 0 : i32
        %dma_start3A_307 = arith.constant 0 : i32
        %dma_start3A_308 = tpu.memref_slice %arg8[%run_scoped3A_189, %dma_start3A_306, %dma_start3A_307] : memref<4x128x96xf32, #tpu.memory_space<vmem>> -> memref<1x128x96xf32, #tpu.memory_space<vmem>>
        %dma_start3A_309 = tpu.memref_squeeze %dma_start3A_308 : memref<1x128x96xf32, #tpu.memory_space<vmem>> -> memref<128x96xf32, #tpu.memory_space<vmem>>
        %dma_start3A_310 = arith.constant 0 : i32
        %dma_start3A_311 = tpu.memref_slice %arg7[%add3A_174, %dma_start3A_310] : memref<80x128xi32, #tpu.memory_space<vmem>> -> memref<1x128xi32, #tpu.memory_space<vmem>>
        %dma_start3A_312 = tpu.memref_squeeze %dma_start3A_311 : memref<1x128xi32, #tpu.memory_space<vmem>> -> memref<128xi32, #tpu.memory_space<vmem>>
        %dma_start3A_313 = arith.constant 0 : i32
        %dma_start3A_314 = arith.constant 0 : i32
        %dma_start3A_315 = tpu.memref_slice %arg9[%dma_start3A_313, %dma_start3A_314] : memref<10240x96xf32, #tpu.memory_space<vmem_shared>> -> memref<10240x96xf32, #tpu.memory_space<vmem_shared>>
        tpu.enqueue_indirect_dma source(%dma_start3A_309 : memref<128x96xf32, #tpu.memory_space<vmem>>) target(%dma_start3A_315 : memref<10240x96xf32, #tpu.memory_space<vmem_shared>>) offsets(%dma_start3A_312 : memref<128xi32, #tpu.memory_space<vmem>>) semaphore(%run_scoped3A_305 : memref<!tpu.dma_semaphore, #tpu.memory_space<semaphore_mem>>) {add = true}
        %dma_wait3A_316 = arith.constant 0 : i32
        %dma_wait3A_317 = arith.constant 0 : i32
        %dma_wait3A_318 = tpu.memref_slice %arg8[%run_scoped3A_189, %dma_wait3A_316, %dma_wait3A_317] : memref<4x128x96xf32, #tpu.memory_space<vmem>> -> memref<1x128x96xf32, #tpu.memory_space<vmem>>
        %dma_wait3A_319 = tpu.memref_squeeze %dma_wait3A_318 : memref<1x128x96xf32, #tpu.memory_space<vmem>> -> memref<128x96xf32, #tpu.memory_space<vmem>>
        %dma_wait3A_320 = arith.constant 0 : i32
        %dma_wait3A_321 = tpu.memref_slice %arg7[%add3A_174, %dma_wait3A_320] : memref<80x128xi32, #tpu.memory_space<vmem>> -> memref<1x128xi32, #tpu.memory_space<vmem>>
        %dma_wait3A_322 = tpu.memref_squeeze %dma_wait3A_321 : memref<1x128xi32, #tpu.memory_space<vmem>> -> memref<128xi32, #tpu.memory_space<vmem>>
        %dma_wait3A_323 = arith.constant 0 : i32
        %dma_wait3A_324 = arith.constant 0 : i32
        %dma_wait3A_325 = tpu.memref_slice %arg9[%dma_wait3A_323, %dma_wait3A_324] : memref<10240x96xf32, #tpu.memory_space<vmem_shared>> -> memref<10240x96xf32, #tpu.memory_space<vmem_shared>>
        tpu.wait_indirect_dma semaphore(%run_scoped3A_305 : memref<!tpu.dma_semaphore, #tpu.memory_space<semaphore_mem>>) src(%dma_wait3A_319 : memref<128x96xf32, #tpu.memory_space<vmem>>) dst(%dma_wait3A_325 : memref<10240x96xf32, #tpu.memory_space<vmem_shared>>)
        tpu.yield
      }) : () -> ()
      %add3A_190 = arith.constant 4 : i32
      %add3A_191 = arith.addi %add3A_174, %add3A_190 : i32
      %dma_start3A_192 = arith.constant 0 : i32
      %dma_start3A_193 = arith.constant 0 : i32
      %dma_start3A_194 = arith.constant 0 : i32
      %dma_start3A_195 = arith.constant 0 : i32
      %dma_start3A_196 = tpu.memref_slice %arg8[%dma_start3A_192, %dma_start3A_194, %dma_start3A_195] : memref<4x128x96xf32, #tpu.memory_space<vmem>> -> memref<1x128x96xf32, #tpu.memory_space<vmem>>
      %dma_start3A_197 = tpu.memref_squeeze %dma_start3A_196 : memref<1x128x96xf32, #tpu.memory_space<vmem>> -> memref<128x96xf32, #tpu.memory_space<vmem>>
      %dma_start3A_198 = arith.constant 0 : i32
      %dma_start3A_199 = tpu.memref_slice %arg6[%add3A_191, %dma_start3A_198] : memref<80x128xi32, #tpu.memory_space<vmem>> -> memref<1x128xi32, #tpu.memory_space<vmem>>
      %dma_start3A_200 = tpu.memref_squeeze %dma_start3A_199 : memref<1x128xi32, #tpu.memory_space<vmem>> -> memref<128xi32, #tpu.memory_space<vmem>>
      %dma_start3A_201 = arith.constant 0 : i32
      %dma_start3A_202 = arith.constant 0 : i32
      %dma_start3A_203 = tpu.memref_slice %arg2[%dma_start3A_201, %dma_start3A_202] : memref<10000x96xf32, #tpu.memory_space<hbm>> -> memref<10000x96xf32, #tpu.memory_space<hbm>>
      %dma_start3A_204 = tpu.memref_slice %arg10[%dma_start3A_193] : memref<4x!tpu.dma_semaphore, #tpu.memory_space<semaphore_mem>> -> memref<1x!tpu.dma_semaphore, #tpu.memory_space<semaphore_mem>>
      %dma_start3A_205 = tpu.memref_squeeze %dma_start3A_204 : memref<1x!tpu.dma_semaphore, #tpu.memory_space<semaphore_mem>> -> memref<!tpu.dma_semaphore, #tpu.memory_space<semaphore_mem>>
      tpu.enqueue_indirect_dma source(%dma_start3A_203 : memref<10000x96xf32, #tpu.memory_space<hbm>>) target(%dma_start3A_197 : memref<128x96xf32, #tpu.memory_space<vmem>>) offsets(%dma_start3A_200 : memref<128xi32, #tpu.memory_space<vmem>>) semaphore(%dma_start3A_205 : memref<!tpu.dma_semaphore, #tpu.memory_space<semaphore_mem>>)
      %add3A_206 = arith.constant 1 : i32
      %add3A_207 = arith.addi %mul3A_172, %add3A_206 : i32
      %dma_wait3A_208 = arith.constant 1 : i32
      %dma_wait3A_209 = arith.constant 1 : i32
      %dma_wait3A_210 = arith.constant 0 : i32
      %dma_wait3A_211 = arith.constant 0 : i32
      %dma_wait3A_212 = tpu.memref_slice %arg8[%dma_wait3A_208, %dma_wait3A_210, %dma_wait3A_211] : memref<4x128x96xf32, #tpu.memory_space<vmem>> -> memref<1x128x96xf32, #tpu.memory_space<vmem>>
      %dma_wait3A_213 = tpu.memref_squeeze %dma_wait3A_212 : memref<1x128x96xf32, #tpu.memory_space<vmem>> -> memref<128x96xf32, #tpu.memory_space<vmem>>
      %dma_wait3A_214 = arith.constant 0 : i32
      %dma_wait3A_215 = tpu.memref_slice %arg6[%add3A_207, %dma_wait3A_214] : memref<80x128xi32, #tpu.memory_space<vmem>> -> memref<1x128xi32, #tpu.memory_space<vmem>>
      %dma_wait3A_216 = tpu.memref_squeeze %dma_wait3A_215 : memref<1x128xi32, #tpu.memory_space<vmem>> -> memref<128xi32, #tpu.memory_space<vmem>>
      %dma_wait3A_217 = arith.constant 0 : i32
      %dma_wait3A_218 = arith.constant 0 : i32
      %dma_wait3A_219 = tpu.memref_slice %arg2[%dma_wait3A_217, %dma_wait3A_218] : memref<10000x96xf32, #tpu.memory_space<hbm>> -> memref<10000x96xf32, #tpu.memory_space<hbm>>
      %dma_wait3A_220 = tpu.memref_slice %arg10[%dma_wait3A_209] : memref<4x!tpu.dma_semaphore, #tpu.memory_space<semaphore_mem>> -> memref<1x!tpu.dma_semaphore, #tpu.memory_space<semaphore_mem>>
      %dma_wait3A_221 = tpu.memref_squeeze %dma_wait3A_220 : memref<1x!tpu.dma_semaphore, #tpu.memory_space<semaphore_mem>> -> memref<!tpu.dma_semaphore, #tpu.memory_space<semaphore_mem>>
      tpu.wait_indirect_dma semaphore(%dma_wait3A_221 : memref<!tpu.dma_semaphore, #tpu.memory_space<semaphore_mem>>) src(%dma_wait3A_219 : memref<10000x96xf32, #tpu.memory_space<hbm>>) dst(%dma_wait3A_213 : memref<128x96xf32, #tpu.memory_space<vmem>>)
      %run_scoped3A_222 = arith.constant 1 : i32
      "tpu.region"() ({
        %run_scoped3A_305 = tpu.sem_alloc : memref<!tpu.dma_semaphore, #tpu.memory_space<semaphore_mem>>
        %dma_start3A_306 = arith.constant 0 : i32
        %dma_start3A_307 = arith.constant 0 : i32
        %dma_start3A_308 = tpu.memref_slice %arg8[%run_scoped3A_222, %dma_start3A_306, %dma_start3A_307] : memref<4x128x96xf32, #tpu.memory_space<vmem>> -> memref<1x128x96xf32, #tpu.memory_space<vmem>>
        %dma_start3A_309 = tpu.memref_squeeze %dma_start3A_308 : memref<1x128x96xf32, #tpu.memory_space<vmem>> -> memref<128x96xf32, #tpu.memory_space<vmem>>
        %dma_start3A_310 = arith.constant 0 : i32
        %dma_start3A_311 = tpu.memref_slice %arg7[%add3A_207, %dma_start3A_310] : memref<80x128xi32, #tpu.memory_space<vmem>> -> memref<1x128xi32, #tpu.memory_space<vmem>>
        %dma_start3A_312 = tpu.memref_squeeze %dma_start3A_311 : memref<1x128xi32, #tpu.memory_space<vmem>> -> memref<128xi32, #tpu.memory_space<vmem>>
        %dma_start3A_313 = arith.constant 0 : i32
        %dma_start3A_314 = arith.constant 0 : i32
        %dma_start3A_315 = tpu.memref_slice %arg9[%dma_start3A_313, %dma_start3A_314] : memref<10240x96xf32, #tpu.memory_space<vmem_shared>> -> memref<10240x96xf32, #tpu.memory_space<vmem_shared>>
        tpu.enqueue_indirect_dma source(%dma_start3A_309 : memref<128x96xf32, #tpu.memory_space<vmem>>) target(%dma_start3A_315 : memref<10240x96xf32, #tpu.memory_space<vmem_shared>>) offsets(%dma_start3A_312 : memref<128xi32, #tpu.memory_space<vmem>>) semaphore(%run_scoped3A_305 : memref<!tpu.dma_semaphore, #tpu.memory_space<semaphore_mem>>) {add = true}
        %dma_wait3A_316 = arith.constant 0 : i32
        %dma_wait3A_317 = arith.constant 0 : i32
        %dma_wait3A_318 = tpu.memref_slice %arg8[%run_scoped3A_222, %dma_wait3A_316, %dma_wait3A_317] : memref<4x128x96xf32, #tpu.memory_space<vmem>> -> memref<1x128x96xf32, #tpu.memory_space<vmem>>
        %dma_wait3A_319 = tpu.memref_squeeze %dma_wait3A_318 : memref<1x128x96xf32, #tpu.memory_space<vmem>> -> memref<128x96xf32, #tpu.memory_space<vmem>>
        %dma_wait3A_320 = arith.constant 0 : i32
        %dma_wait3A_321 = tpu.memref_slice %arg7[%add3A_207, %dma_wait3A_320] : memref<80x128xi32, #tpu.memory_space<vmem>> -> memref<1x128xi32, #tpu.memory_space<vmem>>
        %dma_wait3A_322 = tpu.memref_squeeze %dma_wait3A_321 : memref<1x128xi32, #tpu.memory_space<vmem>> -> memref<128xi32, #tpu.memory_space<vmem>>
        %dma_wait3A_323 = arith.constant 0 : i32
        %dma_wait3A_324 = arith.constant 0 : i32
        %dma_wait3A_325 = tpu.memref_slice %arg9[%dma_wait3A_323, %dma_wait3A_324] : memref<10240x96xf32, #tpu.memory_space<vmem_shared>> -> memref<10240x96xf32, #tpu.memory_space<vmem_shared>>
        tpu.wait_indirect_dma semaphore(%run_scoped3A_305 : memref<!tpu.dma_semaphore, #tpu.memory_space<semaphore_mem>>) src(%dma_wait3A_319 : memref<128x96xf32, #tpu.memory_space<vmem>>) dst(%dma_wait3A_325 : memref<10240x96xf32, #tpu.memory_space<vmem_shared>>)
        tpu.yield
      }) : () -> ()
      %add3A_223 = arith.constant 4 : i32
      %add3A_224 = arith.addi %add3A_207, %add3A_223 : i32
      %dma_start3A_225 = arith.constant 1 : i32
      %dma_start3A_226 = arith.constant 1 : i32
      %dma_start3A_227 = arith.constant 0 : i32
      %dma_start3A_228 = arith.constant 0 : i32
      %dma_start3A_229 = tpu.memref_slice %arg8[%dma_start3A_225, %dma_start3A_227, %dma_start3A_228] : memref<4x128x96xf32, #tpu.memory_space<vmem>> -> memref<1x128x96xf32, #tpu.memory_space<vmem>>
      %dma_start3A_230 = tpu.memref_squeeze %dma_start3A_229 : memref<1x128x96xf32, #tpu.memory_space<vmem>> -> memref<128x96xf32, #tpu.memory_space<vmem>>
      %dma_start3A_231 = arith.constant 0 : i32
      %dma_start3A_232 = tpu.memref_slice %arg6[%add3A_224, %dma_start3A_231] : memref<80x128xi32, #tpu.memory_space<vmem>> -> memref<1x128xi32, #tpu.memory_space<vmem>>
      %dma_start3A_233 = tpu.memref_squeeze %dma_start3A_232 : memref<1x128xi32, #tpu.memory_space<vmem>> -> memref<128xi32, #tpu.memory_space<vmem>>
      %dma_start3A_234 = arith.constant 0 : i32
      %dma_start3A_235 = arith.constant 0 : i32
      %dma_start3A_236 = tpu.memref_slice %arg2[%dma_start3A_234, %dma_start3A_235] : memref<10000x96xf32, #tpu.memory_space<hbm>> -> memref<10000x96xf32, #tpu.memory_space<hbm>>
      %dma_start3A_237 = tpu.memref_slice %arg10[%dma_start3A_226] : memref<4x!tpu.dma_semaphore, #tpu.memory_space<semaphore_mem>> -> memref<1x!tpu.dma_semaphore, #tpu.memory_space<semaphore_mem>>
      %dma_start3A_238 = tpu.memref_squeeze %dma_start3A_237 : memref<1x!tpu.dma_semaphore, #tpu.memory_space<semaphore_mem>> -> memref<!tpu.dma_semaphore, #tpu.memory_space<semaphore_mem>>
      tpu.enqueue_indirect_dma source(%dma_start3A_236 : memref<10000x96xf32, #tpu.memory_space<hbm>>) target(%dma_start3A_230 : memref<128x96xf32, #tpu.memory_space<vmem>>) offsets(%dma_start3A_233 : memref<128xi32, #tpu.memory_space<vmem>>) semaphore(%dma_start3A_238 : memref<!tpu.dma_semaphore, #tpu.memory_space<semaphore_mem>>)
      %add3A_239 = arith.constant 2 : i32
      %add3A_240 = arith.addi %mul3A_172, %add3A_239 : i32
      %dma_wait3A_241 = arith.constant 2 : i32
      %dma_wait3A_242 = arith.constant 2 : i32
      %dma_wait3A_243 = arith.constant 0 : i32
      %dma_wait3A_244 = arith.constant 0 : i32
      %dma_wait3A_245 = tpu.memref_slice %arg8[%dma_wait3A_241, %dma_wait3A_243, %dma_wait3A_244] : memref<4x128x96xf32, #tpu.memory_space<vmem>> -> memref<1x128x96xf32, #tpu.memory_space<vmem>>
      %dma_wait3A_246 = tpu.memref_squeeze %dma_wait3A_245 : memref<1x128x96xf32, #tpu.memory_space<vmem>> -> memref<128x96xf32, #tpu.memory_space<vmem>>
      %dma_wait3A_247 = arith.constant 0 : i32
      %dma_wait3A_248 = tpu.memref_slice %arg6[%add3A_240, %dma_wait3A_247] : memref<80x128xi32, #tpu.memory_space<vmem>> -> memref<1x128xi32, #tpu.memory_space<vmem>>
      %dma_wait3A_249 = tpu.memref_squeeze %dma_wait3A_248 : memref<1x128xi32, #tpu.memory_space<vmem>> -> memref<128xi32, #tpu.memory_space<vmem>>
      %dma_wait3A_250 = arith.constant 0 : i32
      %dma_wait3A_251 = arith.constant 0 : i32
      %dma_wait3A_252 = tpu.memref_slice %arg2[%dma_wait3A_250, %dma_wait3A_251] : memref<10000x96xf32, #tpu.memory_space<hbm>> -> memref<10000x96xf32, #tpu.memory_space<hbm>>
      %dma_wait3A_253 = tpu.memref_slice %arg10[%dma_wait3A_242] : memref<4x!tpu.dma_semaphore, #tpu.memory_space<semaphore_mem>> -> memref<1x!tpu.dma_semaphore, #tpu.memory_space<semaphore_mem>>
      %dma_wait3A_254 = tpu.memref_squeeze %dma_wait3A_253 : memref<1x!tpu.dma_semaphore, #tpu.memory_space<semaphore_mem>> -> memref<!tpu.dma_semaphore, #tpu.memory_space<semaphore_mem>>
      tpu.wait_indirect_dma semaphore(%dma_wait3A_254 : memref<!tpu.dma_semaphore, #tpu.memory_space<semaphore_mem>>) src(%dma_wait3A_252 : memref<10000x96xf32, #tpu.memory_space<hbm>>) dst(%dma_wait3A_246 : memref<128x96xf32, #tpu.memory_space<vmem>>)
      %run_scoped3A_255 = arith.constant 2 : i32
      "tpu.region"() ({
        %run_scoped3A_305 = tpu.sem_alloc : memref<!tpu.dma_semaphore, #tpu.memory_space<semaphore_mem>>
        %dma_start3A_306 = arith.constant 0 : i32
        %dma_start3A_307 = arith.constant 0 : i32
        %dma_start3A_308 = tpu.memref_slice %arg8[%run_scoped3A_255, %dma_start3A_306, %dma_start3A_307] : memref<4x128x96xf32, #tpu.memory_space<vmem>> -> memref<1x128x96xf32, #tpu.memory_space<vmem>>
        %dma_start3A_309 = tpu.memref_squeeze %dma_start3A_308 : memref<1x128x96xf32, #tpu.memory_space<vmem>> -> memref<128x96xf32, #tpu.memory_space<vmem>>
        %dma_start3A_310 = arith.constant 0 : i32
        %dma_start3A_311 = tpu.memref_slice %arg7[%add3A_240, %dma_start3A_310] : memref<80x128xi32, #tpu.memory_space<vmem>> -> memref<1x128xi32, #tpu.memory_space<vmem>>
        %dma_start3A_312 = tpu.memref_squeeze %dma_start3A_311 : memref<1x128xi32, #tpu.memory_space<vmem>> -> memref<128xi32, #tpu.memory_space<vmem>>
        %dma_start3A_313 = arith.constant 0 : i32
        %dma_start3A_314 = arith.constant 0 : i32
        %dma_start3A_315 = tpu.memref_slice %arg9[%dma_start3A_313, %dma_start3A_314] : memref<10240x96xf32, #tpu.memory_space<vmem_shared>> -> memref<10240x96xf32, #tpu.memory_space<vmem_shared>>
        tpu.enqueue_indirect_dma source(%dma_start3A_309 : memref<128x96xf32, #tpu.memory_space<vmem>>) target(%dma_start3A_315 : memref<10240x96xf32, #tpu.memory_space<vmem_shared>>) offsets(%dma_start3A_312 : memref<128xi32, #tpu.memory_space<vmem>>) semaphore(%run_scoped3A_305 : memref<!tpu.dma_semaphore, #tpu.memory_space<semaphore_mem>>) {add = true}
        %dma_wait3A_316 = arith.constant 0 : i32
        %dma_wait3A_317 = arith.constant 0 : i32
        %dma_wait3A_318 = tpu.memref_slice %arg8[%run_scoped3A_255, %dma_wait3A_316, %dma_wait3A_317] : memref<4x128x96xf32, #tpu.memory_space<vmem>> -> memref<1x128x96xf32, #tpu.memory_space<vmem>>
        %dma_wait3A_319 = tpu.memref_squeeze %dma_wait3A_318 : memref<1x128x96xf32, #tpu.memory_space<vmem>> -> memref<128x96xf32, #tpu.memory_space<vmem>>
        %dma_wait3A_320 = arith.constant 0 : i32
        %dma_wait3A_321 = tpu.memref_slice %arg7[%add3A_240, %dma_wait3A_320] : memref<80x128xi32, #tpu.memory_space<vmem>> -> memref<1x128xi32, #tpu.memory_space<vmem>>
        %dma_wait3A_322 = tpu.memref_squeeze %dma_wait3A_321 : memref<1x128xi32, #tpu.memory_space<vmem>> -> memref<128xi32, #tpu.memory_space<vmem>>
        %dma_wait3A_323 = arith.constant 0 : i32
        %dma_wait3A_324 = arith.constant 0 : i32
        %dma_wait3A_325 = tpu.memref_slice %arg9[%dma_wait3A_323, %dma_wait3A_324] : memref<10240x96xf32, #tpu.memory_space<vmem_shared>> -> memref<10240x96xf32, #tpu.memory_space<vmem_shared>>
        tpu.wait_indirect_dma semaphore(%run_scoped3A_305 : memref<!tpu.dma_semaphore, #tpu.memory_space<semaphore_mem>>) src(%dma_wait3A_319 : memref<128x96xf32, #tpu.memory_space<vmem>>) dst(%dma_wait3A_325 : memref<10240x96xf32, #tpu.memory_space<vmem_shared>>)
        tpu.yield
      }) : () -> ()
      %add3A_256 = arith.constant 4 : i32
      %add3A_257 = arith.addi %add3A_240, %add3A_256 : i32
      %dma_start3A_258 = arith.constant 2 : i32
      %dma_start3A_259 = arith.constant 2 : i32
      %dma_start3A_260 = arith.constant 0 : i32
      %dma_start3A_261 = arith.constant 0 : i32
      %dma_start3A_262 = tpu.memref_slice %arg8[%dma_start3A_258, %dma_start3A_260, %dma_start3A_261] : memref<4x128x96xf32, #tpu.memory_space<vmem>> -> memref<1x128x96xf32, #tpu.memory_space<vmem>>
      %dma_start3A_263 = tpu.memref_squeeze %dma_start3A_262 : memref<1x128x96xf32, #tpu.memory_space<vmem>> -> memref<128x96xf32, #tpu.memory_space<vmem>>
      %dma_start3A_264 = arith.constant 0 : i32
      %dma_start3A_265 = tpu.memref_slice %arg6[%add3A_257, %dma_start3A_264] : memref<80x128xi32, #tpu.memory_space<vmem>> -> memref<1x128xi32, #tpu.memory_space<vmem>>
      %dma_start3A_266 = tpu.memref_squeeze %dma_start3A_265 : memref<1x128xi32, #tpu.memory_space<vmem>> -> memref<128xi32, #tpu.memory_space<vmem>>
      %dma_start3A_267 = arith.constant 0 : i32
      %dma_start3A_268 = arith.constant 0 : i32
      %dma_start3A_269 = tpu.memref_slice %arg2[%dma_start3A_267, %dma_start3A_268] : memref<10000x96xf32, #tpu.memory_space<hbm>> -> memref<10000x96xf32, #tpu.memory_space<hbm>>
      %dma_start3A_270 = tpu.memref_slice %arg10[%dma_start3A_259] : memref<4x!tpu.dma_semaphore, #tpu.memory_space<semaphore_mem>> -> memref<1x!tpu.dma_semaphore, #tpu.memory_space<semaphore_mem>>
      %dma_start3A_271 = tpu.memref_squeeze %dma_start3A_270 : memref<1x!tpu.dma_semaphore, #tpu.memory_space<semaphore_mem>> -> memref<!tpu.dma_semaphore, #tpu.memory_space<semaphore_mem>>
      tpu.enqueue_indirect_dma source(%dma_start3A_269 : memref<10000x96xf32, #tpu.memory_space<hbm>>) target(%dma_start3A_263 : memref<128x96xf32, #tpu.memory_space<vmem>>) offsets(%dma_start3A_266 : memref<128xi32, #tpu.memory_space<vmem>>) semaphore(%dma_start3A_271 : memref<!tpu.dma_semaphore, #tpu.memory_space<semaphore_mem>>)
      %add3A_272 = arith.constant 3 : i32
      %add3A_273 = arith.addi %mul3A_172, %add3A_272 : i32
      %dma_wait3A_274 = arith.constant 3 : i32
      %dma_wait3A_275 = arith.constant 3 : i32
      %dma_wait3A_276 = arith.constant 0 : i32
      %dma_wait3A_277 = arith.constant 0 : i32
      %dma_wait3A_278 = tpu.memref_slice %arg8[%dma_wait3A_274, %dma_wait3A_276, %dma_wait3A_277] : memref<4x128x96xf32, #tpu.memory_space<vmem>> -> memref<1x128x96xf32, #tpu.memory_space<vmem>>
      %dma_wait3A_279 = tpu.memref_squeeze %dma_wait3A_278 : memref<1x128x96xf32, #tpu.memory_space<vmem>> -> memref<128x96xf32, #tpu.memory_space<vmem>>
      %dma_wait3A_280 = arith.constant 0 : i32
      %dma_wait3A_281 = tpu.memref_slice %arg6[%add3A_273, %dma_wait3A_280] : memref<80x128xi32, #tpu.memory_space<vmem>> -> memref<1x128xi32, #tpu.memory_space<vmem>>
      %dma_wait3A_282 = tpu.memref_squeeze %dma_wait3A_281 : memref<1x128xi32, #tpu.memory_space<vmem>> -> memref<128xi32, #tpu.memory_space<vmem>>
      %dma_wait3A_283 = arith.constant 0 : i32
      %dma_wait3A_284 = arith.constant 0 : i32
      %dma_wait3A_285 = tpu.memref_slice %arg2[%dma_wait3A_283, %dma_wait3A_284] : memref<10000x96xf32, #tpu.memory_space<hbm>> -> memref<10000x96xf32, #tpu.memory_space<hbm>>
      %dma_wait3A_286 = tpu.memref_slice %arg10[%dma_wait3A_275] : memref<4x!tpu.dma_semaphore, #tpu.memory_space<semaphore_mem>> -> memref<1x!tpu.dma_semaphore, #tpu.memory_space<semaphore_mem>>
      %dma_wait3A_287 = tpu.memref_squeeze %dma_wait3A_286 : memref<1x!tpu.dma_semaphore, #tpu.memory_space<semaphore_mem>> -> memref<!tpu.dma_semaphore, #tpu.memory_space<semaphore_mem>>
      tpu.wait_indirect_dma semaphore(%dma_wait3A_287 : memref<!tpu.dma_semaphore, #tpu.memory_space<semaphore_mem>>) src(%dma_wait3A_285 : memref<10000x96xf32, #tpu.memory_space<hbm>>) dst(%dma_wait3A_279 : memref<128x96xf32, #tpu.memory_space<vmem>>)
      %run_scoped3A_288 = arith.constant 3 : i32
      "tpu.region"() ({
        %run_scoped3A_305 = tpu.sem_alloc : memref<!tpu.dma_semaphore, #tpu.memory_space<semaphore_mem>>
        %dma_start3A_306 = arith.constant 0 : i32
        %dma_start3A_307 = arith.constant 0 : i32
        %dma_start3A_308 = tpu.memref_slice %arg8[%run_scoped3A_288, %dma_start3A_306, %dma_start3A_307] : memref<4x128x96xf32, #tpu.memory_space<vmem>> -> memref<1x128x96xf32, #tpu.memory_space<vmem>>
        %dma_start3A_309 = tpu.memref_squeeze %dma_start3A_308 : memref<1x128x96xf32, #tpu.memory_space<vmem>> -> memref<128x96xf32, #tpu.memory_space<vmem>>
        %dma_start3A_310 = arith.constant 0 : i32
        %dma_start3A_311 = tpu.memref_slice %arg7[%add3A_273, %dma_start3A_310] : memref<80x128xi32, #tpu.memory_space<vmem>> -> memref<1x128xi32, #tpu.memory_space<vmem>>
        %dma_start3A_312 = tpu.memref_squeeze %dma_start3A_311 : memref<1x128xi32, #tpu.memory_space<vmem>> -> memref<128xi32, #tpu.memory_space<vmem>>
        %dma_start3A_313 = arith.constant 0 : i32
        %dma_start3A_314 = arith.constant 0 : i32
        %dma_start3A_315 = tpu.memref_slice %arg9[%dma_start3A_313, %dma_start3A_314] : memref<10240x96xf32, #tpu.memory_space<vmem_shared>> -> memref<10240x96xf32, #tpu.memory_space<vmem_shared>>
        tpu.enqueue_indirect_dma source(%dma_start3A_309 : memref<128x96xf32, #tpu.memory_space<vmem>>) target(%dma_start3A_315 : memref<10240x96xf32, #tpu.memory_space<vmem_shared>>) offsets(%dma_start3A_312 : memref<128xi32, #tpu.memory_space<vmem>>) semaphore(%run_scoped3A_305 : memref<!tpu.dma_semaphore, #tpu.memory_space<semaphore_mem>>) {add = true}
        %dma_wait3A_316 = arith.constant 0 : i32
        %dma_wait3A_317 = arith.constant 0 : i32
        %dma_wait3A_318 = tpu.memref_slice %arg8[%run_scoped3A_288, %dma_wait3A_316, %dma_wait3A_317] : memref<4x128x96xf32, #tpu.memory_space<vmem>> -> memref<1x128x96xf32, #tpu.memory_space<vmem>>
        %dma_wait3A_319 = tpu.memref_squeeze %dma_wait3A_318 : memref<1x128x96xf32, #tpu.memory_space<vmem>> -> memref<128x96xf32, #tpu.memory_space<vmem>>
        %dma_wait3A_320 = arith.constant 0 : i32
        %dma_wait3A_321 = tpu.memref_slice %arg7[%add3A_273, %dma_wait3A_320] : memref<80x128xi32, #tpu.memory_space<vmem>> -> memref<1x128xi32, #tpu.memory_space<vmem>>
        %dma_wait3A_322 = tpu.memref_squeeze %dma_wait3A_321 : memref<1x128xi32, #tpu.memory_space<vmem>> -> memref<128xi32, #tpu.memory_space<vmem>>
        %dma_wait3A_323 = arith.constant 0 : i32
        %dma_wait3A_324 = arith.constant 0 : i32
        %dma_wait3A_325 = tpu.memref_slice %arg9[%dma_wait3A_323, %dma_wait3A_324] : memref<10240x96xf32, #tpu.memory_space<vmem_shared>> -> memref<10240x96xf32, #tpu.memory_space<vmem_shared>>
        tpu.wait_indirect_dma semaphore(%run_scoped3A_305 : memref<!tpu.dma_semaphore, #tpu.memory_space<semaphore_mem>>) src(%dma_wait3A_319 : memref<128x96xf32, #tpu.memory_space<vmem>>) dst(%dma_wait3A_325 : memref<10240x96xf32, #tpu.memory_space<vmem_shared>>)
        tpu.yield
      }) : () -> ()
      %add3A_289 = arith.constant 4 : i32
      %add3A_290 = arith.addi %add3A_273, %add3A_289 : i32
      %dma_start3A_291 = arith.constant 3 : i32
      %dma_start3A_292 = arith.constant 3 : i32
      %dma_start3A_293 = arith.constant 0 : i32
      %dma_start3A_294 = arith.constant 0 : i32
      %dma_start3A_295 = tpu.memref_slice %arg8[%dma_start3A_291, %dma_start3A_293, %dma_start3A_294] : memref<4x128x96xf32, #tpu.memory_space<vmem>> -> memref<1x128x96xf32, #tpu.memory_space<vmem>>
      %dma_start3A_296 = tpu.memref_squeeze %dma_start3A_295 : memref<1x128x96xf32, #tpu.memory_space<vmem>> -> memref<128x96xf32, #tpu.memory_space<vmem>>
      %dma_start3A_297 = arith.constant 0 : i32
      %dma_start3A_298 = tpu.memref_slice %arg6[%add3A_290, %dma_start3A_297] : memref<80x128xi32, #tpu.memory_space<vmem>> -> memref<1x128xi32, #tpu.memory_space<vmem>>
      %dma_start3A_299 = tpu.memref_squeeze %dma_start3A_298 : memref<1x128xi32, #tpu.memory_space<vmem>> -> memref<128xi32, #tpu.memory_space<vmem>>
      %dma_start3A_300 = arith.constant 0 : i32
      %dma_start3A_301 = arith.constant 0 : i32
      %dma_start3A_302 = tpu.memref_slice %arg2[%dma_start3A_300, %dma_start3A_301] : memref<10000x96xf32, #tpu.memory_space<hbm>> -> memref<10000x96xf32, #tpu.memory_space<hbm>>
      %dma_start3A_303 = tpu.memref_slice %arg10[%dma_start3A_292] : memref<4x!tpu.dma_semaphore, #tpu.memory_space<semaphore_mem>> -> memref<1x!tpu.dma_semaphore, #tpu.memory_space<semaphore_mem>>
      %dma_start3A_304 = tpu.memref_squeeze %dma_start3A_303 : memref<1x!tpu.dma_semaphore, #tpu.memory_space<semaphore_mem>> -> memref<!tpu.dma_semaphore, #tpu.memory_space<semaphore_mem>>
      tpu.enqueue_indirect_dma source(%dma_start3A_302 : memref<10000x96xf32, #tpu.memory_space<hbm>>) target(%dma_start3A_296 : memref<128x96xf32, #tpu.memory_space<vmem>>) offsets(%dma_start3A_299 : memref<128xi32, #tpu.memory_space<vmem>>) semaphore(%dma_start3A_304 : memref<!tpu.dma_semaphore, #tpu.memory_space<semaphore_mem>>)
    }
    %scan3A_93 = arith.constant 19 : i32
    %dma_wait3A = arith.constant 76 : i32
    %dma_wait3A_94 = arith.constant 0 : i32
    %dma_wait3A_95 = arith.constant 0 : i32
    %dma_wait3A_96 = arith.constant 0 : i32
    %dma_wait3A_97 = arith.constant 0 : i32
    %dma_wait3A_98 = tpu.memref_slice %arg8[%dma_wait3A_94, %dma_wait3A_96, %dma_wait3A_97] : memref<4x128x96xf32, #tpu.memory_space<vmem>> -> memref<1x128x96xf32, #tpu.memory_space<vmem>>
    %dma_wait3A_99 = tpu.memref_squeeze %dma_wait3A_98 : memref<1x128x96xf32, #tpu.memory_space<vmem>> -> memref<128x96xf32, #tpu.memory_space<vmem>>
    %dma_wait3A_100 = arith.constant 0 : i32
    %dma_wait3A_101 = tpu.memref_slice %arg6[%dma_wait3A, %dma_wait3A_100] : memref<80x128xi32, #tpu.memory_space<vmem>> -> memref<1x128xi32, #tpu.memory_space<vmem>>
    %dma_wait3A_102 = tpu.memref_squeeze %dma_wait3A_101 : memref<1x128xi32, #tpu.memory_space<vmem>> -> memref<128xi32, #tpu.memory_space<vmem>>
    %dma_wait3A_103 = arith.constant 0 : i32
    %dma_wait3A_104 = arith.constant 0 : i32
    %dma_wait3A_105 = tpu.memref_slice %arg2[%dma_wait3A_103, %dma_wait3A_104] : memref<10000x96xf32, #tpu.memory_space<hbm>> -> memref<10000x96xf32, #tpu.memory_space<hbm>>
    %dma_wait3A_106 = tpu.memref_slice %arg10[%dma_wait3A_95] : memref<4x!tpu.dma_semaphore, #tpu.memory_space<semaphore_mem>> -> memref<1x!tpu.dma_semaphore, #tpu.memory_space<semaphore_mem>>
    %dma_wait3A_107 = tpu.memref_squeeze %dma_wait3A_106 : memref<1x!tpu.dma_semaphore, #tpu.memory_space<semaphore_mem>> -> memref<!tpu.dma_semaphore, #tpu.memory_space<semaphore_mem>>
    tpu.wait_indirect_dma semaphore(%dma_wait3A_107 : memref<!tpu.dma_semaphore, #tpu.memory_space<semaphore_mem>>) src(%dma_wait3A_105 : memref<10000x96xf32, #tpu.memory_space<hbm>>) dst(%dma_wait3A_99 : memref<128x96xf32, #tpu.memory_space<vmem>>)
    %run_scoped3A_108 = arith.constant 0 : i32
    %run_scoped3A_109 = arith.constant 76 : i32
    "tpu.region"() ({
      %run_scoped3A_166 = tpu.sem_alloc : memref<!tpu.dma_semaphore, #tpu.memory_space<semaphore_mem>>
      %dma_start3A_167 = arith.constant 0 : i32
      %dma_start3A_168 = arith.constant 0 : i32
      %dma_start3A_169 = tpu.memref_slice %arg8[%run_scoped3A_108, %dma_start3A_167, %dma_start3A_168] : memref<4x128x96xf32, #tpu.memory_space<vmem>> -> memref<1x128x96xf32, #tpu.memory_space<vmem>>
      %dma_start3A_170 = tpu.memref_squeeze %dma_start3A_169 : memref<1x128x96xf32, #tpu.memory_space<vmem>> -> memref<128x96xf32, #tpu.memory_space<vmem>>
      %dma_start3A_171 = arith.constant 0 : i32
      %dma_start3A_172 = tpu.memref_slice %arg7[%run_scoped3A_109, %dma_start3A_171] : memref<80x128xi32, #tpu.memory_space<vmem>> -> memref<1x128xi32, #tpu.memory_space<vmem>>
      %dma_start3A_173 = tpu.memref_squeeze %dma_start3A_172 : memref<1x128xi32, #tpu.memory_space<vmem>> -> memref<128xi32, #tpu.memory_space<vmem>>
      %dma_start3A_174 = arith.constant 0 : i32
      %dma_start3A_175 = arith.constant 0 : i32
      %dma_start3A_176 = tpu.memref_slice %arg9[%dma_start3A_174, %dma_start3A_175] : memref<10240x96xf32, #tpu.memory_space<vmem_shared>> -> memref<10240x96xf32, #tpu.memory_space<vmem_shared>>
      tpu.enqueue_indirect_dma source(%dma_start3A_170 : memref<128x96xf32, #tpu.memory_space<vmem>>) target(%dma_start3A_176 : memref<10240x96xf32, #tpu.memory_space<vmem_shared>>) offsets(%dma_start3A_173 : memref<128xi32, #tpu.memory_space<vmem>>) semaphore(%run_scoped3A_166 : memref<!tpu.dma_semaphore, #tpu.memory_space<semaphore_mem>>) {add = true}
      %dma_wait3A_177 = arith.constant 0 : i32
      %dma_wait3A_178 = arith.constant 0 : i32
      %dma_wait3A_179 = tpu.memref_slice %arg8[%run_scoped3A_108, %dma_wait3A_177, %dma_wait3A_178] : memref<4x128x96xf32, #tpu.memory_space<vmem>> -> memref<1x128x96xf32, #tpu.memory_space<vmem>>
      %dma_wait3A_180 = tpu.memref_squeeze %dma_wait3A_179 : memref<1x128x96xf32, #tpu.memory_space<vmem>> -> memref<128x96xf32, #tpu.memory_space<vmem>>
      %dma_wait3A_181 = arith.constant 0 : i32
      %dma_wait3A_182 = tpu.memref_slice %arg7[%run_scoped3A_109, %dma_wait3A_181] : memref<80x128xi32, #tpu.memory_space<vmem>> -> memref<1x128xi32, #tpu.memory_space<vmem>>
      %dma_wait3A_183 = tpu.memref_squeeze %dma_wait3A_182 : memref<1x128xi32, #tpu.memory_space<vmem>> -> memref<128xi32, #tpu.memory_space<vmem>>
      %dma_wait3A_184 = arith.constant 0 : i32
      %dma_wait3A_185 = arith.constant 0 : i32
      %dma_wait3A_186 = tpu.memref_slice %arg9[%dma_wait3A_184, %dma_wait3A_185] : memref<10240x96xf32, #tpu.memory_space<vmem_shared>> -> memref<10240x96xf32, #tpu.memory_space<vmem_shared>>
      tpu.wait_indirect_dma semaphore(%run_scoped3A_166 : memref<!tpu.dma_semaphore, #tpu.memory_space<semaphore_mem>>) src(%dma_wait3A_180 : memref<128x96xf32, #tpu.memory_space<vmem>>) dst(%dma_wait3A_186 : memref<10240x96xf32, #tpu.memory_space<vmem_shared>>)
      tpu.yield
    }) : () -> ()
    %dma_wait3A_110 = arith.constant 77 : i32
    %dma_wait3A_111 = arith.constant 1 : i32
    %dma_wait3A_112 = arith.constant 1 : i32
    %dma_wait3A_113 = arith.constant 0 : i32
    %dma_wait3A_114 = arith.constant 0 : i32
    %dma_wait3A_115 = tpu.memref_slice %arg8[%dma_wait3A_111, %dma_wait3A_113, %dma_wait3A_114] : memref<4x128x96xf32, #tpu.memory_space<vmem>> -> memref<1x128x96xf32, #tpu.memory_space<vmem>>
    %dma_wait3A_116 = tpu.memref_squeeze %dma_wait3A_115 : memref<1x128x96xf32, #tpu.memory_space<vmem>> -> memref<128x96xf32, #tpu.memory_space<vmem>>
    %dma_wait3A_117 = arith.constant 0 : i32
    %dma_wait3A_118 = tpu.memref_slice %arg6[%dma_wait3A_110, %dma_wait3A_117] : memref<80x128xi32, #tpu.memory_space<vmem>> -> memref<1x128xi32, #tpu.memory_space<vmem>>
    %dma_wait3A_119 = tpu.memref_squeeze %dma_wait3A_118 : memref<1x128xi32, #tpu.memory_space<vmem>> -> memref<128xi32, #tpu.memory_space<vmem>>
    %dma_wait3A_120 = arith.constant 0 : i32
    %dma_wait3A_121 = arith.constant 0 : i32
    %dma_wait3A_122 = tpu.memref_slice %arg2[%dma_wait3A_120, %dma_wait3A_121] : memref<10000x96xf32, #tpu.memory_space<hbm>> -> memref<10000x96xf32, #tpu.memory_space<hbm>>
    %dma_wait3A_123 = tpu.memref_slice %arg10[%dma_wait3A_112] : memref<4x!tpu.dma_semaphore, #tpu.memory_space<semaphore_mem>> -> memref<1x!tpu.dma_semaphore, #tpu.memory_space<semaphore_mem>>
    %dma_wait3A_124 = tpu.memref_squeeze %dma_wait3A_123 : memref<1x!tpu.dma_semaphore, #tpu.memory_space<semaphore_mem>> -> memref<!tpu.dma_semaphore, #tpu.memory_space<semaphore_mem>>
    tpu.wait_indirect_dma semaphore(%dma_wait3A_124 : memref<!tpu.dma_semaphore, #tpu.memory_space<semaphore_mem>>) src(%dma_wait3A_122 : memref<10000x96xf32, #tpu.memory_space<hbm>>) dst(%dma_wait3A_116 : memref<128x96xf32, #tpu.memory_space<vmem>>)
    %run_scoped3A_125 = arith.constant 1 : i32
    %run_scoped3A_126 = arith.constant 77 : i32
    "tpu.region"() ({
      %run_scoped3A_166 = tpu.sem_alloc : memref<!tpu.dma_semaphore, #tpu.memory_space<semaphore_mem>>
      %dma_start3A_167 = arith.constant 0 : i32
      %dma_start3A_168 = arith.constant 0 : i32
      %dma_start3A_169 = tpu.memref_slice %arg8[%run_scoped3A_125, %dma_start3A_167, %dma_start3A_168] : memref<4x128x96xf32, #tpu.memory_space<vmem>> -> memref<1x128x96xf32, #tpu.memory_space<vmem>>
      %dma_start3A_170 = tpu.memref_squeeze %dma_start3A_169 : memref<1x128x96xf32, #tpu.memory_space<vmem>> -> memref<128x96xf32, #tpu.memory_space<vmem>>
      %dma_start3A_171 = arith.constant 0 : i32
      %dma_start3A_172 = tpu.memref_slice %arg7[%run_scoped3A_126, %dma_start3A_171] : memref<80x128xi32, #tpu.memory_space<vmem>> -> memref<1x128xi32, #tpu.memory_space<vmem>>
      %dma_start3A_173 = tpu.memref_squeeze %dma_start3A_172 : memref<1x128xi32, #tpu.memory_space<vmem>> -> memref<128xi32, #tpu.memory_space<vmem>>
      %dma_start3A_174 = arith.constant 0 : i32
      %dma_start3A_175 = arith.constant 0 : i32
      %dma_start3A_176 = tpu.memref_slice %arg9[%dma_start3A_174, %dma_start3A_175] : memref<10240x96xf32, #tpu.memory_space<vmem_shared>> -> memref<10240x96xf32, #tpu.memory_space<vmem_shared>>
      tpu.enqueue_indirect_dma source(%dma_start3A_170 : memref<128x96xf32, #tpu.memory_space<vmem>>) target(%dma_start3A_176 : memref<10240x96xf32, #tpu.memory_space<vmem_shared>>) offsets(%dma_start3A_173 : memref<128xi32, #tpu.memory_space<vmem>>) semaphore(%run_scoped3A_166 : memref<!tpu.dma_semaphore, #tpu.memory_space<semaphore_mem>>) {add = true}
      %dma_wait3A_177 = arith.constant 0 : i32
      %dma_wait3A_178 = arith.constant 0 : i32
      %dma_wait3A_179 = tpu.memref_slice %arg8[%run_scoped3A_125, %dma_wait3A_177, %dma_wait3A_178] : memref<4x128x96xf32, #tpu.memory_space<vmem>> -> memref<1x128x96xf32, #tpu.memory_space<vmem>>
      %dma_wait3A_180 = tpu.memref_squeeze %dma_wait3A_179 : memref<1x128x96xf32, #tpu.memory_space<vmem>> -> memref<128x96xf32, #tpu.memory_space<vmem>>
      %dma_wait3A_181 = arith.constant 0 : i32
      %dma_wait3A_182 = tpu.memref_slice %arg7[%run_scoped3A_126, %dma_wait3A_181] : memref<80x128xi32, #tpu.memory_space<vmem>> -> memref<1x128xi32, #tpu.memory_space<vmem>>
      %dma_wait3A_183 = tpu.memref_squeeze %dma_wait3A_182 : memref<1x128xi32, #tpu.memory_space<vmem>> -> memref<128xi32, #tpu.memory_space<vmem>>
      %dma_wait3A_184 = arith.constant 0 : i32
      %dma_wait3A_185 = arith.constant 0 : i32
      %dma_wait3A_186 = tpu.memref_slice %arg9[%dma_wait3A_184, %dma_wait3A_185] : memref<10240x96xf32, #tpu.memory_space<vmem_shared>> -> memref<10240x96xf32, #tpu.memory_space<vmem_shared>>
      tpu.wait_indirect_dma semaphore(%run_scoped3A_166 : memref<!tpu.dma_semaphore, #tpu.memory_space<semaphore_mem>>) src(%dma_wait3A_180 : memref<128x96xf32, #tpu.memory_space<vmem>>) dst(%dma_wait3A_186 : memref<10240x96xf32, #tpu.memory_space<vmem_shared>>)
      tpu.yield
    }) : () -> ()
    %dma_wait3A_127 = arith.constant 78 : i32
    %dma_wait3A_128 = arith.constant 2 : i32
    %dma_wait3A_129 = arith.constant 2 : i32
    %dma_wait3A_130 = arith.constant 0 : i32
    %dma_wait3A_131 = arith.constant 0 : i32
    %dma_wait3A_132 = tpu.memref_slice %arg8[%dma_wait3A_128, %dma_wait3A_130, %dma_wait3A_131] : memref<4x128x96xf32, #tpu.memory_space<vmem>> -> memref<1x128x96xf32, #tpu.memory_space<vmem>>
    %dma_wait3A_133 = tpu.memref_squeeze %dma_wait3A_132 : memref<1x128x96xf32, #tpu.memory_space<vmem>> -> memref<128x96xf32, #tpu.memory_space<vmem>>
    %dma_wait3A_134 = arith.constant 0 : i32
    %dma_wait3A_135 = tpu.memref_slice %arg6[%dma_wait3A_127, %dma_wait3A_134] : memref<80x128xi32, #tpu.memory_space<vmem>> -> memref<1x128xi32, #tpu.memory_space<vmem>>
    %dma_wait3A_136 = tpu.memref_squeeze %dma_wait3A_135 : memref<1x128xi32, #tpu.memory_space<vmem>> -> memref<128xi32, #tpu.memory_space<vmem>>
    %dma_wait3A_137 = arith.constant 0 : i32
    %dma_wait3A_138 = arith.constant 0 : i32
    %dma_wait3A_139 = tpu.memref_slice %arg2[%dma_wait3A_137, %dma_wait3A_138] : memref<10000x96xf32, #tpu.memory_space<hbm>> -> memref<10000x96xf32, #tpu.memory_space<hbm>>
    %dma_wait3A_140 = tpu.memref_slice %arg10[%dma_wait3A_129] : memref<4x!tpu.dma_semaphore, #tpu.memory_space<semaphore_mem>> -> memref<1x!tpu.dma_semaphore, #tpu.memory_space<semaphore_mem>>
    %dma_wait3A_141 = tpu.memref_squeeze %dma_wait3A_140 : memref<1x!tpu.dma_semaphore, #tpu.memory_space<semaphore_mem>> -> memref<!tpu.dma_semaphore, #tpu.memory_space<semaphore_mem>>
    tpu.wait_indirect_dma semaphore(%dma_wait3A_141 : memref<!tpu.dma_semaphore, #tpu.memory_space<semaphore_mem>>) src(%dma_wait3A_139 : memref<10000x96xf32, #tpu.memory_space<hbm>>) dst(%dma_wait3A_133 : memref<128x96xf32, #tpu.memory_space<vmem>>)
    %run_scoped3A_142 = arith.constant 2 : i32
    %run_scoped3A_143 = arith.constant 78 : i32
    "tpu.region"() ({
      %run_scoped3A_166 = tpu.sem_alloc : memref<!tpu.dma_semaphore, #tpu.memory_space<semaphore_mem>>
      %dma_start3A_167 = arith.constant 0 : i32
      %dma_start3A_168 = arith.constant 0 : i32
      %dma_start3A_169 = tpu.memref_slice %arg8[%run_scoped3A_142, %dma_start3A_167, %dma_start3A_168] : memref<4x128x96xf32, #tpu.memory_space<vmem>> -> memref<1x128x96xf32, #tpu.memory_space<vmem>>
      %dma_start3A_170 = tpu.memref_squeeze %dma_start3A_169 : memref<1x128x96xf32, #tpu.memory_space<vmem>> -> memref<128x96xf32, #tpu.memory_space<vmem>>
      %dma_start3A_171 = arith.constant 0 : i32
      %dma_start3A_172 = tpu.memref_slice %arg7[%run_scoped3A_143, %dma_start3A_171] : memref<80x128xi32, #tpu.memory_space<vmem>> -> memref<1x128xi32, #tpu.memory_space<vmem>>
      %dma_start3A_173 = tpu.memref_squeeze %dma_start3A_172 : memref<1x128xi32, #tpu.memory_space<vmem>> -> memref<128xi32, #tpu.memory_space<vmem>>
      %dma_start3A_174 = arith.constant 0 : i32
      %dma_start3A_175 = arith.constant 0 : i32
      %dma_start3A_176 = tpu.memref_slice %arg9[%dma_start3A_174, %dma_start3A_175] : memref<10240x96xf32, #tpu.memory_space<vmem_shared>> -> memref<10240x96xf32, #tpu.memory_space<vmem_shared>>
      tpu.enqueue_indirect_dma source(%dma_start3A_170 : memref<128x96xf32, #tpu.memory_space<vmem>>) target(%dma_start3A_176 : memref<10240x96xf32, #tpu.memory_space<vmem_shared>>) offsets(%dma_start3A_173 : memref<128xi32, #tpu.memory_space<vmem>>) semaphore(%run_scoped3A_166 : memref<!tpu.dma_semaphore, #tpu.memory_space<semaphore_mem>>) {add = true}
      %dma_wait3A_177 = arith.constant 0 : i32
      %dma_wait3A_178 = arith.constant 0 : i32
      %dma_wait3A_179 = tpu.memref_slice %arg8[%run_scoped3A_142, %dma_wait3A_177, %dma_wait3A_178] : memref<4x128x96xf32, #tpu.memory_space<vmem>> -> memref<1x128x96xf32, #tpu.memory_space<vmem>>
      %dma_wait3A_180 = tpu.memref_squeeze %dma_wait3A_179 : memref<1x128x96xf32, #tpu.memory_space<vmem>> -> memref<128x96xf32, #tpu.memory_space<vmem>>
      %dma_wait3A_181 = arith.constant 0 : i32
      %dma_wait3A_182 = tpu.memref_slice %arg7[%run_scoped3A_143, %dma_wait3A_181] : memref<80x128xi32, #tpu.memory_space<vmem>> -> memref<1x128xi32, #tpu.memory_space<vmem>>
      %dma_wait3A_183 = tpu.memref_squeeze %dma_wait3A_182 : memref<1x128xi32, #tpu.memory_space<vmem>> -> memref<128xi32, #tpu.memory_space<vmem>>
      %dma_wait3A_184 = arith.constant 0 : i32
      %dma_wait3A_185 = arith.constant 0 : i32
      %dma_wait3A_186 = tpu.memref_slice %arg9[%dma_wait3A_184, %dma_wait3A_185] : memref<10240x96xf32, #tpu.memory_space<vmem_shared>> -> memref<10240x96xf32, #tpu.memory_space<vmem_shared>>
      tpu.wait_indirect_dma semaphore(%run_scoped3A_166 : memref<!tpu.dma_semaphore, #tpu.memory_space<semaphore_mem>>) src(%dma_wait3A_180 : memref<128x96xf32, #tpu.memory_space<vmem>>) dst(%dma_wait3A_186 : memref<10240x96xf32, #tpu.memory_space<vmem_shared>>)
      tpu.yield
    }) : () -> ()
    %dma_wait3A_144 = arith.constant 79 : i32
    %dma_wait3A_145 = arith.constant 3 : i32
    %dma_wait3A_146 = arith.constant 3 : i32
    %dma_wait3A_147 = arith.constant 0 : i32
    %dma_wait3A_148 = arith.constant 0 : i32
    %dma_wait3A_149 = tpu.memref_slice %arg8[%dma_wait3A_145, %dma_wait3A_147, %dma_wait3A_148] : memref<4x128x96xf32, #tpu.memory_space<vmem>> -> memref<1x128x96xf32, #tpu.memory_space<vmem>>
    %dma_wait3A_150 = tpu.memref_squeeze %dma_wait3A_149 : memref<1x128x96xf32, #tpu.memory_space<vmem>> -> memref<128x96xf32, #tpu.memory_space<vmem>>
    %dma_wait3A_151 = arith.constant 0 : i32
    %dma_wait3A_152 = tpu.memref_slice %arg6[%dma_wait3A_144, %dma_wait3A_151] : memref<80x128xi32, #tpu.memory_space<vmem>> -> memref<1x128xi32, #tpu.memory_space<vmem>>
    %dma_wait3A_153 = tpu.memref_squeeze %dma_wait3A_152 : memref<1x128xi32, #tpu.memory_space<vmem>> -> memref<128xi32, #tpu.memory_space<vmem>>
    %dma_wait3A_154 = arith.constant 0 : i32
    %dma_wait3A_155 = arith.constant 0 : i32
    %dma_wait3A_156 = tpu.memref_slice %arg2[%dma_wait3A_154, %dma_wait3A_155] : memref<10000x96xf32, #tpu.memory_space<hbm>> -> memref<10000x96xf32, #tpu.memory_space<hbm>>
    %dma_wait3A_157 = tpu.memref_slice %arg10[%dma_wait3A_146] : memref<4x!tpu.dma_semaphore, #tpu.memory_space<semaphore_mem>> -> memref<1x!tpu.dma_semaphore, #tpu.memory_space<semaphore_mem>>
    %dma_wait3A_158 = tpu.memref_squeeze %dma_wait3A_157 : memref<1x!tpu.dma_semaphore, #tpu.memory_space<semaphore_mem>> -> memref<!tpu.dma_semaphore, #tpu.memory_space<semaphore_mem>>
    tpu.wait_indirect_dma semaphore(%dma_wait3A_158 : memref<!tpu.dma_semaphore, #tpu.memory_space<semaphore_mem>>) src(%dma_wait3A_156 : memref<10000x96xf32, #tpu.memory_space<hbm>>) dst(%dma_wait3A_150 : memref<128x96xf32, #tpu.memory_space<vmem>>)
    %run_scoped3A_159 = arith.constant 3 : i32
    %run_scoped3A_160 = arith.constant 79 : i32
    "tpu.region"() ({
      %run_scoped3A_166 = tpu.sem_alloc : memref<!tpu.dma_semaphore, #tpu.memory_space<semaphore_mem>>
      %dma_start3A_167 = arith.constant 0 : i32
      %dma_start3A_168 = arith.constant 0 : i32
      %dma_start3A_169 = tpu.memref_slice %arg8[%run_scoped3A_159, %dma_start3A_167, %dma_start3A_168] : memref<4x128x96xf32, #tpu.memory_space<vmem>> -> memref<1x128x96xf32, #tpu.memory_space<vmem>>
      %dma_start3A_170 = tpu.memref_squeeze %dma_start3A_169 : memref<1x128x96xf32, #tpu.memory_space<vmem>> -> memref<128x96xf32, #tpu.memory_space<vmem>>
      %dma_start3A_171 = arith.constant 0 : i32
      %dma_start3A_172 = tpu.memref_slice %arg7[%run_scoped3A_160, %dma_start3A_171] : memref<80x128xi32, #tpu.memory_space<vmem>> -> memref<1x128xi32, #tpu.memory_space<vmem>>
      %dma_start3A_173 = tpu.memref_squeeze %dma_start3A_172 : memref<1x128xi32, #tpu.memory_space<vmem>> -> memref<128xi32, #tpu.memory_space<vmem>>
      %dma_start3A_174 = arith.constant 0 : i32
      %dma_start3A_175 = arith.constant 0 : i32
      %dma_start3A_176 = tpu.memref_slice %arg9[%dma_start3A_174, %dma_start3A_175] : memref<10240x96xf32, #tpu.memory_space<vmem_shared>> -> memref<10240x96xf32, #tpu.memory_space<vmem_shared>>
      tpu.enqueue_indirect_dma source(%dma_start3A_170 : memref<128x96xf32, #tpu.memory_space<vmem>>) target(%dma_start3A_176 : memref<10240x96xf32, #tpu.memory_space<vmem_shared>>) offsets(%dma_start3A_173 : memref<128xi32, #tpu.memory_space<vmem>>) semaphore(%run_scoped3A_166 : memref<!tpu.dma_semaphore, #tpu.memory_space<semaphore_mem>>) {add = true}
      %dma_wait3A_177 = arith.constant 0 : i32
      %dma_wait3A_178 = arith.constant 0 : i32
      %dma_wait3A_179 = tpu.memref_slice %arg8[%run_scoped3A_159, %dma_wait3A_177, %dma_wait3A_178] : memref<4x128x96xf32, #tpu.memory_space<vmem>> -> memref<1x128x96xf32, #tpu.memory_space<vmem>>
      %dma_wait3A_180 = tpu.memref_squeeze %dma_wait3A_179 : memref<1x128x96xf32, #tpu.memory_space<vmem>> -> memref<128x96xf32, #tpu.memory_space<vmem>>
      %dma_wait3A_181 = arith.constant 0 : i32
      %dma_wait3A_182 = tpu.memref_slice %arg7[%run_scoped3A_160, %dma_wait3A_181] : memref<80x128xi32, #tpu.memory_space<vmem>> -> memref<1x128xi32, #tpu.memory_space<vmem>>
      %dma_wait3A_183 = tpu.memref_squeeze %dma_wait3A_182 : memref<1x128xi32, #tpu.memory_space<vmem>> -> memref<128xi32, #tpu.memory_space<vmem>>
      %dma_wait3A_184 = arith.constant 0 : i32
      %dma_wait3A_185 = arith.constant 0 : i32
      %dma_wait3A_186 = tpu.memref_slice %arg9[%dma_wait3A_184, %dma_wait3A_185] : memref<10240x96xf32, #tpu.memory_space<vmem_shared>> -> memref<10240x96xf32, #tpu.memory_space<vmem_shared>>
      tpu.wait_indirect_dma semaphore(%run_scoped3A_166 : memref<!tpu.dma_semaphore, #tpu.memory_space<semaphore_mem>>) src(%dma_wait3A_180 : memref<128x96xf32, #tpu.memory_space<vmem>>) dst(%dma_wait3A_186 : memref<10240x96xf32, #tpu.memory_space<vmem_shared>>)
      tpu.yield
    }) : () -> ()
    %barrier3A_161 = arith.constant 0 : index
    tpu.barrier barrier_id(%barrier3A_161)
    %mul3A_162 = arith.constant 640 : i32
    %mul3A_163 = arith.muli %arg1, %mul3A_162 : i32
    %mul3A_164 = arith.constant 640 : i32
    %mul3A_165 = arith.muli %arg1, %mul3A_164 : i32
    "tpu.region"() ({
      %run_scoped3A_166 = tpu.sem_alloc : memref<!tpu.dma_semaphore, #tpu.memory_space<semaphore_mem>>
      %dma_start3A_167 = arith.constant 0 : i32
      %dma_start3A_168 = tpu.memref_slice %arg5[%arg0, %mul3A_165, %dma_start3A_167] : memref<2x10240x128xf32, #tpu.memory_space<hbm>> -> memref<1x640x96xf32, #tpu.memory_space<hbm>>
      %dma_start3A_169 = tpu.memref_squeeze %dma_start3A_168 : memref<1x640x96xf32, #tpu.memory_space<hbm>> -> memref<640x96xf32, #tpu.memory_space<hbm>>
      %dma_start3A_170 = arith.constant 0 : i32
      %dma_start3A_171 = tpu.memref_slice %arg9[%mul3A_163, %dma_start3A_170] : memref<10240x96xf32, #tpu.memory_space<vmem_shared>> -> memref<640x96xf32, #tpu.memory_space<vmem_shared>>
      tpu.enqueue_dma source(%dma_start3A_171 : memref<640x96xf32, #tpu.memory_space<vmem_shared>>) target(%dma_start3A_169 : memref<640x96xf32, #tpu.memory_space<hbm>>) target_semaphore(%run_scoped3A_166 : memref<!tpu.dma_semaphore, #tpu.memory_space<semaphore_mem>>)
      %dma_wait3A_172 = arith.constant 0 : i32
      %dma_wait3A_173 = tpu.memref_slice %arg5[%arg0, %mul3A_165, %dma_wait3A_172] : memref<2x10240x128xf32, #tpu.memory_space<hbm>> -> memref<1x640x96xf32, #tpu.memory_space<hbm>>
      %dma_wait3A_174 = tpu.memref_squeeze %dma_wait3A_173 : memref<1x640x96xf32, #tpu.memory_space<hbm>> -> memref<640x96xf32, #tpu.memory_space<hbm>>
      %dma_wait3A_175 = arith.constant 0 : i32
      %dma_wait3A_176 = tpu.memref_slice %arg9[%mul3A_163, %dma_wait3A_175] : memref<10240x96xf32, #tpu.memory_space<vmem_shared>> -> memref<640x96xf32, #tpu.memory_space<vmem_shared>>
      tpu.wait_dma2 semaphore(%run_scoped3A_166 : memref<!tpu.dma_semaphore, #tpu.memory_space<semaphore_mem>>) src(%dma_wait3A_176 : memref<640x96xf32, #tpu.memory_space<vmem_shared>>) dst(%dma_wait3A_174 : memref<640x96xf32, #tpu.memory_space<hbm>>)
      tpu.yield
    }) : () -> ()
    return
  }
}

#map = affine_map<(d0, d1) -> (0, 0)>
#map1 = affine_map<(d0, d1) -> (0, 0, 0)>
module attributes {stable_mosaic.version = 14 : i64} {
  func.func @agg(%arg0: i32, %arg1: i32, %arg2: memref<10000x48xf32, #tpu.memory_space<hbm>>, %arg3: memref<32x80x128xi32, #tpu.memory_space<hbm>>, %arg4: memref<32x80x128xi32, #tpu.memory_space<hbm>>, %arg5: memref<2x10240x128xf32, #tpu.memory_space<hbm>>, %arg6: memref<80x128xi32, #tpu.memory_space<vmem>>, %arg7: memref<80x128xi32, #tpu.memory_space<vmem>>, %arg8: memref<4x128x48xf32, #tpu.memory_space<vmem>>, %arg9: memref<10240x48xf32, #tpu.memory_space<vmem_shared>>, %arg10: memref<4x!tpu.dma_semaphore, #tpu.memory_space<semaphore_mem>>) attributes {dimension_semantics = [#tpu.dimension_semantics<core_parallel>, #tpu.dimension_semantics<subcore_parallel>], iteration_bounds = array<i64: 2, 16>, scalar_prefetch = 0 : i64, scratch_operands = 5 : i64, tpu.core_type = #tpu.core_type<sc_vector_subcore>, window_params = [{transform_indices = #map}, {transform_indices = #map1}, {transform_indices = #map1}, {transform_indices = #map1}]} {
    %mul3A = arith.constant 2 : i32
    %mul3A_0 = arith.muli %arg1, %mul3A : i32
    %add3A = arith.addi %mul3A_0, %arg0 : i32
    %scan3A = arith.constant 0 : i32
    %scan3A_1 = arith.constant 0 : i32
    %scan3A_2 = arith.constant 128 : i32
    %scan3A_3 = arith.addi %scan3A_1, %scan3A_2 : i32
    %scan3A_4 = arith.constant 1 : i32
    scf.for %scan3A_166 = %scan3A_1 to %scan3A_3 step %scan3A_4  : i32 {
      %mul3A_167 = arith.constant 1 : i32
      %mul3A_168 = arith.muli %scan3A_166, %mul3A_167 : i32
      %add3A_169 = arith.constant 0 : i32
      %add3A_170 = arith.addi %add3A_169, %mul3A_168 : i32
      %broadcast_in_dim3A = arith.constant 0.000000e+00 : f32
      %broadcast_in_dim3A_171 = vector.broadcast %broadcast_in_dim3A : f32 to vector<16xf32>
      %swap3A = arith.constant 0 : i32
      %swap3A_172 = arith.constant 0 : i32
      %swap3A_173 = tpu.memref_slice %arg8[%scan3A, %swap3A, %swap3A_172] : memref<4x128x48xf32, #tpu.memory_space<vmem>> -> memref<1x128x48xf32, #tpu.memory_space<vmem>>
      %swap3A_174 = tpu.memref_squeeze %swap3A_173 : memref<1x128x48xf32, #tpu.memory_space<vmem>> -> memref<128x48xf32, #tpu.memory_space<vmem>>
      %swap3A_175 = arith.index_cast %add3A_170 : i32 to index
      %swap3A_176 = arith.constant 0 : index
      %swap3A_177 = tpu.vector_load %swap3A_174[%swap3A_175, %swap3A_176] {strides = array<i32>} : memref<128x48xf32, #tpu.memory_space<vmem>>, vector<1x16xf32>,
      %swap3A_178 = vector.shape_cast %swap3A_177 : vector<1x16xf32> to vector<16xf32>
      %swap3A_179 = vector.shape_cast %broadcast_in_dim3A_171 : vector<16xf32> to vector<1x16xf32>
      tpu.vector_store %swap3A_174[%swap3A_175, %swap3A_176], %swap3A_179 {strides = array<i32>} : memref<128x48xf32, #tpu.memory_space<vmem>>, vector<1x16xf32>,
      %broadcast_in_dim3A_180 = arith.constant 0.000000e+00 : f32
      %broadcast_in_dim3A_181 = vector.broadcast %broadcast_in_dim3A_180 : f32 to vector<16xf32>
      %swap3A_182 = arith.constant 0 : i32
      %swap3A_183 = arith.constant 0 : i32
      %swap3A_184 = tpu.memref_slice %arg8[%scan3A, %swap3A_182, %swap3A_183] : memref<4x128x48xf32, #tpu.memory_space<vmem>> -> memref<1x128x48xf32, #tpu.memory_space<vmem>>
      %swap3A_185 = tpu.memref_squeeze %swap3A_184 : memref<1x128x48xf32, #tpu.memory_space<vmem>> -> memref<128x48xf32, #tpu.memory_space<vmem>>
      %swap3A_186 = arith.index_cast %add3A_170 : i32 to index
      %swap3A_187 = arith.constant 16 : index
      %swap3A_188 = tpu.vector_load %swap3A_185[%swap3A_186, %swap3A_187] {strides = array<i32>} : memref<128x48xf32, #tpu.memory_space<vmem>>, vector<1x16xf32>,
      %swap3A_189 = vector.shape_cast %swap3A_188 : vector<1x16xf32> to vector<16xf32>
      %swap3A_190 = vector.shape_cast %broadcast_in_dim3A_181 : vector<16xf32> to vector<1x16xf32>
      tpu.vector_store %swap3A_185[%swap3A_186, %swap3A_187], %swap3A_190 {strides = array<i32>} : memref<128x48xf32, #tpu.memory_space<vmem>>, vector<1x16xf32>,
      %broadcast_in_dim3A_191 = arith.constant 0.000000e+00 : f32
      %broadcast_in_dim3A_192 = vector.broadcast %broadcast_in_dim3A_191 : f32 to vector<16xf32>
      %swap3A_193 = arith.constant 0 : i32
      %swap3A_194 = arith.constant 0 : i32
      %swap3A_195 = tpu.memref_slice %arg8[%scan3A, %swap3A_193, %swap3A_194] : memref<4x128x48xf32, #tpu.memory_space<vmem>> -> memref<1x128x48xf32, #tpu.memory_space<vmem>>
      %swap3A_196 = tpu.memref_squeeze %swap3A_195 : memref<1x128x48xf32, #tpu.memory_space<vmem>> -> memref<128x48xf32, #tpu.memory_space<vmem>>
      %swap3A_197 = arith.index_cast %add3A_170 : i32 to index
      %swap3A_198 = arith.constant 32 : index
      %swap3A_199 = tpu.vector_load %swap3A_196[%swap3A_197, %swap3A_198] {strides = array<i32>} : memref<128x48xf32, #tpu.memory_space<vmem>>, vector<1x16xf32>,
      %swap3A_200 = vector.shape_cast %swap3A_199 : vector<1x16xf32> to vector<16xf32>
      %swap3A_201 = vector.shape_cast %broadcast_in_dim3A_192 : vector<16xf32> to vector<1x16xf32>
      tpu.vector_store %swap3A_196[%swap3A_197, %swap3A_198], %swap3A_201 {strides = array<i32>} : memref<128x48xf32, #tpu.memory_space<vmem>>, vector<1x16xf32>,
    }
    %scan3A_5 = arith.constant 128 : i32
    %mul3A_6 = arith.constant 640 : i32
    %mul3A_7 = arith.muli %arg1, %mul3A_6 : i32
    %add3A_8 = arith.constant 0 : i32
    %add3A_9 = arith.addi %mul3A_7, %add3A_8 : i32
    %run_scoped3A = arith.constant 0 : i32
    "tpu.region"() ({
      %run_scoped3A_166 = tpu.sem_alloc : memref<!tpu.dma_semaphore, #tpu.memory_space<semaphore_mem>>
      %dma_start3A_167 = arith.constant 0 : i32
      %dma_start3A_168 = arith.constant 0 : i32
      %dma_start3A_169 = tpu.memref_slice %arg8[%run_scoped3A, %dma_start3A_167, %dma_start3A_168] : memref<4x128x48xf32, #tpu.memory_space<vmem>> -> memref<1x128x48xf32, #tpu.memory_space<vmem>>
      %dma_start3A_170 = tpu.memref_squeeze %dma_start3A_169 : memref<1x128x48xf32, #tpu.memory_space<vmem>> -> memref<128x48xf32, #tpu.memory_space<vmem>>
      %dma_start3A_171 = arith.constant 0 : i32
      %dma_start3A_172 = tpu.memref_slice %arg9[%add3A_9, %dma_start3A_171] : memref<10240x48xf32, #tpu.memory_space<vmem_shared>> -> memref<128x48xf32, #tpu.memory_space<vmem_shared>>
      %dma_start3A_173 = arith.constant 0 : i32
      %dma_start3A_174 = tpu.memref_slice %arg9[%add3A_9, %dma_start3A_173] : memref<10240x48xf32, #tpu.memory_space<vmem_shared>> -> memref<128x48xf32, #tpu.memory_space<vmem_shared>>
      %dma_start3A_175 = arith.constant 0 : i32
      %dma_start3A_176 = arith.constant 0 : i32
      %dma_start3A_177 = tpu.memref_slice %arg8[%run_scoped3A, %dma_start3A_175, %dma_start3A_176] : memref<4x128x48xf32, #tpu.memory_space<vmem>> -> memref<1x128x48xf32, #tpu.memory_space<vmem>>
      %dma_start3A_178 = tpu.memref_squeeze %dma_start3A_177 : memref<1x128x48xf32, #tpu.memory_space<vmem>> -> memref<128x48xf32, #tpu.memory_space<vmem>>
      tpu.enqueue_dma source(%dma_start3A_178 : memref<128x48xf32, #tpu.memory_space<vmem>>) target(%dma_start3A_174 : memref<128x48xf32, #tpu.memory_space<vmem_shared>>) target_semaphore(%run_scoped3A_166 : memref<!tpu.dma_semaphore, #tpu.memory_space<semaphore_mem>>)
      %dma_wait3A_179 = arith.constant 0 : i32
      %dma_wait3A_180 = arith.constant 0 : i32
      %dma_wait3A_181 = tpu.memref_slice %arg8[%run_scoped3A, %dma_wait3A_179, %dma_wait3A_180] : memref<4x128x48xf32, #tpu.memory_space<vmem>> -> memref<1x128x48xf32, #tpu.memory_space<vmem>>
      %dma_wait3A_182 = tpu.memref_squeeze %dma_wait3A_181 : memref<1x128x48xf32, #tpu.memory_space<vmem>> -> memref<128x48xf32, #tpu.memory_space<vmem>>
      %dma_wait3A_183 = arith.constant 0 : i32
      %dma_wait3A_184 = tpu.memref_slice %arg9[%add3A_9, %dma_wait3A_183] : memref<10240x48xf32, #tpu.memory_space<vmem_shared>> -> memref<128x48xf32, #tpu.memory_space<vmem_shared>>
      %dma_wait3A_185 = arith.constant 0 : i32
      %dma_wait3A_186 = tpu.memref_slice %arg9[%add3A_9, %dma_wait3A_185] : memref<10240x48xf32, #tpu.memory_space<vmem_shared>> -> memref<128x48xf32, #tpu.memory_space<vmem_shared>>
      %dma_wait3A_187 = arith.constant 0 : i32
      %dma_wait3A_188 = arith.constant 0 : i32
      %dma_wait3A_189 = tpu.memref_slice %arg8[%run_scoped3A, %dma_wait3A_187, %dma_wait3A_188] : memref<4x128x48xf32, #tpu.memory_space<vmem>> -> memref<1x128x48xf32, #tpu.memory_space<vmem>>
      %dma_wait3A_190 = tpu.memref_squeeze %dma_wait3A_189 : memref<1x128x48xf32, #tpu.memory_space<vmem>> -> memref<128x48xf32, #tpu.memory_space<vmem>>
      tpu.wait_dma2 semaphore(%run_scoped3A_166 : memref<!tpu.dma_semaphore, #tpu.memory_space<semaphore_mem>>) src(%dma_wait3A_190 : memref<128x48xf32, #tpu.memory_space<vmem>>) dst(%dma_wait3A_186 : memref<128x48xf32, #tpu.memory_space<vmem_shared>>)
      tpu.yield
    }) : () -> ()
    %mul3A_10 = arith.constant 640 : i32
    %mul3A_11 = arith.muli %arg1, %mul3A_10 : i32
    %add3A_12 = arith.constant 128 : i32
    %add3A_13 = arith.addi %mul3A_11, %add3A_12 : i32
    %run_scoped3A_14 = arith.constant 0 : i32
    "tpu.region"() ({
      %run_scoped3A_166 = tpu.sem_alloc : memref<!tpu.dma_semaphore, #tpu.memory_space<semaphore_mem>>
      %dma_start3A_167 = arith.constant 0 : i32
      %dma_start3A_168 = arith.constant 0 : i32
      %dma_start3A_169 = tpu.memref_slice %arg8[%run_scoped3A_14, %dma_start3A_167, %dma_start3A_168] : memref<4x128x48xf32, #tpu.memory_space<vmem>> -> memref<1x128x48xf32, #tpu.memory_space<vmem>>
      %dma_start3A_170 = tpu.memref_squeeze %dma_start3A_169 : memref<1x128x48xf32, #tpu.memory_space<vmem>> -> memref<128x48xf32, #tpu.memory_space<vmem>>
      %dma_start3A_171 = arith.constant 0 : i32
      %dma_start3A_172 = tpu.memref_slice %arg9[%add3A_13, %dma_start3A_171] : memref<10240x48xf32, #tpu.memory_space<vmem_shared>> -> memref<128x48xf32, #tpu.memory_space<vmem_shared>>
      %dma_start3A_173 = arith.constant 0 : i32
      %dma_start3A_174 = tpu.memref_slice %arg9[%add3A_13, %dma_start3A_173] : memref<10240x48xf32, #tpu.memory_space<vmem_shared>> -> memref<128x48xf32, #tpu.memory_space<vmem_shared>>
      %dma_start3A_175 = arith.constant 0 : i32
      %dma_start3A_176 = arith.constant 0 : i32
      %dma_start3A_177 = tpu.memref_slice %arg8[%run_scoped3A_14, %dma_start3A_175, %dma_start3A_176] : memref<4x128x48xf32, #tpu.memory_space<vmem>> -> memref<1x128x48xf32, #tpu.memory_space<vmem>>
      %dma_start3A_178 = tpu.memref_squeeze %dma_start3A_177 : memref<1x128x48xf32, #tpu.memory_space<vmem>> -> memref<128x48xf32, #tpu.memory_space<vmem>>
      tpu.enqueue_dma source(%dma_start3A_178 : memref<128x48xf32, #tpu.memory_space<vmem>>) target(%dma_start3A_174 : memref<128x48xf32, #tpu.memory_space<vmem_shared>>) target_semaphore(%run_scoped3A_166 : memref<!tpu.dma_semaphore, #tpu.memory_space<semaphore_mem>>)
      %dma_wait3A_179 = arith.constant 0 : i32
      %dma_wait3A_180 = arith.constant 0 : i32
      %dma_wait3A_181 = tpu.memref_slice %arg8[%run_scoped3A_14, %dma_wait3A_179, %dma_wait3A_180] : memref<4x128x48xf32, #tpu.memory_space<vmem>> -> memref<1x128x48xf32, #tpu.memory_space<vmem>>
      %dma_wait3A_182 = tpu.memref_squeeze %dma_wait3A_181 : memref<1x128x48xf32, #tpu.memory_space<vmem>> -> memref<128x48xf32, #tpu.memory_space<vmem>>
      %dma_wait3A_183 = arith.constant 0 : i32
      %dma_wait3A_184 = tpu.memref_slice %arg9[%add3A_13, %dma_wait3A_183] : memref<10240x48xf32, #tpu.memory_space<vmem_shared>> -> memref<128x48xf32, #tpu.memory_space<vmem_shared>>
      %dma_wait3A_185 = arith.constant 0 : i32
      %dma_wait3A_186 = tpu.memref_slice %arg9[%add3A_13, %dma_wait3A_185] : memref<10240x48xf32, #tpu.memory_space<vmem_shared>> -> memref<128x48xf32, #tpu.memory_space<vmem_shared>>
      %dma_wait3A_187 = arith.constant 0 : i32
      %dma_wait3A_188 = arith.constant 0 : i32
      %dma_wait3A_189 = tpu.memref_slice %arg8[%run_scoped3A_14, %dma_wait3A_187, %dma_wait3A_188] : memref<4x128x48xf32, #tpu.memory_space<vmem>> -> memref<1x128x48xf32, #tpu.memory_space<vmem>>
      %dma_wait3A_190 = tpu.memref_squeeze %dma_wait3A_189 : memref<1x128x48xf32, #tpu.memory_space<vmem>> -> memref<128x48xf32, #tpu.memory_space<vmem>>
      tpu.wait_dma2 semaphore(%run_scoped3A_166 : memref<!tpu.dma_semaphore, #tpu.memory_space<semaphore_mem>>) src(%dma_wait3A_190 : memref<128x48xf32, #tpu.memory_space<vmem>>) dst(%dma_wait3A_186 : memref<128x48xf32, #tpu.memory_space<vmem_shared>>)
      tpu.yield
    }) : () -> ()
    %mul3A_15 = arith.constant 640 : i32
    %mul3A_16 = arith.muli %arg1, %mul3A_15 : i32
    %add3A_17 = arith.constant 256 : i32
    %add3A_18 = arith.addi %mul3A_16, %add3A_17 : i32
    %run_scoped3A_19 = arith.constant 0 : i32
    "tpu.region"() ({
      %run_scoped3A_166 = tpu.sem_alloc : memref<!tpu.dma_semaphore, #tpu.memory_space<semaphore_mem>>
      %dma_start3A_167 = arith.constant 0 : i32
      %dma_start3A_168 = arith.constant 0 : i32
      %dma_start3A_169 = tpu.memref_slice %arg8[%run_scoped3A_19, %dma_start3A_167, %dma_start3A_168] : memref<4x128x48xf32, #tpu.memory_space<vmem>> -> memref<1x128x48xf32, #tpu.memory_space<vmem>>
      %dma_start3A_170 = tpu.memref_squeeze %dma_start3A_169 : memref<1x128x48xf32, #tpu.memory_space<vmem>> -> memref<128x48xf32, #tpu.memory_space<vmem>>
      %dma_start3A_171 = arith.constant 0 : i32
      %dma_start3A_172 = tpu.memref_slice %arg9[%add3A_18, %dma_start3A_171] : memref<10240x48xf32, #tpu.memory_space<vmem_shared>> -> memref<128x48xf32, #tpu.memory_space<vmem_shared>>
      %dma_start3A_173 = arith.constant 0 : i32
      %dma_start3A_174 = tpu.memref_slice %arg9[%add3A_18, %dma_start3A_173] : memref<10240x48xf32, #tpu.memory_space<vmem_shared>> -> memref<128x48xf32, #tpu.memory_space<vmem_shared>>
      %dma_start3A_175 = arith.constant 0 : i32
      %dma_start3A_176 = arith.constant 0 : i32
      %dma_start3A_177 = tpu.memref_slice %arg8[%run_scoped3A_19, %dma_start3A_175, %dma_start3A_176] : memref<4x128x48xf32, #tpu.memory_space<vmem>> -> memref<1x128x48xf32, #tpu.memory_space<vmem>>
      %dma_start3A_178 = tpu.memref_squeeze %dma_start3A_177 : memref<1x128x48xf32, #tpu.memory_space<vmem>> -> memref<128x48xf32, #tpu.memory_space<vmem>>
      tpu.enqueue_dma source(%dma_start3A_178 : memref<128x48xf32, #tpu.memory_space<vmem>>) target(%dma_start3A_174 : memref<128x48xf32, #tpu.memory_space<vmem_shared>>) target_semaphore(%run_scoped3A_166 : memref<!tpu.dma_semaphore, #tpu.memory_space<semaphore_mem>>)
      %dma_wait3A_179 = arith.constant 0 : i32
      %dma_wait3A_180 = arith.constant 0 : i32
      %dma_wait3A_181 = tpu.memref_slice %arg8[%run_scoped3A_19, %dma_wait3A_179, %dma_wait3A_180] : memref<4x128x48xf32, #tpu.memory_space<vmem>> -> memref<1x128x48xf32, #tpu.memory_space<vmem>>
      %dma_wait3A_182 = tpu.memref_squeeze %dma_wait3A_181 : memref<1x128x48xf32, #tpu.memory_space<vmem>> -> memref<128x48xf32, #tpu.memory_space<vmem>>
      %dma_wait3A_183 = arith.constant 0 : i32
      %dma_wait3A_184 = tpu.memref_slice %arg9[%add3A_18, %dma_wait3A_183] : memref<10240x48xf32, #tpu.memory_space<vmem_shared>> -> memref<128x48xf32, #tpu.memory_space<vmem_shared>>
      %dma_wait3A_185 = arith.constant 0 : i32
      %dma_wait3A_186 = tpu.memref_slice %arg9[%add3A_18, %dma_wait3A_185] : memref<10240x48xf32, #tpu.memory_space<vmem_shared>> -> memref<128x48xf32, #tpu.memory_space<vmem_shared>>
      %dma_wait3A_187 = arith.constant 0 : i32
      %dma_wait3A_188 = arith.constant 0 : i32
      %dma_wait3A_189 = tpu.memref_slice %arg8[%run_scoped3A_19, %dma_wait3A_187, %dma_wait3A_188] : memref<4x128x48xf32, #tpu.memory_space<vmem>> -> memref<1x128x48xf32, #tpu.memory_space<vmem>>
      %dma_wait3A_190 = tpu.memref_squeeze %dma_wait3A_189 : memref<1x128x48xf32, #tpu.memory_space<vmem>> -> memref<128x48xf32, #tpu.memory_space<vmem>>
      tpu.wait_dma2 semaphore(%run_scoped3A_166 : memref<!tpu.dma_semaphore, #tpu.memory_space<semaphore_mem>>) src(%dma_wait3A_190 : memref<128x48xf32, #tpu.memory_space<vmem>>) dst(%dma_wait3A_186 : memref<128x48xf32, #tpu.memory_space<vmem_shared>>)
      tpu.yield
    }) : () -> ()
    %mul3A_20 = arith.constant 640 : i32
    %mul3A_21 = arith.muli %arg1, %mul3A_20 : i32
    %add3A_22 = arith.constant 384 : i32
    %add3A_23 = arith.addi %mul3A_21, %add3A_22 : i32
    %run_scoped3A_24 = arith.constant 0 : i32
    "tpu.region"() ({
      %run_scoped3A_166 = tpu.sem_alloc : memref<!tpu.dma_semaphore, #tpu.memory_space<semaphore_mem>>
      %dma_start3A_167 = arith.constant 0 : i32
      %dma_start3A_168 = arith.constant 0 : i32
      %dma_start3A_169 = tpu.memref_slice %arg8[%run_scoped3A_24, %dma_start3A_167, %dma_start3A_168] : memref<4x128x48xf32, #tpu.memory_space<vmem>> -> memref<1x128x48xf32, #tpu.memory_space<vmem>>
      %dma_start3A_170 = tpu.memref_squeeze %dma_start3A_169 : memref<1x128x48xf32, #tpu.memory_space<vmem>> -> memref<128x48xf32, #tpu.memory_space<vmem>>
      %dma_start3A_171 = arith.constant 0 : i32
      %dma_start3A_172 = tpu.memref_slice %arg9[%add3A_23, %dma_start3A_171] : memref<10240x48xf32, #tpu.memory_space<vmem_shared>> -> memref<128x48xf32, #tpu.memory_space<vmem_shared>>
      %dma_start3A_173 = arith.constant 0 : i32
      %dma_start3A_174 = tpu.memref_slice %arg9[%add3A_23, %dma_start3A_173] : memref<10240x48xf32, #tpu.memory_space<vmem_shared>> -> memref<128x48xf32, #tpu.memory_space<vmem_shared>>
      %dma_start3A_175 = arith.constant 0 : i32
      %dma_start3A_176 = arith.constant 0 : i32
      %dma_start3A_177 = tpu.memref_slice %arg8[%run_scoped3A_24, %dma_start3A_175, %dma_start3A_176] : memref<4x128x48xf32, #tpu.memory_space<vmem>> -> memref<1x128x48xf32, #tpu.memory_space<vmem>>
      %dma_start3A_178 = tpu.memref_squeeze %dma_start3A_177 : memref<1x128x48xf32, #tpu.memory_space<vmem>> -> memref<128x48xf32, #tpu.memory_space<vmem>>
      tpu.enqueue_dma source(%dma_start3A_178 : memref<128x48xf32, #tpu.memory_space<vmem>>) target(%dma_start3A_174 : memref<128x48xf32, #tpu.memory_space<vmem_shared>>) target_semaphore(%run_scoped3A_166 : memref<!tpu.dma_semaphore, #tpu.memory_space<semaphore_mem>>)
      %dma_wait3A_179 = arith.constant 0 : i32
      %dma_wait3A_180 = arith.constant 0 : i32
      %dma_wait3A_181 = tpu.memref_slice %arg8[%run_scoped3A_24, %dma_wait3A_179, %dma_wait3A_180] : memref<4x128x48xf32, #tpu.memory_space<vmem>> -> memref<1x128x48xf32, #tpu.memory_space<vmem>>
      %dma_wait3A_182 = tpu.memref_squeeze %dma_wait3A_181 : memref<1x128x48xf32, #tpu.memory_space<vmem>> -> memref<128x48xf32, #tpu.memory_space<vmem>>
      %dma_wait3A_183 = arith.constant 0 : i32
      %dma_wait3A_184 = tpu.memref_slice %arg9[%add3A_23, %dma_wait3A_183] : memref<10240x48xf32, #tpu.memory_space<vmem_shared>> -> memref<128x48xf32, #tpu.memory_space<vmem_shared>>
      %dma_wait3A_185 = arith.constant 0 : i32
      %dma_wait3A_186 = tpu.memref_slice %arg9[%add3A_23, %dma_wait3A_185] : memref<10240x48xf32, #tpu.memory_space<vmem_shared>> -> memref<128x48xf32, #tpu.memory_space<vmem_shared>>
      %dma_wait3A_187 = arith.constant 0 : i32
      %dma_wait3A_188 = arith.constant 0 : i32
      %dma_wait3A_189 = tpu.memref_slice %arg8[%run_scoped3A_24, %dma_wait3A_187, %dma_wait3A_188] : memref<4x128x48xf32, #tpu.memory_space<vmem>> -> memref<1x128x48xf32, #tpu.memory_space<vmem>>
      %dma_wait3A_190 = tpu.memref_squeeze %dma_wait3A_189 : memref<1x128x48xf32, #tpu.memory_space<vmem>> -> memref<128x48xf32, #tpu.memory_space<vmem>>
      tpu.wait_dma2 semaphore(%run_scoped3A_166 : memref<!tpu.dma_semaphore, #tpu.memory_space<semaphore_mem>>) src(%dma_wait3A_190 : memref<128x48xf32, #tpu.memory_space<vmem>>) dst(%dma_wait3A_186 : memref<128x48xf32, #tpu.memory_space<vmem_shared>>)
      tpu.yield
    }) : () -> ()
    %mul3A_25 = arith.constant 640 : i32
    %mul3A_26 = arith.muli %arg1, %mul3A_25 : i32
    %add3A_27 = arith.constant 512 : i32
    %add3A_28 = arith.addi %mul3A_26, %add3A_27 : i32
    %run_scoped3A_29 = arith.constant 0 : i32
    "tpu.region"() ({
      %run_scoped3A_166 = tpu.sem_alloc : memref<!tpu.dma_semaphore, #tpu.memory_space<semaphore_mem>>
      %dma_start3A_167 = arith.constant 0 : i32
      %dma_start3A_168 = arith.constant 0 : i32
      %dma_start3A_169 = tpu.memref_slice %arg8[%run_scoped3A_29, %dma_start3A_167, %dma_start3A_168] : memref<4x128x48xf32, #tpu.memory_space<vmem>> -> memref<1x128x48xf32, #tpu.memory_space<vmem>>
      %dma_start3A_170 = tpu.memref_squeeze %dma_start3A_169 : memref<1x128x48xf32, #tpu.memory_space<vmem>> -> memref<128x48xf32, #tpu.memory_space<vmem>>
      %dma_start3A_171 = arith.constant 0 : i32
      %dma_start3A_172 = tpu.memref_slice %arg9[%add3A_28, %dma_start3A_171] : memref<10240x48xf32, #tpu.memory_space<vmem_shared>> -> memref<128x48xf32, #tpu.memory_space<vmem_shared>>
      %dma_start3A_173 = arith.constant 0 : i32
      %dma_start3A_174 = tpu.memref_slice %arg9[%add3A_28, %dma_start3A_173] : memref<10240x48xf32, #tpu.memory_space<vmem_shared>> -> memref<128x48xf32, #tpu.memory_space<vmem_shared>>
      %dma_start3A_175 = arith.constant 0 : i32
      %dma_start3A_176 = arith.constant 0 : i32
      %dma_start3A_177 = tpu.memref_slice %arg8[%run_scoped3A_29, %dma_start3A_175, %dma_start3A_176] : memref<4x128x48xf32, #tpu.memory_space<vmem>> -> memref<1x128x48xf32, #tpu.memory_space<vmem>>
      %dma_start3A_178 = tpu.memref_squeeze %dma_start3A_177 : memref<1x128x48xf32, #tpu.memory_space<vmem>> -> memref<128x48xf32, #tpu.memory_space<vmem>>
      tpu.enqueue_dma source(%dma_start3A_178 : memref<128x48xf32, #tpu.memory_space<vmem>>) target(%dma_start3A_174 : memref<128x48xf32, #tpu.memory_space<vmem_shared>>) target_semaphore(%run_scoped3A_166 : memref<!tpu.dma_semaphore, #tpu.memory_space<semaphore_mem>>)
      %dma_wait3A_179 = arith.constant 0 : i32
      %dma_wait3A_180 = arith.constant 0 : i32
      %dma_wait3A_181 = tpu.memref_slice %arg8[%run_scoped3A_29, %dma_wait3A_179, %dma_wait3A_180] : memref<4x128x48xf32, #tpu.memory_space<vmem>> -> memref<1x128x48xf32, #tpu.memory_space<vmem>>
      %dma_wait3A_182 = tpu.memref_squeeze %dma_wait3A_181 : memref<1x128x48xf32, #tpu.memory_space<vmem>> -> memref<128x48xf32, #tpu.memory_space<vmem>>
      %dma_wait3A_183 = arith.constant 0 : i32
      %dma_wait3A_184 = tpu.memref_slice %arg9[%add3A_28, %dma_wait3A_183] : memref<10240x48xf32, #tpu.memory_space<vmem_shared>> -> memref<128x48xf32, #tpu.memory_space<vmem_shared>>
      %dma_wait3A_185 = arith.constant 0 : i32
      %dma_wait3A_186 = tpu.memref_slice %arg9[%add3A_28, %dma_wait3A_185] : memref<10240x48xf32, #tpu.memory_space<vmem_shared>> -> memref<128x48xf32, #tpu.memory_space<vmem_shared>>
      %dma_wait3A_187 = arith.constant 0 : i32
      %dma_wait3A_188 = arith.constant 0 : i32
      %dma_wait3A_189 = tpu.memref_slice %arg8[%run_scoped3A_29, %dma_wait3A_187, %dma_wait3A_188] : memref<4x128x48xf32, #tpu.memory_space<vmem>> -> memref<1x128x48xf32, #tpu.memory_space<vmem>>
      %dma_wait3A_190 = tpu.memref_squeeze %dma_wait3A_189 : memref<1x128x48xf32, #tpu.memory_space<vmem>> -> memref<128x48xf32, #tpu.memory_space<vmem>>
      tpu.wait_dma2 semaphore(%run_scoped3A_166 : memref<!tpu.dma_semaphore, #tpu.memory_space<semaphore_mem>>) src(%dma_wait3A_190 : memref<128x48xf32, #tpu.memory_space<vmem>>) dst(%dma_wait3A_186 : memref<128x48xf32, #tpu.memory_space<vmem_shared>>)
      tpu.yield
    }) : () -> ()
    "tpu.region"() ({
      %run_scoped3A_166 = tpu.sem_alloc : memref<!tpu.dma_semaphore, #tpu.memory_space<semaphore_mem>>
      %dma_start3A_167 = arith.constant 0 : i32
      %dma_start3A_168 = arith.constant 0 : i32
      %dma_start3A_169 = tpu.memref_slice %arg3[%add3A, %dma_start3A_167, %dma_start3A_168] : memref<32x80x128xi32, #tpu.memory_space<hbm>> -> memref<1x80x128xi32, #tpu.memory_space<hbm>>
      %dma_start3A_170 = tpu.memref_squeeze %dma_start3A_169 : memref<1x80x128xi32, #tpu.memory_space<hbm>> -> memref<80x128xi32, #tpu.memory_space<hbm>>
      %dma_start3A_171 = arith.constant 0 : i32
      %dma_start3A_172 = arith.constant 0 : i32
      %dma_start3A_173 = tpu.memref_slice %arg3[%add3A, %dma_start3A_171, %dma_start3A_172] : memref<32x80x128xi32, #tpu.memory_space<hbm>> -> memref<1x80x128xi32, #tpu.memory_space<hbm>>
      %dma_start3A_174 = tpu.memref_squeeze %dma_start3A_173 : memref<1x80x128xi32, #tpu.memory_space<hbm>> -> memref<80x128xi32, #tpu.memory_space<hbm>>
      tpu.enqueue_dma source(%dma_start3A_174 : memref<80x128xi32, #tpu.memory_space<hbm>>) target(%arg6 : memref<80x128xi32, #tpu.memory_space<vmem>>) target_semaphore(%run_scoped3A_166 : memref<!tpu.dma_semaphore, #tpu.memory_space<semaphore_mem>>)
      %dma_wait3A_175 = arith.constant 0 : i32
      %dma_wait3A_176 = arith.constant 0 : i32
      %dma_wait3A_177 = tpu.memref_slice %arg3[%add3A, %dma_wait3A_175, %dma_wait3A_176] : memref<32x80x128xi32, #tpu.memory_space<hbm>> -> memref<1x80x128xi32, #tpu.memory_space<hbm>>
      %dma_wait3A_178 = tpu.memref_squeeze %dma_wait3A_177 : memref<1x80x128xi32, #tpu.memory_space<hbm>> -> memref<80x128xi32, #tpu.memory_space<hbm>>
      %dma_wait3A_179 = arith.constant 0 : i32
      %dma_wait3A_180 = arith.constant 0 : i32
      %dma_wait3A_181 = tpu.memref_slice %arg3[%add3A, %dma_wait3A_179, %dma_wait3A_180] : memref<32x80x128xi32, #tpu.memory_space<hbm>> -> memref<1x80x128xi32, #tpu.memory_space<hbm>>
      %dma_wait3A_182 = tpu.memref_squeeze %dma_wait3A_181 : memref<1x80x128xi32, #tpu.memory_space<hbm>> -> memref<80x128xi32, #tpu.memory_space<hbm>>
      tpu.wait_dma2 semaphore(%run_scoped3A_166 : memref<!tpu.dma_semaphore, #tpu.memory_space<semaphore_mem>>) src(%dma_wait3A_182 : memref<80x128xi32, #tpu.memory_space<hbm>>) dst(%arg6 : memref<80x128xi32, #tpu.memory_space<vmem>>)
      tpu.yield
    }) : () -> ()
    "tpu.region"() ({
      %run_scoped3A_166 = tpu.sem_alloc : memref<!tpu.dma_semaphore, #tpu.memory_space<semaphore_mem>>
      %dma_start3A_167 = arith.constant 0 : i32
      %dma_start3A_168 = arith.constant 0 : i32
      %dma_start3A_169 = tpu.memref_slice %arg4[%add3A, %dma_start3A_167, %dma_start3A_168] : memref<32x80x128xi32, #tpu.memory_space<hbm>> -> memref<1x80x128xi32, #tpu.memory_space<hbm>>
      %dma_start3A_170 = tpu.memref_squeeze %dma_start3A_169 : memref<1x80x128xi32, #tpu.memory_space<hbm>> -> memref<80x128xi32, #tpu.memory_space<hbm>>
      %dma_start3A_171 = arith.constant 0 : i32
      %dma_start3A_172 = arith.constant 0 : i32
      %dma_start3A_173 = tpu.memref_slice %arg4[%add3A, %dma_start3A_171, %dma_start3A_172] : memref<32x80x128xi32, #tpu.memory_space<hbm>> -> memref<1x80x128xi32, #tpu.memory_space<hbm>>
      %dma_start3A_174 = tpu.memref_squeeze %dma_start3A_173 : memref<1x80x128xi32, #tpu.memory_space<hbm>> -> memref<80x128xi32, #tpu.memory_space<hbm>>
      tpu.enqueue_dma source(%dma_start3A_174 : memref<80x128xi32, #tpu.memory_space<hbm>>) target(%arg7 : memref<80x128xi32, #tpu.memory_space<vmem>>) target_semaphore(%run_scoped3A_166 : memref<!tpu.dma_semaphore, #tpu.memory_space<semaphore_mem>>)
      %dma_wait3A_175 = arith.constant 0 : i32
      %dma_wait3A_176 = arith.constant 0 : i32
      %dma_wait3A_177 = tpu.memref_slice %arg4[%add3A, %dma_wait3A_175, %dma_wait3A_176] : memref<32x80x128xi32, #tpu.memory_space<hbm>> -> memref<1x80x128xi32, #tpu.memory_space<hbm>>
      %dma_wait3A_178 = tpu.memref_squeeze %dma_wait3A_177 : memref<1x80x128xi32, #tpu.memory_space<hbm>> -> memref<80x128xi32, #tpu.memory_space<hbm>>
      %dma_wait3A_179 = arith.constant 0 : i32
      %dma_wait3A_180 = arith.constant 0 : i32
      %dma_wait3A_181 = tpu.memref_slice %arg4[%add3A, %dma_wait3A_179, %dma_wait3A_180] : memref<32x80x128xi32, #tpu.memory_space<hbm>> -> memref<1x80x128xi32, #tpu.memory_space<hbm>>
      %dma_wait3A_182 = tpu.memref_squeeze %dma_wait3A_181 : memref<1x80x128xi32, #tpu.memory_space<hbm>> -> memref<80x128xi32, #tpu.memory_space<hbm>>
      tpu.wait_dma2 semaphore(%run_scoped3A_166 : memref<!tpu.dma_semaphore, #tpu.memory_space<semaphore_mem>>) src(%dma_wait3A_182 : memref<80x128xi32, #tpu.memory_space<hbm>>) dst(%arg7 : memref<80x128xi32, #tpu.memory_space<vmem>>)
      tpu.yield
    }) : () -> ()
    %barrier3A = arith.constant 0 : index
    tpu.barrier barrier_id(%barrier3A)
    %dma_start3A = arith.constant 0 : i32
    %dma_start3A_30 = arith.constant 0 : i32
    %dma_start3A_31 = arith.constant 0 : i32
    %dma_start3A_32 = arith.constant 0 : i32
    %dma_start3A_33 = arith.constant 0 : i32
    %dma_start3A_34 = tpu.memref_slice %arg8[%dma_start3A_30, %dma_start3A_32, %dma_start3A_33] : memref<4x128x48xf32, #tpu.memory_space<vmem>> -> memref<1x128x48xf32, #tpu.memory_space<vmem>>
    %dma_start3A_35 = tpu.memref_squeeze %dma_start3A_34 : memref<1x128x48xf32, #tpu.memory_space<vmem>> -> memref<128x48xf32, #tpu.memory_space<vmem>>
    %dma_start3A_36 = arith.constant 0 : i32
    %dma_start3A_37 = tpu.memref_slice %arg6[%dma_start3A, %dma_start3A_36] : memref<80x128xi32, #tpu.memory_space<vmem>> -> memref<1x128xi32, #tpu.memory_space<vmem>>
    %dma_start3A_38 = tpu.memref_squeeze %dma_start3A_37 : memref<1x128xi32, #tpu.memory_space<vmem>> -> memref<128xi32, #tpu.memory_space<vmem>>
    %dma_start3A_39 = arith.constant 0 : i32
    %dma_start3A_40 = arith.constant 0 : i32
    %dma_start3A_41 = tpu.memref_slice %arg2[%dma_start3A_39, %dma_start3A_40] : memref<10000x48xf32, #tpu.memory_space<hbm>> -> memref<10000x48xf32, #tpu.memory_space<hbm>>
    %dma_start3A_42 = tpu.memref_slice %arg10[%dma_start3A_31] : memref<4x!tpu.dma_semaphore, #tpu.memory_space<semaphore_mem>> -> memref<1x!tpu.dma_semaphore, #tpu.memory_space<semaphore_mem>>
    %dma_start3A_43 = tpu.memref_squeeze %dma_start3A_42 : memref<1x!tpu.dma_semaphore, #tpu.memory_space<semaphore_mem>> -> memref<!tpu.dma_semaphore, #tpu.memory_space<semaphore_mem>>
    tpu.enqueue_indirect_dma source(%dma_start3A_41 : memref<10000x48xf32, #tpu.memory_space<hbm>>) target(%dma_start3A_35 : memref<128x48xf32, #tpu.memory_space<vmem>>) offsets(%dma_start3A_38 : memref<128xi32, #tpu.memory_space<vmem>>) semaphore(%dma_start3A_43 : memref<!tpu.dma_semaphore, #tpu.memory_space<semaphore_mem>>)
    %dma_start3A_44 = arith.constant 1 : i32
    %dma_start3A_45 = arith.constant 1 : i32
    %dma_start3A_46 = arith.constant 1 : i32
    %dma_start3A_47 = arith.constant 0 : i32
    %dma_start3A_48 = arith.constant 0 : i32
    %dma_start3A_49 = tpu.memref_slice %arg8[%dma_start3A_45, %dma_start3A_47, %dma_start3A_48] : memref<4x128x48xf32, #tpu.memory_space<vmem>> -> memref<1x128x48xf32, #tpu.memory_space<vmem>>
    %dma_start3A_50 = tpu.memref_squeeze %dma_start3A_49 : memref<1x128x48xf32, #tpu.memory_space<vmem>> -> memref<128x48xf32, #tpu.memory_space<vmem>>
    %dma_start3A_51 = arith.constant 0 : i32
    %dma_start3A_52 = tpu.memref_slice %arg6[%dma_start3A_44, %dma_start3A_51] : memref<80x128xi32, #tpu.memory_space<vmem>> -> memref<1x128xi32, #tpu.memory_space<vmem>>
    %dma_start3A_53 = tpu.memref_squeeze %dma_start3A_52 : memref<1x128xi32, #tpu.memory_space<vmem>> -> memref<128xi32, #tpu.memory_space<vmem>>
    %dma_start3A_54 = arith.constant 0 : i32
    %dma_start3A_55 = arith.constant 0 : i32
    %dma_start3A_56 = tpu.memref_slice %arg2[%dma_start3A_54, %dma_start3A_55] : memref<10000x48xf32, #tpu.memory_space<hbm>> -> memref<10000x48xf32, #tpu.memory_space<hbm>>
    %dma_start3A_57 = tpu.memref_slice %arg10[%dma_start3A_46] : memref<4x!tpu.dma_semaphore, #tpu.memory_space<semaphore_mem>> -> memref<1x!tpu.dma_semaphore, #tpu.memory_space<semaphore_mem>>
    %dma_start3A_58 = tpu.memref_squeeze %dma_start3A_57 : memref<1x!tpu.dma_semaphore, #tpu.memory_space<semaphore_mem>> -> memref<!tpu.dma_semaphore, #tpu.memory_space<semaphore_mem>>
    tpu.enqueue_indirect_dma source(%dma_start3A_56 : memref<10000x48xf32, #tpu.memory_space<hbm>>) target(%dma_start3A_50 : memref<128x48xf32, #tpu.memory_space<vmem>>) offsets(%dma_start3A_53 : memref<128xi32, #tpu.memory_space<vmem>>) semaphore(%dma_start3A_58 : memref<!tpu.dma_semaphore, #tpu.memory_space<semaphore_mem>>)
    %dma_start3A_59 = arith.constant 2 : i32
    %dma_start3A_60 = arith.constant 2 : i32
    %dma_start3A_61 = arith.constant 2 : i32
    %dma_start3A_62 = arith.constant 0 : i32
    %dma_start3A_63 = arith.constant 0 : i32
    %dma_start3A_64 = tpu.memref_slice %arg8[%dma_start3A_60, %dma_start3A_62, %dma_start3A_63] : memref<4x128x48xf32, #tpu.memory_space<vmem>> -> memref<1x128x48xf32, #tpu.memory_space<vmem>>
    %dma_start3A_65 = tpu.memref_squeeze %dma_start3A_64 : memref<1x128x48xf32, #tpu.memory_space<vmem>> -> memref<128x48xf32, #tpu.memory_space<vmem>>
    %dma_start3A_66 = arith.constant 0 : i32
    %dma_start3A_67 = tpu.memref_slice %arg6[%dma_start3A_59, %dma_start3A_66] : memref<80x128xi32, #tpu.memory_space<vmem>> -> memref<1x128xi32, #tpu.memory_space<vmem>>
    %dma_start3A_68 = tpu.memref_squeeze %dma_start3A_67 : memref<1x128xi32, #tpu.memory_space<vmem>> -> memref<128xi32, #tpu.memory_space<vmem>>
    %dma_start3A_69 = arith.constant 0 : i32
    %dma_start3A_70 = arith.constant 0 : i32
    %dma_start3A_71 = tpu.memref_slice %arg2[%dma_start3A_69, %dma_start3A_70] : memref<10000x48xf32, #tpu.memory_space<hbm>> -> memref<10000x48xf32, #tpu.memory_space<hbm>>
    %dma_start3A_72 = tpu.memref_slice %arg10[%dma_start3A_61] : memref<4x!tpu.dma_semaphore, #tpu.memory_space<semaphore_mem>> -> memref<1x!tpu.dma_semaphore, #tpu.memory_space<semaphore_mem>>
    %dma_start3A_73 = tpu.memref_squeeze %dma_start3A_72 : memref<1x!tpu.dma_semaphore, #tpu.memory_space<semaphore_mem>> -> memref<!tpu.dma_semaphore, #tpu.memory_space<semaphore_mem>>
    tpu.enqueue_indirect_dma source(%dma_start3A_71 : memref<10000x48xf32, #tpu.memory_space<hbm>>) target(%dma_start3A_65 : memref<128x48xf32, #tpu.memory_space<vmem>>) offsets(%dma_start3A_68 : memref<128xi32, #tpu.memory_space<vmem>>) semaphore(%dma_start3A_73 : memref<!tpu.dma_semaphore, #tpu.memory_space<semaphore_mem>>)
    %dma_start3A_74 = arith.constant 3 : i32
    %dma_start3A_75 = arith.constant 3 : i32
    %dma_start3A_76 = arith.constant 3 : i32
    %dma_start3A_77 = arith.constant 0 : i32
    %dma_start3A_78 = arith.constant 0 : i32
    %dma_start3A_79 = tpu.memref_slice %arg8[%dma_start3A_75, %dma_start3A_77, %dma_start3A_78] : memref<4x128x48xf32, #tpu.memory_space<vmem>> -> memref<1x128x48xf32, #tpu.memory_space<vmem>>
    %dma_start3A_80 = tpu.memref_squeeze %dma_start3A_79 : memref<1x128x48xf32, #tpu.memory_space<vmem>> -> memref<128x48xf32, #tpu.memory_space<vmem>>
    %dma_start3A_81 = arith.constant 0 : i32
    %dma_start3A_82 = tpu.memref_slice %arg6[%dma_start3A_74, %dma_start3A_81] : memref<80x128xi32, #tpu.memory_space<vmem>> -> memref<1x128xi32, #tpu.memory_space<vmem>>
    %dma_start3A_83 = tpu.memref_squeeze %dma_start3A_82 : memref<1x128xi32, #tpu.memory_space<vmem>> -> memref<128xi32, #tpu.memory_space<vmem>>
    %dma_start3A_84 = arith.constant 0 : i32
    %dma_start3A_85 = arith.constant 0 : i32
    %dma_start3A_86 = tpu.memref_slice %arg2[%dma_start3A_84, %dma_start3A_85] : memref<10000x48xf32, #tpu.memory_space<hbm>> -> memref<10000x48xf32, #tpu.memory_space<hbm>>
    %dma_start3A_87 = tpu.memref_slice %arg10[%dma_start3A_76] : memref<4x!tpu.dma_semaphore, #tpu.memory_space<semaphore_mem>> -> memref<1x!tpu.dma_semaphore, #tpu.memory_space<semaphore_mem>>
    %dma_start3A_88 = tpu.memref_squeeze %dma_start3A_87 : memref<1x!tpu.dma_semaphore, #tpu.memory_space<semaphore_mem>> -> memref<!tpu.dma_semaphore, #tpu.memory_space<semaphore_mem>>
    tpu.enqueue_indirect_dma source(%dma_start3A_86 : memref<10000x48xf32, #tpu.memory_space<hbm>>) target(%dma_start3A_80 : memref<128x48xf32, #tpu.memory_space<vmem>>) offsets(%dma_start3A_83 : memref<128xi32, #tpu.memory_space<vmem>>) semaphore(%dma_start3A_88 : memref<!tpu.dma_semaphore, #tpu.memory_space<semaphore_mem>>)
    %scan3A_89 = arith.constant 0 : i32
    %scan3A_90 = arith.constant 19 : i32
    %scan3A_91 = arith.addi %scan3A_89, %scan3A_90 : i32
    %scan3A_92 = arith.constant 1 : i32
    scf.for %scan3A_166 = %scan3A_89 to %scan3A_91 step %scan3A_92  : i32 {
      %mul3A_167 = arith.constant 1 : i32
      %mul3A_168 = arith.muli %scan3A_166, %mul3A_167 : i32
      %add3A_169 = arith.constant 0 : i32
      %add3A_170 = arith.addi %add3A_169, %mul3A_168 : i32
      %mul3A_171 = arith.constant 4 : i32
      %mul3A_172 = arith.muli %add3A_170, %mul3A_171 : i32
      %add3A_173 = arith.constant 0 : i32
      %add3A_174 = arith.addi %mul3A_172, %add3A_173 : i32
      %dma_wait3A_175 = arith.constant 0 : i32
      %dma_wait3A_176 = arith.constant 0 : i32
      %dma_wait3A_177 = arith.constant 0 : i32
      %dma_wait3A_178 = arith.constant 0 : i32
      %dma_wait3A_179 = tpu.memref_slice %arg8[%dma_wait3A_175, %dma_wait3A_177, %dma_wait3A_178] : memref<4x128x48xf32, #tpu.memory_space<vmem>> -> memref<1x128x48xf32, #tpu.memory_space<vmem>>
      %dma_wait3A_180 = tpu.memref_squeeze %dma_wait3A_179 : memref<1x128x48xf32, #tpu.memory_space<vmem>> -> memref<128x48xf32, #tpu.memory_space<vmem>>
      %dma_wait3A_181 = arith.constant 0 : i32
      %dma_wait3A_182 = tpu.memref_slice %arg6[%add3A_174, %dma_wait3A_181] : memref<80x128xi32, #tpu.memory_space<vmem>> -> memref<1x128xi32, #tpu.memory_space<vmem>>
      %dma_wait3A_183 = tpu.memref_squeeze %dma_wait3A_182 : memref<1x128xi32, #tpu.memory_space<vmem>> -> memref<128xi32, #tpu.memory_space<vmem>>
      %dma_wait3A_184 = arith.constant 0 : i32
      %dma_wait3A_185 = arith.constant 0 : i32
      %dma_wait3A_186 = tpu.memref_slice %arg2[%dma_wait3A_184, %dma_wait3A_185] : memref<10000x48xf32, #tpu.memory_space<hbm>> -> memref<10000x48xf32, #tpu.memory_space<hbm>>
      %dma_wait3A_187 = tpu.memref_slice %arg10[%dma_wait3A_176] : memref<4x!tpu.dma_semaphore, #tpu.memory_space<semaphore_mem>> -> memref<1x!tpu.dma_semaphore, #tpu.memory_space<semaphore_mem>>
      %dma_wait3A_188 = tpu.memref_squeeze %dma_wait3A_187 : memref<1x!tpu.dma_semaphore, #tpu.memory_space<semaphore_mem>> -> memref<!tpu.dma_semaphore, #tpu.memory_space<semaphore_mem>>
      tpu.wait_indirect_dma semaphore(%dma_wait3A_188 : memref<!tpu.dma_semaphore, #tpu.memory_space<semaphore_mem>>) src(%dma_wait3A_186 : memref<10000x48xf32, #tpu.memory_space<hbm>>) dst(%dma_wait3A_180 : memref<128x48xf32, #tpu.memory_space<vmem>>)
      %run_scoped3A_189 = arith.constant 0 : i32
      "tpu.region"() ({
        %run_scoped3A_305 = tpu.sem_alloc : memref<!tpu.dma_semaphore, #tpu.memory_space<semaphore_mem>>
        %dma_start3A_306 = arith.constant 0 : i32
        %dma_start3A_307 = arith.constant 0 : i32
        %dma_start3A_308 = tpu.memref_slice %arg8[%run_scoped3A_189, %dma_start3A_306, %dma_start3A_307] : memref<4x128x48xf32, #tpu.memory_space<vmem>> -> memref<1x128x48xf32, #tpu.memory_space<vmem>>
        %dma_start3A_309 = tpu.memref_squeeze %dma_start3A_308 : memref<1x128x48xf32, #tpu.memory_space<vmem>> -> memref<128x48xf32, #tpu.memory_space<vmem>>
        %dma_start3A_310 = arith.constant 0 : i32
        %dma_start3A_311 = tpu.memref_slice %arg7[%add3A_174, %dma_start3A_310] : memref<80x128xi32, #tpu.memory_space<vmem>> -> memref<1x128xi32, #tpu.memory_space<vmem>>
        %dma_start3A_312 = tpu.memref_squeeze %dma_start3A_311 : memref<1x128xi32, #tpu.memory_space<vmem>> -> memref<128xi32, #tpu.memory_space<vmem>>
        %dma_start3A_313 = arith.constant 0 : i32
        %dma_start3A_314 = arith.constant 0 : i32
        %dma_start3A_315 = tpu.memref_slice %arg9[%dma_start3A_313, %dma_start3A_314] : memref<10240x48xf32, #tpu.memory_space<vmem_shared>> -> memref<10240x48xf32, #tpu.memory_space<vmem_shared>>
        tpu.enqueue_indirect_dma source(%dma_start3A_309 : memref<128x48xf32, #tpu.memory_space<vmem>>) target(%dma_start3A_315 : memref<10240x48xf32, #tpu.memory_space<vmem_shared>>) offsets(%dma_start3A_312 : memref<128xi32, #tpu.memory_space<vmem>>) semaphore(%run_scoped3A_305 : memref<!tpu.dma_semaphore, #tpu.memory_space<semaphore_mem>>) {add = true}
        %dma_wait3A_316 = arith.constant 0 : i32
        %dma_wait3A_317 = arith.constant 0 : i32
        %dma_wait3A_318 = tpu.memref_slice %arg8[%run_scoped3A_189, %dma_wait3A_316, %dma_wait3A_317] : memref<4x128x48xf32, #tpu.memory_space<vmem>> -> memref<1x128x48xf32, #tpu.memory_space<vmem>>
        %dma_wait3A_319 = tpu.memref_squeeze %dma_wait3A_318 : memref<1x128x48xf32, #tpu.memory_space<vmem>> -> memref<128x48xf32, #tpu.memory_space<vmem>>
        %dma_wait3A_320 = arith.constant 0 : i32
        %dma_wait3A_321 = tpu.memref_slice %arg7[%add3A_174, %dma_wait3A_320] : memref<80x128xi32, #tpu.memory_space<vmem>> -> memref<1x128xi32, #tpu.memory_space<vmem>>
        %dma_wait3A_322 = tpu.memref_squeeze %dma_wait3A_321 : memref<1x128xi32, #tpu.memory_space<vmem>> -> memref<128xi32, #tpu.memory_space<vmem>>
        %dma_wait3A_323 = arith.constant 0 : i32
        %dma_wait3A_324 = arith.constant 0 : i32
        %dma_wait3A_325 = tpu.memref_slice %arg9[%dma_wait3A_323, %dma_wait3A_324] : memref<10240x48xf32, #tpu.memory_space<vmem_shared>> -> memref<10240x48xf32, #tpu.memory_space<vmem_shared>>
        tpu.wait_indirect_dma semaphore(%run_scoped3A_305 : memref<!tpu.dma_semaphore, #tpu.memory_space<semaphore_mem>>) src(%dma_wait3A_319 : memref<128x48xf32, #tpu.memory_space<vmem>>) dst(%dma_wait3A_325 : memref<10240x48xf32, #tpu.memory_space<vmem_shared>>)
        tpu.yield
      }) : () -> ()
      %add3A_190 = arith.constant 4 : i32
      %add3A_191 = arith.addi %add3A_174, %add3A_190 : i32
      %dma_start3A_192 = arith.constant 0 : i32
      %dma_start3A_193 = arith.constant 0 : i32
      %dma_start3A_194 = arith.constant 0 : i32
      %dma_start3A_195 = arith.constant 0 : i32
      %dma_start3A_196 = tpu.memref_slice %arg8[%dma_start3A_192, %dma_start3A_194, %dma_start3A_195] : memref<4x128x48xf32, #tpu.memory_space<vmem>> -> memref<1x128x48xf32, #tpu.memory_space<vmem>>
      %dma_start3A_197 = tpu.memref_squeeze %dma_start3A_196 : memref<1x128x48xf32, #tpu.memory_space<vmem>> -> memref<128x48xf32, #tpu.memory_space<vmem>>
      %dma_start3A_198 = arith.constant 0 : i32
      %dma_start3A_199 = tpu.memref_slice %arg6[%add3A_191, %dma_start3A_198] : memref<80x128xi32, #tpu.memory_space<vmem>> -> memref<1x128xi32, #tpu.memory_space<vmem>>
      %dma_start3A_200 = tpu.memref_squeeze %dma_start3A_199 : memref<1x128xi32, #tpu.memory_space<vmem>> -> memref<128xi32, #tpu.memory_space<vmem>>
      %dma_start3A_201 = arith.constant 0 : i32
      %dma_start3A_202 = arith.constant 0 : i32
      %dma_start3A_203 = tpu.memref_slice %arg2[%dma_start3A_201, %dma_start3A_202] : memref<10000x48xf32, #tpu.memory_space<hbm>> -> memref<10000x48xf32, #tpu.memory_space<hbm>>
      %dma_start3A_204 = tpu.memref_slice %arg10[%dma_start3A_193] : memref<4x!tpu.dma_semaphore, #tpu.memory_space<semaphore_mem>> -> memref<1x!tpu.dma_semaphore, #tpu.memory_space<semaphore_mem>>
      %dma_start3A_205 = tpu.memref_squeeze %dma_start3A_204 : memref<1x!tpu.dma_semaphore, #tpu.memory_space<semaphore_mem>> -> memref<!tpu.dma_semaphore, #tpu.memory_space<semaphore_mem>>
      tpu.enqueue_indirect_dma source(%dma_start3A_203 : memref<10000x48xf32, #tpu.memory_space<hbm>>) target(%dma_start3A_197 : memref<128x48xf32, #tpu.memory_space<vmem>>) offsets(%dma_start3A_200 : memref<128xi32, #tpu.memory_space<vmem>>) semaphore(%dma_start3A_205 : memref<!tpu.dma_semaphore, #tpu.memory_space<semaphore_mem>>)
      %add3A_206 = arith.constant 1 : i32
      %add3A_207 = arith.addi %mul3A_172, %add3A_206 : i32
      %dma_wait3A_208 = arith.constant 1 : i32
      %dma_wait3A_209 = arith.constant 1 : i32
      %dma_wait3A_210 = arith.constant 0 : i32
      %dma_wait3A_211 = arith.constant 0 : i32
      %dma_wait3A_212 = tpu.memref_slice %arg8[%dma_wait3A_208, %dma_wait3A_210, %dma_wait3A_211] : memref<4x128x48xf32, #tpu.memory_space<vmem>> -> memref<1x128x48xf32, #tpu.memory_space<vmem>>
      %dma_wait3A_213 = tpu.memref_squeeze %dma_wait3A_212 : memref<1x128x48xf32, #tpu.memory_space<vmem>> -> memref<128x48xf32, #tpu.memory_space<vmem>>
      %dma_wait3A_214 = arith.constant 0 : i32
      %dma_wait3A_215 = tpu.memref_slice %arg6[%add3A_207, %dma_wait3A_214] : memref<80x128xi32, #tpu.memory_space<vmem>> -> memref<1x128xi32, #tpu.memory_space<vmem>>
      %dma_wait3A_216 = tpu.memref_squeeze %dma_wait3A_215 : memref<1x128xi32, #tpu.memory_space<vmem>> -> memref<128xi32, #tpu.memory_space<vmem>>
      %dma_wait3A_217 = arith.constant 0 : i32
      %dma_wait3A_218 = arith.constant 0 : i32
      %dma_wait3A_219 = tpu.memref_slice %arg2[%dma_wait3A_217, %dma_wait3A_218] : memref<10000x48xf32, #tpu.memory_space<hbm>> -> memref<10000x48xf32, #tpu.memory_space<hbm>>
      %dma_wait3A_220 = tpu.memref_slice %arg10[%dma_wait3A_209] : memref<4x!tpu.dma_semaphore, #tpu.memory_space<semaphore_mem>> -> memref<1x!tpu.dma_semaphore, #tpu.memory_space<semaphore_mem>>
      %dma_wait3A_221 = tpu.memref_squeeze %dma_wait3A_220 : memref<1x!tpu.dma_semaphore, #tpu.memory_space<semaphore_mem>> -> memref<!tpu.dma_semaphore, #tpu.memory_space<semaphore_mem>>
      tpu.wait_indirect_dma semaphore(%dma_wait3A_221 : memref<!tpu.dma_semaphore, #tpu.memory_space<semaphore_mem>>) src(%dma_wait3A_219 : memref<10000x48xf32, #tpu.memory_space<hbm>>) dst(%dma_wait3A_213 : memref<128x48xf32, #tpu.memory_space<vmem>>)
      %run_scoped3A_222 = arith.constant 1 : i32
      "tpu.region"() ({
        %run_scoped3A_305 = tpu.sem_alloc : memref<!tpu.dma_semaphore, #tpu.memory_space<semaphore_mem>>
        %dma_start3A_306 = arith.constant 0 : i32
        %dma_start3A_307 = arith.constant 0 : i32
        %dma_start3A_308 = tpu.memref_slice %arg8[%run_scoped3A_222, %dma_start3A_306, %dma_start3A_307] : memref<4x128x48xf32, #tpu.memory_space<vmem>> -> memref<1x128x48xf32, #tpu.memory_space<vmem>>
        %dma_start3A_309 = tpu.memref_squeeze %dma_start3A_308 : memref<1x128x48xf32, #tpu.memory_space<vmem>> -> memref<128x48xf32, #tpu.memory_space<vmem>>
        %dma_start3A_310 = arith.constant 0 : i32
        %dma_start3A_311 = tpu.memref_slice %arg7[%add3A_207, %dma_start3A_310] : memref<80x128xi32, #tpu.memory_space<vmem>> -> memref<1x128xi32, #tpu.memory_space<vmem>>
        %dma_start3A_312 = tpu.memref_squeeze %dma_start3A_311 : memref<1x128xi32, #tpu.memory_space<vmem>> -> memref<128xi32, #tpu.memory_space<vmem>>
        %dma_start3A_313 = arith.constant 0 : i32
        %dma_start3A_314 = arith.constant 0 : i32
        %dma_start3A_315 = tpu.memref_slice %arg9[%dma_start3A_313, %dma_start3A_314] : memref<10240x48xf32, #tpu.memory_space<vmem_shared>> -> memref<10240x48xf32, #tpu.memory_space<vmem_shared>>
        tpu.enqueue_indirect_dma source(%dma_start3A_309 : memref<128x48xf32, #tpu.memory_space<vmem>>) target(%dma_start3A_315 : memref<10240x48xf32, #tpu.memory_space<vmem_shared>>) offsets(%dma_start3A_312 : memref<128xi32, #tpu.memory_space<vmem>>) semaphore(%run_scoped3A_305 : memref<!tpu.dma_semaphore, #tpu.memory_space<semaphore_mem>>) {add = true}
        %dma_wait3A_316 = arith.constant 0 : i32
        %dma_wait3A_317 = arith.constant 0 : i32
        %dma_wait3A_318 = tpu.memref_slice %arg8[%run_scoped3A_222, %dma_wait3A_316, %dma_wait3A_317] : memref<4x128x48xf32, #tpu.memory_space<vmem>> -> memref<1x128x48xf32, #tpu.memory_space<vmem>>
        %dma_wait3A_319 = tpu.memref_squeeze %dma_wait3A_318 : memref<1x128x48xf32, #tpu.memory_space<vmem>> -> memref<128x48xf32, #tpu.memory_space<vmem>>
        %dma_wait3A_320 = arith.constant 0 : i32
        %dma_wait3A_321 = tpu.memref_slice %arg7[%add3A_207, %dma_wait3A_320] : memref<80x128xi32, #tpu.memory_space<vmem>> -> memref<1x128xi32, #tpu.memory_space<vmem>>
        %dma_wait3A_322 = tpu.memref_squeeze %dma_wait3A_321 : memref<1x128xi32, #tpu.memory_space<vmem>> -> memref<128xi32, #tpu.memory_space<vmem>>
        %dma_wait3A_323 = arith.constant 0 : i32
        %dma_wait3A_324 = arith.constant 0 : i32
        %dma_wait3A_325 = tpu.memref_slice %arg9[%dma_wait3A_323, %dma_wait3A_324] : memref<10240x48xf32, #tpu.memory_space<vmem_shared>> -> memref<10240x48xf32, #tpu.memory_space<vmem_shared>>
        tpu.wait_indirect_dma semaphore(%run_scoped3A_305 : memref<!tpu.dma_semaphore, #tpu.memory_space<semaphore_mem>>) src(%dma_wait3A_319 : memref<128x48xf32, #tpu.memory_space<vmem>>) dst(%dma_wait3A_325 : memref<10240x48xf32, #tpu.memory_space<vmem_shared>>)
        tpu.yield
      }) : () -> ()
      %add3A_223 = arith.constant 4 : i32
      %add3A_224 = arith.addi %add3A_207, %add3A_223 : i32
      %dma_start3A_225 = arith.constant 1 : i32
      %dma_start3A_226 = arith.constant 1 : i32
      %dma_start3A_227 = arith.constant 0 : i32
      %dma_start3A_228 = arith.constant 0 : i32
      %dma_start3A_229 = tpu.memref_slice %arg8[%dma_start3A_225, %dma_start3A_227, %dma_start3A_228] : memref<4x128x48xf32, #tpu.memory_space<vmem>> -> memref<1x128x48xf32, #tpu.memory_space<vmem>>
      %dma_start3A_230 = tpu.memref_squeeze %dma_start3A_229 : memref<1x128x48xf32, #tpu.memory_space<vmem>> -> memref<128x48xf32, #tpu.memory_space<vmem>>
      %dma_start3A_231 = arith.constant 0 : i32
      %dma_start3A_232 = tpu.memref_slice %arg6[%add3A_224, %dma_start3A_231] : memref<80x128xi32, #tpu.memory_space<vmem>> -> memref<1x128xi32, #tpu.memory_space<vmem>>
      %dma_start3A_233 = tpu.memref_squeeze %dma_start3A_232 : memref<1x128xi32, #tpu.memory_space<vmem>> -> memref<128xi32, #tpu.memory_space<vmem>>
      %dma_start3A_234 = arith.constant 0 : i32
      %dma_start3A_235 = arith.constant 0 : i32
      %dma_start3A_236 = tpu.memref_slice %arg2[%dma_start3A_234, %dma_start3A_235] : memref<10000x48xf32, #tpu.memory_space<hbm>> -> memref<10000x48xf32, #tpu.memory_space<hbm>>
      %dma_start3A_237 = tpu.memref_slice %arg10[%dma_start3A_226] : memref<4x!tpu.dma_semaphore, #tpu.memory_space<semaphore_mem>> -> memref<1x!tpu.dma_semaphore, #tpu.memory_space<semaphore_mem>>
      %dma_start3A_238 = tpu.memref_squeeze %dma_start3A_237 : memref<1x!tpu.dma_semaphore, #tpu.memory_space<semaphore_mem>> -> memref<!tpu.dma_semaphore, #tpu.memory_space<semaphore_mem>>
      tpu.enqueue_indirect_dma source(%dma_start3A_236 : memref<10000x48xf32, #tpu.memory_space<hbm>>) target(%dma_start3A_230 : memref<128x48xf32, #tpu.memory_space<vmem>>) offsets(%dma_start3A_233 : memref<128xi32, #tpu.memory_space<vmem>>) semaphore(%dma_start3A_238 : memref<!tpu.dma_semaphore, #tpu.memory_space<semaphore_mem>>)
      %add3A_239 = arith.constant 2 : i32
      %add3A_240 = arith.addi %mul3A_172, %add3A_239 : i32
      %dma_wait3A_241 = arith.constant 2 : i32
      %dma_wait3A_242 = arith.constant 2 : i32
      %dma_wait3A_243 = arith.constant 0 : i32
      %dma_wait3A_244 = arith.constant 0 : i32
      %dma_wait3A_245 = tpu.memref_slice %arg8[%dma_wait3A_241, %dma_wait3A_243, %dma_wait3A_244] : memref<4x128x48xf32, #tpu.memory_space<vmem>> -> memref<1x128x48xf32, #tpu.memory_space<vmem>>
      %dma_wait3A_246 = tpu.memref_squeeze %dma_wait3A_245 : memref<1x128x48xf32, #tpu.memory_space<vmem>> -> memref<128x48xf32, #tpu.memory_space<vmem>>
      %dma_wait3A_247 = arith.constant 0 : i32
      %dma_wait3A_248 = tpu.memref_slice %arg6[%add3A_240, %dma_wait3A_247] : memref<80x128xi32, #tpu.memory_space<vmem>> -> memref<1x128xi32, #tpu.memory_space<vmem>>
      %dma_wait3A_249 = tpu.memref_squeeze %dma_wait3A_248 : memref<1x128xi32, #tpu.memory_space<vmem>> -> memref<128xi32, #tpu.memory_space<vmem>>
      %dma_wait3A_250 = arith.constant 0 : i32
      %dma_wait3A_251 = arith.constant 0 : i32
      %dma_wait3A_252 = tpu.memref_slice %arg2[%dma_wait3A_250, %dma_wait3A_251] : memref<10000x48xf32, #tpu.memory_space<hbm>> -> memref<10000x48xf32, #tpu.memory_space<hbm>>
      %dma_wait3A_253 = tpu.memref_slice %arg10[%dma_wait3A_242] : memref<4x!tpu.dma_semaphore, #tpu.memory_space<semaphore_mem>> -> memref<1x!tpu.dma_semaphore, #tpu.memory_space<semaphore_mem>>
      %dma_wait3A_254 = tpu.memref_squeeze %dma_wait3A_253 : memref<1x!tpu.dma_semaphore, #tpu.memory_space<semaphore_mem>> -> memref<!tpu.dma_semaphore, #tpu.memory_space<semaphore_mem>>
      tpu.wait_indirect_dma semaphore(%dma_wait3A_254 : memref<!tpu.dma_semaphore, #tpu.memory_space<semaphore_mem>>) src(%dma_wait3A_252 : memref<10000x48xf32, #tpu.memory_space<hbm>>) dst(%dma_wait3A_246 : memref<128x48xf32, #tpu.memory_space<vmem>>)
      %run_scoped3A_255 = arith.constant 2 : i32
      "tpu.region"() ({
        %run_scoped3A_305 = tpu.sem_alloc : memref<!tpu.dma_semaphore, #tpu.memory_space<semaphore_mem>>
        %dma_start3A_306 = arith.constant 0 : i32
        %dma_start3A_307 = arith.constant 0 : i32
        %dma_start3A_308 = tpu.memref_slice %arg8[%run_scoped3A_255, %dma_start3A_306, %dma_start3A_307] : memref<4x128x48xf32, #tpu.memory_space<vmem>> -> memref<1x128x48xf32, #tpu.memory_space<vmem>>
        %dma_start3A_309 = tpu.memref_squeeze %dma_start3A_308 : memref<1x128x48xf32, #tpu.memory_space<vmem>> -> memref<128x48xf32, #tpu.memory_space<vmem>>
        %dma_start3A_310 = arith.constant 0 : i32
        %dma_start3A_311 = tpu.memref_slice %arg7[%add3A_240, %dma_start3A_310] : memref<80x128xi32, #tpu.memory_space<vmem>> -> memref<1x128xi32, #tpu.memory_space<vmem>>
        %dma_start3A_312 = tpu.memref_squeeze %dma_start3A_311 : memref<1x128xi32, #tpu.memory_space<vmem>> -> memref<128xi32, #tpu.memory_space<vmem>>
        %dma_start3A_313 = arith.constant 0 : i32
        %dma_start3A_314 = arith.constant 0 : i32
        %dma_start3A_315 = tpu.memref_slice %arg9[%dma_start3A_313, %dma_start3A_314] : memref<10240x48xf32, #tpu.memory_space<vmem_shared>> -> memref<10240x48xf32, #tpu.memory_space<vmem_shared>>
        tpu.enqueue_indirect_dma source(%dma_start3A_309 : memref<128x48xf32, #tpu.memory_space<vmem>>) target(%dma_start3A_315 : memref<10240x48xf32, #tpu.memory_space<vmem_shared>>) offsets(%dma_start3A_312 : memref<128xi32, #tpu.memory_space<vmem>>) semaphore(%run_scoped3A_305 : memref<!tpu.dma_semaphore, #tpu.memory_space<semaphore_mem>>) {add = true}
        %dma_wait3A_316 = arith.constant 0 : i32
        %dma_wait3A_317 = arith.constant 0 : i32
        %dma_wait3A_318 = tpu.memref_slice %arg8[%run_scoped3A_255, %dma_wait3A_316, %dma_wait3A_317] : memref<4x128x48xf32, #tpu.memory_space<vmem>> -> memref<1x128x48xf32, #tpu.memory_space<vmem>>
        %dma_wait3A_319 = tpu.memref_squeeze %dma_wait3A_318 : memref<1x128x48xf32, #tpu.memory_space<vmem>> -> memref<128x48xf32, #tpu.memory_space<vmem>>
        %dma_wait3A_320 = arith.constant 0 : i32
        %dma_wait3A_321 = tpu.memref_slice %arg7[%add3A_240, %dma_wait3A_320] : memref<80x128xi32, #tpu.memory_space<vmem>> -> memref<1x128xi32, #tpu.memory_space<vmem>>
        %dma_wait3A_322 = tpu.memref_squeeze %dma_wait3A_321 : memref<1x128xi32, #tpu.memory_space<vmem>> -> memref<128xi32, #tpu.memory_space<vmem>>
        %dma_wait3A_323 = arith.constant 0 : i32
        %dma_wait3A_324 = arith.constant 0 : i32
        %dma_wait3A_325 = tpu.memref_slice %arg9[%dma_wait3A_323, %dma_wait3A_324] : memref<10240x48xf32, #tpu.memory_space<vmem_shared>> -> memref<10240x48xf32, #tpu.memory_space<vmem_shared>>
        tpu.wait_indirect_dma semaphore(%run_scoped3A_305 : memref<!tpu.dma_semaphore, #tpu.memory_space<semaphore_mem>>) src(%dma_wait3A_319 : memref<128x48xf32, #tpu.memory_space<vmem>>) dst(%dma_wait3A_325 : memref<10240x48xf32, #tpu.memory_space<vmem_shared>>)
        tpu.yield
      }) : () -> ()
      %add3A_256 = arith.constant 4 : i32
      %add3A_257 = arith.addi %add3A_240, %add3A_256 : i32
      %dma_start3A_258 = arith.constant 2 : i32
      %dma_start3A_259 = arith.constant 2 : i32
      %dma_start3A_260 = arith.constant 0 : i32
      %dma_start3A_261 = arith.constant 0 : i32
      %dma_start3A_262 = tpu.memref_slice %arg8[%dma_start3A_258, %dma_start3A_260, %dma_start3A_261] : memref<4x128x48xf32, #tpu.memory_space<vmem>> -> memref<1x128x48xf32, #tpu.memory_space<vmem>>
      %dma_start3A_263 = tpu.memref_squeeze %dma_start3A_262 : memref<1x128x48xf32, #tpu.memory_space<vmem>> -> memref<128x48xf32, #tpu.memory_space<vmem>>
      %dma_start3A_264 = arith.constant 0 : i32
      %dma_start3A_265 = tpu.memref_slice %arg6[%add3A_257, %dma_start3A_264] : memref<80x128xi32, #tpu.memory_space<vmem>> -> memref<1x128xi32, #tpu.memory_space<vmem>>
      %dma_start3A_266 = tpu.memref_squeeze %dma_start3A_265 : memref<1x128xi32, #tpu.memory_space<vmem>> -> memref<128xi32, #tpu.memory_space<vmem>>
      %dma_start3A_267 = arith.constant 0 : i32
      %dma_start3A_268 = arith.constant 0 : i32
      %dma_start3A_269 = tpu.memref_slice %arg2[%dma_start3A_267, %dma_start3A_268] : memref<10000x48xf32, #tpu.memory_space<hbm>> -> memref<10000x48xf32, #tpu.memory_space<hbm>>
      %dma_start3A_270 = tpu.memref_slice %arg10[%dma_start3A_259] : memref<4x!tpu.dma_semaphore, #tpu.memory_space<semaphore_mem>> -> memref<1x!tpu.dma_semaphore, #tpu.memory_space<semaphore_mem>>
      %dma_start3A_271 = tpu.memref_squeeze %dma_start3A_270 : memref<1x!tpu.dma_semaphore, #tpu.memory_space<semaphore_mem>> -> memref<!tpu.dma_semaphore, #tpu.memory_space<semaphore_mem>>
      tpu.enqueue_indirect_dma source(%dma_start3A_269 : memref<10000x48xf32, #tpu.memory_space<hbm>>) target(%dma_start3A_263 : memref<128x48xf32, #tpu.memory_space<vmem>>) offsets(%dma_start3A_266 : memref<128xi32, #tpu.memory_space<vmem>>) semaphore(%dma_start3A_271 : memref<!tpu.dma_semaphore, #tpu.memory_space<semaphore_mem>>)
      %add3A_272 = arith.constant 3 : i32
      %add3A_273 = arith.addi %mul3A_172, %add3A_272 : i32
      %dma_wait3A_274 = arith.constant 3 : i32
      %dma_wait3A_275 = arith.constant 3 : i32
      %dma_wait3A_276 = arith.constant 0 : i32
      %dma_wait3A_277 = arith.constant 0 : i32
      %dma_wait3A_278 = tpu.memref_slice %arg8[%dma_wait3A_274, %dma_wait3A_276, %dma_wait3A_277] : memref<4x128x48xf32, #tpu.memory_space<vmem>> -> memref<1x128x48xf32, #tpu.memory_space<vmem>>
      %dma_wait3A_279 = tpu.memref_squeeze %dma_wait3A_278 : memref<1x128x48xf32, #tpu.memory_space<vmem>> -> memref<128x48xf32, #tpu.memory_space<vmem>>
      %dma_wait3A_280 = arith.constant 0 : i32
      %dma_wait3A_281 = tpu.memref_slice %arg6[%add3A_273, %dma_wait3A_280] : memref<80x128xi32, #tpu.memory_space<vmem>> -> memref<1x128xi32, #tpu.memory_space<vmem>>
      %dma_wait3A_282 = tpu.memref_squeeze %dma_wait3A_281 : memref<1x128xi32, #tpu.memory_space<vmem>> -> memref<128xi32, #tpu.memory_space<vmem>>
      %dma_wait3A_283 = arith.constant 0 : i32
      %dma_wait3A_284 = arith.constant 0 : i32
      %dma_wait3A_285 = tpu.memref_slice %arg2[%dma_wait3A_283, %dma_wait3A_284] : memref<10000x48xf32, #tpu.memory_space<hbm>> -> memref<10000x48xf32, #tpu.memory_space<hbm>>
      %dma_wait3A_286 = tpu.memref_slice %arg10[%dma_wait3A_275] : memref<4x!tpu.dma_semaphore, #tpu.memory_space<semaphore_mem>> -> memref<1x!tpu.dma_semaphore, #tpu.memory_space<semaphore_mem>>
      %dma_wait3A_287 = tpu.memref_squeeze %dma_wait3A_286 : memref<1x!tpu.dma_semaphore, #tpu.memory_space<semaphore_mem>> -> memref<!tpu.dma_semaphore, #tpu.memory_space<semaphore_mem>>
      tpu.wait_indirect_dma semaphore(%dma_wait3A_287 : memref<!tpu.dma_semaphore, #tpu.memory_space<semaphore_mem>>) src(%dma_wait3A_285 : memref<10000x48xf32, #tpu.memory_space<hbm>>) dst(%dma_wait3A_279 : memref<128x48xf32, #tpu.memory_space<vmem>>)
      %run_scoped3A_288 = arith.constant 3 : i32
      "tpu.region"() ({
        %run_scoped3A_305 = tpu.sem_alloc : memref<!tpu.dma_semaphore, #tpu.memory_space<semaphore_mem>>
        %dma_start3A_306 = arith.constant 0 : i32
        %dma_start3A_307 = arith.constant 0 : i32
        %dma_start3A_308 = tpu.memref_slice %arg8[%run_scoped3A_288, %dma_start3A_306, %dma_start3A_307] : memref<4x128x48xf32, #tpu.memory_space<vmem>> -> memref<1x128x48xf32, #tpu.memory_space<vmem>>
        %dma_start3A_309 = tpu.memref_squeeze %dma_start3A_308 : memref<1x128x48xf32, #tpu.memory_space<vmem>> -> memref<128x48xf32, #tpu.memory_space<vmem>>
        %dma_start3A_310 = arith.constant 0 : i32
        %dma_start3A_311 = tpu.memref_slice %arg7[%add3A_273, %dma_start3A_310] : memref<80x128xi32, #tpu.memory_space<vmem>> -> memref<1x128xi32, #tpu.memory_space<vmem>>
        %dma_start3A_312 = tpu.memref_squeeze %dma_start3A_311 : memref<1x128xi32, #tpu.memory_space<vmem>> -> memref<128xi32, #tpu.memory_space<vmem>>
        %dma_start3A_313 = arith.constant 0 : i32
        %dma_start3A_314 = arith.constant 0 : i32
        %dma_start3A_315 = tpu.memref_slice %arg9[%dma_start3A_313, %dma_start3A_314] : memref<10240x48xf32, #tpu.memory_space<vmem_shared>> -> memref<10240x48xf32, #tpu.memory_space<vmem_shared>>
        tpu.enqueue_indirect_dma source(%dma_start3A_309 : memref<128x48xf32, #tpu.memory_space<vmem>>) target(%dma_start3A_315 : memref<10240x48xf32, #tpu.memory_space<vmem_shared>>) offsets(%dma_start3A_312 : memref<128xi32, #tpu.memory_space<vmem>>) semaphore(%run_scoped3A_305 : memref<!tpu.dma_semaphore, #tpu.memory_space<semaphore_mem>>) {add = true}
        %dma_wait3A_316 = arith.constant 0 : i32
        %dma_wait3A_317 = arith.constant 0 : i32
        %dma_wait3A_318 = tpu.memref_slice %arg8[%run_scoped3A_288, %dma_wait3A_316, %dma_wait3A_317] : memref<4x128x48xf32, #tpu.memory_space<vmem>> -> memref<1x128x48xf32, #tpu.memory_space<vmem>>
        %dma_wait3A_319 = tpu.memref_squeeze %dma_wait3A_318 : memref<1x128x48xf32, #tpu.memory_space<vmem>> -> memref<128x48xf32, #tpu.memory_space<vmem>>
        %dma_wait3A_320 = arith.constant 0 : i32
        %dma_wait3A_321 = tpu.memref_slice %arg7[%add3A_273, %dma_wait3A_320] : memref<80x128xi32, #tpu.memory_space<vmem>> -> memref<1x128xi32, #tpu.memory_space<vmem>>
        %dma_wait3A_322 = tpu.memref_squeeze %dma_wait3A_321 : memref<1x128xi32, #tpu.memory_space<vmem>> -> memref<128xi32, #tpu.memory_space<vmem>>
        %dma_wait3A_323 = arith.constant 0 : i32
        %dma_wait3A_324 = arith.constant 0 : i32
        %dma_wait3A_325 = tpu.memref_slice %arg9[%dma_wait3A_323, %dma_wait3A_324] : memref<10240x48xf32, #tpu.memory_space<vmem_shared>> -> memref<10240x48xf32, #tpu.memory_space<vmem_shared>>
        tpu.wait_indirect_dma semaphore(%run_scoped3A_305 : memref<!tpu.dma_semaphore, #tpu.memory_space<semaphore_mem>>) src(%dma_wait3A_319 : memref<128x48xf32, #tpu.memory_space<vmem>>) dst(%dma_wait3A_325 : memref<10240x48xf32, #tpu.memory_space<vmem_shared>>)
        tpu.yield
      }) : () -> ()
      %add3A_289 = arith.constant 4 : i32
      %add3A_290 = arith.addi %add3A_273, %add3A_289 : i32
      %dma_start3A_291 = arith.constant 3 : i32
      %dma_start3A_292 = arith.constant 3 : i32
      %dma_start3A_293 = arith.constant 0 : i32
      %dma_start3A_294 = arith.constant 0 : i32
      %dma_start3A_295 = tpu.memref_slice %arg8[%dma_start3A_291, %dma_start3A_293, %dma_start3A_294] : memref<4x128x48xf32, #tpu.memory_space<vmem>> -> memref<1x128x48xf32, #tpu.memory_space<vmem>>
      %dma_start3A_296 = tpu.memref_squeeze %dma_start3A_295 : memref<1x128x48xf32, #tpu.memory_space<vmem>> -> memref<128x48xf32, #tpu.memory_space<vmem>>
      %dma_start3A_297 = arith.constant 0 : i32
      %dma_start3A_298 = tpu.memref_slice %arg6[%add3A_290, %dma_start3A_297] : memref<80x128xi32, #tpu.memory_space<vmem>> -> memref<1x128xi32, #tpu.memory_space<vmem>>
      %dma_start3A_299 = tpu.memref_squeeze %dma_start3A_298 : memref<1x128xi32, #tpu.memory_space<vmem>> -> memref<128xi32, #tpu.memory_space<vmem>>
      %dma_start3A_300 = arith.constant 0 : i32
      %dma_start3A_301 = arith.constant 0 : i32
      %dma_start3A_302 = tpu.memref_slice %arg2[%dma_start3A_300, %dma_start3A_301] : memref<10000x48xf32, #tpu.memory_space<hbm>> -> memref<10000x48xf32, #tpu.memory_space<hbm>>
      %dma_start3A_303 = tpu.memref_slice %arg10[%dma_start3A_292] : memref<4x!tpu.dma_semaphore, #tpu.memory_space<semaphore_mem>> -> memref<1x!tpu.dma_semaphore, #tpu.memory_space<semaphore_mem>>
      %dma_start3A_304 = tpu.memref_squeeze %dma_start3A_303 : memref<1x!tpu.dma_semaphore, #tpu.memory_space<semaphore_mem>> -> memref<!tpu.dma_semaphore, #tpu.memory_space<semaphore_mem>>
      tpu.enqueue_indirect_dma source(%dma_start3A_302 : memref<10000x48xf32, #tpu.memory_space<hbm>>) target(%dma_start3A_296 : memref<128x48xf32, #tpu.memory_space<vmem>>) offsets(%dma_start3A_299 : memref<128xi32, #tpu.memory_space<vmem>>) semaphore(%dma_start3A_304 : memref<!tpu.dma_semaphore, #tpu.memory_space<semaphore_mem>>)
    }
    %scan3A_93 = arith.constant 19 : i32
    %dma_wait3A = arith.constant 76 : i32
    %dma_wait3A_94 = arith.constant 0 : i32
    %dma_wait3A_95 = arith.constant 0 : i32
    %dma_wait3A_96 = arith.constant 0 : i32
    %dma_wait3A_97 = arith.constant 0 : i32
    %dma_wait3A_98 = tpu.memref_slice %arg8[%dma_wait3A_94, %dma_wait3A_96, %dma_wait3A_97] : memref<4x128x48xf32, #tpu.memory_space<vmem>> -> memref<1x128x48xf32, #tpu.memory_space<vmem>>
    %dma_wait3A_99 = tpu.memref_squeeze %dma_wait3A_98 : memref<1x128x48xf32, #tpu.memory_space<vmem>> -> memref<128x48xf32, #tpu.memory_space<vmem>>
    %dma_wait3A_100 = arith.constant 0 : i32
    %dma_wait3A_101 = tpu.memref_slice %arg6[%dma_wait3A, %dma_wait3A_100] : memref<80x128xi32, #tpu.memory_space<vmem>> -> memref<1x128xi32, #tpu.memory_space<vmem>>
    %dma_wait3A_102 = tpu.memref_squeeze %dma_wait3A_101 : memref<1x128xi32, #tpu.memory_space<vmem>> -> memref<128xi32, #tpu.memory_space<vmem>>
    %dma_wait3A_103 = arith.constant 0 : i32
    %dma_wait3A_104 = arith.constant 0 : i32
    %dma_wait3A_105 = tpu.memref_slice %arg2[%dma_wait3A_103, %dma_wait3A_104] : memref<10000x48xf32, #tpu.memory_space<hbm>> -> memref<10000x48xf32, #tpu.memory_space<hbm>>
    %dma_wait3A_106 = tpu.memref_slice %arg10[%dma_wait3A_95] : memref<4x!tpu.dma_semaphore, #tpu.memory_space<semaphore_mem>> -> memref<1x!tpu.dma_semaphore, #tpu.memory_space<semaphore_mem>>
    %dma_wait3A_107 = tpu.memref_squeeze %dma_wait3A_106 : memref<1x!tpu.dma_semaphore, #tpu.memory_space<semaphore_mem>> -> memref<!tpu.dma_semaphore, #tpu.memory_space<semaphore_mem>>
    tpu.wait_indirect_dma semaphore(%dma_wait3A_107 : memref<!tpu.dma_semaphore, #tpu.memory_space<semaphore_mem>>) src(%dma_wait3A_105 : memref<10000x48xf32, #tpu.memory_space<hbm>>) dst(%dma_wait3A_99 : memref<128x48xf32, #tpu.memory_space<vmem>>)
    %run_scoped3A_108 = arith.constant 0 : i32
    %run_scoped3A_109 = arith.constant 76 : i32
    "tpu.region"() ({
      %run_scoped3A_166 = tpu.sem_alloc : memref<!tpu.dma_semaphore, #tpu.memory_space<semaphore_mem>>
      %dma_start3A_167 = arith.constant 0 : i32
      %dma_start3A_168 = arith.constant 0 : i32
      %dma_start3A_169 = tpu.memref_slice %arg8[%run_scoped3A_108, %dma_start3A_167, %dma_start3A_168] : memref<4x128x48xf32, #tpu.memory_space<vmem>> -> memref<1x128x48xf32, #tpu.memory_space<vmem>>
      %dma_start3A_170 = tpu.memref_squeeze %dma_start3A_169 : memref<1x128x48xf32, #tpu.memory_space<vmem>> -> memref<128x48xf32, #tpu.memory_space<vmem>>
      %dma_start3A_171 = arith.constant 0 : i32
      %dma_start3A_172 = tpu.memref_slice %arg7[%run_scoped3A_109, %dma_start3A_171] : memref<80x128xi32, #tpu.memory_space<vmem>> -> memref<1x128xi32, #tpu.memory_space<vmem>>
      %dma_start3A_173 = tpu.memref_squeeze %dma_start3A_172 : memref<1x128xi32, #tpu.memory_space<vmem>> -> memref<128xi32, #tpu.memory_space<vmem>>
      %dma_start3A_174 = arith.constant 0 : i32
      %dma_start3A_175 = arith.constant 0 : i32
      %dma_start3A_176 = tpu.memref_slice %arg9[%dma_start3A_174, %dma_start3A_175] : memref<10240x48xf32, #tpu.memory_space<vmem_shared>> -> memref<10240x48xf32, #tpu.memory_space<vmem_shared>>
      tpu.enqueue_indirect_dma source(%dma_start3A_170 : memref<128x48xf32, #tpu.memory_space<vmem>>) target(%dma_start3A_176 : memref<10240x48xf32, #tpu.memory_space<vmem_shared>>) offsets(%dma_start3A_173 : memref<128xi32, #tpu.memory_space<vmem>>) semaphore(%run_scoped3A_166 : memref<!tpu.dma_semaphore, #tpu.memory_space<semaphore_mem>>) {add = true}
      %dma_wait3A_177 = arith.constant 0 : i32
      %dma_wait3A_178 = arith.constant 0 : i32
      %dma_wait3A_179 = tpu.memref_slice %arg8[%run_scoped3A_108, %dma_wait3A_177, %dma_wait3A_178] : memref<4x128x48xf32, #tpu.memory_space<vmem>> -> memref<1x128x48xf32, #tpu.memory_space<vmem>>
      %dma_wait3A_180 = tpu.memref_squeeze %dma_wait3A_179 : memref<1x128x48xf32, #tpu.memory_space<vmem>> -> memref<128x48xf32, #tpu.memory_space<vmem>>
      %dma_wait3A_181 = arith.constant 0 : i32
      %dma_wait3A_182 = tpu.memref_slice %arg7[%run_scoped3A_109, %dma_wait3A_181] : memref<80x128xi32, #tpu.memory_space<vmem>> -> memref<1x128xi32, #tpu.memory_space<vmem>>
      %dma_wait3A_183 = tpu.memref_squeeze %dma_wait3A_182 : memref<1x128xi32, #tpu.memory_space<vmem>> -> memref<128xi32, #tpu.memory_space<vmem>>
      %dma_wait3A_184 = arith.constant 0 : i32
      %dma_wait3A_185 = arith.constant 0 : i32
      %dma_wait3A_186 = tpu.memref_slice %arg9[%dma_wait3A_184, %dma_wait3A_185] : memref<10240x48xf32, #tpu.memory_space<vmem_shared>> -> memref<10240x48xf32, #tpu.memory_space<vmem_shared>>
      tpu.wait_indirect_dma semaphore(%run_scoped3A_166 : memref<!tpu.dma_semaphore, #tpu.memory_space<semaphore_mem>>) src(%dma_wait3A_180 : memref<128x48xf32, #tpu.memory_space<vmem>>) dst(%dma_wait3A_186 : memref<10240x48xf32, #tpu.memory_space<vmem_shared>>)
      tpu.yield
    }) : () -> ()
    %dma_wait3A_110 = arith.constant 77 : i32
    %dma_wait3A_111 = arith.constant 1 : i32
    %dma_wait3A_112 = arith.constant 1 : i32
    %dma_wait3A_113 = arith.constant 0 : i32
    %dma_wait3A_114 = arith.constant 0 : i32
    %dma_wait3A_115 = tpu.memref_slice %arg8[%dma_wait3A_111, %dma_wait3A_113, %dma_wait3A_114] : memref<4x128x48xf32, #tpu.memory_space<vmem>> -> memref<1x128x48xf32, #tpu.memory_space<vmem>>
    %dma_wait3A_116 = tpu.memref_squeeze %dma_wait3A_115 : memref<1x128x48xf32, #tpu.memory_space<vmem>> -> memref<128x48xf32, #tpu.memory_space<vmem>>
    %dma_wait3A_117 = arith.constant 0 : i32
    %dma_wait3A_118 = tpu.memref_slice %arg6[%dma_wait3A_110, %dma_wait3A_117] : memref<80x128xi32, #tpu.memory_space<vmem>> -> memref<1x128xi32, #tpu.memory_space<vmem>>
    %dma_wait3A_119 = tpu.memref_squeeze %dma_wait3A_118 : memref<1x128xi32, #tpu.memory_space<vmem>> -> memref<128xi32, #tpu.memory_space<vmem>>
    %dma_wait3A_120 = arith.constant 0 : i32
    %dma_wait3A_121 = arith.constant 0 : i32
    %dma_wait3A_122 = tpu.memref_slice %arg2[%dma_wait3A_120, %dma_wait3A_121] : memref<10000x48xf32, #tpu.memory_space<hbm>> -> memref<10000x48xf32, #tpu.memory_space<hbm>>
    %dma_wait3A_123 = tpu.memref_slice %arg10[%dma_wait3A_112] : memref<4x!tpu.dma_semaphore, #tpu.memory_space<semaphore_mem>> -> memref<1x!tpu.dma_semaphore, #tpu.memory_space<semaphore_mem>>
    %dma_wait3A_124 = tpu.memref_squeeze %dma_wait3A_123 : memref<1x!tpu.dma_semaphore, #tpu.memory_space<semaphore_mem>> -> memref<!tpu.dma_semaphore, #tpu.memory_space<semaphore_mem>>
    tpu.wait_indirect_dma semaphore(%dma_wait3A_124 : memref<!tpu.dma_semaphore, #tpu.memory_space<semaphore_mem>>) src(%dma_wait3A_122 : memref<10000x48xf32, #tpu.memory_space<hbm>>) dst(%dma_wait3A_116 : memref<128x48xf32, #tpu.memory_space<vmem>>)
    %run_scoped3A_125 = arith.constant 1 : i32
    %run_scoped3A_126 = arith.constant 77 : i32
    "tpu.region"() ({
      %run_scoped3A_166 = tpu.sem_alloc : memref<!tpu.dma_semaphore, #tpu.memory_space<semaphore_mem>>
      %dma_start3A_167 = arith.constant 0 : i32
      %dma_start3A_168 = arith.constant 0 : i32
      %dma_start3A_169 = tpu.memref_slice %arg8[%run_scoped3A_125, %dma_start3A_167, %dma_start3A_168] : memref<4x128x48xf32, #tpu.memory_space<vmem>> -> memref<1x128x48xf32, #tpu.memory_space<vmem>>
      %dma_start3A_170 = tpu.memref_squeeze %dma_start3A_169 : memref<1x128x48xf32, #tpu.memory_space<vmem>> -> memref<128x48xf32, #tpu.memory_space<vmem>>
      %dma_start3A_171 = arith.constant 0 : i32
      %dma_start3A_172 = tpu.memref_slice %arg7[%run_scoped3A_126, %dma_start3A_171] : memref<80x128xi32, #tpu.memory_space<vmem>> -> memref<1x128xi32, #tpu.memory_space<vmem>>
      %dma_start3A_173 = tpu.memref_squeeze %dma_start3A_172 : memref<1x128xi32, #tpu.memory_space<vmem>> -> memref<128xi32, #tpu.memory_space<vmem>>
      %dma_start3A_174 = arith.constant 0 : i32
      %dma_start3A_175 = arith.constant 0 : i32
      %dma_start3A_176 = tpu.memref_slice %arg9[%dma_start3A_174, %dma_start3A_175] : memref<10240x48xf32, #tpu.memory_space<vmem_shared>> -> memref<10240x48xf32, #tpu.memory_space<vmem_shared>>
      tpu.enqueue_indirect_dma source(%dma_start3A_170 : memref<128x48xf32, #tpu.memory_space<vmem>>) target(%dma_start3A_176 : memref<10240x48xf32, #tpu.memory_space<vmem_shared>>) offsets(%dma_start3A_173 : memref<128xi32, #tpu.memory_space<vmem>>) semaphore(%run_scoped3A_166 : memref<!tpu.dma_semaphore, #tpu.memory_space<semaphore_mem>>) {add = true}
      %dma_wait3A_177 = arith.constant 0 : i32
      %dma_wait3A_178 = arith.constant 0 : i32
      %dma_wait3A_179 = tpu.memref_slice %arg8[%run_scoped3A_125, %dma_wait3A_177, %dma_wait3A_178] : memref<4x128x48xf32, #tpu.memory_space<vmem>> -> memref<1x128x48xf32, #tpu.memory_space<vmem>>
      %dma_wait3A_180 = tpu.memref_squeeze %dma_wait3A_179 : memref<1x128x48xf32, #tpu.memory_space<vmem>> -> memref<128x48xf32, #tpu.memory_space<vmem>>
      %dma_wait3A_181 = arith.constant 0 : i32
      %dma_wait3A_182 = tpu.memref_slice %arg7[%run_scoped3A_126, %dma_wait3A_181] : memref<80x128xi32, #tpu.memory_space<vmem>> -> memref<1x128xi32, #tpu.memory_space<vmem>>
      %dma_wait3A_183 = tpu.memref_squeeze %dma_wait3A_182 : memref<1x128xi32, #tpu.memory_space<vmem>> -> memref<128xi32, #tpu.memory_space<vmem>>
      %dma_wait3A_184 = arith.constant 0 : i32
      %dma_wait3A_185 = arith.constant 0 : i32
      %dma_wait3A_186 = tpu.memref_slice %arg9[%dma_wait3A_184, %dma_wait3A_185] : memref<10240x48xf32, #tpu.memory_space<vmem_shared>> -> memref<10240x48xf32, #tpu.memory_space<vmem_shared>>
      tpu.wait_indirect_dma semaphore(%run_scoped3A_166 : memref<!tpu.dma_semaphore, #tpu.memory_space<semaphore_mem>>) src(%dma_wait3A_180 : memref<128x48xf32, #tpu.memory_space<vmem>>) dst(%dma_wait3A_186 : memref<10240x48xf32, #tpu.memory_space<vmem_shared>>)
      tpu.yield
    }) : () -> ()
    %dma_wait3A_127 = arith.constant 78 : i32
    %dma_wait3A_128 = arith.constant 2 : i32
    %dma_wait3A_129 = arith.constant 2 : i32
    %dma_wait3A_130 = arith.constant 0 : i32
    %dma_wait3A_131 = arith.constant 0 : i32
    %dma_wait3A_132 = tpu.memref_slice %arg8[%dma_wait3A_128, %dma_wait3A_130, %dma_wait3A_131] : memref<4x128x48xf32, #tpu.memory_space<vmem>> -> memref<1x128x48xf32, #tpu.memory_space<vmem>>
    %dma_wait3A_133 = tpu.memref_squeeze %dma_wait3A_132 : memref<1x128x48xf32, #tpu.memory_space<vmem>> -> memref<128x48xf32, #tpu.memory_space<vmem>>
    %dma_wait3A_134 = arith.constant 0 : i32
    %dma_wait3A_135 = tpu.memref_slice %arg6[%dma_wait3A_127, %dma_wait3A_134] : memref<80x128xi32, #tpu.memory_space<vmem>> -> memref<1x128xi32, #tpu.memory_space<vmem>>
    %dma_wait3A_136 = tpu.memref_squeeze %dma_wait3A_135 : memref<1x128xi32, #tpu.memory_space<vmem>> -> memref<128xi32, #tpu.memory_space<vmem>>
    %dma_wait3A_137 = arith.constant 0 : i32
    %dma_wait3A_138 = arith.constant 0 : i32
    %dma_wait3A_139 = tpu.memref_slice %arg2[%dma_wait3A_137, %dma_wait3A_138] : memref<10000x48xf32, #tpu.memory_space<hbm>> -> memref<10000x48xf32, #tpu.memory_space<hbm>>
    %dma_wait3A_140 = tpu.memref_slice %arg10[%dma_wait3A_129] : memref<4x!tpu.dma_semaphore, #tpu.memory_space<semaphore_mem>> -> memref<1x!tpu.dma_semaphore, #tpu.memory_space<semaphore_mem>>
    %dma_wait3A_141 = tpu.memref_squeeze %dma_wait3A_140 : memref<1x!tpu.dma_semaphore, #tpu.memory_space<semaphore_mem>> -> memref<!tpu.dma_semaphore, #tpu.memory_space<semaphore_mem>>
    tpu.wait_indirect_dma semaphore(%dma_wait3A_141 : memref<!tpu.dma_semaphore, #tpu.memory_space<semaphore_mem>>) src(%dma_wait3A_139 : memref<10000x48xf32, #tpu.memory_space<hbm>>) dst(%dma_wait3A_133 : memref<128x48xf32, #tpu.memory_space<vmem>>)
    %run_scoped3A_142 = arith.constant 2 : i32
    %run_scoped3A_143 = arith.constant 78 : i32
    "tpu.region"() ({
      %run_scoped3A_166 = tpu.sem_alloc : memref<!tpu.dma_semaphore, #tpu.memory_space<semaphore_mem>>
      %dma_start3A_167 = arith.constant 0 : i32
      %dma_start3A_168 = arith.constant 0 : i32
      %dma_start3A_169 = tpu.memref_slice %arg8[%run_scoped3A_142, %dma_start3A_167, %dma_start3A_168] : memref<4x128x48xf32, #tpu.memory_space<vmem>> -> memref<1x128x48xf32, #tpu.memory_space<vmem>>
      %dma_start3A_170 = tpu.memref_squeeze %dma_start3A_169 : memref<1x128x48xf32, #tpu.memory_space<vmem>> -> memref<128x48xf32, #tpu.memory_space<vmem>>
      %dma_start3A_171 = arith.constant 0 : i32
      %dma_start3A_172 = tpu.memref_slice %arg7[%run_scoped3A_143, %dma_start3A_171] : memref<80x128xi32, #tpu.memory_space<vmem>> -> memref<1x128xi32, #tpu.memory_space<vmem>>
      %dma_start3A_173 = tpu.memref_squeeze %dma_start3A_172 : memref<1x128xi32, #tpu.memory_space<vmem>> -> memref<128xi32, #tpu.memory_space<vmem>>
      %dma_start3A_174 = arith.constant 0 : i32
      %dma_start3A_175 = arith.constant 0 : i32
      %dma_start3A_176 = tpu.memref_slice %arg9[%dma_start3A_174, %dma_start3A_175] : memref<10240x48xf32, #tpu.memory_space<vmem_shared>> -> memref<10240x48xf32, #tpu.memory_space<vmem_shared>>
      tpu.enqueue_indirect_dma source(%dma_start3A_170 : memref<128x48xf32, #tpu.memory_space<vmem>>) target(%dma_start3A_176 : memref<10240x48xf32, #tpu.memory_space<vmem_shared>>) offsets(%dma_start3A_173 : memref<128xi32, #tpu.memory_space<vmem>>) semaphore(%run_scoped3A_166 : memref<!tpu.dma_semaphore, #tpu.memory_space<semaphore_mem>>) {add = true}
      %dma_wait3A_177 = arith.constant 0 : i32
      %dma_wait3A_178 = arith.constant 0 : i32
      %dma_wait3A_179 = tpu.memref_slice %arg8[%run_scoped3A_142, %dma_wait3A_177, %dma_wait3A_178] : memref<4x128x48xf32, #tpu.memory_space<vmem>> -> memref<1x128x48xf32, #tpu.memory_space<vmem>>
      %dma_wait3A_180 = tpu.memref_squeeze %dma_wait3A_179 : memref<1x128x48xf32, #tpu.memory_space<vmem>> -> memref<128x48xf32, #tpu.memory_space<vmem>>
      %dma_wait3A_181 = arith.constant 0 : i32
      %dma_wait3A_182 = tpu.memref_slice %arg7[%run_scoped3A_143, %dma_wait3A_181] : memref<80x128xi32, #tpu.memory_space<vmem>> -> memref<1x128xi32, #tpu.memory_space<vmem>>
      %dma_wait3A_183 = tpu.memref_squeeze %dma_wait3A_182 : memref<1x128xi32, #tpu.memory_space<vmem>> -> memref<128xi32, #tpu.memory_space<vmem>>
      %dma_wait3A_184 = arith.constant 0 : i32
      %dma_wait3A_185 = arith.constant 0 : i32
      %dma_wait3A_186 = tpu.memref_slice %arg9[%dma_wait3A_184, %dma_wait3A_185] : memref<10240x48xf32, #tpu.memory_space<vmem_shared>> -> memref<10240x48xf32, #tpu.memory_space<vmem_shared>>
      tpu.wait_indirect_dma semaphore(%run_scoped3A_166 : memref<!tpu.dma_semaphore, #tpu.memory_space<semaphore_mem>>) src(%dma_wait3A_180 : memref<128x48xf32, #tpu.memory_space<vmem>>) dst(%dma_wait3A_186 : memref<10240x48xf32, #tpu.memory_space<vmem_shared>>)
      tpu.yield
    }) : () -> ()
    %dma_wait3A_144 = arith.constant 79 : i32
    %dma_wait3A_145 = arith.constant 3 : i32
    %dma_wait3A_146 = arith.constant 3 : i32
    %dma_wait3A_147 = arith.constant 0 : i32
    %dma_wait3A_148 = arith.constant 0 : i32
    %dma_wait3A_149 = tpu.memref_slice %arg8[%dma_wait3A_145, %dma_wait3A_147, %dma_wait3A_148] : memref<4x128x48xf32, #tpu.memory_space<vmem>> -> memref<1x128x48xf32, #tpu.memory_space<vmem>>
    %dma_wait3A_150 = tpu.memref_squeeze %dma_wait3A_149 : memref<1x128x48xf32, #tpu.memory_space<vmem>> -> memref<128x48xf32, #tpu.memory_space<vmem>>
    %dma_wait3A_151 = arith.constant 0 : i32
    %dma_wait3A_152 = tpu.memref_slice %arg6[%dma_wait3A_144, %dma_wait3A_151] : memref<80x128xi32, #tpu.memory_space<vmem>> -> memref<1x128xi32, #tpu.memory_space<vmem>>
    %dma_wait3A_153 = tpu.memref_squeeze %dma_wait3A_152 : memref<1x128xi32, #tpu.memory_space<vmem>> -> memref<128xi32, #tpu.memory_space<vmem>>
    %dma_wait3A_154 = arith.constant 0 : i32
    %dma_wait3A_155 = arith.constant 0 : i32
    %dma_wait3A_156 = tpu.memref_slice %arg2[%dma_wait3A_154, %dma_wait3A_155] : memref<10000x48xf32, #tpu.memory_space<hbm>> -> memref<10000x48xf32, #tpu.memory_space<hbm>>
    %dma_wait3A_157 = tpu.memref_slice %arg10[%dma_wait3A_146] : memref<4x!tpu.dma_semaphore, #tpu.memory_space<semaphore_mem>> -> memref<1x!tpu.dma_semaphore, #tpu.memory_space<semaphore_mem>>
    %dma_wait3A_158 = tpu.memref_squeeze %dma_wait3A_157 : memref<1x!tpu.dma_semaphore, #tpu.memory_space<semaphore_mem>> -> memref<!tpu.dma_semaphore, #tpu.memory_space<semaphore_mem>>
    tpu.wait_indirect_dma semaphore(%dma_wait3A_158 : memref<!tpu.dma_semaphore, #tpu.memory_space<semaphore_mem>>) src(%dma_wait3A_156 : memref<10000x48xf32, #tpu.memory_space<hbm>>) dst(%dma_wait3A_150 : memref<128x48xf32, #tpu.memory_space<vmem>>)
    %run_scoped3A_159 = arith.constant 3 : i32
    %run_scoped3A_160 = arith.constant 79 : i32
    "tpu.region"() ({
      %run_scoped3A_166 = tpu.sem_alloc : memref<!tpu.dma_semaphore, #tpu.memory_space<semaphore_mem>>
      %dma_start3A_167 = arith.constant 0 : i32
      %dma_start3A_168 = arith.constant 0 : i32
      %dma_start3A_169 = tpu.memref_slice %arg8[%run_scoped3A_159, %dma_start3A_167, %dma_start3A_168] : memref<4x128x48xf32, #tpu.memory_space<vmem>> -> memref<1x128x48xf32, #tpu.memory_space<vmem>>
      %dma_start3A_170 = tpu.memref_squeeze %dma_start3A_169 : memref<1x128x48xf32, #tpu.memory_space<vmem>> -> memref<128x48xf32, #tpu.memory_space<vmem>>
      %dma_start3A_171 = arith.constant 0 : i32
      %dma_start3A_172 = tpu.memref_slice %arg7[%run_scoped3A_160, %dma_start3A_171] : memref<80x128xi32, #tpu.memory_space<vmem>> -> memref<1x128xi32, #tpu.memory_space<vmem>>
      %dma_start3A_173 = tpu.memref_squeeze %dma_start3A_172 : memref<1x128xi32, #tpu.memory_space<vmem>> -> memref<128xi32, #tpu.memory_space<vmem>>
      %dma_start3A_174 = arith.constant 0 : i32
      %dma_start3A_175 = arith.constant 0 : i32
      %dma_start3A_176 = tpu.memref_slice %arg9[%dma_start3A_174, %dma_start3A_175] : memref<10240x48xf32, #tpu.memory_space<vmem_shared>> -> memref<10240x48xf32, #tpu.memory_space<vmem_shared>>
      tpu.enqueue_indirect_dma source(%dma_start3A_170 : memref<128x48xf32, #tpu.memory_space<vmem>>) target(%dma_start3A_176 : memref<10240x48xf32, #tpu.memory_space<vmem_shared>>) offsets(%dma_start3A_173 : memref<128xi32, #tpu.memory_space<vmem>>) semaphore(%run_scoped3A_166 : memref<!tpu.dma_semaphore, #tpu.memory_space<semaphore_mem>>) {add = true}
      %dma_wait3A_177 = arith.constant 0 : i32
      %dma_wait3A_178 = arith.constant 0 : i32
      %dma_wait3A_179 = tpu.memref_slice %arg8[%run_scoped3A_159, %dma_wait3A_177, %dma_wait3A_178] : memref<4x128x48xf32, #tpu.memory_space<vmem>> -> memref<1x128x48xf32, #tpu.memory_space<vmem>>
      %dma_wait3A_180 = tpu.memref_squeeze %dma_wait3A_179 : memref<1x128x48xf32, #tpu.memory_space<vmem>> -> memref<128x48xf32, #tpu.memory_space<vmem>>
      %dma_wait3A_181 = arith.constant 0 : i32
      %dma_wait3A_182 = tpu.memref_slice %arg7[%run_scoped3A_160, %dma_wait3A_181] : memref<80x128xi32, #tpu.memory_space<vmem>> -> memref<1x128xi32, #tpu.memory_space<vmem>>
      %dma_wait3A_183 = tpu.memref_squeeze %dma_wait3A_182 : memref<1x128xi32, #tpu.memory_space<vmem>> -> memref<128xi32, #tpu.memory_space<vmem>>
      %dma_wait3A_184 = arith.constant 0 : i32
      %dma_wait3A_185 = arith.constant 0 : i32
      %dma_wait3A_186 = tpu.memref_slice %arg9[%dma_wait3A_184, %dma_wait3A_185] : memref<10240x48xf32, #tpu.memory_space<vmem_shared>> -> memref<10240x48xf32, #tpu.memory_space<vmem_shared>>
      tpu.wait_indirect_dma semaphore(%run_scoped3A_166 : memref<!tpu.dma_semaphore, #tpu.memory_space<semaphore_mem>>) src(%dma_wait3A_180 : memref<128x48xf32, #tpu.memory_space<vmem>>) dst(%dma_wait3A_186 : memref<10240x48xf32, #tpu.memory_space<vmem_shared>>)
      tpu.yield
    }) : () -> ()
    %barrier3A_161 = arith.constant 0 : index
    tpu.barrier barrier_id(%barrier3A_161)
    %mul3A_162 = arith.constant 640 : i32
    %mul3A_163 = arith.muli %arg1, %mul3A_162 : i32
    %mul3A_164 = arith.constant 640 : i32
    %mul3A_165 = arith.muli %arg1, %mul3A_164 : i32
    "tpu.region"() ({
      %run_scoped3A_166 = tpu.sem_alloc : memref<!tpu.dma_semaphore, #tpu.memory_space<semaphore_mem>>
      %dma_start3A_167 = arith.constant 0 : i32
      %dma_start3A_168 = tpu.memref_slice %arg5[%arg0, %mul3A_165, %dma_start3A_167] : memref<2x10240x128xf32, #tpu.memory_space<hbm>> -> memref<1x640x48xf32, #tpu.memory_space<hbm>>
      %dma_start3A_169 = tpu.memref_squeeze %dma_start3A_168 : memref<1x640x48xf32, #tpu.memory_space<hbm>> -> memref<640x48xf32, #tpu.memory_space<hbm>>
      %dma_start3A_170 = arith.constant 0 : i32
      %dma_start3A_171 = tpu.memref_slice %arg9[%mul3A_163, %dma_start3A_170] : memref<10240x48xf32, #tpu.memory_space<vmem_shared>> -> memref<640x48xf32, #tpu.memory_space<vmem_shared>>
      tpu.enqueue_dma source(%dma_start3A_171 : memref<640x48xf32, #tpu.memory_space<vmem_shared>>) target(%dma_start3A_169 : memref<640x48xf32, #tpu.memory_space<hbm>>) target_semaphore(%run_scoped3A_166 : memref<!tpu.dma_semaphore, #tpu.memory_space<semaphore_mem>>)
      %dma_wait3A_172 = arith.constant 0 : i32
      %dma_wait3A_173 = tpu.memref_slice %arg5[%arg0, %mul3A_165, %dma_wait3A_172] : memref<2x10240x128xf32, #tpu.memory_space<hbm>> -> memref<1x640x48xf32, #tpu.memory_space<hbm>>
      %dma_wait3A_174 = tpu.memref_squeeze %dma_wait3A_173 : memref<1x640x48xf32, #tpu.memory_space<hbm>> -> memref<640x48xf32, #tpu.memory_space<hbm>>
      %dma_wait3A_175 = arith.constant 0 : i32
      %dma_wait3A_176 = tpu.memref_slice %arg9[%mul3A_163, %dma_wait3A_175] : memref<10240x48xf32, #tpu.memory_space<vmem_shared>> -> memref<640x48xf32, #tpu.memory_space<vmem_shared>>
      tpu.wait_dma2 semaphore(%run_scoped3A_166 : memref<!tpu.dma_semaphore, #tpu.memory_space<semaphore_mem>>) src(%dma_wait3A_176 : memref<640x48xf32, #tpu.memory_space<vmem_shared>>) dst(%dma_wait3A_174 : memref<640x48xf32, #tpu.memory_space<hbm>>)
      tpu.yield
    }) : () -> ()
    return
  }
}

#map = affine_map<(d0, d1) -> (0, 0, 0)>
module attributes {stable_mosaic.version = 14 : i64} {
  func.func @hist(%arg0: i32, %arg1: i32, %arg2: memref<32x80x128xi32, #tpu.memory_space<hbm>>, %arg3: memref<2x10240x128xf32, #tpu.memory_space<hbm>>, %arg4: memref<80x128xi32, #tpu.memory_space<vmem>>, %arg5: memref<128x16xf32, #tpu.memory_space<vmem>>, %arg6: memref<10240x16xf32, #tpu.memory_space<vmem_shared>>, %arg7: memref<!tpu.dma_semaphore, #tpu.memory_space<semaphore_mem>>) attributes {dimension_semantics = [#tpu.dimension_semantics<core_parallel>, #tpu.dimension_semantics<subcore_parallel>], iteration_bounds = array<i64: 2, 16>, scalar_prefetch = 0 : i64, scratch_operands = 4 : i64, tpu.core_type = #tpu.core_type<sc_vector_subcore>, window_params = [{transform_indices = #map}, {transform_indices = #map}]} {
    %mul3A = arith.constant 2 : i32
    %mul3A_0 = arith.muli %arg1, %mul3A : i32
    %add3A = arith.addi %mul3A_0, %arg0 : i32
    %scan3A = arith.constant 0 : i32
    %scan3A_1 = arith.constant 128 : i32
    %scan3A_2 = arith.addi %scan3A, %scan3A_1 : i32
    %scan3A_3 = arith.constant 1 : i32
    scf.for %scan3A_40 = %scan3A to %scan3A_2 step %scan3A_3  : i32 {
      %mul3A_41 = arith.constant 1 : i32
      %mul3A_42 = arith.muli %scan3A_40, %mul3A_41 : i32
      %add3A_43 = arith.constant 0 : i32
      %add3A_44 = arith.addi %add3A_43, %mul3A_42 : i32
      %broadcast_in_dim3A = arith.constant 0.000000e+00 : f32
      %broadcast_in_dim3A_45 = vector.broadcast %broadcast_in_dim3A : f32 to vector<16xf32>
      %swap3A = arith.index_cast %add3A_44 : i32 to index
      %swap3A_46 = arith.constant 0 : index
      %swap3A_47 = tpu.vector_load %arg5[%swap3A, %swap3A_46] {strides = array<i32>} : memref<128x16xf32, #tpu.memory_space<vmem>>, vector<1x16xf32>,
      %swap3A_48 = vector.shape_cast %swap3A_47 : vector<1x16xf32> to vector<16xf32>
      %swap3A_49 = vector.shape_cast %broadcast_in_dim3A_45 : vector<16xf32> to vector<1x16xf32>
      tpu.vector_store %arg5[%swap3A, %swap3A_46], %swap3A_49 {strides = array<i32>} : memref<128x16xf32, #tpu.memory_space<vmem>>, vector<1x16xf32>,
    }
    %scan3A_4 = arith.constant 128 : i32
    %mul3A_5 = arith.constant 640 : i32
    %mul3A_6 = arith.muli %arg1, %mul3A_5 : i32
    %add3A_7 = arith.constant 0 : i32
    %add3A_8 = arith.addi %mul3A_6, %add3A_7 : i32
    "tpu.region"() ({
      %run_scoped3A = tpu.sem_alloc : memref<!tpu.dma_semaphore, #tpu.memory_space<semaphore_mem>>
      %dma_start3A = arith.constant 0 : i32
      %dma_start3A_40 = tpu.memref_slice %arg6[%add3A_8, %dma_start3A] : memref<10240x16xf32, #tpu.memory_space<vmem_shared>> -> memref<128x16xf32, #tpu.memory_space<vmem_shared>>
      %dma_start3A_41 = arith.constant 0 : i32
      %dma_start3A_42 = tpu.memref_slice %arg6[%add3A_8, %dma_start3A_41] : memref<10240x16xf32, #tpu.memory_space<vmem_shared>> -> memref<128x16xf32, #tpu.memory_space<vmem_shared>>
      tpu.enqueue_dma source(%arg5 : memref<128x16xf32, #tpu.memory_space<vmem>>) target(%dma_start3A_42 : memref<128x16xf32, #tpu.memory_space<vmem_shared>>) target_semaphore(%run_scoped3A : memref<!tpu.dma_semaphore, #tpu.memory_space<semaphore_mem>>)
      %dma_wait3A = arith.constant 0 : i32
      %dma_wait3A_43 = tpu.memref_slice %arg6[%add3A_8, %dma_wait3A] : memref<10240x16xf32, #tpu.memory_space<vmem_shared>> -> memref<128x16xf32, #tpu.memory_space<vmem_shared>>
      %dma_wait3A_44 = arith.constant 0 : i32
      %dma_wait3A_45 = tpu.memref_slice %arg6[%add3A_8, %dma_wait3A_44] : memref<10240x16xf32, #tpu.memory_space<vmem_shared>> -> memref<128x16xf32, #tpu.memory_space<vmem_shared>>
      tpu.wait_dma2 semaphore(%run_scoped3A : memref<!tpu.dma_semaphore, #tpu.memory_space<semaphore_mem>>) src(%arg5 : memref<128x16xf32, #tpu.memory_space<vmem>>) dst(%dma_wait3A_45 : memref<128x16xf32, #tpu.memory_space<vmem_shared>>)
      tpu.yield
    }) : () -> ()
    %mul3A_9 = arith.constant 640 : i32
    %mul3A_10 = arith.muli %arg1, %mul3A_9 : i32
    %add3A_11 = arith.constant 128 : i32
    %add3A_12 = arith.addi %mul3A_10, %add3A_11 : i32
    "tpu.region"() ({
      %run_scoped3A = tpu.sem_alloc : memref<!tpu.dma_semaphore, #tpu.memory_space<semaphore_mem>>
      %dma_start3A = arith.constant 0 : i32
      %dma_start3A_40 = tpu.memref_slice %arg6[%add3A_12, %dma_start3A] : memref<10240x16xf32, #tpu.memory_space<vmem_shared>> -> memref<128x16xf32, #tpu.memory_space<vmem_shared>>
      %dma_start3A_41 = arith.constant 0 : i32
      %dma_start3A_42 = tpu.memref_slice %arg6[%add3A_12, %dma_start3A_41] : memref<10240x16xf32, #tpu.memory_space<vmem_shared>> -> memref<128x16xf32, #tpu.memory_space<vmem_shared>>
      tpu.enqueue_dma source(%arg5 : memref<128x16xf32, #tpu.memory_space<vmem>>) target(%dma_start3A_42 : memref<128x16xf32, #tpu.memory_space<vmem_shared>>) target_semaphore(%run_scoped3A : memref<!tpu.dma_semaphore, #tpu.memory_space<semaphore_mem>>)
      %dma_wait3A = arith.constant 0 : i32
      %dma_wait3A_43 = tpu.memref_slice %arg6[%add3A_12, %dma_wait3A] : memref<10240x16xf32, #tpu.memory_space<vmem_shared>> -> memref<128x16xf32, #tpu.memory_space<vmem_shared>>
      %dma_wait3A_44 = arith.constant 0 : i32
      %dma_wait3A_45 = tpu.memref_slice %arg6[%add3A_12, %dma_wait3A_44] : memref<10240x16xf32, #tpu.memory_space<vmem_shared>> -> memref<128x16xf32, #tpu.memory_space<vmem_shared>>
      tpu.wait_dma2 semaphore(%run_scoped3A : memref<!tpu.dma_semaphore, #tpu.memory_space<semaphore_mem>>) src(%arg5 : memref<128x16xf32, #tpu.memory_space<vmem>>) dst(%dma_wait3A_45 : memref<128x16xf32, #tpu.memory_space<vmem_shared>>)
      tpu.yield
    }) : () -> ()
    %mul3A_13 = arith.constant 640 : i32
    %mul3A_14 = arith.muli %arg1, %mul3A_13 : i32
    %add3A_15 = arith.constant 256 : i32
    %add3A_16 = arith.addi %mul3A_14, %add3A_15 : i32
    "tpu.region"() ({
      %run_scoped3A = tpu.sem_alloc : memref<!tpu.dma_semaphore, #tpu.memory_space<semaphore_mem>>
      %dma_start3A = arith.constant 0 : i32
      %dma_start3A_40 = tpu.memref_slice %arg6[%add3A_16, %dma_start3A] : memref<10240x16xf32, #tpu.memory_space<vmem_shared>> -> memref<128x16xf32, #tpu.memory_space<vmem_shared>>
      %dma_start3A_41 = arith.constant 0 : i32
      %dma_start3A_42 = tpu.memref_slice %arg6[%add3A_16, %dma_start3A_41] : memref<10240x16xf32, #tpu.memory_space<vmem_shared>> -> memref<128x16xf32, #tpu.memory_space<vmem_shared>>
      tpu.enqueue_dma source(%arg5 : memref<128x16xf32, #tpu.memory_space<vmem>>) target(%dma_start3A_42 : memref<128x16xf32, #tpu.memory_space<vmem_shared>>) target_semaphore(%run_scoped3A : memref<!tpu.dma_semaphore, #tpu.memory_space<semaphore_mem>>)
      %dma_wait3A = arith.constant 0 : i32
      %dma_wait3A_43 = tpu.memref_slice %arg6[%add3A_16, %dma_wait3A] : memref<10240x16xf32, #tpu.memory_space<vmem_shared>> -> memref<128x16xf32, #tpu.memory_space<vmem_shared>>
      %dma_wait3A_44 = arith.constant 0 : i32
      %dma_wait3A_45 = tpu.memref_slice %arg6[%add3A_16, %dma_wait3A_44] : memref<10240x16xf32, #tpu.memory_space<vmem_shared>> -> memref<128x16xf32, #tpu.memory_space<vmem_shared>>
      tpu.wait_dma2 semaphore(%run_scoped3A : memref<!tpu.dma_semaphore, #tpu.memory_space<semaphore_mem>>) src(%arg5 : memref<128x16xf32, #tpu.memory_space<vmem>>) dst(%dma_wait3A_45 : memref<128x16xf32, #tpu.memory_space<vmem_shared>>)
      tpu.yield
    }) : () -> ()
    %mul3A_17 = arith.constant 640 : i32
    %mul3A_18 = arith.muli %arg1, %mul3A_17 : i32
    %add3A_19 = arith.constant 384 : i32
    %add3A_20 = arith.addi %mul3A_18, %add3A_19 : i32
    "tpu.region"() ({
      %run_scoped3A = tpu.sem_alloc : memref<!tpu.dma_semaphore, #tpu.memory_space<semaphore_mem>>
      %dma_start3A = arith.constant 0 : i32
      %dma_start3A_40 = tpu.memref_slice %arg6[%add3A_20, %dma_start3A] : memref<10240x16xf32, #tpu.memory_space<vmem_shared>> -> memref<128x16xf32, #tpu.memory_space<vmem_shared>>
      %dma_start3A_41 = arith.constant 0 : i32
      %dma_start3A_42 = tpu.memref_slice %arg6[%add3A_20, %dma_start3A_41] : memref<10240x16xf32, #tpu.memory_space<vmem_shared>> -> memref<128x16xf32, #tpu.memory_space<vmem_shared>>
      tpu.enqueue_dma source(%arg5 : memref<128x16xf32, #tpu.memory_space<vmem>>) target(%dma_start3A_42 : memref<128x16xf32, #tpu.memory_space<vmem_shared>>) target_semaphore(%run_scoped3A : memref<!tpu.dma_semaphore, #tpu.memory_space<semaphore_mem>>)
      %dma_wait3A = arith.constant 0 : i32
      %dma_wait3A_43 = tpu.memref_slice %arg6[%add3A_20, %dma_wait3A] : memref<10240x16xf32, #tpu.memory_space<vmem_shared>> -> memref<128x16xf32, #tpu.memory_space<vmem_shared>>
      %dma_wait3A_44 = arith.constant 0 : i32
      %dma_wait3A_45 = tpu.memref_slice %arg6[%add3A_20, %dma_wait3A_44] : memref<10240x16xf32, #tpu.memory_space<vmem_shared>> -> memref<128x16xf32, #tpu.memory_space<vmem_shared>>
      tpu.wait_dma2 semaphore(%run_scoped3A : memref<!tpu.dma_semaphore, #tpu.memory_space<semaphore_mem>>) src(%arg5 : memref<128x16xf32, #tpu.memory_space<vmem>>) dst(%dma_wait3A_45 : memref<128x16xf32, #tpu.memory_space<vmem_shared>>)
      tpu.yield
    }) : () -> ()
    %mul3A_21 = arith.constant 640 : i32
    %mul3A_22 = arith.muli %arg1, %mul3A_21 : i32
    %add3A_23 = arith.constant 512 : i32
    %add3A_24 = arith.addi %mul3A_22, %add3A_23 : i32
    "tpu.region"() ({
      %run_scoped3A = tpu.sem_alloc : memref<!tpu.dma_semaphore, #tpu.memory_space<semaphore_mem>>
      %dma_start3A = arith.constant 0 : i32
      %dma_start3A_40 = tpu.memref_slice %arg6[%add3A_24, %dma_start3A] : memref<10240x16xf32, #tpu.memory_space<vmem_shared>> -> memref<128x16xf32, #tpu.memory_space<vmem_shared>>
      %dma_start3A_41 = arith.constant 0 : i32
      %dma_start3A_42 = tpu.memref_slice %arg6[%add3A_24, %dma_start3A_41] : memref<10240x16xf32, #tpu.memory_space<vmem_shared>> -> memref<128x16xf32, #tpu.memory_space<vmem_shared>>
      tpu.enqueue_dma source(%arg5 : memref<128x16xf32, #tpu.memory_space<vmem>>) target(%dma_start3A_42 : memref<128x16xf32, #tpu.memory_space<vmem_shared>>) target_semaphore(%run_scoped3A : memref<!tpu.dma_semaphore, #tpu.memory_space<semaphore_mem>>)
      %dma_wait3A = arith.constant 0 : i32
      %dma_wait3A_43 = tpu.memref_slice %arg6[%add3A_24, %dma_wait3A] : memref<10240x16xf32, #tpu.memory_space<vmem_shared>> -> memref<128x16xf32, #tpu.memory_space<vmem_shared>>
      %dma_wait3A_44 = arith.constant 0 : i32
      %dma_wait3A_45 = tpu.memref_slice %arg6[%add3A_24, %dma_wait3A_44] : memref<10240x16xf32, #tpu.memory_space<vmem_shared>> -> memref<128x16xf32, #tpu.memory_space<vmem_shared>>
      tpu.wait_dma2 semaphore(%run_scoped3A : memref<!tpu.dma_semaphore, #tpu.memory_space<semaphore_mem>>) src(%arg5 : memref<128x16xf32, #tpu.memory_space<vmem>>) dst(%dma_wait3A_45 : memref<128x16xf32, #tpu.memory_space<vmem_shared>>)
      tpu.yield
    }) : () -> ()
    %scan3A_25 = arith.constant 0 : i32
    %scan3A_26 = arith.constant 128 : i32
    %scan3A_27 = arith.addi %scan3A_25, %scan3A_26 : i32
    %scan3A_28 = arith.constant 1 : i32
    scf.for %scan3A_40 = %scan3A_25 to %scan3A_27 step %scan3A_28  : i32 {
      %mul3A_41 = arith.constant 1 : i32
      %mul3A_42 = arith.muli %scan3A_40, %mul3A_41 : i32
      %add3A_43 = arith.constant 0 : i32
      %add3A_44 = arith.addi %add3A_43, %mul3A_42 : i32
      %broadcast_in_dim3A = arith.constant 1.000000e+00 : f32
      %broadcast_in_dim3A_45 = vector.broadcast %broadcast_in_dim3A : f32 to vector<16xf32>
      %swap3A = arith.index_cast %add3A_44 : i32 to index
      %swap3A_46 = arith.constant 0 : index
      %swap3A_47 = tpu.vector_load %arg5[%swap3A, %swap3A_46] {strides = array<i32>} : memref<128x16xf32, #tpu.memory_space<vmem>>, vector<1x16xf32>,
      %swap3A_48 = vector.shape_cast %swap3A_47 : vector<1x16xf32> to vector<16xf32>
      %swap3A_49 = vector.shape_cast %broadcast_in_dim3A_45 : vector<16xf32> to vector<1x16xf32>
      tpu.vector_store %arg5[%swap3A, %swap3A_46], %swap3A_49 {strides = array<i32>} : memref<128x16xf32, #tpu.memory_space<vmem>>, vector<1x16xf32>,
    }
    %scan3A_29 = arith.constant 128 : i32
    "tpu.region"() ({
      %run_scoped3A = tpu.sem_alloc : memref<!tpu.dma_semaphore, #tpu.memory_space<semaphore_mem>>
      %dma_start3A = arith.constant 0 : i32
      %dma_start3A_40 = arith.constant 0 : i32
      %dma_start3A_41 = tpu.memref_slice %arg2[%add3A, %dma_start3A, %dma_start3A_40] : memref<32x80x128xi32, #tpu.memory_space<hbm>> -> memref<1x80x128xi32, #tpu.memory_space<hbm>>
      %dma_start3A_42 = tpu.memref_squeeze %dma_start3A_41 : memref<1x80x128xi32, #tpu.memory_space<hbm>> -> memref<80x128xi32, #tpu.memory_space<hbm>>
      %dma_start3A_43 = arith.constant 0 : i32
      %dma_start3A_44 = arith.constant 0 : i32
      %dma_start3A_45 = tpu.memref_slice %arg2[%add3A, %dma_start3A_43, %dma_start3A_44] : memref<32x80x128xi32, #tpu.memory_space<hbm>> -> memref<1x80x128xi32, #tpu.memory_space<hbm>>
      %dma_start3A_46 = tpu.memref_squeeze %dma_start3A_45 : memref<1x80x128xi32, #tpu.memory_space<hbm>> -> memref<80x128xi32, #tpu.memory_space<hbm>>
      tpu.enqueue_dma source(%dma_start3A_46 : memref<80x128xi32, #tpu.memory_space<hbm>>) target(%arg4 : memref<80x128xi32, #tpu.memory_space<vmem>>) target_semaphore(%run_scoped3A : memref<!tpu.dma_semaphore, #tpu.memory_space<semaphore_mem>>)
      %dma_wait3A = arith.constant 0 : i32
      %dma_wait3A_47 = arith.constant 0 : i32
      %dma_wait3A_48 = tpu.memref_slice %arg2[%add3A, %dma_wait3A, %dma_wait3A_47] : memref<32x80x128xi32, #tpu.memory_space<hbm>> -> memref<1x80x128xi32, #tpu.memory_space<hbm>>
      %dma_wait3A_49 = tpu.memref_squeeze %dma_wait3A_48 : memref<1x80x128xi32, #tpu.memory_space<hbm>> -> memref<80x128xi32, #tpu.memory_space<hbm>>
      %dma_wait3A_50 = arith.constant 0 : i32
      %dma_wait3A_51 = arith.constant 0 : i32
      %dma_wait3A_52 = tpu.memref_slice %arg2[%add3A, %dma_wait3A_50, %dma_wait3A_51] : memref<32x80x128xi32, #tpu.memory_space<hbm>> -> memref<1x80x128xi32, #tpu.memory_space<hbm>>
      %dma_wait3A_53 = tpu.memref_squeeze %dma_wait3A_52 : memref<1x80x128xi32, #tpu.memory_space<hbm>> -> memref<80x128xi32, #tpu.memory_space<hbm>>
      tpu.wait_dma2 semaphore(%run_scoped3A : memref<!tpu.dma_semaphore, #tpu.memory_space<semaphore_mem>>) src(%dma_wait3A_53 : memref<80x128xi32, #tpu.memory_space<hbm>>) dst(%arg4 : memref<80x128xi32, #tpu.memory_space<vmem>>)
      tpu.yield
    }) : () -> ()
    %barrier3A = arith.constant 0 : index
    tpu.barrier barrier_id(%barrier3A)
    %scan3A_30 = arith.constant 0 : i32
    %scan3A_31 = arith.constant 5 : i32
    %scan3A_32 = arith.addi %scan3A_30, %scan3A_31 : i32
    %scan3A_33 = arith.constant 1 : i32
    scf.for %scan3A_40 = %scan3A_30 to %scan3A_32 step %scan3A_33  : i32 {
      %mul3A_41 = arith.constant 16 : i32
      %mul3A_42 = arith.muli %scan3A_40, %mul3A_41 : i32
      %add3A_43 = arith.constant 0 : i32
      %add3A_44 = arith.addi %add3A_43, %mul3A_42 : i32
      %add3A_45 = arith.constant 0 : i32
      %add3A_46 = arith.addi %add3A_44, %add3A_45 : i32
      %dma_start3A = arith.constant 0 : i32
      %dma_start3A_47 = tpu.memref_slice %arg4[%add3A_46, %dma_start3A] : memref<80x128xi32, #tpu.memory_space<vmem>> -> memref<1x128xi32, #tpu.memory_space<vmem>>
      %dma_start3A_48 = tpu.memref_squeeze %dma_start3A_47 : memref<1x128xi32, #tpu.memory_space<vmem>> -> memref<128xi32, #tpu.memory_space<vmem>>
      %dma_start3A_49 = arith.constant 0 : i32
      %dma_start3A_50 = arith.constant 0 : i32
      %dma_start3A_51 = tpu.memref_slice %arg6[%dma_start3A_49, %dma_start3A_50] : memref<10240x16xf32, #tpu.memory_space<vmem_shared>> -> memref<10240x16xf32, #tpu.memory_space<vmem_shared>>
      tpu.enqueue_indirect_dma source(%arg5 : memref<128x16xf32, #tpu.memory_space<vmem>>) target(%dma_start3A_51 : memref<10240x16xf32, #tpu.memory_space<vmem_shared>>) offsets(%dma_start3A_48 : memref<128xi32, #tpu.memory_space<vmem>>) semaphore(%arg7 : memref<!tpu.dma_semaphore, #tpu.memory_space<semaphore_mem>>) {add = true}
      %add3A_52 = arith.constant 1 : i32
      %add3A_53 = arith.addi %add3A_44, %add3A_52 : i32
      %dma_start3A_54 = arith.constant 0 : i32
      %dma_start3A_55 = tpu.memref_slice %arg4[%add3A_53, %dma_start3A_54] : memref<80x128xi32, #tpu.memory_space<vmem>> -> memref<1x128xi32, #tpu.memory_space<vmem>>
      %dma_start3A_56 = tpu.memref_squeeze %dma_start3A_55 : memref<1x128xi32, #tpu.memory_space<vmem>> -> memref<128xi32, #tpu.memory_space<vmem>>
      %dma_start3A_57 = arith.constant 0 : i32
      %dma_start3A_58 = arith.constant 0 : i32
      %dma_start3A_59 = tpu.memref_slice %arg6[%dma_start3A_57, %dma_start3A_58] : memref<10240x16xf32, #tpu.memory_space<vmem_shared>> -> memref<10240x16xf32, #tpu.memory_space<vmem_shared>>
      tpu.enqueue_indirect_dma source(%arg5 : memref<128x16xf32, #tpu.memory_space<vmem>>) target(%dma_start3A_59 : memref<10240x16xf32, #tpu.memory_space<vmem_shared>>) offsets(%dma_start3A_56 : memref<128xi32, #tpu.memory_space<vmem>>) semaphore(%arg7 : memref<!tpu.dma_semaphore, #tpu.memory_space<semaphore_mem>>) {add = true}
      %add3A_60 = arith.constant 2 : i32
      %add3A_61 = arith.addi %add3A_44, %add3A_60 : i32
      %dma_start3A_62 = arith.constant 0 : i32
      %dma_start3A_63 = tpu.memref_slice %arg4[%add3A_61, %dma_start3A_62] : memref<80x128xi32, #tpu.memory_space<vmem>> -> memref<1x128xi32, #tpu.memory_space<vmem>>
      %dma_start3A_64 = tpu.memref_squeeze %dma_start3A_63 : memref<1x128xi32, #tpu.memory_space<vmem>> -> memref<128xi32, #tpu.memory_space<vmem>>
      %dma_start3A_65 = arith.constant 0 : i32
      %dma_start3A_66 = arith.constant 0 : i32
      %dma_start3A_67 = tpu.memref_slice %arg6[%dma_start3A_65, %dma_start3A_66] : memref<10240x16xf32, #tpu.memory_space<vmem_shared>> -> memref<10240x16xf32, #tpu.memory_space<vmem_shared>>
      tpu.enqueue_indirect_dma source(%arg5 : memref<128x16xf32, #tpu.memory_space<vmem>>) target(%dma_start3A_67 : memref<10240x16xf32, #tpu.memory_space<vmem_shared>>) offsets(%dma_start3A_64 : memref<128xi32, #tpu.memory_space<vmem>>) semaphore(%arg7 : memref<!tpu.dma_semaphore, #tpu.memory_space<semaphore_mem>>) {add = true}
      %add3A_68 = arith.constant 3 : i32
      %add3A_69 = arith.addi %add3A_44, %add3A_68 : i32
      %dma_start3A_70 = arith.constant 0 : i32
      %dma_start3A_71 = tpu.memref_slice %arg4[%add3A_69, %dma_start3A_70] : memref<80x128xi32, #tpu.memory_space<vmem>> -> memref<1x128xi32, #tpu.memory_space<vmem>>
      %dma_start3A_72 = tpu.memref_squeeze %dma_start3A_71 : memref<1x128xi32, #tpu.memory_space<vmem>> -> memref<128xi32, #tpu.memory_space<vmem>>
      %dma_start3A_73 = arith.constant 0 : i32
      %dma_start3A_74 = arith.constant 0 : i32
      %dma_start3A_75 = tpu.memref_slice %arg6[%dma_start3A_73, %dma_start3A_74] : memref<10240x16xf32, #tpu.memory_space<vmem_shared>> -> memref<10240x16xf32, #tpu.memory_space<vmem_shared>>
      tpu.enqueue_indirect_dma source(%arg5 : memref<128x16xf32, #tpu.memory_space<vmem>>) target(%dma_start3A_75 : memref<10240x16xf32, #tpu.memory_space<vmem_shared>>) offsets(%dma_start3A_72 : memref<128xi32, #tpu.memory_space<vmem>>) semaphore(%arg7 : memref<!tpu.dma_semaphore, #tpu.memory_space<semaphore_mem>>) {add = true}
      %add3A_76 = arith.constant 4 : i32
      %add3A_77 = arith.addi %add3A_44, %add3A_76 : i32
      %dma_start3A_78 = arith.constant 0 : i32
      %dma_start3A_79 = tpu.memref_slice %arg4[%add3A_77, %dma_start3A_78] : memref<80x128xi32, #tpu.memory_space<vmem>> -> memref<1x128xi32, #tpu.memory_space<vmem>>
      %dma_start3A_80 = tpu.memref_squeeze %dma_start3A_79 : memref<1x128xi32, #tpu.memory_space<vmem>> -> memref<128xi32, #tpu.memory_space<vmem>>
      %dma_start3A_81 = arith.constant 0 : i32
      %dma_start3A_82 = arith.constant 0 : i32
      %dma_start3A_83 = tpu.memref_slice %arg6[%dma_start3A_81, %dma_start3A_82] : memref<10240x16xf32, #tpu.memory_space<vmem_shared>> -> memref<10240x16xf32, #tpu.memory_space<vmem_shared>>
      tpu.enqueue_indirect_dma source(%arg5 : memref<128x16xf32, #tpu.memory_space<vmem>>) target(%dma_start3A_83 : memref<10240x16xf32, #tpu.memory_space<vmem_shared>>) offsets(%dma_start3A_80 : memref<128xi32, #tpu.memory_space<vmem>>) semaphore(%arg7 : memref<!tpu.dma_semaphore, #tpu.memory_space<semaphore_mem>>) {add = true}
      %add3A_84 = arith.constant 5 : i32
      %add3A_85 = arith.addi %add3A_44, %add3A_84 : i32
      %dma_start3A_86 = arith.constant 0 : i32
      %dma_start3A_87 = tpu.memref_slice %arg4[%add3A_85, %dma_start3A_86] : memref<80x128xi32, #tpu.memory_space<vmem>> -> memref<1x128xi32, #tpu.memory_space<vmem>>
      %dma_start3A_88 = tpu.memref_squeeze %dma_start3A_87 : memref<1x128xi32, #tpu.memory_space<vmem>> -> memref<128xi32, #tpu.memory_space<vmem>>
      %dma_start3A_89 = arith.constant 0 : i32
      %dma_start3A_90 = arith.constant 0 : i32
      %dma_start3A_91 = tpu.memref_slice %arg6[%dma_start3A_89, %dma_start3A_90] : memref<10240x16xf32, #tpu.memory_space<vmem_shared>> -> memref<10240x16xf32, #tpu.memory_space<vmem_shared>>
      tpu.enqueue_indirect_dma source(%arg5 : memref<128x16xf32, #tpu.memory_space<vmem>>) target(%dma_start3A_91 : memref<10240x16xf32, #tpu.memory_space<vmem_shared>>) offsets(%dma_start3A_88 : memref<128xi32, #tpu.memory_space<vmem>>) semaphore(%arg7 : memref<!tpu.dma_semaphore, #tpu.memory_space<semaphore_mem>>) {add = true}
      %add3A_92 = arith.constant 6 : i32
      %add3A_93 = arith.addi %add3A_44, %add3A_92 : i32
      %dma_start3A_94 = arith.constant 0 : i32
      %dma_start3A_95 = tpu.memref_slice %arg4[%add3A_93, %dma_start3A_94] : memref<80x128xi32, #tpu.memory_space<vmem>> -> memref<1x128xi32, #tpu.memory_space<vmem>>
      %dma_start3A_96 = tpu.memref_squeeze %dma_start3A_95 : memref<1x128xi32, #tpu.memory_space<vmem>> -> memref<128xi32, #tpu.memory_space<vmem>>
      %dma_start3A_97 = arith.constant 0 : i32
      %dma_start3A_98 = arith.constant 0 : i32
      %dma_start3A_99 = tpu.memref_slice %arg6[%dma_start3A_97, %dma_start3A_98] : memref<10240x16xf32, #tpu.memory_space<vmem_shared>> -> memref<10240x16xf32, #tpu.memory_space<vmem_shared>>
      tpu.enqueue_indirect_dma source(%arg5 : memref<128x16xf32, #tpu.memory_space<vmem>>) target(%dma_start3A_99 : memref<10240x16xf32, #tpu.memory_space<vmem_shared>>) offsets(%dma_start3A_96 : memref<128xi32, #tpu.memory_space<vmem>>) semaphore(%arg7 : memref<!tpu.dma_semaphore, #tpu.memory_space<semaphore_mem>>) {add = true}
      %add3A_100 = arith.constant 7 : i32
      %add3A_101 = arith.addi %add3A_44, %add3A_100 : i32
      %dma_start3A_102 = arith.constant 0 : i32
      %dma_start3A_103 = tpu.memref_slice %arg4[%add3A_101, %dma_start3A_102] : memref<80x128xi32, #tpu.memory_space<vmem>> -> memref<1x128xi32, #tpu.memory_space<vmem>>
      %dma_start3A_104 = tpu.memref_squeeze %dma_start3A_103 : memref<1x128xi32, #tpu.memory_space<vmem>> -> memref<128xi32, #tpu.memory_space<vmem>>
      %dma_start3A_105 = arith.constant 0 : i32
      %dma_start3A_106 = arith.constant 0 : i32
      %dma_start3A_107 = tpu.memref_slice %arg6[%dma_start3A_105, %dma_start3A_106] : memref<10240x16xf32, #tpu.memory_space<vmem_shared>> -> memref<10240x16xf32, #tpu.memory_space<vmem_shared>>
      tpu.enqueue_indirect_dma source(%arg5 : memref<128x16xf32, #tpu.memory_space<vmem>>) target(%dma_start3A_107 : memref<10240x16xf32, #tpu.memory_space<vmem_shared>>) offsets(%dma_start3A_104 : memref<128xi32, #tpu.memory_space<vmem>>) semaphore(%arg7 : memref<!tpu.dma_semaphore, #tpu.memory_space<semaphore_mem>>) {add = true}
      %add3A_108 = arith.constant 8 : i32
      %add3A_109 = arith.addi %add3A_44, %add3A_108 : i32
      %dma_start3A_110 = arith.constant 0 : i32
      %dma_start3A_111 = tpu.memref_slice %arg4[%add3A_109, %dma_start3A_110] : memref<80x128xi32, #tpu.memory_space<vmem>> -> memref<1x128xi32, #tpu.memory_space<vmem>>
      %dma_start3A_112 = tpu.memref_squeeze %dma_start3A_111 : memref<1x128xi32, #tpu.memory_space<vmem>> -> memref<128xi32, #tpu.memory_space<vmem>>
      %dma_start3A_113 = arith.constant 0 : i32
      %dma_start3A_114 = arith.constant 0 : i32
      %dma_start3A_115 = tpu.memref_slice %arg6[%dma_start3A_113, %dma_start3A_114] : memref<10240x16xf32, #tpu.memory_space<vmem_shared>> -> memref<10240x16xf32, #tpu.memory_space<vmem_shared>>
      tpu.enqueue_indirect_dma source(%arg5 : memref<128x16xf32, #tpu.memory_space<vmem>>) target(%dma_start3A_115 : memref<10240x16xf32, #tpu.memory_space<vmem_shared>>) offsets(%dma_start3A_112 : memref<128xi32, #tpu.memory_space<vmem>>) semaphore(%arg7 : memref<!tpu.dma_semaphore, #tpu.memory_space<semaphore_mem>>) {add = true}
      %add3A_116 = arith.constant 9 : i32
      %add3A_117 = arith.addi %add3A_44, %add3A_116 : i32
      %dma_start3A_118 = arith.constant 0 : i32
      %dma_start3A_119 = tpu.memref_slice %arg4[%add3A_117, %dma_start3A_118] : memref<80x128xi32, #tpu.memory_space<vmem>> -> memref<1x128xi32, #tpu.memory_space<vmem>>
      %dma_start3A_120 = tpu.memref_squeeze %dma_start3A_119 : memref<1x128xi32, #tpu.memory_space<vmem>> -> memref<128xi32, #tpu.memory_space<vmem>>
      %dma_start3A_121 = arith.constant 0 : i32
      %dma_start3A_122 = arith.constant 0 : i32
      %dma_start3A_123 = tpu.memref_slice %arg6[%dma_start3A_121, %dma_start3A_122] : memref<10240x16xf32, #tpu.memory_space<vmem_shared>> -> memref<10240x16xf32, #tpu.memory_space<vmem_shared>>
      tpu.enqueue_indirect_dma source(%arg5 : memref<128x16xf32, #tpu.memory_space<vmem>>) target(%dma_start3A_123 : memref<10240x16xf32, #tpu.memory_space<vmem_shared>>) offsets(%dma_start3A_120 : memref<128xi32, #tpu.memory_space<vmem>>) semaphore(%arg7 : memref<!tpu.dma_semaphore, #tpu.memory_space<semaphore_mem>>) {add = true}
      %add3A_124 = arith.constant 10 : i32
      %add3A_125 = arith.addi %add3A_44, %add3A_124 : i32
      %dma_start3A_126 = arith.constant 0 : i32
      %dma_start3A_127 = tpu.memref_slice %arg4[%add3A_125, %dma_start3A_126] : memref<80x128xi32, #tpu.memory_space<vmem>> -> memref<1x128xi32, #tpu.memory_space<vmem>>
      %dma_start3A_128 = tpu.memref_squeeze %dma_start3A_127 : memref<1x128xi32, #tpu.memory_space<vmem>> -> memref<128xi32, #tpu.memory_space<vmem>>
      %dma_start3A_129 = arith.constant 0 : i32
      %dma_start3A_130 = arith.constant 0 : i32
      %dma_start3A_131 = tpu.memref_slice %arg6[%dma_start3A_129, %dma_start3A_130] : memref<10240x16xf32, #tpu.memory_space<vmem_shared>> -> memref<10240x16xf32, #tpu.memory_space<vmem_shared>>
      tpu.enqueue_indirect_dma source(%arg5 : memref<128x16xf32, #tpu.memory_space<vmem>>) target(%dma_start3A_131 : memref<10240x16xf32, #tpu.memory_space<vmem_shared>>) offsets(%dma_start3A_128 : memref<128xi32, #tpu.memory_space<vmem>>) semaphore(%arg7 : memref<!tpu.dma_semaphore, #tpu.memory_space<semaphore_mem>>) {add = true}
      %add3A_132 = arith.constant 11 : i32
      %add3A_133 = arith.addi %add3A_44, %add3A_132 : i32
      %dma_start3A_134 = arith.constant 0 : i32
      %dma_start3A_135 = tpu.memref_slice %arg4[%add3A_133, %dma_start3A_134] : memref<80x128xi32, #tpu.memory_space<vmem>> -> memref<1x128xi32, #tpu.memory_space<vmem>>
      %dma_start3A_136 = tpu.memref_squeeze %dma_start3A_135 : memref<1x128xi32, #tpu.memory_space<vmem>> -> memref<128xi32, #tpu.memory_space<vmem>>
      %dma_start3A_137 = arith.constant 0 : i32
      %dma_start3A_138 = arith.constant 0 : i32
      %dma_start3A_139 = tpu.memref_slice %arg6[%dma_start3A_137, %dma_start3A_138] : memref<10240x16xf32, #tpu.memory_space<vmem_shared>> -> memref<10240x16xf32, #tpu.memory_space<vmem_shared>>
      tpu.enqueue_indirect_dma source(%arg5 : memref<128x16xf32, #tpu.memory_space<vmem>>) target(%dma_start3A_139 : memref<10240x16xf32, #tpu.memory_space<vmem_shared>>) offsets(%dma_start3A_136 : memref<128xi32, #tpu.memory_space<vmem>>) semaphore(%arg7 : memref<!tpu.dma_semaphore, #tpu.memory_space<semaphore_mem>>) {add = true}
      %add3A_140 = arith.constant 12 : i32
      %add3A_141 = arith.addi %add3A_44, %add3A_140 : i32
      %dma_start3A_142 = arith.constant 0 : i32
      %dma_start3A_143 = tpu.memref_slice %arg4[%add3A_141, %dma_start3A_142] : memref<80x128xi32, #tpu.memory_space<vmem>> -> memref<1x128xi32, #tpu.memory_space<vmem>>
      %dma_start3A_144 = tpu.memref_squeeze %dma_start3A_143 : memref<1x128xi32, #tpu.memory_space<vmem>> -> memref<128xi32, #tpu.memory_space<vmem>>
      %dma_start3A_145 = arith.constant 0 : i32
      %dma_start3A_146 = arith.constant 0 : i32
      %dma_start3A_147 = tpu.memref_slice %arg6[%dma_start3A_145, %dma_start3A_146] : memref<10240x16xf32, #tpu.memory_space<vmem_shared>> -> memref<10240x16xf32, #tpu.memory_space<vmem_shared>>
      tpu.enqueue_indirect_dma source(%arg5 : memref<128x16xf32, #tpu.memory_space<vmem>>) target(%dma_start3A_147 : memref<10240x16xf32, #tpu.memory_space<vmem_shared>>) offsets(%dma_start3A_144 : memref<128xi32, #tpu.memory_space<vmem>>) semaphore(%arg7 : memref<!tpu.dma_semaphore, #tpu.memory_space<semaphore_mem>>) {add = true}
      %add3A_148 = arith.constant 13 : i32
      %add3A_149 = arith.addi %add3A_44, %add3A_148 : i32
      %dma_start3A_150 = arith.constant 0 : i32
      %dma_start3A_151 = tpu.memref_slice %arg4[%add3A_149, %dma_start3A_150] : memref<80x128xi32, #tpu.memory_space<vmem>> -> memref<1x128xi32, #tpu.memory_space<vmem>>
      %dma_start3A_152 = tpu.memref_squeeze %dma_start3A_151 : memref<1x128xi32, #tpu.memory_space<vmem>> -> memref<128xi32, #tpu.memory_space<vmem>>
      %dma_start3A_153 = arith.constant 0 : i32
      %dma_start3A_154 = arith.constant 0 : i32
      %dma_start3A_155 = tpu.memref_slice %arg6[%dma_start3A_153, %dma_start3A_154] : memref<10240x16xf32, #tpu.memory_space<vmem_shared>> -> memref<10240x16xf32, #tpu.memory_space<vmem_shared>>
      tpu.enqueue_indirect_dma source(%arg5 : memref<128x16xf32, #tpu.memory_space<vmem>>) target(%dma_start3A_155 : memref<10240x16xf32, #tpu.memory_space<vmem_shared>>) offsets(%dma_start3A_152 : memref<128xi32, #tpu.memory_space<vmem>>) semaphore(%arg7 : memref<!tpu.dma_semaphore, #tpu.memory_space<semaphore_mem>>) {add = true}
      %add3A_156 = arith.constant 14 : i32
      %add3A_157 = arith.addi %add3A_44, %add3A_156 : i32
      %dma_start3A_158 = arith.constant 0 : i32
      %dma_start3A_159 = tpu.memref_slice %arg4[%add3A_157, %dma_start3A_158] : memref<80x128xi32, #tpu.memory_space<vmem>> -> memref<1x128xi32, #tpu.memory_space<vmem>>
      %dma_start3A_160 = tpu.memref_squeeze %dma_start3A_159 : memref<1x128xi32, #tpu.memory_space<vmem>> -> memref<128xi32, #tpu.memory_space<vmem>>
      %dma_start3A_161 = arith.constant 0 : i32
      %dma_start3A_162 = arith.constant 0 : i32
      %dma_start3A_163 = tpu.memref_slice %arg6[%dma_start3A_161, %dma_start3A_162] : memref<10240x16xf32, #tpu.memory_space<vmem_shared>> -> memref<10240x16xf32, #tpu.memory_space<vmem_shared>>
      tpu.enqueue_indirect_dma source(%arg5 : memref<128x16xf32, #tpu.memory_space<vmem>>) target(%dma_start3A_163 : memref<10240x16xf32, #tpu.memory_space<vmem_shared>>) offsets(%dma_start3A_160 : memref<128xi32, #tpu.memory_space<vmem>>) semaphore(%arg7 : memref<!tpu.dma_semaphore, #tpu.memory_space<semaphore_mem>>) {add = true}
      %add3A_164 = arith.constant 15 : i32
      %add3A_165 = arith.addi %add3A_44, %add3A_164 : i32
      %dma_start3A_166 = arith.constant 0 : i32
      %dma_start3A_167 = tpu.memref_slice %arg4[%add3A_165, %dma_start3A_166] : memref<80x128xi32, #tpu.memory_space<vmem>> -> memref<1x128xi32, #tpu.memory_space<vmem>>
      %dma_start3A_168 = tpu.memref_squeeze %dma_start3A_167 : memref<1x128xi32, #tpu.memory_space<vmem>> -> memref<128xi32, #tpu.memory_space<vmem>>
      %dma_start3A_169 = arith.constant 0 : i32
      %dma_start3A_170 = arith.constant 0 : i32
      %dma_start3A_171 = tpu.memref_slice %arg6[%dma_start3A_169, %dma_start3A_170] : memref<10240x16xf32, #tpu.memory_space<vmem_shared>> -> memref<10240x16xf32, #tpu.memory_space<vmem_shared>>
      tpu.enqueue_indirect_dma source(%arg5 : memref<128x16xf32, #tpu.memory_space<vmem>>) target(%dma_start3A_171 : memref<10240x16xf32, #tpu.memory_space<vmem_shared>>) offsets(%dma_start3A_168 : memref<128xi32, #tpu.memory_space<vmem>>) semaphore(%arg7 : memref<!tpu.dma_semaphore, #tpu.memory_space<semaphore_mem>>) {add = true}
      %add3A_172 = arith.constant 0 : i32
      %add3A_173 = arith.addi %add3A_44, %add3A_172 : i32
      %dma_wait3A = arith.constant 0 : i32
      %dma_wait3A_174 = tpu.memref_slice %arg4[%add3A_173, %dma_wait3A] : memref<80x128xi32, #tpu.memory_space<vmem>> -> memref<1x128xi32, #tpu.memory_space<vmem>>
      %dma_wait3A_175 = tpu.memref_squeeze %dma_wait3A_174 : memref<1x128xi32, #tpu.memory_space<vmem>> -> memref<128xi32, #tpu.memory_space<vmem>>
      %dma_wait3A_176 = arith.constant 0 : i32
      %dma_wait3A_177 = arith.constant 0 : i32
      %dma_wait3A_178 = tpu.memref_slice %arg6[%dma_wait3A_176, %dma_wait3A_177] : memref<10240x16xf32, #tpu.memory_space<vmem_shared>> -> memref<10240x16xf32, #tpu.memory_space<vmem_shared>>
      tpu.wait_indirect_dma semaphore(%arg7 : memref<!tpu.dma_semaphore, #tpu.memory_space<semaphore_mem>>) src(%arg5 : memref<128x16xf32, #tpu.memory_space<vmem>>) dst(%dma_wait3A_178 : memref<10240x16xf32, #tpu.memory_space<vmem_shared>>)
      %add3A_179 = arith.constant 1 : i32
      %add3A_180 = arith.addi %add3A_44, %add3A_179 : i32
      %dma_wait3A_181 = arith.constant 0 : i32
      %dma_wait3A_182 = tpu.memref_slice %arg4[%add3A_180, %dma_wait3A_181] : memref<80x128xi32, #tpu.memory_space<vmem>> -> memref<1x128xi32, #tpu.memory_space<vmem>>
      %dma_wait3A_183 = tpu.memref_squeeze %dma_wait3A_182 : memref<1x128xi32, #tpu.memory_space<vmem>> -> memref<128xi32, #tpu.memory_space<vmem>>
      %dma_wait3A_184 = arith.constant 0 : i32
      %dma_wait3A_185 = arith.constant 0 : i32
      %dma_wait3A_186 = tpu.memref_slice %arg6[%dma_wait3A_184, %dma_wait3A_185] : memref<10240x16xf32, #tpu.memory_space<vmem_shared>> -> memref<10240x16xf32, #tpu.memory_space<vmem_shared>>
      tpu.wait_indirect_dma semaphore(%arg7 : memref<!tpu.dma_semaphore, #tpu.memory_space<semaphore_mem>>) src(%arg5 : memref<128x16xf32, #tpu.memory_space<vmem>>) dst(%dma_wait3A_186 : memref<10240x16xf32, #tpu.memory_space<vmem_shared>>)
      %add3A_187 = arith.constant 2 : i32
      %add3A_188 = arith.addi %add3A_44, %add3A_187 : i32
      %dma_wait3A_189 = arith.constant 0 : i32
      %dma_wait3A_190 = tpu.memref_slice %arg4[%add3A_188, %dma_wait3A_189] : memref<80x128xi32, #tpu.memory_space<vmem>> -> memref<1x128xi32, #tpu.memory_space<vmem>>
      %dma_wait3A_191 = tpu.memref_squeeze %dma_wait3A_190 : memref<1x128xi32, #tpu.memory_space<vmem>> -> memref<128xi32, #tpu.memory_space<vmem>>
      %dma_wait3A_192 = arith.constant 0 : i32
      %dma_wait3A_193 = arith.constant 0 : i32
      %dma_wait3A_194 = tpu.memref_slice %arg6[%dma_wait3A_192, %dma_wait3A_193] : memref<10240x16xf32, #tpu.memory_space<vmem_shared>> -> memref<10240x16xf32, #tpu.memory_space<vmem_shared>>
      tpu.wait_indirect_dma semaphore(%arg7 : memref<!tpu.dma_semaphore, #tpu.memory_space<semaphore_mem>>) src(%arg5 : memref<128x16xf32, #tpu.memory_space<vmem>>) dst(%dma_wait3A_194 : memref<10240x16xf32, #tpu.memory_space<vmem_shared>>)
      %add3A_195 = arith.constant 3 : i32
      %add3A_196 = arith.addi %add3A_44, %add3A_195 : i32
      %dma_wait3A_197 = arith.constant 0 : i32
      %dma_wait3A_198 = tpu.memref_slice %arg4[%add3A_196, %dma_wait3A_197] : memref<80x128xi32, #tpu.memory_space<vmem>> -> memref<1x128xi32, #tpu.memory_space<vmem>>
      %dma_wait3A_199 = tpu.memref_squeeze %dma_wait3A_198 : memref<1x128xi32, #tpu.memory_space<vmem>> -> memref<128xi32, #tpu.memory_space<vmem>>
      %dma_wait3A_200 = arith.constant 0 : i32
      %dma_wait3A_201 = arith.constant 0 : i32
      %dma_wait3A_202 = tpu.memref_slice %arg6[%dma_wait3A_200, %dma_wait3A_201] : memref<10240x16xf32, #tpu.memory_space<vmem_shared>> -> memref<10240x16xf32, #tpu.memory_space<vmem_shared>>
      tpu.wait_indirect_dma semaphore(%arg7 : memref<!tpu.dma_semaphore, #tpu.memory_space<semaphore_mem>>) src(%arg5 : memref<128x16xf32, #tpu.memory_space<vmem>>) dst(%dma_wait3A_202 : memref<10240x16xf32, #tpu.memory_space<vmem_shared>>)
      %add3A_203 = arith.constant 4 : i32
      %add3A_204 = arith.addi %add3A_44, %add3A_203 : i32
      %dma_wait3A_205 = arith.constant 0 : i32
      %dma_wait3A_206 = tpu.memref_slice %arg4[%add3A_204, %dma_wait3A_205] : memref<80x128xi32, #tpu.memory_space<vmem>> -> memref<1x128xi32, #tpu.memory_space<vmem>>
      %dma_wait3A_207 = tpu.memref_squeeze %dma_wait3A_206 : memref<1x128xi32, #tpu.memory_space<vmem>> -> memref<128xi32, #tpu.memory_space<vmem>>
      %dma_wait3A_208 = arith.constant 0 : i32
      %dma_wait3A_209 = arith.constant 0 : i32
      %dma_wait3A_210 = tpu.memref_slice %arg6[%dma_wait3A_208, %dma_wait3A_209] : memref<10240x16xf32, #tpu.memory_space<vmem_shared>> -> memref<10240x16xf32, #tpu.memory_space<vmem_shared>>
      tpu.wait_indirect_dma semaphore(%arg7 : memref<!tpu.dma_semaphore, #tpu.memory_space<semaphore_mem>>) src(%arg5 : memref<128x16xf32, #tpu.memory_space<vmem>>) dst(%dma_wait3A_210 : memref<10240x16xf32, #tpu.memory_space<vmem_shared>>)
      %add3A_211 = arith.constant 5 : i32
      %add3A_212 = arith.addi %add3A_44, %add3A_211 : i32
      %dma_wait3A_213 = arith.constant 0 : i32
      %dma_wait3A_214 = tpu.memref_slice %arg4[%add3A_212, %dma_wait3A_213] : memref<80x128xi32, #tpu.memory_space<vmem>> -> memref<1x128xi32, #tpu.memory_space<vmem>>
      %dma_wait3A_215 = tpu.memref_squeeze %dma_wait3A_214 : memref<1x128xi32, #tpu.memory_space<vmem>> -> memref<128xi32, #tpu.memory_space<vmem>>
      %dma_wait3A_216 = arith.constant 0 : i32
      %dma_wait3A_217 = arith.constant 0 : i32
      %dma_wait3A_218 = tpu.memref_slice %arg6[%dma_wait3A_216, %dma_wait3A_217] : memref<10240x16xf32, #tpu.memory_space<vmem_shared>> -> memref<10240x16xf32, #tpu.memory_space<vmem_shared>>
      tpu.wait_indirect_dma semaphore(%arg7 : memref<!tpu.dma_semaphore, #tpu.memory_space<semaphore_mem>>) src(%arg5 : memref<128x16xf32, #tpu.memory_space<vmem>>) dst(%dma_wait3A_218 : memref<10240x16xf32, #tpu.memory_space<vmem_shared>>)
      %add3A_219 = arith.constant 6 : i32
      %add3A_220 = arith.addi %add3A_44, %add3A_219 : i32
      %dma_wait3A_221 = arith.constant 0 : i32
      %dma_wait3A_222 = tpu.memref_slice %arg4[%add3A_220, %dma_wait3A_221] : memref<80x128xi32, #tpu.memory_space<vmem>> -> memref<1x128xi32, #tpu.memory_space<vmem>>
      %dma_wait3A_223 = tpu.memref_squeeze %dma_wait3A_222 : memref<1x128xi32, #tpu.memory_space<vmem>> -> memref<128xi32, #tpu.memory_space<vmem>>
      %dma_wait3A_224 = arith.constant 0 : i32
      %dma_wait3A_225 = arith.constant 0 : i32
      %dma_wait3A_226 = tpu.memref_slice %arg6[%dma_wait3A_224, %dma_wait3A_225] : memref<10240x16xf32, #tpu.memory_space<vmem_shared>> -> memref<10240x16xf32, #tpu.memory_space<vmem_shared>>
      tpu.wait_indirect_dma semaphore(%arg7 : memref<!tpu.dma_semaphore, #tpu.memory_space<semaphore_mem>>) src(%arg5 : memref<128x16xf32, #tpu.memory_space<vmem>>) dst(%dma_wait3A_226 : memref<10240x16xf32, #tpu.memory_space<vmem_shared>>)
      %add3A_227 = arith.constant 7 : i32
      %add3A_228 = arith.addi %add3A_44, %add3A_227 : i32
      %dma_wait3A_229 = arith.constant 0 : i32
      %dma_wait3A_230 = tpu.memref_slice %arg4[%add3A_228, %dma_wait3A_229] : memref<80x128xi32, #tpu.memory_space<vmem>> -> memref<1x128xi32, #tpu.memory_space<vmem>>
      %dma_wait3A_231 = tpu.memref_squeeze %dma_wait3A_230 : memref<1x128xi32, #tpu.memory_space<vmem>> -> memref<128xi32, #tpu.memory_space<vmem>>
      %dma_wait3A_232 = arith.constant 0 : i32
      %dma_wait3A_233 = arith.constant 0 : i32
      %dma_wait3A_234 = tpu.memref_slice %arg6[%dma_wait3A_232, %dma_wait3A_233] : memref<10240x16xf32, #tpu.memory_space<vmem_shared>> -> memref<10240x16xf32, #tpu.memory_space<vmem_shared>>
      tpu.wait_indirect_dma semaphore(%arg7 : memref<!tpu.dma_semaphore, #tpu.memory_space<semaphore_mem>>) src(%arg5 : memref<128x16xf32, #tpu.memory_space<vmem>>) dst(%dma_wait3A_234 : memref<10240x16xf32, #tpu.memory_space<vmem_shared>>)
      %add3A_235 = arith.constant 8 : i32
      %add3A_236 = arith.addi %add3A_44, %add3A_235 : i32
      %dma_wait3A_237 = arith.constant 0 : i32
      %dma_wait3A_238 = tpu.memref_slice %arg4[%add3A_236, %dma_wait3A_237] : memref<80x128xi32, #tpu.memory_space<vmem>> -> memref<1x128xi32, #tpu.memory_space<vmem>>
      %dma_wait3A_239 = tpu.memref_squeeze %dma_wait3A_238 : memref<1x128xi32, #tpu.memory_space<vmem>> -> memref<128xi32, #tpu.memory_space<vmem>>
      %dma_wait3A_240 = arith.constant 0 : i32
      %dma_wait3A_241 = arith.constant 0 : i32
      %dma_wait3A_242 = tpu.memref_slice %arg6[%dma_wait3A_240, %dma_wait3A_241] : memref<10240x16xf32, #tpu.memory_space<vmem_shared>> -> memref<10240x16xf32, #tpu.memory_space<vmem_shared>>
      tpu.wait_indirect_dma semaphore(%arg7 : memref<!tpu.dma_semaphore, #tpu.memory_space<semaphore_mem>>) src(%arg5 : memref<128x16xf32, #tpu.memory_space<vmem>>) dst(%dma_wait3A_242 : memref<10240x16xf32, #tpu.memory_space<vmem_shared>>)
      %add3A_243 = arith.constant 9 : i32
      %add3A_244 = arith.addi %add3A_44, %add3A_243 : i32
      %dma_wait3A_245 = arith.constant 0 : i32
      %dma_wait3A_246 = tpu.memref_slice %arg4[%add3A_244, %dma_wait3A_245] : memref<80x128xi32, #tpu.memory_space<vmem>> -> memref<1x128xi32, #tpu.memory_space<vmem>>
      %dma_wait3A_247 = tpu.memref_squeeze %dma_wait3A_246 : memref<1x128xi32, #tpu.memory_space<vmem>> -> memref<128xi32, #tpu.memory_space<vmem>>
      %dma_wait3A_248 = arith.constant 0 : i32
      %dma_wait3A_249 = arith.constant 0 : i32
      %dma_wait3A_250 = tpu.memref_slice %arg6[%dma_wait3A_248, %dma_wait3A_249] : memref<10240x16xf32, #tpu.memory_space<vmem_shared>> -> memref<10240x16xf32, #tpu.memory_space<vmem_shared>>
      tpu.wait_indirect_dma semaphore(%arg7 : memref<!tpu.dma_semaphore, #tpu.memory_space<semaphore_mem>>) src(%arg5 : memref<128x16xf32, #tpu.memory_space<vmem>>) dst(%dma_wait3A_250 : memref<10240x16xf32, #tpu.memory_space<vmem_shared>>)
      %add3A_251 = arith.constant 10 : i32
      %add3A_252 = arith.addi %add3A_44, %add3A_251 : i32
      %dma_wait3A_253 = arith.constant 0 : i32
      %dma_wait3A_254 = tpu.memref_slice %arg4[%add3A_252, %dma_wait3A_253] : memref<80x128xi32, #tpu.memory_space<vmem>> -> memref<1x128xi32, #tpu.memory_space<vmem>>
      %dma_wait3A_255 = tpu.memref_squeeze %dma_wait3A_254 : memref<1x128xi32, #tpu.memory_space<vmem>> -> memref<128xi32, #tpu.memory_space<vmem>>
      %dma_wait3A_256 = arith.constant 0 : i32
      %dma_wait3A_257 = arith.constant 0 : i32
      %dma_wait3A_258 = tpu.memref_slice %arg6[%dma_wait3A_256, %dma_wait3A_257] : memref<10240x16xf32, #tpu.memory_space<vmem_shared>> -> memref<10240x16xf32, #tpu.memory_space<vmem_shared>>
      tpu.wait_indirect_dma semaphore(%arg7 : memref<!tpu.dma_semaphore, #tpu.memory_space<semaphore_mem>>) src(%arg5 : memref<128x16xf32, #tpu.memory_space<vmem>>) dst(%dma_wait3A_258 : memref<10240x16xf32, #tpu.memory_space<vmem_shared>>)
      %add3A_259 = arith.constant 11 : i32
      %add3A_260 = arith.addi %add3A_44, %add3A_259 : i32
      %dma_wait3A_261 = arith.constant 0 : i32
      %dma_wait3A_262 = tpu.memref_slice %arg4[%add3A_260, %dma_wait3A_261] : memref<80x128xi32, #tpu.memory_space<vmem>> -> memref<1x128xi32, #tpu.memory_space<vmem>>
      %dma_wait3A_263 = tpu.memref_squeeze %dma_wait3A_262 : memref<1x128xi32, #tpu.memory_space<vmem>> -> memref<128xi32, #tpu.memory_space<vmem>>
      %dma_wait3A_264 = arith.constant 0 : i32
      %dma_wait3A_265 = arith.constant 0 : i32
      %dma_wait3A_266 = tpu.memref_slice %arg6[%dma_wait3A_264, %dma_wait3A_265] : memref<10240x16xf32, #tpu.memory_space<vmem_shared>> -> memref<10240x16xf32, #tpu.memory_space<vmem_shared>>
      tpu.wait_indirect_dma semaphore(%arg7 : memref<!tpu.dma_semaphore, #tpu.memory_space<semaphore_mem>>) src(%arg5 : memref<128x16xf32, #tpu.memory_space<vmem>>) dst(%dma_wait3A_266 : memref<10240x16xf32, #tpu.memory_space<vmem_shared>>)
      %add3A_267 = arith.constant 12 : i32
      %add3A_268 = arith.addi %add3A_44, %add3A_267 : i32
      %dma_wait3A_269 = arith.constant 0 : i32
      %dma_wait3A_270 = tpu.memref_slice %arg4[%add3A_268, %dma_wait3A_269] : memref<80x128xi32, #tpu.memory_space<vmem>> -> memref<1x128xi32, #tpu.memory_space<vmem>>
      %dma_wait3A_271 = tpu.memref_squeeze %dma_wait3A_270 : memref<1x128xi32, #tpu.memory_space<vmem>> -> memref<128xi32, #tpu.memory_space<vmem>>
      %dma_wait3A_272 = arith.constant 0 : i32
      %dma_wait3A_273 = arith.constant 0 : i32
      %dma_wait3A_274 = tpu.memref_slice %arg6[%dma_wait3A_272, %dma_wait3A_273] : memref<10240x16xf32, #tpu.memory_space<vmem_shared>> -> memref<10240x16xf32, #tpu.memory_space<vmem_shared>>
      tpu.wait_indirect_dma semaphore(%arg7 : memref<!tpu.dma_semaphore, #tpu.memory_space<semaphore_mem>>) src(%arg5 : memref<128x16xf32, #tpu.memory_space<vmem>>) dst(%dma_wait3A_274 : memref<10240x16xf32, #tpu.memory_space<vmem_shared>>)
      %add3A_275 = arith.constant 13 : i32
      %add3A_276 = arith.addi %add3A_44, %add3A_275 : i32
      %dma_wait3A_277 = arith.constant 0 : i32
      %dma_wait3A_278 = tpu.memref_slice %arg4[%add3A_276, %dma_wait3A_277] : memref<80x128xi32, #tpu.memory_space<vmem>> -> memref<1x128xi32, #tpu.memory_space<vmem>>
      %dma_wait3A_279 = tpu.memref_squeeze %dma_wait3A_278 : memref<1x128xi32, #tpu.memory_space<vmem>> -> memref<128xi32, #tpu.memory_space<vmem>>
      %dma_wait3A_280 = arith.constant 0 : i32
      %dma_wait3A_281 = arith.constant 0 : i32
      %dma_wait3A_282 = tpu.memref_slice %arg6[%dma_wait3A_280, %dma_wait3A_281] : memref<10240x16xf32, #tpu.memory_space<vmem_shared>> -> memref<10240x16xf32, #tpu.memory_space<vmem_shared>>
      tpu.wait_indirect_dma semaphore(%arg7 : memref<!tpu.dma_semaphore, #tpu.memory_space<semaphore_mem>>) src(%arg5 : memref<128x16xf32, #tpu.memory_space<vmem>>) dst(%dma_wait3A_282 : memref<10240x16xf32, #tpu.memory_space<vmem_shared>>)
      %add3A_283 = arith.constant 14 : i32
      %add3A_284 = arith.addi %add3A_44, %add3A_283 : i32
      %dma_wait3A_285 = arith.constant 0 : i32
      %dma_wait3A_286 = tpu.memref_slice %arg4[%add3A_284, %dma_wait3A_285] : memref<80x128xi32, #tpu.memory_space<vmem>> -> memref<1x128xi32, #tpu.memory_space<vmem>>
      %dma_wait3A_287 = tpu.memref_squeeze %dma_wait3A_286 : memref<1x128xi32, #tpu.memory_space<vmem>> -> memref<128xi32, #tpu.memory_space<vmem>>
      %dma_wait3A_288 = arith.constant 0 : i32
      %dma_wait3A_289 = arith.constant 0 : i32
      %dma_wait3A_290 = tpu.memref_slice %arg6[%dma_wait3A_288, %dma_wait3A_289] : memref<10240x16xf32, #tpu.memory_space<vmem_shared>> -> memref<10240x16xf32, #tpu.memory_space<vmem_shared>>
      tpu.wait_indirect_dma semaphore(%arg7 : memref<!tpu.dma_semaphore, #tpu.memory_space<semaphore_mem>>) src(%arg5 : memref<128x16xf32, #tpu.memory_space<vmem>>) dst(%dma_wait3A_290 : memref<10240x16xf32, #tpu.memory_space<vmem_shared>>)
      %add3A_291 = arith.constant 15 : i32
      %add3A_292 = arith.addi %add3A_44, %add3A_291 : i32
      %dma_wait3A_293 = arith.constant 0 : i32
      %dma_wait3A_294 = tpu.memref_slice %arg4[%add3A_292, %dma_wait3A_293] : memref<80x128xi32, #tpu.memory_space<vmem>> -> memref<1x128xi32, #tpu.memory_space<vmem>>
      %dma_wait3A_295 = tpu.memref_squeeze %dma_wait3A_294 : memref<1x128xi32, #tpu.memory_space<vmem>> -> memref<128xi32, #tpu.memory_space<vmem>>
      %dma_wait3A_296 = arith.constant 0 : i32
      %dma_wait3A_297 = arith.constant 0 : i32
      %dma_wait3A_298 = tpu.memref_slice %arg6[%dma_wait3A_296, %dma_wait3A_297] : memref<10240x16xf32, #tpu.memory_space<vmem_shared>> -> memref<10240x16xf32, #tpu.memory_space<vmem_shared>>
      tpu.wait_indirect_dma semaphore(%arg7 : memref<!tpu.dma_semaphore, #tpu.memory_space<semaphore_mem>>) src(%arg5 : memref<128x16xf32, #tpu.memory_space<vmem>>) dst(%dma_wait3A_298 : memref<10240x16xf32, #tpu.memory_space<vmem_shared>>)
    }
    %scan3A_34 = arith.constant 5 : i32
    %barrier3A_35 = arith.constant 0 : index
    tpu.barrier barrier_id(%barrier3A_35)
    %mul3A_36 = arith.constant 640 : i32
    %mul3A_37 = arith.muli %arg1, %mul3A_36 : i32
    %mul3A_38 = arith.constant 640 : i32
    %mul3A_39 = arith.muli %arg1, %mul3A_38 : i32
    "tpu.region"() ({
      %run_scoped3A = tpu.sem_alloc : memref<!tpu.dma_semaphore, #tpu.memory_space<semaphore_mem>>
      %dma_start3A = arith.constant 0 : i32
      %dma_start3A_40 = tpu.memref_slice %arg3[%arg0, %mul3A_39, %dma_start3A] : memref<2x10240x128xf32, #tpu.memory_space<hbm>> -> memref<1x640x16xf32, #tpu.memory_space<hbm>>
      %dma_start3A_41 = tpu.memref_squeeze %dma_start3A_40 : memref<1x640x16xf32, #tpu.memory_space<hbm>> -> memref<640x16xf32, #tpu.memory_space<hbm>>
      %dma_start3A_42 = arith.constant 0 : i32
      %dma_start3A_43 = tpu.memref_slice %arg6[%mul3A_37, %dma_start3A_42] : memref<10240x16xf32, #tpu.memory_space<vmem_shared>> -> memref<640x16xf32, #tpu.memory_space<vmem_shared>>
      tpu.enqueue_dma source(%dma_start3A_43 : memref<640x16xf32, #tpu.memory_space<vmem_shared>>) target(%dma_start3A_41 : memref<640x16xf32, #tpu.memory_space<hbm>>) target_semaphore(%run_scoped3A : memref<!tpu.dma_semaphore, #tpu.memory_space<semaphore_mem>>)
      %dma_wait3A = arith.constant 0 : i32
      %dma_wait3A_44 = tpu.memref_slice %arg3[%arg0, %mul3A_39, %dma_wait3A] : memref<2x10240x128xf32, #tpu.memory_space<hbm>> -> memref<1x640x16xf32, #tpu.memory_space<hbm>>
      %dma_wait3A_45 = tpu.memref_squeeze %dma_wait3A_44 : memref<1x640x16xf32, #tpu.memory_space<hbm>> -> memref<640x16xf32, #tpu.memory_space<hbm>>
      %dma_wait3A_46 = arith.constant 0 : i32
      %dma_wait3A_47 = tpu.memref_slice %arg6[%mul3A_37, %dma_wait3A_46] : memref<10240x16xf32, #tpu.memory_space<vmem_shared>> -> memref<640x16xf32, #tpu.memory_space<vmem_shared>>
      tpu.wait_dma2 semaphore(%run_scoped3A : memref<!tpu.dma_semaphore, #tpu.memory_space<semaphore_mem>>) src(%dma_wait3A_47 : memref<640x16xf32, #tpu.memory_space<vmem_shared>>) dst(%dma_wait3A_45 : memref<640x16xf32, #tpu.memory_space<hbm>>)
      tpu.yield
    }) : () -> ()
    return
  }
}

#map = affine_map<(d0, d1) -> (0, 0)>
#map1 = affine_map<(d0, d1) -> (0, 0, 0)>
module attributes {stable_mosaic.version = 14 : i64} {
  func.func @agg(%arg0: i32, %arg1: i32, %arg2: memref<10000x32xf32, #tpu.memory_space<hbm>>, %arg3: memref<32x80x128xi32, #tpu.memory_space<hbm>>, %arg4: memref<32x80x128xi32, #tpu.memory_space<hbm>>, %arg5: memref<2x10240x128xf32, #tpu.memory_space<hbm>>, %arg6: memref<80x128xi32, #tpu.memory_space<vmem>>, %arg7: memref<80x128xi32, #tpu.memory_space<vmem>>, %arg8: memref<4x128x32xf32, #tpu.memory_space<vmem>>, %arg9: memref<10240x32xf32, #tpu.memory_space<vmem_shared>>, %arg10: memref<4x!tpu.dma_semaphore, #tpu.memory_space<semaphore_mem>>) attributes {dimension_semantics = [#tpu.dimension_semantics<core_parallel>, #tpu.dimension_semantics<subcore_parallel>], iteration_bounds = array<i64: 2, 16>, scalar_prefetch = 0 : i64, scratch_operands = 5 : i64, tpu.core_type = #tpu.core_type<sc_vector_subcore>, window_params = [{transform_indices = #map}, {transform_indices = #map1}, {transform_indices = #map1}, {transform_indices = #map1}]} {
    %mul3A = arith.constant 2 : i32
    %mul3A_0 = arith.muli %arg1, %mul3A : i32
    %add3A = arith.addi %mul3A_0, %arg0 : i32
    %scan3A = arith.constant 0 : i32
    %scan3A_1 = arith.constant 0 : i32
    %scan3A_2 = arith.constant 128 : i32
    %scan3A_3 = arith.addi %scan3A_1, %scan3A_2 : i32
    %scan3A_4 = arith.constant 1 : i32
    scf.for %scan3A_166 = %scan3A_1 to %scan3A_3 step %scan3A_4  : i32 {
      %mul3A_167 = arith.constant 1 : i32
      %mul3A_168 = arith.muli %scan3A_166, %mul3A_167 : i32
      %add3A_169 = arith.constant 0 : i32
      %add3A_170 = arith.addi %add3A_169, %mul3A_168 : i32
      %broadcast_in_dim3A = arith.constant 0.000000e+00 : f32
      %broadcast_in_dim3A_171 = vector.broadcast %broadcast_in_dim3A : f32 to vector<16xf32>
      %swap3A = arith.constant 0 : i32
      %swap3A_172 = arith.constant 0 : i32
      %swap3A_173 = tpu.memref_slice %arg8[%scan3A, %swap3A, %swap3A_172] : memref<4x128x32xf32, #tpu.memory_space<vmem>> -> memref<1x128x32xf32, #tpu.memory_space<vmem>>
      %swap3A_174 = tpu.memref_squeeze %swap3A_173 : memref<1x128x32xf32, #tpu.memory_space<vmem>> -> memref<128x32xf32, #tpu.memory_space<vmem>>
      %swap3A_175 = arith.index_cast %add3A_170 : i32 to index
      %swap3A_176 = arith.constant 0 : index
      %swap3A_177 = tpu.vector_load %swap3A_174[%swap3A_175, %swap3A_176] {strides = array<i32>} : memref<128x32xf32, #tpu.memory_space<vmem>>, vector<1x16xf32>,
      %swap3A_178 = vector.shape_cast %swap3A_177 : vector<1x16xf32> to vector<16xf32>
      %swap3A_179 = vector.shape_cast %broadcast_in_dim3A_171 : vector<16xf32> to vector<1x16xf32>
      tpu.vector_store %swap3A_174[%swap3A_175, %swap3A_176], %swap3A_179 {strides = array<i32>} : memref<128x32xf32, #tpu.memory_space<vmem>>, vector<1x16xf32>,
      %broadcast_in_dim3A_180 = arith.constant 0.000000e+00 : f32
      %broadcast_in_dim3A_181 = vector.broadcast %broadcast_in_dim3A_180 : f32 to vector<16xf32>
      %swap3A_182 = arith.constant 0 : i32
      %swap3A_183 = arith.constant 0 : i32
      %swap3A_184 = tpu.memref_slice %arg8[%scan3A, %swap3A_182, %swap3A_183] : memref<4x128x32xf32, #tpu.memory_space<vmem>> -> memref<1x128x32xf32, #tpu.memory_space<vmem>>
      %swap3A_185 = tpu.memref_squeeze %swap3A_184 : memref<1x128x32xf32, #tpu.memory_space<vmem>> -> memref<128x32xf32, #tpu.memory_space<vmem>>
      %swap3A_186 = arith.index_cast %add3A_170 : i32 to index
      %swap3A_187 = arith.constant 16 : index
      %swap3A_188 = tpu.vector_load %swap3A_185[%swap3A_186, %swap3A_187] {strides = array<i32>} : memref<128x32xf32, #tpu.memory_space<vmem>>, vector<1x16xf32>,
      %swap3A_189 = vector.shape_cast %swap3A_188 : vector<1x16xf32> to vector<16xf32>
      %swap3A_190 = vector.shape_cast %broadcast_in_dim3A_181 : vector<16xf32> to vector<1x16xf32>
      tpu.vector_store %swap3A_185[%swap3A_186, %swap3A_187], %swap3A_190 {strides = array<i32>} : memref<128x32xf32, #tpu.memory_space<vmem>>, vector<1x16xf32>,
    }
    %scan3A_5 = arith.constant 128 : i32
    %mul3A_6 = arith.constant 640 : i32
    %mul3A_7 = arith.muli %arg1, %mul3A_6 : i32
    %add3A_8 = arith.constant 0 : i32
    %add3A_9 = arith.addi %mul3A_7, %add3A_8 : i32
    %run_scoped3A = arith.constant 0 : i32
    "tpu.region"() ({
      %run_scoped3A_166 = tpu.sem_alloc : memref<!tpu.dma_semaphore, #tpu.memory_space<semaphore_mem>>
      %dma_start3A_167 = arith.constant 0 : i32
      %dma_start3A_168 = arith.constant 0 : i32
      %dma_start3A_169 = tpu.memref_slice %arg8[%run_scoped3A, %dma_start3A_167, %dma_start3A_168] : memref<4x128x32xf32, #tpu.memory_space<vmem>> -> memref<1x128x32xf32, #tpu.memory_space<vmem>>
      %dma_start3A_170 = tpu.memref_squeeze %dma_start3A_169 : memref<1x128x32xf32, #tpu.memory_space<vmem>> -> memref<128x32xf32, #tpu.memory_space<vmem>>
      %dma_start3A_171 = arith.constant 0 : i32
      %dma_start3A_172 = tpu.memref_slice %arg9[%add3A_9, %dma_start3A_171] : memref<10240x32xf32, #tpu.memory_space<vmem_shared>> -> memref<128x32xf32, #tpu.memory_space<vmem_shared>>
      %dma_start3A_173 = arith.constant 0 : i32
      %dma_start3A_174 = tpu.memref_slice %arg9[%add3A_9, %dma_start3A_173] : memref<10240x32xf32, #tpu.memory_space<vmem_shared>> -> memref<128x32xf32, #tpu.memory_space<vmem_shared>>
      %dma_start3A_175 = arith.constant 0 : i32
      %dma_start3A_176 = arith.constant 0 : i32
      %dma_start3A_177 = tpu.memref_slice %arg8[%run_scoped3A, %dma_start3A_175, %dma_start3A_176] : memref<4x128x32xf32, #tpu.memory_space<vmem>> -> memref<1x128x32xf32, #tpu.memory_space<vmem>>
      %dma_start3A_178 = tpu.memref_squeeze %dma_start3A_177 : memref<1x128x32xf32, #tpu.memory_space<vmem>> -> memref<128x32xf32, #tpu.memory_space<vmem>>
      tpu.enqueue_dma source(%dma_start3A_178 : memref<128x32xf32, #tpu.memory_space<vmem>>) target(%dma_start3A_174 : memref<128x32xf32, #tpu.memory_space<vmem_shared>>) target_semaphore(%run_scoped3A_166 : memref<!tpu.dma_semaphore, #tpu.memory_space<semaphore_mem>>)
      %dma_wait3A_179 = arith.constant 0 : i32
      %dma_wait3A_180 = arith.constant 0 : i32
      %dma_wait3A_181 = tpu.memref_slice %arg8[%run_scoped3A, %dma_wait3A_179, %dma_wait3A_180] : memref<4x128x32xf32, #tpu.memory_space<vmem>> -> memref<1x128x32xf32, #tpu.memory_space<vmem>>
      %dma_wait3A_182 = tpu.memref_squeeze %dma_wait3A_181 : memref<1x128x32xf32, #tpu.memory_space<vmem>> -> memref<128x32xf32, #tpu.memory_space<vmem>>
      %dma_wait3A_183 = arith.constant 0 : i32
      %dma_wait3A_184 = tpu.memref_slice %arg9[%add3A_9, %dma_wait3A_183] : memref<10240x32xf32, #tpu.memory_space<vmem_shared>> -> memref<128x32xf32, #tpu.memory_space<vmem_shared>>
      %dma_wait3A_185 = arith.constant 0 : i32
      %dma_wait3A_186 = tpu.memref_slice %arg9[%add3A_9, %dma_wait3A_185] : memref<10240x32xf32, #tpu.memory_space<vmem_shared>> -> memref<128x32xf32, #tpu.memory_space<vmem_shared>>
      %dma_wait3A_187 = arith.constant 0 : i32
      %dma_wait3A_188 = arith.constant 0 : i32
      %dma_wait3A_189 = tpu.memref_slice %arg8[%run_scoped3A, %dma_wait3A_187, %dma_wait3A_188] : memref<4x128x32xf32, #tpu.memory_space<vmem>> -> memref<1x128x32xf32, #tpu.memory_space<vmem>>
      %dma_wait3A_190 = tpu.memref_squeeze %dma_wait3A_189 : memref<1x128x32xf32, #tpu.memory_space<vmem>> -> memref<128x32xf32, #tpu.memory_space<vmem>>
      tpu.wait_dma2 semaphore(%run_scoped3A_166 : memref<!tpu.dma_semaphore, #tpu.memory_space<semaphore_mem>>) src(%dma_wait3A_190 : memref<128x32xf32, #tpu.memory_space<vmem>>) dst(%dma_wait3A_186 : memref<128x32xf32, #tpu.memory_space<vmem_shared>>)
      tpu.yield
    }) : () -> ()
    %mul3A_10 = arith.constant 640 : i32
    %mul3A_11 = arith.muli %arg1, %mul3A_10 : i32
    %add3A_12 = arith.constant 128 : i32
    %add3A_13 = arith.addi %mul3A_11, %add3A_12 : i32
    %run_scoped3A_14 = arith.constant 0 : i32
    "tpu.region"() ({
      %run_scoped3A_166 = tpu.sem_alloc : memref<!tpu.dma_semaphore, #tpu.memory_space<semaphore_mem>>
      %dma_start3A_167 = arith.constant 0 : i32
      %dma_start3A_168 = arith.constant 0 : i32
      %dma_start3A_169 = tpu.memref_slice %arg8[%run_scoped3A_14, %dma_start3A_167, %dma_start3A_168] : memref<4x128x32xf32, #tpu.memory_space<vmem>> -> memref<1x128x32xf32, #tpu.memory_space<vmem>>
      %dma_start3A_170 = tpu.memref_squeeze %dma_start3A_169 : memref<1x128x32xf32, #tpu.memory_space<vmem>> -> memref<128x32xf32, #tpu.memory_space<vmem>>
      %dma_start3A_171 = arith.constant 0 : i32
      %dma_start3A_172 = tpu.memref_slice %arg9[%add3A_13, %dma_start3A_171] : memref<10240x32xf32, #tpu.memory_space<vmem_shared>> -> memref<128x32xf32, #tpu.memory_space<vmem_shared>>
      %dma_start3A_173 = arith.constant 0 : i32
      %dma_start3A_174 = tpu.memref_slice %arg9[%add3A_13, %dma_start3A_173] : memref<10240x32xf32, #tpu.memory_space<vmem_shared>> -> memref<128x32xf32, #tpu.memory_space<vmem_shared>>
      %dma_start3A_175 = arith.constant 0 : i32
      %dma_start3A_176 = arith.constant 0 : i32
      %dma_start3A_177 = tpu.memref_slice %arg8[%run_scoped3A_14, %dma_start3A_175, %dma_start3A_176] : memref<4x128x32xf32, #tpu.memory_space<vmem>> -> memref<1x128x32xf32, #tpu.memory_space<vmem>>
      %dma_start3A_178 = tpu.memref_squeeze %dma_start3A_177 : memref<1x128x32xf32, #tpu.memory_space<vmem>> -> memref<128x32xf32, #tpu.memory_space<vmem>>
      tpu.enqueue_dma source(%dma_start3A_178 : memref<128x32xf32, #tpu.memory_space<vmem>>) target(%dma_start3A_174 : memref<128x32xf32, #tpu.memory_space<vmem_shared>>) target_semaphore(%run_scoped3A_166 : memref<!tpu.dma_semaphore, #tpu.memory_space<semaphore_mem>>)
      %dma_wait3A_179 = arith.constant 0 : i32
      %dma_wait3A_180 = arith.constant 0 : i32
      %dma_wait3A_181 = tpu.memref_slice %arg8[%run_scoped3A_14, %dma_wait3A_179, %dma_wait3A_180] : memref<4x128x32xf32, #tpu.memory_space<vmem>> -> memref<1x128x32xf32, #tpu.memory_space<vmem>>
      %dma_wait3A_182 = tpu.memref_squeeze %dma_wait3A_181 : memref<1x128x32xf32, #tpu.memory_space<vmem>> -> memref<128x32xf32, #tpu.memory_space<vmem>>
      %dma_wait3A_183 = arith.constant 0 : i32
      %dma_wait3A_184 = tpu.memref_slice %arg9[%add3A_13, %dma_wait3A_183] : memref<10240x32xf32, #tpu.memory_space<vmem_shared>> -> memref<128x32xf32, #tpu.memory_space<vmem_shared>>
      %dma_wait3A_185 = arith.constant 0 : i32
      %dma_wait3A_186 = tpu.memref_slice %arg9[%add3A_13, %dma_wait3A_185] : memref<10240x32xf32, #tpu.memory_space<vmem_shared>> -> memref<128x32xf32, #tpu.memory_space<vmem_shared>>
      %dma_wait3A_187 = arith.constant 0 : i32
      %dma_wait3A_188 = arith.constant 0 : i32
      %dma_wait3A_189 = tpu.memref_slice %arg8[%run_scoped3A_14, %dma_wait3A_187, %dma_wait3A_188] : memref<4x128x32xf32, #tpu.memory_space<vmem>> -> memref<1x128x32xf32, #tpu.memory_space<vmem>>
      %dma_wait3A_190 = tpu.memref_squeeze %dma_wait3A_189 : memref<1x128x32xf32, #tpu.memory_space<vmem>> -> memref<128x32xf32, #tpu.memory_space<vmem>>
      tpu.wait_dma2 semaphore(%run_scoped3A_166 : memref<!tpu.dma_semaphore, #tpu.memory_space<semaphore_mem>>) src(%dma_wait3A_190 : memref<128x32xf32, #tpu.memory_space<vmem>>) dst(%dma_wait3A_186 : memref<128x32xf32, #tpu.memory_space<vmem_shared>>)
      tpu.yield
    }) : () -> ()
    %mul3A_15 = arith.constant 640 : i32
    %mul3A_16 = arith.muli %arg1, %mul3A_15 : i32
    %add3A_17 = arith.constant 256 : i32
    %add3A_18 = arith.addi %mul3A_16, %add3A_17 : i32
    %run_scoped3A_19 = arith.constant 0 : i32
    "tpu.region"() ({
      %run_scoped3A_166 = tpu.sem_alloc : memref<!tpu.dma_semaphore, #tpu.memory_space<semaphore_mem>>
      %dma_start3A_167 = arith.constant 0 : i32
      %dma_start3A_168 = arith.constant 0 : i32
      %dma_start3A_169 = tpu.memref_slice %arg8[%run_scoped3A_19, %dma_start3A_167, %dma_start3A_168] : memref<4x128x32xf32, #tpu.memory_space<vmem>> -> memref<1x128x32xf32, #tpu.memory_space<vmem>>
      %dma_start3A_170 = tpu.memref_squeeze %dma_start3A_169 : memref<1x128x32xf32, #tpu.memory_space<vmem>> -> memref<128x32xf32, #tpu.memory_space<vmem>>
      %dma_start3A_171 = arith.constant 0 : i32
      %dma_start3A_172 = tpu.memref_slice %arg9[%add3A_18, %dma_start3A_171] : memref<10240x32xf32, #tpu.memory_space<vmem_shared>> -> memref<128x32xf32, #tpu.memory_space<vmem_shared>>
      %dma_start3A_173 = arith.constant 0 : i32
      %dma_start3A_174 = tpu.memref_slice %arg9[%add3A_18, %dma_start3A_173] : memref<10240x32xf32, #tpu.memory_space<vmem_shared>> -> memref<128x32xf32, #tpu.memory_space<vmem_shared>>
      %dma_start3A_175 = arith.constant 0 : i32
      %dma_start3A_176 = arith.constant 0 : i32
      %dma_start3A_177 = tpu.memref_slice %arg8[%run_scoped3A_19, %dma_start3A_175, %dma_start3A_176] : memref<4x128x32xf32, #tpu.memory_space<vmem>> -> memref<1x128x32xf32, #tpu.memory_space<vmem>>
      %dma_start3A_178 = tpu.memref_squeeze %dma_start3A_177 : memref<1x128x32xf32, #tpu.memory_space<vmem>> -> memref<128x32xf32, #tpu.memory_space<vmem>>
      tpu.enqueue_dma source(%dma_start3A_178 : memref<128x32xf32, #tpu.memory_space<vmem>>) target(%dma_start3A_174 : memref<128x32xf32, #tpu.memory_space<vmem_shared>>) target_semaphore(%run_scoped3A_166 : memref<!tpu.dma_semaphore, #tpu.memory_space<semaphore_mem>>)
      %dma_wait3A_179 = arith.constant 0 : i32
      %dma_wait3A_180 = arith.constant 0 : i32
      %dma_wait3A_181 = tpu.memref_slice %arg8[%run_scoped3A_19, %dma_wait3A_179, %dma_wait3A_180] : memref<4x128x32xf32, #tpu.memory_space<vmem>> -> memref<1x128x32xf32, #tpu.memory_space<vmem>>
      %dma_wait3A_182 = tpu.memref_squeeze %dma_wait3A_181 : memref<1x128x32xf32, #tpu.memory_space<vmem>> -> memref<128x32xf32, #tpu.memory_space<vmem>>
      %dma_wait3A_183 = arith.constant 0 : i32
      %dma_wait3A_184 = tpu.memref_slice %arg9[%add3A_18, %dma_wait3A_183] : memref<10240x32xf32, #tpu.memory_space<vmem_shared>> -> memref<128x32xf32, #tpu.memory_space<vmem_shared>>
      %dma_wait3A_185 = arith.constant 0 : i32
      %dma_wait3A_186 = tpu.memref_slice %arg9[%add3A_18, %dma_wait3A_185] : memref<10240x32xf32, #tpu.memory_space<vmem_shared>> -> memref<128x32xf32, #tpu.memory_space<vmem_shared>>
      %dma_wait3A_187 = arith.constant 0 : i32
      %dma_wait3A_188 = arith.constant 0 : i32
      %dma_wait3A_189 = tpu.memref_slice %arg8[%run_scoped3A_19, %dma_wait3A_187, %dma_wait3A_188] : memref<4x128x32xf32, #tpu.memory_space<vmem>> -> memref<1x128x32xf32, #tpu.memory_space<vmem>>
      %dma_wait3A_190 = tpu.memref_squeeze %dma_wait3A_189 : memref<1x128x32xf32, #tpu.memory_space<vmem>> -> memref<128x32xf32, #tpu.memory_space<vmem>>
      tpu.wait_dma2 semaphore(%run_scoped3A_166 : memref<!tpu.dma_semaphore, #tpu.memory_space<semaphore_mem>>) src(%dma_wait3A_190 : memref<128x32xf32, #tpu.memory_space<vmem>>) dst(%dma_wait3A_186 : memref<128x32xf32, #tpu.memory_space<vmem_shared>>)
      tpu.yield
    }) : () -> ()
    %mul3A_20 = arith.constant 640 : i32
    %mul3A_21 = arith.muli %arg1, %mul3A_20 : i32
    %add3A_22 = arith.constant 384 : i32
    %add3A_23 = arith.addi %mul3A_21, %add3A_22 : i32
    %run_scoped3A_24 = arith.constant 0 : i32
    "tpu.region"() ({
      %run_scoped3A_166 = tpu.sem_alloc : memref<!tpu.dma_semaphore, #tpu.memory_space<semaphore_mem>>
      %dma_start3A_167 = arith.constant 0 : i32
      %dma_start3A_168 = arith.constant 0 : i32
      %dma_start3A_169 = tpu.memref_slice %arg8[%run_scoped3A_24, %dma_start3A_167, %dma_start3A_168] : memref<4x128x32xf32, #tpu.memory_space<vmem>> -> memref<1x128x32xf32, #tpu.memory_space<vmem>>
      %dma_start3A_170 = tpu.memref_squeeze %dma_start3A_169 : memref<1x128x32xf32, #tpu.memory_space<vmem>> -> memref<128x32xf32, #tpu.memory_space<vmem>>
      %dma_start3A_171 = arith.constant 0 : i32
      %dma_start3A_172 = tpu.memref_slice %arg9[%add3A_23, %dma_start3A_171] : memref<10240x32xf32, #tpu.memory_space<vmem_shared>> -> memref<128x32xf32, #tpu.memory_space<vmem_shared>>
      %dma_start3A_173 = arith.constant 0 : i32
      %dma_start3A_174 = tpu.memref_slice %arg9[%add3A_23, %dma_start3A_173] : memref<10240x32xf32, #tpu.memory_space<vmem_shared>> -> memref<128x32xf32, #tpu.memory_space<vmem_shared>>
      %dma_start3A_175 = arith.constant 0 : i32
      %dma_start3A_176 = arith.constant 0 : i32
      %dma_start3A_177 = tpu.memref_slice %arg8[%run_scoped3A_24, %dma_start3A_175, %dma_start3A_176] : memref<4x128x32xf32, #tpu.memory_space<vmem>> -> memref<1x128x32xf32, #tpu.memory_space<vmem>>
      %dma_start3A_178 = tpu.memref_squeeze %dma_start3A_177 : memref<1x128x32xf32, #tpu.memory_space<vmem>> -> memref<128x32xf32, #tpu.memory_space<vmem>>
      tpu.enqueue_dma source(%dma_start3A_178 : memref<128x32xf32, #tpu.memory_space<vmem>>) target(%dma_start3A_174 : memref<128x32xf32, #tpu.memory_space<vmem_shared>>) target_semaphore(%run_scoped3A_166 : memref<!tpu.dma_semaphore, #tpu.memory_space<semaphore_mem>>)
      %dma_wait3A_179 = arith.constant 0 : i32
      %dma_wait3A_180 = arith.constant 0 : i32
      %dma_wait3A_181 = tpu.memref_slice %arg8[%run_scoped3A_24, %dma_wait3A_179, %dma_wait3A_180] : memref<4x128x32xf32, #tpu.memory_space<vmem>> -> memref<1x128x32xf32, #tpu.memory_space<vmem>>
      %dma_wait3A_182 = tpu.memref_squeeze %dma_wait3A_181 : memref<1x128x32xf32, #tpu.memory_space<vmem>> -> memref<128x32xf32, #tpu.memory_space<vmem>>
      %dma_wait3A_183 = arith.constant 0 : i32
      %dma_wait3A_184 = tpu.memref_slice %arg9[%add3A_23, %dma_wait3A_183] : memref<10240x32xf32, #tpu.memory_space<vmem_shared>> -> memref<128x32xf32, #tpu.memory_space<vmem_shared>>
      %dma_wait3A_185 = arith.constant 0 : i32
      %dma_wait3A_186 = tpu.memref_slice %arg9[%add3A_23, %dma_wait3A_185] : memref<10240x32xf32, #tpu.memory_space<vmem_shared>> -> memref<128x32xf32, #tpu.memory_space<vmem_shared>>
      %dma_wait3A_187 = arith.constant 0 : i32
      %dma_wait3A_188 = arith.constant 0 : i32
      %dma_wait3A_189 = tpu.memref_slice %arg8[%run_scoped3A_24, %dma_wait3A_187, %dma_wait3A_188] : memref<4x128x32xf32, #tpu.memory_space<vmem>> -> memref<1x128x32xf32, #tpu.memory_space<vmem>>
      %dma_wait3A_190 = tpu.memref_squeeze %dma_wait3A_189 : memref<1x128x32xf32, #tpu.memory_space<vmem>> -> memref<128x32xf32, #tpu.memory_space<vmem>>
      tpu.wait_dma2 semaphore(%run_scoped3A_166 : memref<!tpu.dma_semaphore, #tpu.memory_space<semaphore_mem>>) src(%dma_wait3A_190 : memref<128x32xf32, #tpu.memory_space<vmem>>) dst(%dma_wait3A_186 : memref<128x32xf32, #tpu.memory_space<vmem_shared>>)
      tpu.yield
    }) : () -> ()
    %mul3A_25 = arith.constant 640 : i32
    %mul3A_26 = arith.muli %arg1, %mul3A_25 : i32
    %add3A_27 = arith.constant 512 : i32
    %add3A_28 = arith.addi %mul3A_26, %add3A_27 : i32
    %run_scoped3A_29 = arith.constant 0 : i32
    "tpu.region"() ({
      %run_scoped3A_166 = tpu.sem_alloc : memref<!tpu.dma_semaphore, #tpu.memory_space<semaphore_mem>>
      %dma_start3A_167 = arith.constant 0 : i32
      %dma_start3A_168 = arith.constant 0 : i32
      %dma_start3A_169 = tpu.memref_slice %arg8[%run_scoped3A_29, %dma_start3A_167, %dma_start3A_168] : memref<4x128x32xf32, #tpu.memory_space<vmem>> -> memref<1x128x32xf32, #tpu.memory_space<vmem>>
      %dma_start3A_170 = tpu.memref_squeeze %dma_start3A_169 : memref<1x128x32xf32, #tpu.memory_space<vmem>> -> memref<128x32xf32, #tpu.memory_space<vmem>>
      %dma_start3A_171 = arith.constant 0 : i32
      %dma_start3A_172 = tpu.memref_slice %arg9[%add3A_28, %dma_start3A_171] : memref<10240x32xf32, #tpu.memory_space<vmem_shared>> -> memref<128x32xf32, #tpu.memory_space<vmem_shared>>
      %dma_start3A_173 = arith.constant 0 : i32
      %dma_start3A_174 = tpu.memref_slice %arg9[%add3A_28, %dma_start3A_173] : memref<10240x32xf32, #tpu.memory_space<vmem_shared>> -> memref<128x32xf32, #tpu.memory_space<vmem_shared>>
      %dma_start3A_175 = arith.constant 0 : i32
      %dma_start3A_176 = arith.constant 0 : i32
      %dma_start3A_177 = tpu.memref_slice %arg8[%run_scoped3A_29, %dma_start3A_175, %dma_start3A_176] : memref<4x128x32xf32, #tpu.memory_space<vmem>> -> memref<1x128x32xf32, #tpu.memory_space<vmem>>
      %dma_start3A_178 = tpu.memref_squeeze %dma_start3A_177 : memref<1x128x32xf32, #tpu.memory_space<vmem>> -> memref<128x32xf32, #tpu.memory_space<vmem>>
      tpu.enqueue_dma source(%dma_start3A_178 : memref<128x32xf32, #tpu.memory_space<vmem>>) target(%dma_start3A_174 : memref<128x32xf32, #tpu.memory_space<vmem_shared>>) target_semaphore(%run_scoped3A_166 : memref<!tpu.dma_semaphore, #tpu.memory_space<semaphore_mem>>)
      %dma_wait3A_179 = arith.constant 0 : i32
      %dma_wait3A_180 = arith.constant 0 : i32
      %dma_wait3A_181 = tpu.memref_slice %arg8[%run_scoped3A_29, %dma_wait3A_179, %dma_wait3A_180] : memref<4x128x32xf32, #tpu.memory_space<vmem>> -> memref<1x128x32xf32, #tpu.memory_space<vmem>>
      %dma_wait3A_182 = tpu.memref_squeeze %dma_wait3A_181 : memref<1x128x32xf32, #tpu.memory_space<vmem>> -> memref<128x32xf32, #tpu.memory_space<vmem>>
      %dma_wait3A_183 = arith.constant 0 : i32
      %dma_wait3A_184 = tpu.memref_slice %arg9[%add3A_28, %dma_wait3A_183] : memref<10240x32xf32, #tpu.memory_space<vmem_shared>> -> memref<128x32xf32, #tpu.memory_space<vmem_shared>>
      %dma_wait3A_185 = arith.constant 0 : i32
      %dma_wait3A_186 = tpu.memref_slice %arg9[%add3A_28, %dma_wait3A_185] : memref<10240x32xf32, #tpu.memory_space<vmem_shared>> -> memref<128x32xf32, #tpu.memory_space<vmem_shared>>
      %dma_wait3A_187 = arith.constant 0 : i32
      %dma_wait3A_188 = arith.constant 0 : i32
      %dma_wait3A_189 = tpu.memref_slice %arg8[%run_scoped3A_29, %dma_wait3A_187, %dma_wait3A_188] : memref<4x128x32xf32, #tpu.memory_space<vmem>> -> memref<1x128x32xf32, #tpu.memory_space<vmem>>
      %dma_wait3A_190 = tpu.memref_squeeze %dma_wait3A_189 : memref<1x128x32xf32, #tpu.memory_space<vmem>> -> memref<128x32xf32, #tpu.memory_space<vmem>>
      tpu.wait_dma2 semaphore(%run_scoped3A_166 : memref<!tpu.dma_semaphore, #tpu.memory_space<semaphore_mem>>) src(%dma_wait3A_190 : memref<128x32xf32, #tpu.memory_space<vmem>>) dst(%dma_wait3A_186 : memref<128x32xf32, #tpu.memory_space<vmem_shared>>)
      tpu.yield
    }) : () -> ()
    "tpu.region"() ({
      %run_scoped3A_166 = tpu.sem_alloc : memref<!tpu.dma_semaphore, #tpu.memory_space<semaphore_mem>>
      %dma_start3A_167 = arith.constant 0 : i32
      %dma_start3A_168 = arith.constant 0 : i32
      %dma_start3A_169 = tpu.memref_slice %arg3[%add3A, %dma_start3A_167, %dma_start3A_168] : memref<32x80x128xi32, #tpu.memory_space<hbm>> -> memref<1x80x128xi32, #tpu.memory_space<hbm>>
      %dma_start3A_170 = tpu.memref_squeeze %dma_start3A_169 : memref<1x80x128xi32, #tpu.memory_space<hbm>> -> memref<80x128xi32, #tpu.memory_space<hbm>>
      %dma_start3A_171 = arith.constant 0 : i32
      %dma_start3A_172 = arith.constant 0 : i32
      %dma_start3A_173 = tpu.memref_slice %arg3[%add3A, %dma_start3A_171, %dma_start3A_172] : memref<32x80x128xi32, #tpu.memory_space<hbm>> -> memref<1x80x128xi32, #tpu.memory_space<hbm>>
      %dma_start3A_174 = tpu.memref_squeeze %dma_start3A_173 : memref<1x80x128xi32, #tpu.memory_space<hbm>> -> memref<80x128xi32, #tpu.memory_space<hbm>>
      tpu.enqueue_dma source(%dma_start3A_174 : memref<80x128xi32, #tpu.memory_space<hbm>>) target(%arg6 : memref<80x128xi32, #tpu.memory_space<vmem>>) target_semaphore(%run_scoped3A_166 : memref<!tpu.dma_semaphore, #tpu.memory_space<semaphore_mem>>)
      %dma_wait3A_175 = arith.constant 0 : i32
      %dma_wait3A_176 = arith.constant 0 : i32
      %dma_wait3A_177 = tpu.memref_slice %arg3[%add3A, %dma_wait3A_175, %dma_wait3A_176] : memref<32x80x128xi32, #tpu.memory_space<hbm>> -> memref<1x80x128xi32, #tpu.memory_space<hbm>>
      %dma_wait3A_178 = tpu.memref_squeeze %dma_wait3A_177 : memref<1x80x128xi32, #tpu.memory_space<hbm>> -> memref<80x128xi32, #tpu.memory_space<hbm>>
      %dma_wait3A_179 = arith.constant 0 : i32
      %dma_wait3A_180 = arith.constant 0 : i32
      %dma_wait3A_181 = tpu.memref_slice %arg3[%add3A, %dma_wait3A_179, %dma_wait3A_180] : memref<32x80x128xi32, #tpu.memory_space<hbm>> -> memref<1x80x128xi32, #tpu.memory_space<hbm>>
      %dma_wait3A_182 = tpu.memref_squeeze %dma_wait3A_181 : memref<1x80x128xi32, #tpu.memory_space<hbm>> -> memref<80x128xi32, #tpu.memory_space<hbm>>
      tpu.wait_dma2 semaphore(%run_scoped3A_166 : memref<!tpu.dma_semaphore, #tpu.memory_space<semaphore_mem>>) src(%dma_wait3A_182 : memref<80x128xi32, #tpu.memory_space<hbm>>) dst(%arg6 : memref<80x128xi32, #tpu.memory_space<vmem>>)
      tpu.yield
    }) : () -> ()
    "tpu.region"() ({
      %run_scoped3A_166 = tpu.sem_alloc : memref<!tpu.dma_semaphore, #tpu.memory_space<semaphore_mem>>
      %dma_start3A_167 = arith.constant 0 : i32
      %dma_start3A_168 = arith.constant 0 : i32
      %dma_start3A_169 = tpu.memref_slice %arg4[%add3A, %dma_start3A_167, %dma_start3A_168] : memref<32x80x128xi32, #tpu.memory_space<hbm>> -> memref<1x80x128xi32, #tpu.memory_space<hbm>>
      %dma_start3A_170 = tpu.memref_squeeze %dma_start3A_169 : memref<1x80x128xi32, #tpu.memory_space<hbm>> -> memref<80x128xi32, #tpu.memory_space<hbm>>
      %dma_start3A_171 = arith.constant 0 : i32
      %dma_start3A_172 = arith.constant 0 : i32
      %dma_start3A_173 = tpu.memref_slice %arg4[%add3A, %dma_start3A_171, %dma_start3A_172] : memref<32x80x128xi32, #tpu.memory_space<hbm>> -> memref<1x80x128xi32, #tpu.memory_space<hbm>>
      %dma_start3A_174 = tpu.memref_squeeze %dma_start3A_173 : memref<1x80x128xi32, #tpu.memory_space<hbm>> -> memref<80x128xi32, #tpu.memory_space<hbm>>
      tpu.enqueue_dma source(%dma_start3A_174 : memref<80x128xi32, #tpu.memory_space<hbm>>) target(%arg7 : memref<80x128xi32, #tpu.memory_space<vmem>>) target_semaphore(%run_scoped3A_166 : memref<!tpu.dma_semaphore, #tpu.memory_space<semaphore_mem>>)
      %dma_wait3A_175 = arith.constant 0 : i32
      %dma_wait3A_176 = arith.constant 0 : i32
      %dma_wait3A_177 = tpu.memref_slice %arg4[%add3A, %dma_wait3A_175, %dma_wait3A_176] : memref<32x80x128xi32, #tpu.memory_space<hbm>> -> memref<1x80x128xi32, #tpu.memory_space<hbm>>
      %dma_wait3A_178 = tpu.memref_squeeze %dma_wait3A_177 : memref<1x80x128xi32, #tpu.memory_space<hbm>> -> memref<80x128xi32, #tpu.memory_space<hbm>>
      %dma_wait3A_179 = arith.constant 0 : i32
      %dma_wait3A_180 = arith.constant 0 : i32
      %dma_wait3A_181 = tpu.memref_slice %arg4[%add3A, %dma_wait3A_179, %dma_wait3A_180] : memref<32x80x128xi32, #tpu.memory_space<hbm>> -> memref<1x80x128xi32, #tpu.memory_space<hbm>>
      %dma_wait3A_182 = tpu.memref_squeeze %dma_wait3A_181 : memref<1x80x128xi32, #tpu.memory_space<hbm>> -> memref<80x128xi32, #tpu.memory_space<hbm>>
      tpu.wait_dma2 semaphore(%run_scoped3A_166 : memref<!tpu.dma_semaphore, #tpu.memory_space<semaphore_mem>>) src(%dma_wait3A_182 : memref<80x128xi32, #tpu.memory_space<hbm>>) dst(%arg7 : memref<80x128xi32, #tpu.memory_space<vmem>>)
      tpu.yield
    }) : () -> ()
    %barrier3A = arith.constant 0 : index
    tpu.barrier barrier_id(%barrier3A)
    %dma_start3A = arith.constant 0 : i32
    %dma_start3A_30 = arith.constant 0 : i32
    %dma_start3A_31 = arith.constant 0 : i32
    %dma_start3A_32 = arith.constant 0 : i32
    %dma_start3A_33 = arith.constant 0 : i32
    %dma_start3A_34 = tpu.memref_slice %arg8[%dma_start3A_30, %dma_start3A_32, %dma_start3A_33] : memref<4x128x32xf32, #tpu.memory_space<vmem>> -> memref<1x128x32xf32, #tpu.memory_space<vmem>>
    %dma_start3A_35 = tpu.memref_squeeze %dma_start3A_34 : memref<1x128x32xf32, #tpu.memory_space<vmem>> -> memref<128x32xf32, #tpu.memory_space<vmem>>
    %dma_start3A_36 = arith.constant 0 : i32
    %dma_start3A_37 = tpu.memref_slice %arg6[%dma_start3A, %dma_start3A_36] : memref<80x128xi32, #tpu.memory_space<vmem>> -> memref<1x128xi32, #tpu.memory_space<vmem>>
    %dma_start3A_38 = tpu.memref_squeeze %dma_start3A_37 : memref<1x128xi32, #tpu.memory_space<vmem>> -> memref<128xi32, #tpu.memory_space<vmem>>
    %dma_start3A_39 = arith.constant 0 : i32
    %dma_start3A_40 = arith.constant 0 : i32
    %dma_start3A_41 = tpu.memref_slice %arg2[%dma_start3A_39, %dma_start3A_40] : memref<10000x32xf32, #tpu.memory_space<hbm>> -> memref<10000x32xf32, #tpu.memory_space<hbm>>
    %dma_start3A_42 = tpu.memref_slice %arg10[%dma_start3A_31] : memref<4x!tpu.dma_semaphore, #tpu.memory_space<semaphore_mem>> -> memref<1x!tpu.dma_semaphore, #tpu.memory_space<semaphore_mem>>
    %dma_start3A_43 = tpu.memref_squeeze %dma_start3A_42 : memref<1x!tpu.dma_semaphore, #tpu.memory_space<semaphore_mem>> -> memref<!tpu.dma_semaphore, #tpu.memory_space<semaphore_mem>>
    tpu.enqueue_indirect_dma source(%dma_start3A_41 : memref<10000x32xf32, #tpu.memory_space<hbm>>) target(%dma_start3A_35 : memref<128x32xf32, #tpu.memory_space<vmem>>) offsets(%dma_start3A_38 : memref<128xi32, #tpu.memory_space<vmem>>) semaphore(%dma_start3A_43 : memref<!tpu.dma_semaphore, #tpu.memory_space<semaphore_mem>>)
    %dma_start3A_44 = arith.constant 1 : i32
    %dma_start3A_45 = arith.constant 1 : i32
    %dma_start3A_46 = arith.constant 1 : i32
    %dma_start3A_47 = arith.constant 0 : i32
    %dma_start3A_48 = arith.constant 0 : i32
    %dma_start3A_49 = tpu.memref_slice %arg8[%dma_start3A_45, %dma_start3A_47, %dma_start3A_48] : memref<4x128x32xf32, #tpu.memory_space<vmem>> -> memref<1x128x32xf32, #tpu.memory_space<vmem>>
    %dma_start3A_50 = tpu.memref_squeeze %dma_start3A_49 : memref<1x128x32xf32, #tpu.memory_space<vmem>> -> memref<128x32xf32, #tpu.memory_space<vmem>>
    %dma_start3A_51 = arith.constant 0 : i32
    %dma_start3A_52 = tpu.memref_slice %arg6[%dma_start3A_44, %dma_start3A_51] : memref<80x128xi32, #tpu.memory_space<vmem>> -> memref<1x128xi32, #tpu.memory_space<vmem>>
    %dma_start3A_53 = tpu.memref_squeeze %dma_start3A_52 : memref<1x128xi32, #tpu.memory_space<vmem>> -> memref<128xi32, #tpu.memory_space<vmem>>
    %dma_start3A_54 = arith.constant 0 : i32
    %dma_start3A_55 = arith.constant 0 : i32
    %dma_start3A_56 = tpu.memref_slice %arg2[%dma_start3A_54, %dma_start3A_55] : memref<10000x32xf32, #tpu.memory_space<hbm>> -> memref<10000x32xf32, #tpu.memory_space<hbm>>
    %dma_start3A_57 = tpu.memref_slice %arg10[%dma_start3A_46] : memref<4x!tpu.dma_semaphore, #tpu.memory_space<semaphore_mem>> -> memref<1x!tpu.dma_semaphore, #tpu.memory_space<semaphore_mem>>
    %dma_start3A_58 = tpu.memref_squeeze %dma_start3A_57 : memref<1x!tpu.dma_semaphore, #tpu.memory_space<semaphore_mem>> -> memref<!tpu.dma_semaphore, #tpu.memory_space<semaphore_mem>>
    tpu.enqueue_indirect_dma source(%dma_start3A_56 : memref<10000x32xf32, #tpu.memory_space<hbm>>) target(%dma_start3A_50 : memref<128x32xf32, #tpu.memory_space<vmem>>) offsets(%dma_start3A_53 : memref<128xi32, #tpu.memory_space<vmem>>) semaphore(%dma_start3A_58 : memref<!tpu.dma_semaphore, #tpu.memory_space<semaphore_mem>>)
    %dma_start3A_59 = arith.constant 2 : i32
    %dma_start3A_60 = arith.constant 2 : i32
    %dma_start3A_61 = arith.constant 2 : i32
    %dma_start3A_62 = arith.constant 0 : i32
    %dma_start3A_63 = arith.constant 0 : i32
    %dma_start3A_64 = tpu.memref_slice %arg8[%dma_start3A_60, %dma_start3A_62, %dma_start3A_63] : memref<4x128x32xf32, #tpu.memory_space<vmem>> -> memref<1x128x32xf32, #tpu.memory_space<vmem>>
    %dma_start3A_65 = tpu.memref_squeeze %dma_start3A_64 : memref<1x128x32xf32, #tpu.memory_space<vmem>> -> memref<128x32xf32, #tpu.memory_space<vmem>>
    %dma_start3A_66 = arith.constant 0 : i32
    %dma_start3A_67 = tpu.memref_slice %arg6[%dma_start3A_59, %dma_start3A_66] : memref<80x128xi32, #tpu.memory_space<vmem>> -> memref<1x128xi32, #tpu.memory_space<vmem>>
    %dma_start3A_68 = tpu.memref_squeeze %dma_start3A_67 : memref<1x128xi32, #tpu.memory_space<vmem>> -> memref<128xi32, #tpu.memory_space<vmem>>
    %dma_start3A_69 = arith.constant 0 : i32
    %dma_start3A_70 = arith.constant 0 : i32
    %dma_start3A_71 = tpu.memref_slice %arg2[%dma_start3A_69, %dma_start3A_70] : memref<10000x32xf32, #tpu.memory_space<hbm>> -> memref<10000x32xf32, #tpu.memory_space<hbm>>
    %dma_start3A_72 = tpu.memref_slice %arg10[%dma_start3A_61] : memref<4x!tpu.dma_semaphore, #tpu.memory_space<semaphore_mem>> -> memref<1x!tpu.dma_semaphore, #tpu.memory_space<semaphore_mem>>
    %dma_start3A_73 = tpu.memref_squeeze %dma_start3A_72 : memref<1x!tpu.dma_semaphore, #tpu.memory_space<semaphore_mem>> -> memref<!tpu.dma_semaphore, #tpu.memory_space<semaphore_mem>>
    tpu.enqueue_indirect_dma source(%dma_start3A_71 : memref<10000x32xf32, #tpu.memory_space<hbm>>) target(%dma_start3A_65 : memref<128x32xf32, #tpu.memory_space<vmem>>) offsets(%dma_start3A_68 : memref<128xi32, #tpu.memory_space<vmem>>) semaphore(%dma_start3A_73 : memref<!tpu.dma_semaphore, #tpu.memory_space<semaphore_mem>>)
    %dma_start3A_74 = arith.constant 3 : i32
    %dma_start3A_75 = arith.constant 3 : i32
    %dma_start3A_76 = arith.constant 3 : i32
    %dma_start3A_77 = arith.constant 0 : i32
    %dma_start3A_78 = arith.constant 0 : i32
    %dma_start3A_79 = tpu.memref_slice %arg8[%dma_start3A_75, %dma_start3A_77, %dma_start3A_78] : memref<4x128x32xf32, #tpu.memory_space<vmem>> -> memref<1x128x32xf32, #tpu.memory_space<vmem>>
    %dma_start3A_80 = tpu.memref_squeeze %dma_start3A_79 : memref<1x128x32xf32, #tpu.memory_space<vmem>> -> memref<128x32xf32, #tpu.memory_space<vmem>>
    %dma_start3A_81 = arith.constant 0 : i32
    %dma_start3A_82 = tpu.memref_slice %arg6[%dma_start3A_74, %dma_start3A_81] : memref<80x128xi32, #tpu.memory_space<vmem>> -> memref<1x128xi32, #tpu.memory_space<vmem>>
    %dma_start3A_83 = tpu.memref_squeeze %dma_start3A_82 : memref<1x128xi32, #tpu.memory_space<vmem>> -> memref<128xi32, #tpu.memory_space<vmem>>
    %dma_start3A_84 = arith.constant 0 : i32
    %dma_start3A_85 = arith.constant 0 : i32
    %dma_start3A_86 = tpu.memref_slice %arg2[%dma_start3A_84, %dma_start3A_85] : memref<10000x32xf32, #tpu.memory_space<hbm>> -> memref<10000x32xf32, #tpu.memory_space<hbm>>
    %dma_start3A_87 = tpu.memref_slice %arg10[%dma_start3A_76] : memref<4x!tpu.dma_semaphore, #tpu.memory_space<semaphore_mem>> -> memref<1x!tpu.dma_semaphore, #tpu.memory_space<semaphore_mem>>
    %dma_start3A_88 = tpu.memref_squeeze %dma_start3A_87 : memref<1x!tpu.dma_semaphore, #tpu.memory_space<semaphore_mem>> -> memref<!tpu.dma_semaphore, #tpu.memory_space<semaphore_mem>>
    tpu.enqueue_indirect_dma source(%dma_start3A_86 : memref<10000x32xf32, #tpu.memory_space<hbm>>) target(%dma_start3A_80 : memref<128x32xf32, #tpu.memory_space<vmem>>) offsets(%dma_start3A_83 : memref<128xi32, #tpu.memory_space<vmem>>) semaphore(%dma_start3A_88 : memref<!tpu.dma_semaphore, #tpu.memory_space<semaphore_mem>>)
    %scan3A_89 = arith.constant 0 : i32
    %scan3A_90 = arith.constant 19 : i32
    %scan3A_91 = arith.addi %scan3A_89, %scan3A_90 : i32
    %scan3A_92 = arith.constant 1 : i32
    scf.for %scan3A_166 = %scan3A_89 to %scan3A_91 step %scan3A_92  : i32 {
      %mul3A_167 = arith.constant 1 : i32
      %mul3A_168 = arith.muli %scan3A_166, %mul3A_167 : i32
      %add3A_169 = arith.constant 0 : i32
      %add3A_170 = arith.addi %add3A_169, %mul3A_168 : i32
      %mul3A_171 = arith.constant 4 : i32
      %mul3A_172 = arith.muli %add3A_170, %mul3A_171 : i32
      %add3A_173 = arith.constant 0 : i32
      %add3A_174 = arith.addi %mul3A_172, %add3A_173 : i32
      %dma_wait3A_175 = arith.constant 0 : i32
      %dma_wait3A_176 = arith.constant 0 : i32
      %dma_wait3A_177 = arith.constant 0 : i32
      %dma_wait3A_178 = arith.constant 0 : i32
      %dma_wait3A_179 = tpu.memref_slice %arg8[%dma_wait3A_175, %dma_wait3A_177, %dma_wait3A_178] : memref<4x128x32xf32, #tpu.memory_space<vmem>> -> memref<1x128x32xf32, #tpu.memory_space<vmem>>
      %dma_wait3A_180 = tpu.memref_squeeze %dma_wait3A_179 : memref<1x128x32xf32, #tpu.memory_space<vmem>> -> memref<128x32xf32, #tpu.memory_space<vmem>>
      %dma_wait3A_181 = arith.constant 0 : i32
      %dma_wait3A_182 = tpu.memref_slice %arg6[%add3A_174, %dma_wait3A_181] : memref<80x128xi32, #tpu.memory_space<vmem>> -> memref<1x128xi32, #tpu.memory_space<vmem>>
      %dma_wait3A_183 = tpu.memref_squeeze %dma_wait3A_182 : memref<1x128xi32, #tpu.memory_space<vmem>> -> memref<128xi32, #tpu.memory_space<vmem>>
      %dma_wait3A_184 = arith.constant 0 : i32
      %dma_wait3A_185 = arith.constant 0 : i32
      %dma_wait3A_186 = tpu.memref_slice %arg2[%dma_wait3A_184, %dma_wait3A_185] : memref<10000x32xf32, #tpu.memory_space<hbm>> -> memref<10000x32xf32, #tpu.memory_space<hbm>>
      %dma_wait3A_187 = tpu.memref_slice %arg10[%dma_wait3A_176] : memref<4x!tpu.dma_semaphore, #tpu.memory_space<semaphore_mem>> -> memref<1x!tpu.dma_semaphore, #tpu.memory_space<semaphore_mem>>
      %dma_wait3A_188 = tpu.memref_squeeze %dma_wait3A_187 : memref<1x!tpu.dma_semaphore, #tpu.memory_space<semaphore_mem>> -> memref<!tpu.dma_semaphore, #tpu.memory_space<semaphore_mem>>
      tpu.wait_indirect_dma semaphore(%dma_wait3A_188 : memref<!tpu.dma_semaphore, #tpu.memory_space<semaphore_mem>>) src(%dma_wait3A_186 : memref<10000x32xf32, #tpu.memory_space<hbm>>) dst(%dma_wait3A_180 : memref<128x32xf32, #tpu.memory_space<vmem>>)
      %run_scoped3A_189 = arith.constant 0 : i32
      "tpu.region"() ({
        %run_scoped3A_305 = tpu.sem_alloc : memref<!tpu.dma_semaphore, #tpu.memory_space<semaphore_mem>>
        %dma_start3A_306 = arith.constant 0 : i32
        %dma_start3A_307 = arith.constant 0 : i32
        %dma_start3A_308 = tpu.memref_slice %arg8[%run_scoped3A_189, %dma_start3A_306, %dma_start3A_307] : memref<4x128x32xf32, #tpu.memory_space<vmem>> -> memref<1x128x32xf32, #tpu.memory_space<vmem>>
        %dma_start3A_309 = tpu.memref_squeeze %dma_start3A_308 : memref<1x128x32xf32, #tpu.memory_space<vmem>> -> memref<128x32xf32, #tpu.memory_space<vmem>>
        %dma_start3A_310 = arith.constant 0 : i32
        %dma_start3A_311 = tpu.memref_slice %arg7[%add3A_174, %dma_start3A_310] : memref<80x128xi32, #tpu.memory_space<vmem>> -> memref<1x128xi32, #tpu.memory_space<vmem>>
        %dma_start3A_312 = tpu.memref_squeeze %dma_start3A_311 : memref<1x128xi32, #tpu.memory_space<vmem>> -> memref<128xi32, #tpu.memory_space<vmem>>
        %dma_start3A_313 = arith.constant 0 : i32
        %dma_start3A_314 = arith.constant 0 : i32
        %dma_start3A_315 = tpu.memref_slice %arg9[%dma_start3A_313, %dma_start3A_314] : memref<10240x32xf32, #tpu.memory_space<vmem_shared>> -> memref<10240x32xf32, #tpu.memory_space<vmem_shared>>
        tpu.enqueue_indirect_dma source(%dma_start3A_309 : memref<128x32xf32, #tpu.memory_space<vmem>>) target(%dma_start3A_315 : memref<10240x32xf32, #tpu.memory_space<vmem_shared>>) offsets(%dma_start3A_312 : memref<128xi32, #tpu.memory_space<vmem>>) semaphore(%run_scoped3A_305 : memref<!tpu.dma_semaphore, #tpu.memory_space<semaphore_mem>>) {add = true}
        %dma_wait3A_316 = arith.constant 0 : i32
        %dma_wait3A_317 = arith.constant 0 : i32
        %dma_wait3A_318 = tpu.memref_slice %arg8[%run_scoped3A_189, %dma_wait3A_316, %dma_wait3A_317] : memref<4x128x32xf32, #tpu.memory_space<vmem>> -> memref<1x128x32xf32, #tpu.memory_space<vmem>>
        %dma_wait3A_319 = tpu.memref_squeeze %dma_wait3A_318 : memref<1x128x32xf32, #tpu.memory_space<vmem>> -> memref<128x32xf32, #tpu.memory_space<vmem>>
        %dma_wait3A_320 = arith.constant 0 : i32
        %dma_wait3A_321 = tpu.memref_slice %arg7[%add3A_174, %dma_wait3A_320] : memref<80x128xi32, #tpu.memory_space<vmem>> -> memref<1x128xi32, #tpu.memory_space<vmem>>
        %dma_wait3A_322 = tpu.memref_squeeze %dma_wait3A_321 : memref<1x128xi32, #tpu.memory_space<vmem>> -> memref<128xi32, #tpu.memory_space<vmem>>
        %dma_wait3A_323 = arith.constant 0 : i32
        %dma_wait3A_324 = arith.constant 0 : i32
        %dma_wait3A_325 = tpu.memref_slice %arg9[%dma_wait3A_323, %dma_wait3A_324] : memref<10240x32xf32, #tpu.memory_space<vmem_shared>> -> memref<10240x32xf32, #tpu.memory_space<vmem_shared>>
        tpu.wait_indirect_dma semaphore(%run_scoped3A_305 : memref<!tpu.dma_semaphore, #tpu.memory_space<semaphore_mem>>) src(%dma_wait3A_319 : memref<128x32xf32, #tpu.memory_space<vmem>>) dst(%dma_wait3A_325 : memref<10240x32xf32, #tpu.memory_space<vmem_shared>>)
        tpu.yield
      }) : () -> ()
      %add3A_190 = arith.constant 4 : i32
      %add3A_191 = arith.addi %add3A_174, %add3A_190 : i32
      %dma_start3A_192 = arith.constant 0 : i32
      %dma_start3A_193 = arith.constant 0 : i32
      %dma_start3A_194 = arith.constant 0 : i32
      %dma_start3A_195 = arith.constant 0 : i32
      %dma_start3A_196 = tpu.memref_slice %arg8[%dma_start3A_192, %dma_start3A_194, %dma_start3A_195] : memref<4x128x32xf32, #tpu.memory_space<vmem>> -> memref<1x128x32xf32, #tpu.memory_space<vmem>>
      %dma_start3A_197 = tpu.memref_squeeze %dma_start3A_196 : memref<1x128x32xf32, #tpu.memory_space<vmem>> -> memref<128x32xf32, #tpu.memory_space<vmem>>
      %dma_start3A_198 = arith.constant 0 : i32
      %dma_start3A_199 = tpu.memref_slice %arg6[%add3A_191, %dma_start3A_198] : memref<80x128xi32, #tpu.memory_space<vmem>> -> memref<1x128xi32, #tpu.memory_space<vmem>>
      %dma_start3A_200 = tpu.memref_squeeze %dma_start3A_199 : memref<1x128xi32, #tpu.memory_space<vmem>> -> memref<128xi32, #tpu.memory_space<vmem>>
      %dma_start3A_201 = arith.constant 0 : i32
      %dma_start3A_202 = arith.constant 0 : i32
      %dma_start3A_203 = tpu.memref_slice %arg2[%dma_start3A_201, %dma_start3A_202] : memref<10000x32xf32, #tpu.memory_space<hbm>> -> memref<10000x32xf32, #tpu.memory_space<hbm>>
      %dma_start3A_204 = tpu.memref_slice %arg10[%dma_start3A_193] : memref<4x!tpu.dma_semaphore, #tpu.memory_space<semaphore_mem>> -> memref<1x!tpu.dma_semaphore, #tpu.memory_space<semaphore_mem>>
      %dma_start3A_205 = tpu.memref_squeeze %dma_start3A_204 : memref<1x!tpu.dma_semaphore, #tpu.memory_space<semaphore_mem>> -> memref<!tpu.dma_semaphore, #tpu.memory_space<semaphore_mem>>
      tpu.enqueue_indirect_dma source(%dma_start3A_203 : memref<10000x32xf32, #tpu.memory_space<hbm>>) target(%dma_start3A_197 : memref<128x32xf32, #tpu.memory_space<vmem>>) offsets(%dma_start3A_200 : memref<128xi32, #tpu.memory_space<vmem>>) semaphore(%dma_start3A_205 : memref<!tpu.dma_semaphore, #tpu.memory_space<semaphore_mem>>)
      %add3A_206 = arith.constant 1 : i32
      %add3A_207 = arith.addi %mul3A_172, %add3A_206 : i32
      %dma_wait3A_208 = arith.constant 1 : i32
      %dma_wait3A_209 = arith.constant 1 : i32
      %dma_wait3A_210 = arith.constant 0 : i32
      %dma_wait3A_211 = arith.constant 0 : i32
      %dma_wait3A_212 = tpu.memref_slice %arg8[%dma_wait3A_208, %dma_wait3A_210, %dma_wait3A_211] : memref<4x128x32xf32, #tpu.memory_space<vmem>> -> memref<1x128x32xf32, #tpu.memory_space<vmem>>
      %dma_wait3A_213 = tpu.memref_squeeze %dma_wait3A_212 : memref<1x128x32xf32, #tpu.memory_space<vmem>> -> memref<128x32xf32, #tpu.memory_space<vmem>>
      %dma_wait3A_214 = arith.constant 0 : i32
      %dma_wait3A_215 = tpu.memref_slice %arg6[%add3A_207, %dma_wait3A_214] : memref<80x128xi32, #tpu.memory_space<vmem>> -> memref<1x128xi32, #tpu.memory_space<vmem>>
      %dma_wait3A_216 = tpu.memref_squeeze %dma_wait3A_215 : memref<1x128xi32, #tpu.memory_space<vmem>> -> memref<128xi32, #tpu.memory_space<vmem>>
      %dma_wait3A_217 = arith.constant 0 : i32
      %dma_wait3A_218 = arith.constant 0 : i32
      %dma_wait3A_219 = tpu.memref_slice %arg2[%dma_wait3A_217, %dma_wait3A_218] : memref<10000x32xf32, #tpu.memory_space<hbm>> -> memref<10000x32xf32, #tpu.memory_space<hbm>>
      %dma_wait3A_220 = tpu.memref_slice %arg10[%dma_wait3A_209] : memref<4x!tpu.dma_semaphore, #tpu.memory_space<semaphore_mem>> -> memref<1x!tpu.dma_semaphore, #tpu.memory_space<semaphore_mem>>
      %dma_wait3A_221 = tpu.memref_squeeze %dma_wait3A_220 : memref<1x!tpu.dma_semaphore, #tpu.memory_space<semaphore_mem>> -> memref<!tpu.dma_semaphore, #tpu.memory_space<semaphore_mem>>
      tpu.wait_indirect_dma semaphore(%dma_wait3A_221 : memref<!tpu.dma_semaphore, #tpu.memory_space<semaphore_mem>>) src(%dma_wait3A_219 : memref<10000x32xf32, #tpu.memory_space<hbm>>) dst(%dma_wait3A_213 : memref<128x32xf32, #tpu.memory_space<vmem>>)
      %run_scoped3A_222 = arith.constant 1 : i32
      "tpu.region"() ({
        %run_scoped3A_305 = tpu.sem_alloc : memref<!tpu.dma_semaphore, #tpu.memory_space<semaphore_mem>>
        %dma_start3A_306 = arith.constant 0 : i32
        %dma_start3A_307 = arith.constant 0 : i32
        %dma_start3A_308 = tpu.memref_slice %arg8[%run_scoped3A_222, %dma_start3A_306, %dma_start3A_307] : memref<4x128x32xf32, #tpu.memory_space<vmem>> -> memref<1x128x32xf32, #tpu.memory_space<vmem>>
        %dma_start3A_309 = tpu.memref_squeeze %dma_start3A_308 : memref<1x128x32xf32, #tpu.memory_space<vmem>> -> memref<128x32xf32, #tpu.memory_space<vmem>>
        %dma_start3A_310 = arith.constant 0 : i32
        %dma_start3A_311 = tpu.memref_slice %arg7[%add3A_207, %dma_start3A_310] : memref<80x128xi32, #tpu.memory_space<vmem>> -> memref<1x128xi32, #tpu.memory_space<vmem>>
        %dma_start3A_312 = tpu.memref_squeeze %dma_start3A_311 : memref<1x128xi32, #tpu.memory_space<vmem>> -> memref<128xi32, #tpu.memory_space<vmem>>
        %dma_start3A_313 = arith.constant 0 : i32
        %dma_start3A_314 = arith.constant 0 : i32
        %dma_start3A_315 = tpu.memref_slice %arg9[%dma_start3A_313, %dma_start3A_314] : memref<10240x32xf32, #tpu.memory_space<vmem_shared>> -> memref<10240x32xf32, #tpu.memory_space<vmem_shared>>
        tpu.enqueue_indirect_dma source(%dma_start3A_309 : memref<128x32xf32, #tpu.memory_space<vmem>>) target(%dma_start3A_315 : memref<10240x32xf32, #tpu.memory_space<vmem_shared>>) offsets(%dma_start3A_312 : memref<128xi32, #tpu.memory_space<vmem>>) semaphore(%run_scoped3A_305 : memref<!tpu.dma_semaphore, #tpu.memory_space<semaphore_mem>>) {add = true}
        %dma_wait3A_316 = arith.constant 0 : i32
        %dma_wait3A_317 = arith.constant 0 : i32
        %dma_wait3A_318 = tpu.memref_slice %arg8[%run_scoped3A_222, %dma_wait3A_316, %dma_wait3A_317] : memref<4x128x32xf32, #tpu.memory_space<vmem>> -> memref<1x128x32xf32, #tpu.memory_space<vmem>>
        %dma_wait3A_319 = tpu.memref_squeeze %dma_wait3A_318 : memref<1x128x32xf32, #tpu.memory_space<vmem>> -> memref<128x32xf32, #tpu.memory_space<vmem>>
        %dma_wait3A_320 = arith.constant 0 : i32
        %dma_wait3A_321 = tpu.memref_slice %arg7[%add3A_207, %dma_wait3A_320] : memref<80x128xi32, #tpu.memory_space<vmem>> -> memref<1x128xi32, #tpu.memory_space<vmem>>
        %dma_wait3A_322 = tpu.memref_squeeze %dma_wait3A_321 : memref<1x128xi32, #tpu.memory_space<vmem>> -> memref<128xi32, #tpu.memory_space<vmem>>
        %dma_wait3A_323 = arith.constant 0 : i32
        %dma_wait3A_324 = arith.constant 0 : i32
        %dma_wait3A_325 = tpu.memref_slice %arg9[%dma_wait3A_323, %dma_wait3A_324] : memref<10240x32xf32, #tpu.memory_space<vmem_shared>> -> memref<10240x32xf32, #tpu.memory_space<vmem_shared>>
        tpu.wait_indirect_dma semaphore(%run_scoped3A_305 : memref<!tpu.dma_semaphore, #tpu.memory_space<semaphore_mem>>) src(%dma_wait3A_319 : memref<128x32xf32, #tpu.memory_space<vmem>>) dst(%dma_wait3A_325 : memref<10240x32xf32, #tpu.memory_space<vmem_shared>>)
        tpu.yield
      }) : () -> ()
      %add3A_223 = arith.constant 4 : i32
      %add3A_224 = arith.addi %add3A_207, %add3A_223 : i32
      %dma_start3A_225 = arith.constant 1 : i32
      %dma_start3A_226 = arith.constant 1 : i32
      %dma_start3A_227 = arith.constant 0 : i32
      %dma_start3A_228 = arith.constant 0 : i32
      %dma_start3A_229 = tpu.memref_slice %arg8[%dma_start3A_225, %dma_start3A_227, %dma_start3A_228] : memref<4x128x32xf32, #tpu.memory_space<vmem>> -> memref<1x128x32xf32, #tpu.memory_space<vmem>>
      %dma_start3A_230 = tpu.memref_squeeze %dma_start3A_229 : memref<1x128x32xf32, #tpu.memory_space<vmem>> -> memref<128x32xf32, #tpu.memory_space<vmem>>
      %dma_start3A_231 = arith.constant 0 : i32
      %dma_start3A_232 = tpu.memref_slice %arg6[%add3A_224, %dma_start3A_231] : memref<80x128xi32, #tpu.memory_space<vmem>> -> memref<1x128xi32, #tpu.memory_space<vmem>>
      %dma_start3A_233 = tpu.memref_squeeze %dma_start3A_232 : memref<1x128xi32, #tpu.memory_space<vmem>> -> memref<128xi32, #tpu.memory_space<vmem>>
      %dma_start3A_234 = arith.constant 0 : i32
      %dma_start3A_235 = arith.constant 0 : i32
      %dma_start3A_236 = tpu.memref_slice %arg2[%dma_start3A_234, %dma_start3A_235] : memref<10000x32xf32, #tpu.memory_space<hbm>> -> memref<10000x32xf32, #tpu.memory_space<hbm>>
      %dma_start3A_237 = tpu.memref_slice %arg10[%dma_start3A_226] : memref<4x!tpu.dma_semaphore, #tpu.memory_space<semaphore_mem>> -> memref<1x!tpu.dma_semaphore, #tpu.memory_space<semaphore_mem>>
      %dma_start3A_238 = tpu.memref_squeeze %dma_start3A_237 : memref<1x!tpu.dma_semaphore, #tpu.memory_space<semaphore_mem>> -> memref<!tpu.dma_semaphore, #tpu.memory_space<semaphore_mem>>
      tpu.enqueue_indirect_dma source(%dma_start3A_236 : memref<10000x32xf32, #tpu.memory_space<hbm>>) target(%dma_start3A_230 : memref<128x32xf32, #tpu.memory_space<vmem>>) offsets(%dma_start3A_233 : memref<128xi32, #tpu.memory_space<vmem>>) semaphore(%dma_start3A_238 : memref<!tpu.dma_semaphore, #tpu.memory_space<semaphore_mem>>)
      %add3A_239 = arith.constant 2 : i32
      %add3A_240 = arith.addi %mul3A_172, %add3A_239 : i32
      %dma_wait3A_241 = arith.constant 2 : i32
      %dma_wait3A_242 = arith.constant 2 : i32
      %dma_wait3A_243 = arith.constant 0 : i32
      %dma_wait3A_244 = arith.constant 0 : i32
      %dma_wait3A_245 = tpu.memref_slice %arg8[%dma_wait3A_241, %dma_wait3A_243, %dma_wait3A_244] : memref<4x128x32xf32, #tpu.memory_space<vmem>> -> memref<1x128x32xf32, #tpu.memory_space<vmem>>
      %dma_wait3A_246 = tpu.memref_squeeze %dma_wait3A_245 : memref<1x128x32xf32, #tpu.memory_space<vmem>> -> memref<128x32xf32, #tpu.memory_space<vmem>>
      %dma_wait3A_247 = arith.constant 0 : i32
      %dma_wait3A_248 = tpu.memref_slice %arg6[%add3A_240, %dma_wait3A_247] : memref<80x128xi32, #tpu.memory_space<vmem>> -> memref<1x128xi32, #tpu.memory_space<vmem>>
      %dma_wait3A_249 = tpu.memref_squeeze %dma_wait3A_248 : memref<1x128xi32, #tpu.memory_space<vmem>> -> memref<128xi32, #tpu.memory_space<vmem>>
      %dma_wait3A_250 = arith.constant 0 : i32
      %dma_wait3A_251 = arith.constant 0 : i32
      %dma_wait3A_252 = tpu.memref_slice %arg2[%dma_wait3A_250, %dma_wait3A_251] : memref<10000x32xf32, #tpu.memory_space<hbm>> -> memref<10000x32xf32, #tpu.memory_space<hbm>>
      %dma_wait3A_253 = tpu.memref_slice %arg10[%dma_wait3A_242] : memref<4x!tpu.dma_semaphore, #tpu.memory_space<semaphore_mem>> -> memref<1x!tpu.dma_semaphore, #tpu.memory_space<semaphore_mem>>
      %dma_wait3A_254 = tpu.memref_squeeze %dma_wait3A_253 : memref<1x!tpu.dma_semaphore, #tpu.memory_space<semaphore_mem>> -> memref<!tpu.dma_semaphore, #tpu.memory_space<semaphore_mem>>
      tpu.wait_indirect_dma semaphore(%dma_wait3A_254 : memref<!tpu.dma_semaphore, #tpu.memory_space<semaphore_mem>>) src(%dma_wait3A_252 : memref<10000x32xf32, #tpu.memory_space<hbm>>) dst(%dma_wait3A_246 : memref<128x32xf32, #tpu.memory_space<vmem>>)
      %run_scoped3A_255 = arith.constant 2 : i32
      "tpu.region"() ({
        %run_scoped3A_305 = tpu.sem_alloc : memref<!tpu.dma_semaphore, #tpu.memory_space<semaphore_mem>>
        %dma_start3A_306 = arith.constant 0 : i32
        %dma_start3A_307 = arith.constant 0 : i32
        %dma_start3A_308 = tpu.memref_slice %arg8[%run_scoped3A_255, %dma_start3A_306, %dma_start3A_307] : memref<4x128x32xf32, #tpu.memory_space<vmem>> -> memref<1x128x32xf32, #tpu.memory_space<vmem>>
        %dma_start3A_309 = tpu.memref_squeeze %dma_start3A_308 : memref<1x128x32xf32, #tpu.memory_space<vmem>> -> memref<128x32xf32, #tpu.memory_space<vmem>>
        %dma_start3A_310 = arith.constant 0 : i32
        %dma_start3A_311 = tpu.memref_slice %arg7[%add3A_240, %dma_start3A_310] : memref<80x128xi32, #tpu.memory_space<vmem>> -> memref<1x128xi32, #tpu.memory_space<vmem>>
        %dma_start3A_312 = tpu.memref_squeeze %dma_start3A_311 : memref<1x128xi32, #tpu.memory_space<vmem>> -> memref<128xi32, #tpu.memory_space<vmem>>
        %dma_start3A_313 = arith.constant 0 : i32
        %dma_start3A_314 = arith.constant 0 : i32
        %dma_start3A_315 = tpu.memref_slice %arg9[%dma_start3A_313, %dma_start3A_314] : memref<10240x32xf32, #tpu.memory_space<vmem_shared>> -> memref<10240x32xf32, #tpu.memory_space<vmem_shared>>
        tpu.enqueue_indirect_dma source(%dma_start3A_309 : memref<128x32xf32, #tpu.memory_space<vmem>>) target(%dma_start3A_315 : memref<10240x32xf32, #tpu.memory_space<vmem_shared>>) offsets(%dma_start3A_312 : memref<128xi32, #tpu.memory_space<vmem>>) semaphore(%run_scoped3A_305 : memref<!tpu.dma_semaphore, #tpu.memory_space<semaphore_mem>>) {add = true}
        %dma_wait3A_316 = arith.constant 0 : i32
        %dma_wait3A_317 = arith.constant 0 : i32
        %dma_wait3A_318 = tpu.memref_slice %arg8[%run_scoped3A_255, %dma_wait3A_316, %dma_wait3A_317] : memref<4x128x32xf32, #tpu.memory_space<vmem>> -> memref<1x128x32xf32, #tpu.memory_space<vmem>>
        %dma_wait3A_319 = tpu.memref_squeeze %dma_wait3A_318 : memref<1x128x32xf32, #tpu.memory_space<vmem>> -> memref<128x32xf32, #tpu.memory_space<vmem>>
        %dma_wait3A_320 = arith.constant 0 : i32
        %dma_wait3A_321 = tpu.memref_slice %arg7[%add3A_240, %dma_wait3A_320] : memref<80x128xi32, #tpu.memory_space<vmem>> -> memref<1x128xi32, #tpu.memory_space<vmem>>
        %dma_wait3A_322 = tpu.memref_squeeze %dma_wait3A_321 : memref<1x128xi32, #tpu.memory_space<vmem>> -> memref<128xi32, #tpu.memory_space<vmem>>
        %dma_wait3A_323 = arith.constant 0 : i32
        %dma_wait3A_324 = arith.constant 0 : i32
        %dma_wait3A_325 = tpu.memref_slice %arg9[%dma_wait3A_323, %dma_wait3A_324] : memref<10240x32xf32, #tpu.memory_space<vmem_shared>> -> memref<10240x32xf32, #tpu.memory_space<vmem_shared>>
        tpu.wait_indirect_dma semaphore(%run_scoped3A_305 : memref<!tpu.dma_semaphore, #tpu.memory_space<semaphore_mem>>) src(%dma_wait3A_319 : memref<128x32xf32, #tpu.memory_space<vmem>>) dst(%dma_wait3A_325 : memref<10240x32xf32, #tpu.memory_space<vmem_shared>>)
        tpu.yield
      }) : () -> ()
      %add3A_256 = arith.constant 4 : i32
      %add3A_257 = arith.addi %add3A_240, %add3A_256 : i32
      %dma_start3A_258 = arith.constant 2 : i32
      %dma_start3A_259 = arith.constant 2 : i32
      %dma_start3A_260 = arith.constant 0 : i32
      %dma_start3A_261 = arith.constant 0 : i32
      %dma_start3A_262 = tpu.memref_slice %arg8[%dma_start3A_258, %dma_start3A_260, %dma_start3A_261] : memref<4x128x32xf32, #tpu.memory_space<vmem>> -> memref<1x128x32xf32, #tpu.memory_space<vmem>>
      %dma_start3A_263 = tpu.memref_squeeze %dma_start3A_262 : memref<1x128x32xf32, #tpu.memory_space<vmem>> -> memref<128x32xf32, #tpu.memory_space<vmem>>
      %dma_start3A_264 = arith.constant 0 : i32
      %dma_start3A_265 = tpu.memref_slice %arg6[%add3A_257, %dma_start3A_264] : memref<80x128xi32, #tpu.memory_space<vmem>> -> memref<1x128xi32, #tpu.memory_space<vmem>>
      %dma_start3A_266 = tpu.memref_squeeze %dma_start3A_265 : memref<1x128xi32, #tpu.memory_space<vmem>> -> memref<128xi32, #tpu.memory_space<vmem>>
      %dma_start3A_267 = arith.constant 0 : i32
      %dma_start3A_268 = arith.constant 0 : i32
      %dma_start3A_269 = tpu.memref_slice %arg2[%dma_start3A_267, %dma_start3A_268] : memref<10000x32xf32, #tpu.memory_space<hbm>> -> memref<10000x32xf32, #tpu.memory_space<hbm>>
      %dma_start3A_270 = tpu.memref_slice %arg10[%dma_start3A_259] : memref<4x!tpu.dma_semaphore, #tpu.memory_space<semaphore_mem>> -> memref<1x!tpu.dma_semaphore, #tpu.memory_space<semaphore_mem>>
      %dma_start3A_271 = tpu.memref_squeeze %dma_start3A_270 : memref<1x!tpu.dma_semaphore, #tpu.memory_space<semaphore_mem>> -> memref<!tpu.dma_semaphore, #tpu.memory_space<semaphore_mem>>
      tpu.enqueue_indirect_dma source(%dma_start3A_269 : memref<10000x32xf32, #tpu.memory_space<hbm>>) target(%dma_start3A_263 : memref<128x32xf32, #tpu.memory_space<vmem>>) offsets(%dma_start3A_266 : memref<128xi32, #tpu.memory_space<vmem>>) semaphore(%dma_start3A_271 : memref<!tpu.dma_semaphore, #tpu.memory_space<semaphore_mem>>)
      %add3A_272 = arith.constant 3 : i32
      %add3A_273 = arith.addi %mul3A_172, %add3A_272 : i32
      %dma_wait3A_274 = arith.constant 3 : i32
      %dma_wait3A_275 = arith.constant 3 : i32
      %dma_wait3A_276 = arith.constant 0 : i32
      %dma_wait3A_277 = arith.constant 0 : i32
      %dma_wait3A_278 = tpu.memref_slice %arg8[%dma_wait3A_274, %dma_wait3A_276, %dma_wait3A_277] : memref<4x128x32xf32, #tpu.memory_space<vmem>> -> memref<1x128x32xf32, #tpu.memory_space<vmem>>
      %dma_wait3A_279 = tpu.memref_squeeze %dma_wait3A_278 : memref<1x128x32xf32, #tpu.memory_space<vmem>> -> memref<128x32xf32, #tpu.memory_space<vmem>>
      %dma_wait3A_280 = arith.constant 0 : i32
      %dma_wait3A_281 = tpu.memref_slice %arg6[%add3A_273, %dma_wait3A_280] : memref<80x128xi32, #tpu.memory_space<vmem>> -> memref<1x128xi32, #tpu.memory_space<vmem>>
      %dma_wait3A_282 = tpu.memref_squeeze %dma_wait3A_281 : memref<1x128xi32, #tpu.memory_space<vmem>> -> memref<128xi32, #tpu.memory_space<vmem>>
      %dma_wait3A_283 = arith.constant 0 : i32
      %dma_wait3A_284 = arith.constant 0 : i32
      %dma_wait3A_285 = tpu.memref_slice %arg2[%dma_wait3A_283, %dma_wait3A_284] : memref<10000x32xf32, #tpu.memory_space<hbm>> -> memref<10000x32xf32, #tpu.memory_space<hbm>>
      %dma_wait3A_286 = tpu.memref_slice %arg10[%dma_wait3A_275] : memref<4x!tpu.dma_semaphore, #tpu.memory_space<semaphore_mem>> -> memref<1x!tpu.dma_semaphore, #tpu.memory_space<semaphore_mem>>
      %dma_wait3A_287 = tpu.memref_squeeze %dma_wait3A_286 : memref<1x!tpu.dma_semaphore, #tpu.memory_space<semaphore_mem>> -> memref<!tpu.dma_semaphore, #tpu.memory_space<semaphore_mem>>
      tpu.wait_indirect_dma semaphore(%dma_wait3A_287 : memref<!tpu.dma_semaphore, #tpu.memory_space<semaphore_mem>>) src(%dma_wait3A_285 : memref<10000x32xf32, #tpu.memory_space<hbm>>) dst(%dma_wait3A_279 : memref<128x32xf32, #tpu.memory_space<vmem>>)
      %run_scoped3A_288 = arith.constant 3 : i32
      "tpu.region"() ({
        %run_scoped3A_305 = tpu.sem_alloc : memref<!tpu.dma_semaphore, #tpu.memory_space<semaphore_mem>>
        %dma_start3A_306 = arith.constant 0 : i32
        %dma_start3A_307 = arith.constant 0 : i32
        %dma_start3A_308 = tpu.memref_slice %arg8[%run_scoped3A_288, %dma_start3A_306, %dma_start3A_307] : memref<4x128x32xf32, #tpu.memory_space<vmem>> -> memref<1x128x32xf32, #tpu.memory_space<vmem>>
        %dma_start3A_309 = tpu.memref_squeeze %dma_start3A_308 : memref<1x128x32xf32, #tpu.memory_space<vmem>> -> memref<128x32xf32, #tpu.memory_space<vmem>>
        %dma_start3A_310 = arith.constant 0 : i32
        %dma_start3A_311 = tpu.memref_slice %arg7[%add3A_273, %dma_start3A_310] : memref<80x128xi32, #tpu.memory_space<vmem>> -> memref<1x128xi32, #tpu.memory_space<vmem>>
        %dma_start3A_312 = tpu.memref_squeeze %dma_start3A_311 : memref<1x128xi32, #tpu.memory_space<vmem>> -> memref<128xi32, #tpu.memory_space<vmem>>
        %dma_start3A_313 = arith.constant 0 : i32
        %dma_start3A_314 = arith.constant 0 : i32
        %dma_start3A_315 = tpu.memref_slice %arg9[%dma_start3A_313, %dma_start3A_314] : memref<10240x32xf32, #tpu.memory_space<vmem_shared>> -> memref<10240x32xf32, #tpu.memory_space<vmem_shared>>
        tpu.enqueue_indirect_dma source(%dma_start3A_309 : memref<128x32xf32, #tpu.memory_space<vmem>>) target(%dma_start3A_315 : memref<10240x32xf32, #tpu.memory_space<vmem_shared>>) offsets(%dma_start3A_312 : memref<128xi32, #tpu.memory_space<vmem>>) semaphore(%run_scoped3A_305 : memref<!tpu.dma_semaphore, #tpu.memory_space<semaphore_mem>>) {add = true}
        %dma_wait3A_316 = arith.constant 0 : i32
        %dma_wait3A_317 = arith.constant 0 : i32
        %dma_wait3A_318 = tpu.memref_slice %arg8[%run_scoped3A_288, %dma_wait3A_316, %dma_wait3A_317] : memref<4x128x32xf32, #tpu.memory_space<vmem>> -> memref<1x128x32xf32, #tpu.memory_space<vmem>>
        %dma_wait3A_319 = tpu.memref_squeeze %dma_wait3A_318 : memref<1x128x32xf32, #tpu.memory_space<vmem>> -> memref<128x32xf32, #tpu.memory_space<vmem>>
        %dma_wait3A_320 = arith.constant 0 : i32
        %dma_wait3A_321 = tpu.memref_slice %arg7[%add3A_273, %dma_wait3A_320] : memref<80x128xi32, #tpu.memory_space<vmem>> -> memref<1x128xi32, #tpu.memory_space<vmem>>
        %dma_wait3A_322 = tpu.memref_squeeze %dma_wait3A_321 : memref<1x128xi32, #tpu.memory_space<vmem>> -> memref<128xi32, #tpu.memory_space<vmem>>
        %dma_wait3A_323 = arith.constant 0 : i32
        %dma_wait3A_324 = arith.constant 0 : i32
        %dma_wait3A_325 = tpu.memref_slice %arg9[%dma_wait3A_323, %dma_wait3A_324] : memref<10240x32xf32, #tpu.memory_space<vmem_shared>> -> memref<10240x32xf32, #tpu.memory_space<vmem_shared>>
        tpu.wait_indirect_dma semaphore(%run_scoped3A_305 : memref<!tpu.dma_semaphore, #tpu.memory_space<semaphore_mem>>) src(%dma_wait3A_319 : memref<128x32xf32, #tpu.memory_space<vmem>>) dst(%dma_wait3A_325 : memref<10240x32xf32, #tpu.memory_space<vmem_shared>>)
        tpu.yield
      }) : () -> ()
      %add3A_289 = arith.constant 4 : i32
      %add3A_290 = arith.addi %add3A_273, %add3A_289 : i32
      %dma_start3A_291 = arith.constant 3 : i32
      %dma_start3A_292 = arith.constant 3 : i32
      %dma_start3A_293 = arith.constant 0 : i32
      %dma_start3A_294 = arith.constant 0 : i32
      %dma_start3A_295 = tpu.memref_slice %arg8[%dma_start3A_291, %dma_start3A_293, %dma_start3A_294] : memref<4x128x32xf32, #tpu.memory_space<vmem>> -> memref<1x128x32xf32, #tpu.memory_space<vmem>>
      %dma_start3A_296 = tpu.memref_squeeze %dma_start3A_295 : memref<1x128x32xf32, #tpu.memory_space<vmem>> -> memref<128x32xf32, #tpu.memory_space<vmem>>
      %dma_start3A_297 = arith.constant 0 : i32
      %dma_start3A_298 = tpu.memref_slice %arg6[%add3A_290, %dma_start3A_297] : memref<80x128xi32, #tpu.memory_space<vmem>> -> memref<1x128xi32, #tpu.memory_space<vmem>>
      %dma_start3A_299 = tpu.memref_squeeze %dma_start3A_298 : memref<1x128xi32, #tpu.memory_space<vmem>> -> memref<128xi32, #tpu.memory_space<vmem>>
      %dma_start3A_300 = arith.constant 0 : i32
      %dma_start3A_301 = arith.constant 0 : i32
      %dma_start3A_302 = tpu.memref_slice %arg2[%dma_start3A_300, %dma_start3A_301] : memref<10000x32xf32, #tpu.memory_space<hbm>> -> memref<10000x32xf32, #tpu.memory_space<hbm>>
      %dma_start3A_303 = tpu.memref_slice %arg10[%dma_start3A_292] : memref<4x!tpu.dma_semaphore, #tpu.memory_space<semaphore_mem>> -> memref<1x!tpu.dma_semaphore, #tpu.memory_space<semaphore_mem>>
      %dma_start3A_304 = tpu.memref_squeeze %dma_start3A_303 : memref<1x!tpu.dma_semaphore, #tpu.memory_space<semaphore_mem>> -> memref<!tpu.dma_semaphore, #tpu.memory_space<semaphore_mem>>
      tpu.enqueue_indirect_dma source(%dma_start3A_302 : memref<10000x32xf32, #tpu.memory_space<hbm>>) target(%dma_start3A_296 : memref<128x32xf32, #tpu.memory_space<vmem>>) offsets(%dma_start3A_299 : memref<128xi32, #tpu.memory_space<vmem>>) semaphore(%dma_start3A_304 : memref<!tpu.dma_semaphore, #tpu.memory_space<semaphore_mem>>)
    }
    %scan3A_93 = arith.constant 19 : i32
    %dma_wait3A = arith.constant 76 : i32
    %dma_wait3A_94 = arith.constant 0 : i32
    %dma_wait3A_95 = arith.constant 0 : i32
    %dma_wait3A_96 = arith.constant 0 : i32
    %dma_wait3A_97 = arith.constant 0 : i32
    %dma_wait3A_98 = tpu.memref_slice %arg8[%dma_wait3A_94, %dma_wait3A_96, %dma_wait3A_97] : memref<4x128x32xf32, #tpu.memory_space<vmem>> -> memref<1x128x32xf32, #tpu.memory_space<vmem>>
    %dma_wait3A_99 = tpu.memref_squeeze %dma_wait3A_98 : memref<1x128x32xf32, #tpu.memory_space<vmem>> -> memref<128x32xf32, #tpu.memory_space<vmem>>
    %dma_wait3A_100 = arith.constant 0 : i32
    %dma_wait3A_101 = tpu.memref_slice %arg6[%dma_wait3A, %dma_wait3A_100] : memref<80x128xi32, #tpu.memory_space<vmem>> -> memref<1x128xi32, #tpu.memory_space<vmem>>
    %dma_wait3A_102 = tpu.memref_squeeze %dma_wait3A_101 : memref<1x128xi32, #tpu.memory_space<vmem>> -> memref<128xi32, #tpu.memory_space<vmem>>
    %dma_wait3A_103 = arith.constant 0 : i32
    %dma_wait3A_104 = arith.constant 0 : i32
    %dma_wait3A_105 = tpu.memref_slice %arg2[%dma_wait3A_103, %dma_wait3A_104] : memref<10000x32xf32, #tpu.memory_space<hbm>> -> memref<10000x32xf32, #tpu.memory_space<hbm>>
    %dma_wait3A_106 = tpu.memref_slice %arg10[%dma_wait3A_95] : memref<4x!tpu.dma_semaphore, #tpu.memory_space<semaphore_mem>> -> memref<1x!tpu.dma_semaphore, #tpu.memory_space<semaphore_mem>>
    %dma_wait3A_107 = tpu.memref_squeeze %dma_wait3A_106 : memref<1x!tpu.dma_semaphore, #tpu.memory_space<semaphore_mem>> -> memref<!tpu.dma_semaphore, #tpu.memory_space<semaphore_mem>>
    tpu.wait_indirect_dma semaphore(%dma_wait3A_107 : memref<!tpu.dma_semaphore, #tpu.memory_space<semaphore_mem>>) src(%dma_wait3A_105 : memref<10000x32xf32, #tpu.memory_space<hbm>>) dst(%dma_wait3A_99 : memref<128x32xf32, #tpu.memory_space<vmem>>)
    %run_scoped3A_108 = arith.constant 0 : i32
    %run_scoped3A_109 = arith.constant 76 : i32
    "tpu.region"() ({
      %run_scoped3A_166 = tpu.sem_alloc : memref<!tpu.dma_semaphore, #tpu.memory_space<semaphore_mem>>
      %dma_start3A_167 = arith.constant 0 : i32
      %dma_start3A_168 = arith.constant 0 : i32
      %dma_start3A_169 = tpu.memref_slice %arg8[%run_scoped3A_108, %dma_start3A_167, %dma_start3A_168] : memref<4x128x32xf32, #tpu.memory_space<vmem>> -> memref<1x128x32xf32, #tpu.memory_space<vmem>>
      %dma_start3A_170 = tpu.memref_squeeze %dma_start3A_169 : memref<1x128x32xf32, #tpu.memory_space<vmem>> -> memref<128x32xf32, #tpu.memory_space<vmem>>
      %dma_start3A_171 = arith.constant 0 : i32
      %dma_start3A_172 = tpu.memref_slice %arg7[%run_scoped3A_109, %dma_start3A_171] : memref<80x128xi32, #tpu.memory_space<vmem>> -> memref<1x128xi32, #tpu.memory_space<vmem>>
      %dma_start3A_173 = tpu.memref_squeeze %dma_start3A_172 : memref<1x128xi32, #tpu.memory_space<vmem>> -> memref<128xi32, #tpu.memory_space<vmem>>
      %dma_start3A_174 = arith.constant 0 : i32
      %dma_start3A_175 = arith.constant 0 : i32
      %dma_start3A_176 = tpu.memref_slice %arg9[%dma_start3A_174, %dma_start3A_175] : memref<10240x32xf32, #tpu.memory_space<vmem_shared>> -> memref<10240x32xf32, #tpu.memory_space<vmem_shared>>
      tpu.enqueue_indirect_dma source(%dma_start3A_170 : memref<128x32xf32, #tpu.memory_space<vmem>>) target(%dma_start3A_176 : memref<10240x32xf32, #tpu.memory_space<vmem_shared>>) offsets(%dma_start3A_173 : memref<128xi32, #tpu.memory_space<vmem>>) semaphore(%run_scoped3A_166 : memref<!tpu.dma_semaphore, #tpu.memory_space<semaphore_mem>>) {add = true}
      %dma_wait3A_177 = arith.constant 0 : i32
      %dma_wait3A_178 = arith.constant 0 : i32
      %dma_wait3A_179 = tpu.memref_slice %arg8[%run_scoped3A_108, %dma_wait3A_177, %dma_wait3A_178] : memref<4x128x32xf32, #tpu.memory_space<vmem>> -> memref<1x128x32xf32, #tpu.memory_space<vmem>>
      %dma_wait3A_180 = tpu.memref_squeeze %dma_wait3A_179 : memref<1x128x32xf32, #tpu.memory_space<vmem>> -> memref<128x32xf32, #tpu.memory_space<vmem>>
      %dma_wait3A_181 = arith.constant 0 : i32
      %dma_wait3A_182 = tpu.memref_slice %arg7[%run_scoped3A_109, %dma_wait3A_181] : memref<80x128xi32, #tpu.memory_space<vmem>> -> memref<1x128xi32, #tpu.memory_space<vmem>>
      %dma_wait3A_183 = tpu.memref_squeeze %dma_wait3A_182 : memref<1x128xi32, #tpu.memory_space<vmem>> -> memref<128xi32, #tpu.memory_space<vmem>>
      %dma_wait3A_184 = arith.constant 0 : i32
      %dma_wait3A_185 = arith.constant 0 : i32
      %dma_wait3A_186 = tpu.memref_slice %arg9[%dma_wait3A_184, %dma_wait3A_185] : memref<10240x32xf32, #tpu.memory_space<vmem_shared>> -> memref<10240x32xf32, #tpu.memory_space<vmem_shared>>
      tpu.wait_indirect_dma semaphore(%run_scoped3A_166 : memref<!tpu.dma_semaphore, #tpu.memory_space<semaphore_mem>>) src(%dma_wait3A_180 : memref<128x32xf32, #tpu.memory_space<vmem>>) dst(%dma_wait3A_186 : memref<10240x32xf32, #tpu.memory_space<vmem_shared>>)
      tpu.yield
    }) : () -> ()
    %dma_wait3A_110 = arith.constant 77 : i32
    %dma_wait3A_111 = arith.constant 1 : i32
    %dma_wait3A_112 = arith.constant 1 : i32
    %dma_wait3A_113 = arith.constant 0 : i32
    %dma_wait3A_114 = arith.constant 0 : i32
    %dma_wait3A_115 = tpu.memref_slice %arg8[%dma_wait3A_111, %dma_wait3A_113, %dma_wait3A_114] : memref<4x128x32xf32, #tpu.memory_space<vmem>> -> memref<1x128x32xf32, #tpu.memory_space<vmem>>
    %dma_wait3A_116 = tpu.memref_squeeze %dma_wait3A_115 : memref<1x128x32xf32, #tpu.memory_space<vmem>> -> memref<128x32xf32, #tpu.memory_space<vmem>>
    %dma_wait3A_117 = arith.constant 0 : i32
    %dma_wait3A_118 = tpu.memref_slice %arg6[%dma_wait3A_110, %dma_wait3A_117] : memref<80x128xi32, #tpu.memory_space<vmem>> -> memref<1x128xi32, #tpu.memory_space<vmem>>
    %dma_wait3A_119 = tpu.memref_squeeze %dma_wait3A_118 : memref<1x128xi32, #tpu.memory_space<vmem>> -> memref<128xi32, #tpu.memory_space<vmem>>
    %dma_wait3A_120 = arith.constant 0 : i32
    %dma_wait3A_121 = arith.constant 0 : i32
    %dma_wait3A_122 = tpu.memref_slice %arg2[%dma_wait3A_120, %dma_wait3A_121] : memref<10000x32xf32, #tpu.memory_space<hbm>> -> memref<10000x32xf32, #tpu.memory_space<hbm>>
    %dma_wait3A_123 = tpu.memref_slice %arg10[%dma_wait3A_112] : memref<4x!tpu.dma_semaphore, #tpu.memory_space<semaphore_mem>> -> memref<1x!tpu.dma_semaphore, #tpu.memory_space<semaphore_mem>>
    %dma_wait3A_124 = tpu.memref_squeeze %dma_wait3A_123 : memref<1x!tpu.dma_semaphore, #tpu.memory_space<semaphore_mem>> -> memref<!tpu.dma_semaphore, #tpu.memory_space<semaphore_mem>>
    tpu.wait_indirect_dma semaphore(%dma_wait3A_124 : memref<!tpu.dma_semaphore, #tpu.memory_space<semaphore_mem>>) src(%dma_wait3A_122 : memref<10000x32xf32, #tpu.memory_space<hbm>>) dst(%dma_wait3A_116 : memref<128x32xf32, #tpu.memory_space<vmem>>)
    %run_scoped3A_125 = arith.constant 1 : i32
    %run_scoped3A_126 = arith.constant 77 : i32
    "tpu.region"() ({
      %run_scoped3A_166 = tpu.sem_alloc : memref<!tpu.dma_semaphore, #tpu.memory_space<semaphore_mem>>
      %dma_start3A_167 = arith.constant 0 : i32
      %dma_start3A_168 = arith.constant 0 : i32
      %dma_start3A_169 = tpu.memref_slice %arg8[%run_scoped3A_125, %dma_start3A_167, %dma_start3A_168] : memref<4x128x32xf32, #tpu.memory_space<vmem>> -> memref<1x128x32xf32, #tpu.memory_space<vmem>>
      %dma_start3A_170 = tpu.memref_squeeze %dma_start3A_169 : memref<1x128x32xf32, #tpu.memory_space<vmem>> -> memref<128x32xf32, #tpu.memory_space<vmem>>
      %dma_start3A_171 = arith.constant 0 : i32
      %dma_start3A_172 = tpu.memref_slice %arg7[%run_scoped3A_126, %dma_start3A_171] : memref<80x128xi32, #tpu.memory_space<vmem>> -> memref<1x128xi32, #tpu.memory_space<vmem>>
      %dma_start3A_173 = tpu.memref_squeeze %dma_start3A_172 : memref<1x128xi32, #tpu.memory_space<vmem>> -> memref<128xi32, #tpu.memory_space<vmem>>
      %dma_start3A_174 = arith.constant 0 : i32
      %dma_start3A_175 = arith.constant 0 : i32
      %dma_start3A_176 = tpu.memref_slice %arg9[%dma_start3A_174, %dma_start3A_175] : memref<10240x32xf32, #tpu.memory_space<vmem_shared>> -> memref<10240x32xf32, #tpu.memory_space<vmem_shared>>
      tpu.enqueue_indirect_dma source(%dma_start3A_170 : memref<128x32xf32, #tpu.memory_space<vmem>>) target(%dma_start3A_176 : memref<10240x32xf32, #tpu.memory_space<vmem_shared>>) offsets(%dma_start3A_173 : memref<128xi32, #tpu.memory_space<vmem>>) semaphore(%run_scoped3A_166 : memref<!tpu.dma_semaphore, #tpu.memory_space<semaphore_mem>>) {add = true}
      %dma_wait3A_177 = arith.constant 0 : i32
      %dma_wait3A_178 = arith.constant 0 : i32
      %dma_wait3A_179 = tpu.memref_slice %arg8[%run_scoped3A_125, %dma_wait3A_177, %dma_wait3A_178] : memref<4x128x32xf32, #tpu.memory_space<vmem>> -> memref<1x128x32xf32, #tpu.memory_space<vmem>>
      %dma_wait3A_180 = tpu.memref_squeeze %dma_wait3A_179 : memref<1x128x32xf32, #tpu.memory_space<vmem>> -> memref<128x32xf32, #tpu.memory_space<vmem>>
      %dma_wait3A_181 = arith.constant 0 : i32
      %dma_wait3A_182 = tpu.memref_slice %arg7[%run_scoped3A_126, %dma_wait3A_181] : memref<80x128xi32, #tpu.memory_space<vmem>> -> memref<1x128xi32, #tpu.memory_space<vmem>>
      %dma_wait3A_183 = tpu.memref_squeeze %dma_wait3A_182 : memref<1x128xi32, #tpu.memory_space<vmem>> -> memref<128xi32, #tpu.memory_space<vmem>>
      %dma_wait3A_184 = arith.constant 0 : i32
      %dma_wait3A_185 = arith.constant 0 : i32
      %dma_wait3A_186 = tpu.memref_slice %arg9[%dma_wait3A_184, %dma_wait3A_185] : memref<10240x32xf32, #tpu.memory_space<vmem_shared>> -> memref<10240x32xf32, #tpu.memory_space<vmem_shared>>
      tpu.wait_indirect_dma semaphore(%run_scoped3A_166 : memref<!tpu.dma_semaphore, #tpu.memory_space<semaphore_mem>>) src(%dma_wait3A_180 : memref<128x32xf32, #tpu.memory_space<vmem>>) dst(%dma_wait3A_186 : memref<10240x32xf32, #tpu.memory_space<vmem_shared>>)
      tpu.yield
    }) : () -> ()
    %dma_wait3A_127 = arith.constant 78 : i32
    %dma_wait3A_128 = arith.constant 2 : i32
    %dma_wait3A_129 = arith.constant 2 : i32
    %dma_wait3A_130 = arith.constant 0 : i32
    %dma_wait3A_131 = arith.constant 0 : i32
    %dma_wait3A_132 = tpu.memref_slice %arg8[%dma_wait3A_128, %dma_wait3A_130, %dma_wait3A_131] : memref<4x128x32xf32, #tpu.memory_space<vmem>> -> memref<1x128x32xf32, #tpu.memory_space<vmem>>
    %dma_wait3A_133 = tpu.memref_squeeze %dma_wait3A_132 : memref<1x128x32xf32, #tpu.memory_space<vmem>> -> memref<128x32xf32, #tpu.memory_space<vmem>>
    %dma_wait3A_134 = arith.constant 0 : i32
    %dma_wait3A_135 = tpu.memref_slice %arg6[%dma_wait3A_127, %dma_wait3A_134] : memref<80x128xi32, #tpu.memory_space<vmem>> -> memref<1x128xi32, #tpu.memory_space<vmem>>
    %dma_wait3A_136 = tpu.memref_squeeze %dma_wait3A_135 : memref<1x128xi32, #tpu.memory_space<vmem>> -> memref<128xi32, #tpu.memory_space<vmem>>
    %dma_wait3A_137 = arith.constant 0 : i32
    %dma_wait3A_138 = arith.constant 0 : i32
    %dma_wait3A_139 = tpu.memref_slice %arg2[%dma_wait3A_137, %dma_wait3A_138] : memref<10000x32xf32, #tpu.memory_space<hbm>> -> memref<10000x32xf32, #tpu.memory_space<hbm>>
    %dma_wait3A_140 = tpu.memref_slice %arg10[%dma_wait3A_129] : memref<4x!tpu.dma_semaphore, #tpu.memory_space<semaphore_mem>> -> memref<1x!tpu.dma_semaphore, #tpu.memory_space<semaphore_mem>>
    %dma_wait3A_141 = tpu.memref_squeeze %dma_wait3A_140 : memref<1x!tpu.dma_semaphore, #tpu.memory_space<semaphore_mem>> -> memref<!tpu.dma_semaphore, #tpu.memory_space<semaphore_mem>>
    tpu.wait_indirect_dma semaphore(%dma_wait3A_141 : memref<!tpu.dma_semaphore, #tpu.memory_space<semaphore_mem>>) src(%dma_wait3A_139 : memref<10000x32xf32, #tpu.memory_space<hbm>>) dst(%dma_wait3A_133 : memref<128x32xf32, #tpu.memory_space<vmem>>)
    %run_scoped3A_142 = arith.constant 2 : i32
    %run_scoped3A_143 = arith.constant 78 : i32
    "tpu.region"() ({
      %run_scoped3A_166 = tpu.sem_alloc : memref<!tpu.dma_semaphore, #tpu.memory_space<semaphore_mem>>
      %dma_start3A_167 = arith.constant 0 : i32
      %dma_start3A_168 = arith.constant 0 : i32
      %dma_start3A_169 = tpu.memref_slice %arg8[%run_scoped3A_142, %dma_start3A_167, %dma_start3A_168] : memref<4x128x32xf32, #tpu.memory_space<vmem>> -> memref<1x128x32xf32, #tpu.memory_space<vmem>>
      %dma_start3A_170 = tpu.memref_squeeze %dma_start3A_169 : memref<1x128x32xf32, #tpu.memory_space<vmem>> -> memref<128x32xf32, #tpu.memory_space<vmem>>
      %dma_start3A_171 = arith.constant 0 : i32
      %dma_start3A_172 = tpu.memref_slice %arg7[%run_scoped3A_143, %dma_start3A_171] : memref<80x128xi32, #tpu.memory_space<vmem>> -> memref<1x128xi32, #tpu.memory_space<vmem>>
      %dma_start3A_173 = tpu.memref_squeeze %dma_start3A_172 : memref<1x128xi32, #tpu.memory_space<vmem>> -> memref<128xi32, #tpu.memory_space<vmem>>
      %dma_start3A_174 = arith.constant 0 : i32
      %dma_start3A_175 = arith.constant 0 : i32
      %dma_start3A_176 = tpu.memref_slice %arg9[%dma_start3A_174, %dma_start3A_175] : memref<10240x32xf32, #tpu.memory_space<vmem_shared>> -> memref<10240x32xf32, #tpu.memory_space<vmem_shared>>
      tpu.enqueue_indirect_dma source(%dma_start3A_170 : memref<128x32xf32, #tpu.memory_space<vmem>>) target(%dma_start3A_176 : memref<10240x32xf32, #tpu.memory_space<vmem_shared>>) offsets(%dma_start3A_173 : memref<128xi32, #tpu.memory_space<vmem>>) semaphore(%run_scoped3A_166 : memref<!tpu.dma_semaphore, #tpu.memory_space<semaphore_mem>>) {add = true}
      %dma_wait3A_177 = arith.constant 0 : i32
      %dma_wait3A_178 = arith.constant 0 : i32
      %dma_wait3A_179 = tpu.memref_slice %arg8[%run_scoped3A_142, %dma_wait3A_177, %dma_wait3A_178] : memref<4x128x32xf32, #tpu.memory_space<vmem>> -> memref<1x128x32xf32, #tpu.memory_space<vmem>>
      %dma_wait3A_180 = tpu.memref_squeeze %dma_wait3A_179 : memref<1x128x32xf32, #tpu.memory_space<vmem>> -> memref<128x32xf32, #tpu.memory_space<vmem>>
      %dma_wait3A_181 = arith.constant 0 : i32
      %dma_wait3A_182 = tpu.memref_slice %arg7[%run_scoped3A_143, %dma_wait3A_181] : memref<80x128xi32, #tpu.memory_space<vmem>> -> memref<1x128xi32, #tpu.memory_space<vmem>>
      %dma_wait3A_183 = tpu.memref_squeeze %dma_wait3A_182 : memref<1x128xi32, #tpu.memory_space<vmem>> -> memref<128xi32, #tpu.memory_space<vmem>>
      %dma_wait3A_184 = arith.constant 0 : i32
      %dma_wait3A_185 = arith.constant 0 : i32
      %dma_wait3A_186 = tpu.memref_slice %arg9[%dma_wait3A_184, %dma_wait3A_185] : memref<10240x32xf32, #tpu.memory_space<vmem_shared>> -> memref<10240x32xf32, #tpu.memory_space<vmem_shared>>
      tpu.wait_indirect_dma semaphore(%run_scoped3A_166 : memref<!tpu.dma_semaphore, #tpu.memory_space<semaphore_mem>>) src(%dma_wait3A_180 : memref<128x32xf32, #tpu.memory_space<vmem>>) dst(%dma_wait3A_186 : memref<10240x32xf32, #tpu.memory_space<vmem_shared>>)
      tpu.yield
    }) : () -> ()
    %dma_wait3A_144 = arith.constant 79 : i32
    %dma_wait3A_145 = arith.constant 3 : i32
    %dma_wait3A_146 = arith.constant 3 : i32
    %dma_wait3A_147 = arith.constant 0 : i32
    %dma_wait3A_148 = arith.constant 0 : i32
    %dma_wait3A_149 = tpu.memref_slice %arg8[%dma_wait3A_145, %dma_wait3A_147, %dma_wait3A_148] : memref<4x128x32xf32, #tpu.memory_space<vmem>> -> memref<1x128x32xf32, #tpu.memory_space<vmem>>
    %dma_wait3A_150 = tpu.memref_squeeze %dma_wait3A_149 : memref<1x128x32xf32, #tpu.memory_space<vmem>> -> memref<128x32xf32, #tpu.memory_space<vmem>>
    %dma_wait3A_151 = arith.constant 0 : i32
    %dma_wait3A_152 = tpu.memref_slice %arg6[%dma_wait3A_144, %dma_wait3A_151] : memref<80x128xi32, #tpu.memory_space<vmem>> -> memref<1x128xi32, #tpu.memory_space<vmem>>
    %dma_wait3A_153 = tpu.memref_squeeze %dma_wait3A_152 : memref<1x128xi32, #tpu.memory_space<vmem>> -> memref<128xi32, #tpu.memory_space<vmem>>
    %dma_wait3A_154 = arith.constant 0 : i32
    %dma_wait3A_155 = arith.constant 0 : i32
    %dma_wait3A_156 = tpu.memref_slice %arg2[%dma_wait3A_154, %dma_wait3A_155] : memref<10000x32xf32, #tpu.memory_space<hbm>> -> memref<10000x32xf32, #tpu.memory_space<hbm>>
    %dma_wait3A_157 = tpu.memref_slice %arg10[%dma_wait3A_146] : memref<4x!tpu.dma_semaphore, #tpu.memory_space<semaphore_mem>> -> memref<1x!tpu.dma_semaphore, #tpu.memory_space<semaphore_mem>>
    %dma_wait3A_158 = tpu.memref_squeeze %dma_wait3A_157 : memref<1x!tpu.dma_semaphore, #tpu.memory_space<semaphore_mem>> -> memref<!tpu.dma_semaphore, #tpu.memory_space<semaphore_mem>>
    tpu.wait_indirect_dma semaphore(%dma_wait3A_158 : memref<!tpu.dma_semaphore, #tpu.memory_space<semaphore_mem>>) src(%dma_wait3A_156 : memref<10000x32xf32, #tpu.memory_space<hbm>>) dst(%dma_wait3A_150 : memref<128x32xf32, #tpu.memory_space<vmem>>)
    %run_scoped3A_159 = arith.constant 3 : i32
    %run_scoped3A_160 = arith.constant 79 : i32
    "tpu.region"() ({
      %run_scoped3A_166 = tpu.sem_alloc : memref<!tpu.dma_semaphore, #tpu.memory_space<semaphore_mem>>
      %dma_start3A_167 = arith.constant 0 : i32
      %dma_start3A_168 = arith.constant 0 : i32
      %dma_start3A_169 = tpu.memref_slice %arg8[%run_scoped3A_159, %dma_start3A_167, %dma_start3A_168] : memref<4x128x32xf32, #tpu.memory_space<vmem>> -> memref<1x128x32xf32, #tpu.memory_space<vmem>>
      %dma_start3A_170 = tpu.memref_squeeze %dma_start3A_169 : memref<1x128x32xf32, #tpu.memory_space<vmem>> -> memref<128x32xf32, #tpu.memory_space<vmem>>
      %dma_start3A_171 = arith.constant 0 : i32
      %dma_start3A_172 = tpu.memref_slice %arg7[%run_scoped3A_160, %dma_start3A_171] : memref<80x128xi32, #tpu.memory_space<vmem>> -> memref<1x128xi32, #tpu.memory_space<vmem>>
      %dma_start3A_173 = tpu.memref_squeeze %dma_start3A_172 : memref<1x128xi32, #tpu.memory_space<vmem>> -> memref<128xi32, #tpu.memory_space<vmem>>
      %dma_start3A_174 = arith.constant 0 : i32
      %dma_start3A_175 = arith.constant 0 : i32
      %dma_start3A_176 = tpu.memref_slice %arg9[%dma_start3A_174, %dma_start3A_175] : memref<10240x32xf32, #tpu.memory_space<vmem_shared>> -> memref<10240x32xf32, #tpu.memory_space<vmem_shared>>
      tpu.enqueue_indirect_dma source(%dma_start3A_170 : memref<128x32xf32, #tpu.memory_space<vmem>>) target(%dma_start3A_176 : memref<10240x32xf32, #tpu.memory_space<vmem_shared>>) offsets(%dma_start3A_173 : memref<128xi32, #tpu.memory_space<vmem>>) semaphore(%run_scoped3A_166 : memref<!tpu.dma_semaphore, #tpu.memory_space<semaphore_mem>>) {add = true}
      %dma_wait3A_177 = arith.constant 0 : i32
      %dma_wait3A_178 = arith.constant 0 : i32
      %dma_wait3A_179 = tpu.memref_slice %arg8[%run_scoped3A_159, %dma_wait3A_177, %dma_wait3A_178] : memref<4x128x32xf32, #tpu.memory_space<vmem>> -> memref<1x128x32xf32, #tpu.memory_space<vmem>>
      %dma_wait3A_180 = tpu.memref_squeeze %dma_wait3A_179 : memref<1x128x32xf32, #tpu.memory_space<vmem>> -> memref<128x32xf32, #tpu.memory_space<vmem>>
      %dma_wait3A_181 = arith.constant 0 : i32
      %dma_wait3A_182 = tpu.memref_slice %arg7[%run_scoped3A_160, %dma_wait3A_181] : memref<80x128xi32, #tpu.memory_space<vmem>> -> memref<1x128xi32, #tpu.memory_space<vmem>>
      %dma_wait3A_183 = tpu.memref_squeeze %dma_wait3A_182 : memref<1x128xi32, #tpu.memory_space<vmem>> -> memref<128xi32, #tpu.memory_space<vmem>>
      %dma_wait3A_184 = arith.constant 0 : i32
      %dma_wait3A_185 = arith.constant 0 : i32
      %dma_wait3A_186 = tpu.memref_slice %arg9[%dma_wait3A_184, %dma_wait3A_185] : memref<10240x32xf32, #tpu.memory_space<vmem_shared>> -> memref<10240x32xf32, #tpu.memory_space<vmem_shared>>
      tpu.wait_indirect_dma semaphore(%run_scoped3A_166 : memref<!tpu.dma_semaphore, #tpu.memory_space<semaphore_mem>>) src(%dma_wait3A_180 : memref<128x32xf32, #tpu.memory_space<vmem>>) dst(%dma_wait3A_186 : memref<10240x32xf32, #tpu.memory_space<vmem_shared>>)
      tpu.yield
    }) : () -> ()
    %barrier3A_161 = arith.constant 0 : index
    tpu.barrier barrier_id(%barrier3A_161)
    %mul3A_162 = arith.constant 640 : i32
    %mul3A_163 = arith.muli %arg1, %mul3A_162 : i32
    %mul3A_164 = arith.constant 640 : i32
    %mul3A_165 = arith.muli %arg1, %mul3A_164 : i32
    "tpu.region"() ({
      %run_scoped3A_166 = tpu.sem_alloc : memref<!tpu.dma_semaphore, #tpu.memory_space<semaphore_mem>>
      %dma_start3A_167 = arith.constant 0 : i32
      %dma_start3A_168 = tpu.memref_slice %arg5[%arg0, %mul3A_165, %dma_start3A_167] : memref<2x10240x128xf32, #tpu.memory_space<hbm>> -> memref<1x640x32xf32, #tpu.memory_space<hbm>>
      %dma_start3A_169 = tpu.memref_squeeze %dma_start3A_168 : memref<1x640x32xf32, #tpu.memory_space<hbm>> -> memref<640x32xf32, #tpu.memory_space<hbm>>
      %dma_start3A_170 = arith.constant 0 : i32
      %dma_start3A_171 = tpu.memref_slice %arg9[%mul3A_163, %dma_start3A_170] : memref<10240x32xf32, #tpu.memory_space<vmem_shared>> -> memref<640x32xf32, #tpu.memory_space<vmem_shared>>
      tpu.enqueue_dma source(%dma_start3A_171 : memref<640x32xf32, #tpu.memory_space<vmem_shared>>) target(%dma_start3A_169 : memref<640x32xf32, #tpu.memory_space<hbm>>) target_semaphore(%run_scoped3A_166 : memref<!tpu.dma_semaphore, #tpu.memory_space<semaphore_mem>>)
      %dma_wait3A_172 = arith.constant 0 : i32
      %dma_wait3A_173 = tpu.memref_slice %arg5[%arg0, %mul3A_165, %dma_wait3A_172] : memref<2x10240x128xf32, #tpu.memory_space<hbm>> -> memref<1x640x32xf32, #tpu.memory_space<hbm>>
      %dma_wait3A_174 = tpu.memref_squeeze %dma_wait3A_173 : memref<1x640x32xf32, #tpu.memory_space<hbm>> -> memref<640x32xf32, #tpu.memory_space<hbm>>
      %dma_wait3A_175 = arith.constant 0 : i32
      %dma_wait3A_176 = tpu.memref_slice %arg9[%mul3A_163, %dma_wait3A_175] : memref<10240x32xf32, #tpu.memory_space<vmem_shared>> -> memref<640x32xf32, #tpu.memory_space<vmem_shared>>
      tpu.wait_dma2 semaphore(%run_scoped3A_166 : memref<!tpu.dma_semaphore, #tpu.memory_space<semaphore_mem>>) src(%dma_wait3A_176 : memref<640x32xf32, #tpu.memory_space<vmem_shared>>) dst(%dma_wait3A_174 : memref<640x32xf32, #tpu.memory_space<hbm>>)
      tpu.yield
    }) : () -> ()
    return
  }
}

module attributes {stable_mosaic.version = 14 : i64} {
  func.func @body(%arg0: memref<10000x128xf32, #tpu.memory_space<vmem>>, %arg1: memref<128xf32, #tpu.memory_space<vmem>>, %arg2: memref<128xf32, #tpu.memory_space<vmem>>, %arg3: memref<128x96xf32, #tpu.memory_space<vmem>>, %arg4: memref<10000x96xf32, #tpu.memory_space<vmem>>) attributes {dimension_semantics = [], scalar_prefetch = 0 : i64, scratch_operands = 0 : i64, tpu.core_type = #tpu.core_type<tc>} {
    %get3A = arith.constant 0 : index
    %get3A_0 = arith.constant 0 : index
    %get3A_1 = vector.load %arg0[%get3A, %get3A_0] : memref<10000x128xf32, #tpu.memory_space<vmem>>, vector<10000x128xf32>
    %reduce_sum3A = arith.constant dense<0.000000e+00> : vector<10000xf32>
    %reduce_sum3A_2 = vector.multi_reduction <add>, %get3A_1, %reduce_sum3A [1] : vector<10000x128xf32> to vector<10000xf32>
    %broadcast_in_dim3A = vector.shape_cast %reduce_sum3A_2 : vector<10000xf32> to vector<10000x1xf32>
    %div3A = arith.constant 1.280000e+02 : f32
    %div3A_3 = vector.broadcast %div3A : f32 to vector<10000x1xf32>
    %div3A_4 = arith.divf %broadcast_in_dim3A, %div3A_3 : vector<10000x1xf32>
    %sub3A = vector.broadcast %div3A_4 : vector<10000x1xf32> to vector<10000x128xf32>
    %sub3A_5 = arith.subf %get3A_1, %sub3A : vector<10000x128xf32>
    %integer_pow3A = arith.mulf %sub3A_5, %sub3A_5 : vector<10000x128xf32>
    %reduce_sum3A_6 = arith.constant dense<0.000000e+00> : vector<10000xf32>
    %reduce_sum3A_7 = vector.multi_reduction <add>, %integer_pow3A, %reduce_sum3A_6 [1] : vector<10000x128xf32> to vector<10000xf32>
    %broadcast_in_dim3A_8 = vector.shape_cast %reduce_sum3A_7 : vector<10000xf32> to vector<10000x1xf32>
    %div3A_9 = arith.constant 1.280000e+02 : f32
    %div3A_10 = vector.broadcast %div3A_9 : f32 to vector<10000x1xf32>
    %div3A_11 = arith.divf %broadcast_in_dim3A_8, %div3A_10 : vector<10000x1xf32>
    %sub3A_12 = vector.broadcast %div3A_4 : vector<10000x1xf32> to vector<10000x128xf32>
    %sub3A_13 = arith.subf %get3A_1, %sub3A_12 : vector<10000x128xf32>
    %add3A = arith.constant 9.99999974E-6 : f32
    %add3A_14 = vector.broadcast %add3A : f32 to vector<10000x1xf32>
    %add3A_15 = arith.addf %div3A_11, %add3A_14 : vector<10000x1xf32>
    %rsqrt3A = math.rsqrt %add3A_15 : vector<10000x1xf32>
    %mul3A = vector.broadcast %rsqrt3A : vector<10000x1xf32> to vector<10000x128xf32>
    %mul3A_16 = arith.mulf %sub3A_13, %mul3A : vector<10000x128xf32>
    %get3A_17 = arith.constant 0 : index
    %get3A_18 = vector.load %arg1[%get3A_17] : memref<128xf32, #tpu.memory_space<vmem>>, vector<128xf32>
    %broadcast_in_dim3A_19 = vector.shape_cast %get3A_18 : vector<128xf32> to vector<1x128xf32>
    %mul3A_20 = vector.broadcast %broadcast_in_dim3A_19 : vector<1x128xf32> to vector<10000x128xf32>
    %mul3A_21 = arith.mulf %mul3A_16, %mul3A_20 : vector<10000x128xf32>
    %get3A_22 = arith.constant 0 : index
    %get3A_23 = vector.load %arg2[%get3A_22] : memref<128xf32, #tpu.memory_space<vmem>>, vector<128xf32>
    %broadcast_in_dim3A_24 = vector.shape_cast %get3A_23 : vector<128xf32> to vector<1x128xf32>
    %add3A_25 = vector.broadcast %broadcast_in_dim3A_24 : vector<1x128xf32> to vector<10000x128xf32>
    %add3A_26 = arith.addf %mul3A_21, %add3A_25 : vector<10000x128xf32>
    %get3A_27 = arith.constant 0 : index
    %get3A_28 = arith.constant 0 : index
    %get3A_29 = vector.load %arg3[%get3A_27, %get3A_28] : memref<128x96xf32, #tpu.memory_space<vmem>>, vector<128x96xf32>
    %dot_general3A = arith.constant dense<0.000000e+00> : vector<10000x96xf32>
    %dot_general3A_30 = tpu.matmul %add3A_26, %get3A_29, %dot_general3A {dimension_numbers = #tpu.dot_dimension_numbers<[1], [0], [0], [1], [0, 0, 1, 1], [], []>, transpose_lhs_hint = false} : vector<10000x128xf32>, vector<128x96xf32>, vector<10000x96xf32> -> vector<10000x96xf32>
    %swap3A = arith.constant 0 : index
    %swap3A_31 = arith.constant 0 : index
    %swap3A_32 = vector.load %arg4[%swap3A, %swap3A_31] : memref<10000x96xf32, #tpu.memory_space<vmem>>, vector<10000x96xf32>
    tpu.vector_store %arg4[%swap3A, %swap3A_31], %dot_general3A_30 {strides = array<i32>} : memref<10000x96xf32, #tpu.memory_space<vmem>>, vector<10000x96xf32>,
    return
  }
}

module attributes {stable_mosaic.version = 14 : i64} {
  func.func @body(%arg0: memref<10000x96xf32, #tpu.memory_space<vmem>>, %arg1: memref<2x10240x128xf32, #tpu.memory_space<vmem>>, %arg2: memref<10000x96xf32, #tpu.memory_space<vmem>>, %arg3: memref<10000x1xf32, #tpu.memory_space<vmem>>) attributes {dimension_semantics = [], scalar_prefetch = 0 : i64, scratch_operands = 0 : i64, tpu.core_type = #tpu.core_type<tc>} {
    %get3A = arith.constant 0 : index
    %get3A_0 = arith.constant 0 : index
    %get3A_1 = arith.constant 0 : index
    %get3A_2 = vector.load %arg1[%get3A, %get3A_0, %get3A_1] : memref<2x10240x128xf32, #tpu.memory_space<vmem>>, vector<1x10000x1xf32>
    %get3A_3 = vector.shape_cast %get3A_2 : vector<1x10000x1xf32> to vector<10000x1xf32>
    %get3A_4 = arith.constant 1 : index
    %get3A_5 = arith.constant 0 : index
    %get3A_6 = arith.constant 0 : index
    %get3A_7 = vector.load %arg1[%get3A_4, %get3A_5, %get3A_6] : memref<2x10240x128xf32, #tpu.memory_space<vmem>>, vector<1x10000x1xf32>
    %get3A_8 = vector.shape_cast %get3A_7 : vector<1x10000x1xf32> to vector<10000x1xf32>
    %add3A = arith.addf %get3A_3, %get3A_8 : vector<10000x1xf32>
    %add3A_9 = arith.constant 1.000000e+00 : f32
    %add3A_10 = vector.broadcast %add3A_9 : f32 to vector<10000x1xf32>
    %add3A_11 = arith.addf %add3A, %add3A_10 : vector<10000x1xf32>
    %rsqrt3A = math.rsqrt %add3A_11 : vector<10000x1xf32>
    %get3A_12 = arith.constant 0 : index
    %get3A_13 = arith.constant 0 : index
    %get3A_14 = vector.load %arg0[%get3A_12, %get3A_13] : memref<10000x96xf32, #tpu.memory_space<vmem>>, vector<10000x96xf32>
    %mul3A = vector.broadcast %rsqrt3A : vector<10000x1xf32> to vector<10000x96xf32>
    %mul3A_15 = arith.mulf %get3A_14, %mul3A : vector<10000x96xf32>
    %swap3A = arith.constant 0 : index
    %swap3A_16 = arith.constant 0 : index
    %swap3A_17 = vector.load %arg2[%swap3A, %swap3A_16] : memref<10000x96xf32, #tpu.memory_space<vmem>>, vector<10000x96xf32>
    tpu.vector_store %arg2[%swap3A, %swap3A_16], %mul3A_15 {strides = array<i32>} : memref<10000x96xf32, #tpu.memory_space<vmem>>, vector<10000x96xf32>,
    %swap3A_18 = arith.constant 0 : index
    %swap3A_19 = arith.constant 0 : index
    %swap3A_20 = vector.load %arg3[%swap3A_18, %swap3A_19] : memref<10000x1xf32, #tpu.memory_space<vmem>>, vector<10000x1xf32>
    tpu.vector_store %arg3[%swap3A_18, %swap3A_19], %rsqrt3A {strides = array<i32>} : memref<10000x1xf32, #tpu.memory_space<vmem>>, vector<10000x1xf32>,
    return
  }
}

module attributes {stable_mosaic.version = 14 : i64} {
  func.func @body(%arg0: memref<2x10240x128xf32, #tpu.memory_space<vmem>>, %arg1: memref<10000x96xf32, #tpu.memory_space<vmem>>, %arg2: memref<10000x1xf32, #tpu.memory_space<vmem>>, %arg3: memref<96xf32, #tpu.memory_space<vmem>>, %arg4: memref<96xf32, #tpu.memory_space<vmem>>, %arg5: memref<96xf32, #tpu.memory_space<vmem>>, %arg6: memref<96x48xf32, #tpu.memory_space<vmem>>, %arg7: memref<10000x48xf32, #tpu.memory_space<vmem>>) attributes {dimension_semantics = [], scalar_prefetch = 0 : i64, scratch_operands = 0 : i64, tpu.core_type = #tpu.core_type<tc>} {
    %get3A = arith.constant 0 : index
    %get3A_0 = arith.constant 0 : index
    %get3A_1 = arith.constant 0 : index
    %get3A_2 = vector.load %arg0[%get3A, %get3A_0, %get3A_1] : memref<2x10240x128xf32, #tpu.memory_space<vmem>>, vector<1x10000x96xf32>
    %get3A_3 = vector.shape_cast %get3A_2 : vector<1x10000x96xf32> to vector<10000x96xf32>
    %get3A_4 = arith.constant 1 : index
    %get3A_5 = arith.constant 0 : index
    %get3A_6 = arith.constant 0 : index
    %get3A_7 = vector.load %arg0[%get3A_4, %get3A_5, %get3A_6] : memref<2x10240x128xf32, #tpu.memory_space<vmem>>, vector<1x10000x96xf32>
    %get3A_8 = vector.shape_cast %get3A_7 : vector<1x10000x96xf32> to vector<10000x96xf32>
    %add3A = arith.addf %get3A_3, %get3A_8 : vector<10000x96xf32>
    %get3A_9 = arith.constant 0 : index
    %get3A_10 = arith.constant 0 : index
    %get3A_11 = vector.load %arg1[%get3A_9, %get3A_10] : memref<10000x96xf32, #tpu.memory_space<vmem>>, vector<10000x96xf32>
    %add3A_12 = arith.addf %add3A, %get3A_11 : vector<10000x96xf32>
    %get3A_13 = arith.constant 0 : index
    %get3A_14 = arith.constant 0 : index
    %get3A_15 = vector.load %arg2[%get3A_13, %get3A_14] : memref<10000x1xf32, #tpu.memory_space<vmem>>, vector<10000x1xf32>
    %mul3A = vector.broadcast %get3A_15 : vector<10000x1xf32> to vector<10000x96xf32>
    %mul3A_16 = arith.mulf %mul3A, %add3A_12 : vector<10000x96xf32>
    %get3A_17 = arith.constant 0 : index
    %get3A_18 = vector.load %arg3[%get3A_17] : memref<96xf32, #tpu.memory_space<vmem>>, vector<96xf32>
    %broadcast_in_dim3A = vector.shape_cast %get3A_18 : vector<96xf32> to vector<1x96xf32>
    %add3A_19 = vector.broadcast %broadcast_in_dim3A : vector<1x96xf32> to vector<10000x96xf32>
    %add3A_20 = arith.addf %mul3A_16, %add3A_19 : vector<10000x96xf32>
    %reduce_sum3A = arith.constant dense<0.000000e+00> : vector<96xf32>
    %reduce_sum3A_21 = vector.multi_reduction <add>, %add3A_20, %reduce_sum3A [0] : vector<10000x96xf32> to vector<96xf32>
    %broadcast_in_dim3A_22 = vector.shape_cast %reduce_sum3A_21 : vector<96xf32> to vector<1x96xf32>
    %div3A = arith.constant 1.000000e+04 : f32
    %div3A_23 = vector.broadcast %div3A : f32 to vector<1x96xf32>
    %div3A_24 = arith.divf %broadcast_in_dim3A_22, %div3A_23 : vector<1x96xf32>
    %sub3A = vector.broadcast %div3A_24 : vector<1x96xf32> to vector<10000x96xf32>
    %sub3A_25 = arith.subf %add3A_20, %sub3A : vector<10000x96xf32>
    %integer_pow3A = arith.mulf %sub3A_25, %sub3A_25 : vector<10000x96xf32>
    %reduce_sum3A_26 = arith.constant dense<0.000000e+00> : vector<96xf32>
    %reduce_sum3A_27 = vector.multi_reduction <add>, %integer_pow3A, %reduce_sum3A_26 [0] : vector<10000x96xf32> to vector<96xf32>
    %broadcast_in_dim3A_28 = vector.shape_cast %reduce_sum3A_27 : vector<96xf32> to vector<1x96xf32>
    %div3A_29 = arith.constant 1.000000e+04 : f32
    %div3A_30 = vector.broadcast %div3A_29 : f32 to vector<1x96xf32>
    %div3A_31 = arith.divf %broadcast_in_dim3A_28, %div3A_30 : vector<1x96xf32>
    %sub3A_32 = vector.broadcast %div3A_24 : vector<1x96xf32> to vector<10000x96xf32>
    %sub3A_33 = arith.subf %add3A_20, %sub3A_32 : vector<10000x96xf32>
    %add3A_34 = arith.constant 9.99999974E-6 : f32
    %add3A_35 = vector.broadcast %add3A_34 : f32 to vector<1x96xf32>
    %add3A_36 = arith.addf %div3A_31, %add3A_35 : vector<1x96xf32>
    %rsqrt3A = math.rsqrt %add3A_36 : vector<1x96xf32>
    %mul3A_37 = vector.broadcast %rsqrt3A : vector<1x96xf32> to vector<10000x96xf32>
    %mul3A_38 = arith.mulf %sub3A_33, %mul3A_37 : vector<10000x96xf32>
    %get3A_39 = arith.constant 0 : index
    %get3A_40 = vector.load %arg4[%get3A_39] : memref<96xf32, #tpu.memory_space<vmem>>, vector<96xf32>
    %broadcast_in_dim3A_41 = vector.shape_cast %get3A_40 : vector<96xf32> to vector<1x96xf32>
    %mul3A_42 = vector.broadcast %broadcast_in_dim3A_41 : vector<1x96xf32> to vector<10000x96xf32>
    %mul3A_43 = arith.mulf %mul3A_38, %mul3A_42 : vector<10000x96xf32>
    %get3A_44 = arith.constant 0 : index
    %get3A_45 = vector.load %arg5[%get3A_44] : memref<96xf32, #tpu.memory_space<vmem>>, vector<96xf32>
    %broadcast_in_dim3A_46 = vector.shape_cast %get3A_45 : vector<96xf32> to vector<1x96xf32>
    %add3A_47 = vector.broadcast %broadcast_in_dim3A_46 : vector<1x96xf32> to vector<10000x96xf32>
    %add3A_48 = arith.addf %mul3A_43, %add3A_47 : vector<10000x96xf32>
    %max3A = arith.constant 0.000000e+00 : f32
    %max3A_49 = vector.broadcast %max3A : f32 to vector<10000x96xf32>
    %max3A_50 = arith.maximumf %add3A_48, %max3A_49 : vector<10000x96xf32>
    %get3A_51 = arith.constant 0 : index
    %get3A_52 = arith.constant 0 : index
    %get3A_53 = vector.load %arg6[%get3A_51, %get3A_52] : memref<96x48xf32, #tpu.memory_space<vmem>>, vector<96x48xf32>
    %dot_general3A = arith.constant dense<0.000000e+00> : vector<10000x48xf32>
    %dot_general3A_54 = tpu.matmul %max3A_50, %get3A_53, %dot_general3A {dimension_numbers = #tpu.dot_dimension_numbers<[1], [0], [0], [1], [0, 0, 1, 1], [], []>, transpose_lhs_hint = false} : vector<10000x96xf32>, vector<96x48xf32>, vector<10000x48xf32> -> vector<10000x48xf32>
    %mul3A_55 = vector.broadcast %get3A_15 : vector<10000x1xf32> to vector<10000x48xf32>
    %mul3A_56 = arith.mulf %dot_general3A_54, %mul3A_55 : vector<10000x48xf32>
    %swap3A = arith.constant 0 : index
    %swap3A_57 = arith.constant 0 : index
    %swap3A_58 = vector.load %arg7[%swap3A, %swap3A_57] : memref<10000x48xf32, #tpu.memory_space<vmem>>, vector<10000x48xf32>
    tpu.vector_store %arg7[%swap3A, %swap3A_57], %mul3A_56 {strides = array<i32>} : memref<10000x48xf32, #tpu.memory_space<vmem>>, vector<10000x48xf32>,
    return
  }
}

module attributes {stable_mosaic.version = 14 : i64} {
  func.func @body(%arg0: memref<2x10240x128xf32, #tpu.memory_space<vmem>>, %arg1: memref<10000x48xf32, #tpu.memory_space<vmem>>, %arg2: memref<10000x1xf32, #tpu.memory_space<vmem>>, %arg3: memref<48xf32, #tpu.memory_space<vmem>>, %arg4: memref<48xf32, #tpu.memory_space<vmem>>, %arg5: memref<48xf32, #tpu.memory_space<vmem>>, %arg6: memref<48x24xf32, #tpu.memory_space<vmem>>, %arg7: memref<10000x32xf32, #tpu.memory_space<vmem>>) attributes {dimension_semantics = [], scalar_prefetch = 0 : i64, scratch_operands = 0 : i64, tpu.core_type = #tpu.core_type<tc>} {
    %get3A = arith.constant 0 : index
    %get3A_0 = arith.constant 0 : index
    %get3A_1 = arith.constant 0 : index
    %get3A_2 = vector.load %arg0[%get3A, %get3A_0, %get3A_1] : memref<2x10240x128xf32, #tpu.memory_space<vmem>>, vector<1x10000x48xf32>
    %get3A_3 = vector.shape_cast %get3A_2 : vector<1x10000x48xf32> to vector<10000x48xf32>
    %get3A_4 = arith.constant 1 : index
    %get3A_5 = arith.constant 0 : index
    %get3A_6 = arith.constant 0 : index
    %get3A_7 = vector.load %arg0[%get3A_4, %get3A_5, %get3A_6] : memref<2x10240x128xf32, #tpu.memory_space<vmem>>, vector<1x10000x48xf32>
    %get3A_8 = vector.shape_cast %get3A_7 : vector<1x10000x48xf32> to vector<10000x48xf32>
    %add3A = arith.addf %get3A_3, %get3A_8 : vector<10000x48xf32>
    %get3A_9 = arith.constant 0 : index
    %get3A_10 = arith.constant 0 : index
    %get3A_11 = vector.load %arg1[%get3A_9, %get3A_10] : memref<10000x48xf32, #tpu.memory_space<vmem>>, vector<10000x48xf32>
    %add3A_12 = arith.addf %add3A, %get3A_11 : vector<10000x48xf32>
    %get3A_13 = arith.constant 0 : index
    %get3A_14 = arith.constant 0 : index
    %get3A_15 = vector.load %arg2[%get3A_13, %get3A_14] : memref<10000x1xf32, #tpu.memory_space<vmem>>, vector<10000x1xf32>
    %mul3A = vector.broadcast %get3A_15 : vector<10000x1xf32> to vector<10000x48xf32>
    %mul3A_16 = arith.mulf %mul3A, %add3A_12 : vector<10000x48xf32>
    %get3A_17 = arith.constant 0 : index
    %get3A_18 = vector.load %arg3[%get3A_17] : memref<48xf32, #tpu.memory_space<vmem>>, vector<48xf32>
    %broadcast_in_dim3A = vector.shape_cast %get3A_18 : vector<48xf32> to vector<1x48xf32>
    %add3A_19 = vector.broadcast %broadcast_in_dim3A : vector<1x48xf32> to vector<10000x48xf32>
    %add3A_20 = arith.addf %mul3A_16, %add3A_19 : vector<10000x48xf32>
    %reduce_sum3A = arith.constant dense<0.000000e+00> : vector<48xf32>
    %reduce_sum3A_21 = vector.multi_reduction <add>, %add3A_20, %reduce_sum3A [0] : vector<10000x48xf32> to vector<48xf32>
    %broadcast_in_dim3A_22 = vector.shape_cast %reduce_sum3A_21 : vector<48xf32> to vector<1x48xf32>
    %div3A = arith.constant 1.000000e+04 : f32
    %div3A_23 = vector.broadcast %div3A : f32 to vector<1x48xf32>
    %div3A_24 = arith.divf %broadcast_in_dim3A_22, %div3A_23 : vector<1x48xf32>
    %sub3A = vector.broadcast %div3A_24 : vector<1x48xf32> to vector<10000x48xf32>
    %sub3A_25 = arith.subf %add3A_20, %sub3A : vector<10000x48xf32>
    %integer_pow3A = arith.mulf %sub3A_25, %sub3A_25 : vector<10000x48xf32>
    %reduce_sum3A_26 = arith.constant dense<0.000000e+00> : vector<48xf32>
    %reduce_sum3A_27 = vector.multi_reduction <add>, %integer_pow3A, %reduce_sum3A_26 [0] : vector<10000x48xf32> to vector<48xf32>
    %broadcast_in_dim3A_28 = vector.shape_cast %reduce_sum3A_27 : vector<48xf32> to vector<1x48xf32>
    %div3A_29 = arith.constant 1.000000e+04 : f32
    %div3A_30 = vector.broadcast %div3A_29 : f32 to vector<1x48xf32>
    %div3A_31 = arith.divf %broadcast_in_dim3A_28, %div3A_30 : vector<1x48xf32>
    %sub3A_32 = vector.broadcast %div3A_24 : vector<1x48xf32> to vector<10000x48xf32>
    %sub3A_33 = arith.subf %add3A_20, %sub3A_32 : vector<10000x48xf32>
    %add3A_34 = arith.constant 9.99999974E-6 : f32
    %add3A_35 = vector.broadcast %add3A_34 : f32 to vector<1x48xf32>
    %add3A_36 = arith.addf %div3A_31, %add3A_35 : vector<1x48xf32>
    %rsqrt3A = math.rsqrt %add3A_36 : vector<1x48xf32>
    %mul3A_37 = vector.broadcast %rsqrt3A : vector<1x48xf32> to vector<10000x48xf32>
    %mul3A_38 = arith.mulf %sub3A_33, %mul3A_37 : vector<10000x48xf32>
    %get3A_39 = arith.constant 0 : index
    %get3A_40 = vector.load %arg4[%get3A_39] : memref<48xf32, #tpu.memory_space<vmem>>, vector<48xf32>
    %broadcast_in_dim3A_41 = vector.shape_cast %get3A_40 : vector<48xf32> to vector<1x48xf32>
    %mul3A_42 = vector.broadcast %broadcast_in_dim3A_41 : vector<1x48xf32> to vector<10000x48xf32>
    %mul3A_43 = arith.mulf %mul3A_38, %mul3A_42 : vector<10000x48xf32>
    %get3A_44 = arith.constant 0 : index
    %get3A_45 = vector.load %arg5[%get3A_44] : memref<48xf32, #tpu.memory_space<vmem>>, vector<48xf32>
    %broadcast_in_dim3A_46 = vector.shape_cast %get3A_45 : vector<48xf32> to vector<1x48xf32>
    %add3A_47 = vector.broadcast %broadcast_in_dim3A_46 : vector<1x48xf32> to vector<10000x48xf32>
    %add3A_48 = arith.addf %mul3A_43, %add3A_47 : vector<10000x48xf32>
    %max3A = arith.constant 0.000000e+00 : f32
    %max3A_49 = vector.broadcast %max3A : f32 to vector<10000x48xf32>
    %max3A_50 = arith.maximumf %add3A_48, %max3A_49 : vector<10000x48xf32>
    %get3A_51 = arith.constant 0 : index
    %get3A_52 = arith.constant 0 : index
    %get3A_53 = vector.load %arg6[%get3A_51, %get3A_52] : memref<48x24xf32, #tpu.memory_space<vmem>>, vector<48x24xf32>
    %dot_general3A = arith.constant dense<0.000000e+00> : vector<10000x24xf32>
    %dot_general3A_54 = tpu.matmul %max3A_50, %get3A_53, %dot_general3A {dimension_numbers = #tpu.dot_dimension_numbers<[1], [0], [0], [1], [0, 0, 1, 1], [], []>, transpose_lhs_hint = false} : vector<10000x48xf32>, vector<48x24xf32>, vector<10000x24xf32> -> vector<10000x24xf32>
    %mul3A_55 = vector.broadcast %get3A_15 : vector<10000x1xf32> to vector<10000x24xf32>
    %mul3A_56 = arith.mulf %dot_general3A_54, %mul3A_55 : vector<10000x24xf32>
    %jit3A = arith.constant 0 : i32
    %convert_element_type3A = arith.sitofp %jit3A : i32 to f32
    %pad3A = vector.broadcast %convert_element_type3A : f32 to vector<10000x8xf32>
    %pad3A_57 = tpu.concatenate %mul3A_56, %pad3A in 1 : vector<10000x24xf32>, vector<10000x8xf32> -> vector<10000x32xf32>
    %swap3A = arith.constant 0 : index
    %swap3A_58 = arith.constant 0 : index
    %swap3A_59 = vector.load %arg7[%swap3A, %swap3A_58] : memref<10000x32xf32, #tpu.memory_space<vmem>>, vector<10000x32xf32>
    tpu.vector_store %arg7[%swap3A, %swap3A_58], %pad3A_57 {strides = array<i32>} : memref<10000x32xf32, #tpu.memory_space<vmem>>, vector<10000x32xf32>,
    return
  }
}

module attributes {stable_mosaic.version = 14 : i64} {
  func.func @body(%arg0: memref<2x10240x128xf32, #tpu.memory_space<vmem>>, %arg1: memref<10000x32xf32, #tpu.memory_space<vmem>>, %arg2: memref<10000x1xf32, #tpu.memory_space<vmem>>, %arg3: memref<24xf32, #tpu.memory_space<vmem>>, %arg4: memref<24xf32, #tpu.memory_space<vmem>>, %arg5: memref<24xf32, #tpu.memory_space<vmem>>, %arg6: memref<24x12xf32, #tpu.memory_space<vmem>>, %arg7: memref<12xf32, #tpu.memory_space<vmem>>, %arg8: memref<12xf32, #tpu.memory_space<vmem>>, %arg9: memref<12xf32, #tpu.memory_space<vmem>>, %arg10: memref<12x8xf32, #tpu.memory_space<vmem>>, %arg11: memref<8xf32, #tpu.memory_space<vmem>>, %arg12: memref<10000x8xf32, #tpu.memory_space<vmem>>) attributes {dimension_semantics = [], scalar_prefetch = 0 : i64, scratch_operands = 0 : i64, tpu.core_type = #tpu.core_type<tc>} {
    %get3A = arith.constant 0 : index
    %get3A_0 = arith.constant 0 : index
    %get3A_1 = arith.constant 0 : index
    %get3A_2 = vector.load %arg0[%get3A, %get3A_0, %get3A_1] : memref<2x10240x128xf32, #tpu.memory_space<vmem>>, vector<1x10000x24xf32>
    %get3A_3 = vector.shape_cast %get3A_2 : vector<1x10000x24xf32> to vector<10000x24xf32>
    %get3A_4 = arith.constant 1 : index
    %get3A_5 = arith.constant 0 : index
    %get3A_6 = arith.constant 0 : index
    %get3A_7 = vector.load %arg0[%get3A_4, %get3A_5, %get3A_6] : memref<2x10240x128xf32, #tpu.memory_space<vmem>>, vector<1x10000x24xf32>
    %get3A_8 = vector.shape_cast %get3A_7 : vector<1x10000x24xf32> to vector<10000x24xf32>
    %add3A = arith.addf %get3A_3, %get3A_8 : vector<10000x24xf32>
    %get3A_9 = arith.constant 0 : index
    %get3A_10 = arith.constant 0 : index
    %get3A_11 = vector.load %arg1[%get3A_9, %get3A_10] : memref<10000x32xf32, #tpu.memory_space<vmem>>, vector<10000x24xf32>
    %add3A_12 = arith.addf %add3A, %get3A_11 : vector<10000x24xf32>
    %get3A_13 = arith.constant 0 : index
    %get3A_14 = arith.constant 0 : index
    %get3A_15 = vector.load %arg2[%get3A_13, %get3A_14] : memref<10000x1xf32, #tpu.memory_space<vmem>>, vector<10000x1xf32>
    %mul3A = vector.broadcast %get3A_15 : vector<10000x1xf32> to vector<10000x24xf32>
    %mul3A_16 = arith.mulf %mul3A, %add3A_12 : vector<10000x24xf32>
    %get3A_17 = arith.constant 0 : index
    %get3A_18 = vector.load %arg3[%get3A_17] : memref<24xf32, #tpu.memory_space<vmem>>, vector<24xf32>
    %broadcast_in_dim3A = vector.shape_cast %get3A_18 : vector<24xf32> to vector<1x24xf32>
    %add3A_19 = vector.broadcast %broadcast_in_dim3A : vector<1x24xf32> to vector<10000x24xf32>
    %add3A_20 = arith.addf %mul3A_16, %add3A_19 : vector<10000x24xf32>
    %reduce_sum3A = arith.constant dense<0.000000e+00> : vector<24xf32>
    %reduce_sum3A_21 = vector.multi_reduction <add>, %add3A_20, %reduce_sum3A [0] : vector<10000x24xf32> to vector<24xf32>
    %broadcast_in_dim3A_22 = vector.shape_cast %reduce_sum3A_21 : vector<24xf32> to vector<1x24xf32>
    %div3A = arith.constant 1.000000e+04 : f32
    %div3A_23 = vector.broadcast %div3A : f32 to vector<1x24xf32>
    %div3A_24 = arith.divf %broadcast_in_dim3A_22, %div3A_23 : vector<1x24xf32>
    %sub3A = vector.broadcast %div3A_24 : vector<1x24xf32> to vector<10000x24xf32>
    %sub3A_25 = arith.subf %add3A_20, %sub3A : vector<10000x24xf32>
    %integer_pow3A = arith.mulf %sub3A_25, %sub3A_25 : vector<10000x24xf32>
    %reduce_sum3A_26 = arith.constant dense<0.000000e+00> : vector<24xf32>
    %reduce_sum3A_27 = vector.multi_reduction <add>, %integer_pow3A, %reduce_sum3A_26 [0] : vector<10000x24xf32> to vector<24xf32>
    %broadcast_in_dim3A_28 = vector.shape_cast %reduce_sum3A_27 : vector<24xf32> to vector<1x24xf32>
    %div3A_29 = arith.constant 1.000000e+04 : f32
    %div3A_30 = vector.broadcast %div3A_29 : f32 to vector<1x24xf32>
    %div3A_31 = arith.divf %broadcast_in_dim3A_28, %div3A_30 : vector<1x24xf32>
    %sub3A_32 = vector.broadcast %div3A_24 : vector<1x24xf32> to vector<10000x24xf32>
    %sub3A_33 = arith.subf %add3A_20, %sub3A_32 : vector<10000x24xf32>
    %add3A_34 = arith.constant 9.99999974E-6 : f32
    %add3A_35 = vector.broadcast %add3A_34 : f32 to vector<1x24xf32>
    %add3A_36 = arith.addf %div3A_31, %add3A_35 : vector<1x24xf32>
    %rsqrt3A = math.rsqrt %add3A_36 : vector<1x24xf32>
    %mul3A_37 = vector.broadcast %rsqrt3A : vector<1x24xf32> to vector<10000x24xf32>
    %mul3A_38 = arith.mulf %sub3A_33, %mul3A_37 : vector<10000x24xf32>
    %get3A_39 = arith.constant 0 : index
    %get3A_40 = vector.load %arg4[%get3A_39] : memref<24xf32, #tpu.memory_space<vmem>>, vector<24xf32>
    %broadcast_in_dim3A_41 = vector.shape_cast %get3A_40 : vector<24xf32> to vector<1x24xf32>
    %mul3A_42 = vector.broadcast %broadcast_in_dim3A_41 : vector<1x24xf32> to vector<10000x24xf32>
    %mul3A_43 = arith.mulf %mul3A_38, %mul3A_42 : vector<10000x24xf32>
    %get3A_44 = arith.constant 0 : index
    %get3A_45 = vector.load %arg5[%get3A_44] : memref<24xf32, #tpu.memory_space<vmem>>, vector<24xf32>
    %broadcast_in_dim3A_46 = vector.shape_cast %get3A_45 : vector<24xf32> to vector<1x24xf32>
    %add3A_47 = vector.broadcast %broadcast_in_dim3A_46 : vector<1x24xf32> to vector<10000x24xf32>
    %add3A_48 = arith.addf %mul3A_43, %add3A_47 : vector<10000x24xf32>
    %max3A = arith.constant 0.000000e+00 : f32
    %max3A_49 = vector.broadcast %max3A : f32 to vector<10000x24xf32>
    %max3A_50 = arith.maximumf %add3A_48, %max3A_49 : vector<10000x24xf32>
    %get3A_51 = arith.constant 0 : index
    %get3A_52 = arith.constant 0 : index
    %get3A_53 = vector.load %arg6[%get3A_51, %get3A_52] : memref<24x12xf32, #tpu.memory_space<vmem>>, vector<24x12xf32>
    %dot_general3A = arith.constant dense<0.000000e+00> : vector<10000x12xf32>
    %dot_general3A_54 = tpu.matmul %max3A_50, %get3A_53, %dot_general3A {dimension_numbers = #tpu.dot_dimension_numbers<[1], [0], [0], [1], [0, 0, 1, 1], [], []>, transpose_lhs_hint = false} : vector<10000x24xf32>, vector<24x12xf32>, vector<10000x12xf32> -> vector<10000x12xf32>
    %get3A_55 = arith.constant 0 : index
    %get3A_56 = vector.load %arg7[%get3A_55] : memref<12xf32, #tpu.memory_space<vmem>>, vector<12xf32>
    %broadcast_in_dim3A_57 = vector.shape_cast %get3A_56 : vector<12xf32> to vector<1x12xf32>
    %add3A_58 = vector.broadcast %broadcast_in_dim3A_57 : vector<1x12xf32> to vector<10000x12xf32>
    %add3A_59 = arith.addf %dot_general3A_54, %add3A_58 : vector<10000x12xf32>
    %reduce_sum3A_60 = arith.constant dense<0.000000e+00> : vector<10000xf32>
    %reduce_sum3A_61 = vector.multi_reduction <add>, %add3A_59, %reduce_sum3A_60 [1] : vector<10000x12xf32> to vector<10000xf32>
    %broadcast_in_dim3A_62 = vector.shape_cast %reduce_sum3A_61 : vector<10000xf32> to vector<10000x1xf32>
    %div3A_63 = arith.constant 1.200000e+01 : f32
    %div3A_64 = vector.broadcast %div3A_63 : f32 to vector<10000x1xf32>
    %div3A_65 = arith.divf %broadcast_in_dim3A_62, %div3A_64 : vector<10000x1xf32>
    %sub3A_66 = vector.broadcast %div3A_65 : vector<10000x1xf32> to vector<10000x12xf32>
    %sub3A_67 = arith.subf %add3A_59, %sub3A_66 : vector<10000x12xf32>
    %integer_pow3A_68 = arith.mulf %sub3A_67, %sub3A_67 : vector<10000x12xf32>
    %reduce_sum3A_69 = arith.constant dense<0.000000e+00> : vector<10000xf32>
    %reduce_sum3A_70 = vector.multi_reduction <add>, %integer_pow3A_68, %reduce_sum3A_69 [1] : vector<10000x12xf32> to vector<10000xf32>
    %broadcast_in_dim3A_71 = vector.shape_cast %reduce_sum3A_70 : vector<10000xf32> to vector<10000x1xf32>
    %div3A_72 = arith.constant 1.200000e+01 : f32
    %div3A_73 = vector.broadcast %div3A_72 : f32 to vector<10000x1xf32>
    %div3A_74 = arith.divf %broadcast_in_dim3A_71, %div3A_73 : vector<10000x1xf32>
    %sub3A_75 = vector.broadcast %div3A_65 : vector<10000x1xf32> to vector<10000x12xf32>
    %sub3A_76 = arith.subf %add3A_59, %sub3A_75 : vector<10000x12xf32>
    %add3A_77 = arith.constant 9.99999974E-6 : f32
    %add3A_78 = vector.broadcast %add3A_77 : f32 to vector<10000x1xf32>
    %add3A_79 = arith.addf %div3A_74, %add3A_78 : vector<10000x1xf32>
    %rsqrt3A_80 = math.rsqrt %add3A_79 : vector<10000x1xf32>
    %mul3A_81 = vector.broadcast %rsqrt3A_80 : vector<10000x1xf32> to vector<10000x12xf32>
    %mul3A_82 = arith.mulf %sub3A_76, %mul3A_81 : vector<10000x12xf32>
    %get3A_83 = arith.constant 0 : index
    %get3A_84 = vector.load %arg8[%get3A_83] : memref<12xf32, #tpu.memory_space<vmem>>, vector<12xf32>
    %broadcast_in_dim3A_85 = vector.shape_cast %get3A_84 : vector<12xf32> to vector<1x12xf32>
    %mul3A_86 = vector.broadcast %broadcast_in_dim3A_85 : vector<1x12xf32> to vector<10000x12xf32>
    %mul3A_87 = arith.mulf %mul3A_82, %mul3A_86 : vector<10000x12xf32>
    %get3A_88 = arith.constant 0 : index
    %get3A_89 = vector.load %arg9[%get3A_88] : memref<12xf32, #tpu.memory_space<vmem>>, vector<12xf32>
    %broadcast_in_dim3A_90 = vector.shape_cast %get3A_89 : vector<12xf32> to vector<1x12xf32>
    %add3A_91 = vector.broadcast %broadcast_in_dim3A_90 : vector<1x12xf32> to vector<10000x12xf32>
    %add3A_92 = arith.addf %mul3A_87, %add3A_91 : vector<10000x12xf32>
    %max3A_93 = arith.constant 0.000000e+00 : f32
    %max3A_94 = vector.broadcast %max3A_93 : f32 to vector<10000x12xf32>
    %max3A_95 = arith.maximumf %add3A_92, %max3A_94 : vector<10000x12xf32>
    %get3A_96 = arith.constant 0 : index
    %get3A_97 = arith.constant 0 : index
    %get3A_98 = vector.load %arg10[%get3A_96, %get3A_97] : memref<12x8xf32, #tpu.memory_space<vmem>>, vector<12x8xf32>
    %dot_general3A_99 = arith.constant dense<0.000000e+00> : vector<10000x8xf32>
    %dot_general3A_100 = tpu.matmul %max3A_95, %get3A_98, %dot_general3A_99 {dimension_numbers = #tpu.dot_dimension_numbers<[1], [0], [0], [1], [0, 0, 1, 1], [], []>, transpose_lhs_hint = false} : vector<10000x12xf32>, vector<12x8xf32>, vector<10000x8xf32> -> vector<10000x8xf32>
    %get3A_101 = arith.constant 0 : index
    %get3A_102 = vector.load %arg11[%get3A_101] : memref<8xf32, #tpu.memory_space<vmem>>, vector<8xf32>
    %broadcast_in_dim3A_103 = vector.shape_cast %get3A_102 : vector<8xf32> to vector<1x8xf32>
    %add3A_104 = vector.broadcast %broadcast_in_dim3A_103 : vector<1x8xf32> to vector<10000x8xf32>
    %add3A_105 = arith.addf %dot_general3A_100, %add3A_104 : vector<10000x8xf32>
    %swap3A = arith.constant 0 : index
    %swap3A_106 = arith.constant 0 : index
    %swap3A_107 = vector.load %arg12[%swap3A, %swap3A_106] : memref<10000x8xf32, #tpu.memory_space<vmem>>, vector<10000x8xf32>
    tpu.vector_store %arg12[%swap3A, %swap3A_106], %add3A_105 {strides = array<i32>} : memref<10000x8xf32, #tpu.memory_space<vmem>>, vector<10000x8xf32>,
    return
  }
}

</mosaic_0001>

<sc_bundles>
// kernel: kernel.11.cloned.1.call-start
scs
__scs_entry_jumppad:
0x0: {  	(pc) =	sbr.rel $0x88, $3  }
0x1: {  	(tag) =	ssettag $0x0;
	lr =	simm.s32 $0x1  }
0x2: {  	[smem:$0x3F8B] =	sst lr;
	_ =	strace $0xD0000000  }
0x3: {  	_ = 	snop  }
0x4: {  	_ = 	snop  }
0x5: {  	_ = 	snop  }
0x6: {  	_ = 	snop  }
0x7: {  	_ = 	snop  }
__scs_overlays_trampoline_lowered:
0x8: {  	[smem:$0x3F9A] =	sst s0  }
0x9: {  	[smem:$0x3F9B] =	sst s1  }
0xa: {  	[smem:$0x3F9C] =	sst s2  }
0xb: {  	[smem:$0x3F9D] =	sst s3  }
0xc: {  	[smem:$0x3F9E] =	sst s4  }
0xd: {  	[smem:$0x3F9F] =	sst s5  }
0xe: {  	[smem:$0x3FA0] =	sst s6  }
0xf: {  	[smem:$0x3FA1] =	sst s7  }
0x10: {  	[smem:$0x3FA2] =	sst s8  }
0x11: {  	[smem:$0x3FA3] =	sst s9;
	s0 =	simm.s32 @!p0 $0x0  }
0x12: {  	s1 =	sld [smem:$0x3F89];
	s0 =	simm.s32 @p0 $0x1  }
0x13: {  	[smem:$0x3FA4] =	sst s0;
	s0 =	simm.s32 @!p1 $0x0  }
0x14: {  	s2 =	sld [smem:$0x3F88];
	s0 =	simm.s32 @p1 $0x1  }
0x15: {  	[smem:$0x3FA5] =	sst s0;
	s0 =	simm.s32 @!p2 $0x0  }
0x16: {  	s3 =	sld [smem:$0x3FDB];
	s0 =	simm.s32 @p2 $0x1  }
0x17: {  	s4 =	simm.s32 $0x1BF5;
	[smem:$0x3FA7] =	sst s0  }
0x18: {  	s0 =	sld [smem:$0x3F8A];
	_ =	swait.ge [sflag:s4], $0x0  }
0x19: {  	s7 =	sld [smem:$0x3F8B]  }
0x1a: {  	s8 =	sadd.s32 $0xFFFFE003, lr  }
0x1b: {  	s9 =	sadd.s32 $0xFFFFFEF7, lr;
	s5 =	simm.s32 $0xFFFFFFFF;
	p2 =	slt.u32 s8, $0xFFFFF086  }
0x1c: {  	p1 =	slt.u32 s9, $0xF7A;
	s5 =	simm.s32 @!p2 $0x0  }
0x1d: {  	s5 =	simm.s32 @p1 $0x1;
	p0 =	seq.s32 s7, s2  }
0x1e: {  	s7 =	smul.u32 @!p0 $0xF7A, s2;
	p2 =	seq.s32 @!p0 s5, $0x0  }
0x1f: {  	s9 =	smul.u32 $0xF7A, s1;
	s8 =	simm.s32 @!p0 $0x1BF5;
	p2 =	por !p2, p0  }
0x20: {  	[sflag:s8] =	ssyncset.s32 @!p0 $0xFFFFF086;
	s6 =	sadd.s32 @!p0 s3, s7;
	s7 =	simm.s32 @!p0 $0x108  }
0x21: {  	s3 =	sadd.s32 s3, s9;
	s6 =	sadd.s32 @!p0 $0x88, s6;
	s7 =	simm.s32 @p2 $0x1082  }
0x22: {  	[simem:s7], [sflag:s8] =	dma.local @!p0 [hbm:s6], $0xF7A  }
0x23: {  	s9 =	sor.u32 $0xD0000000, s2;
	s6 =	simm.s32 $0x108;
	_ =	swait.ge @!p0 [sflag:s8], $0x0  }
0x24: {  	s3 =	sadd.s32 $0x88, s3;
	s6 =	simm.s32 @!p1 $0x1082;
	[sflag:s4] =	ssyncset.s32 $0xFFFFF086  }
0x25: {  	[simem:s6], [sflag:s4] =	dma.local [hbm:s3], $0xF7A  }
0x26: {  	[smem:$0x3F8B] =	sst s1;
	(tag) =	ssettag s2;
	_ =	strace s9  }
0x27: {  	s1 =	sld [smem:$0x3F9B]  }
0x28: {  	s2 =	sld [smem:$0x3F9C]  }
0x29: {  	s4 =	sld [smem:$0x3F9E]  }
0x2a: {  	p0 =	seq.s32 s5, $0x0;
	s5 =	sld [smem:$0x3F9F]  }
0x2b: {  	s6 =	sld [smem:$0x3FA0]  }
0x2c: {  	s7 =	sld [smem:$0x3FA1]  }
0x2d: {  	s3 =	simm.s32 $0x108;
	s8 =	sld [smem:$0x3FA2]  }
0x2e: {  	s3 =	simm.s32 @!p0 $0x1082;
	s9 =	sld [smem:$0x3FA3]  }
0x2f: {  	lr =	sadd.s32 s0, s3;
	s0 =	sld [smem:$0x3F9A]  }
0x30: {  	s3 =	sld [smem:$0x3F9D]  }
0x31: {  	[smem:$0x3FA6] =	sst s10  }
0x32: {  	s10 =	sld [smem:$0x3FA4];
	_ =	sdelay $0x3  }
0x33: {  	p0 =	seq.s32 s10, $0x1;
	s10 =	sld [smem:$0x3FA6];
	_ =	sdelay $0x3  }
0x34: {  	[smem:$0x3FA6] =	sst s10  }
0x35: {  	s10 =	sld [smem:$0x3FA5];
	_ =	sdelay $0x3  }
0x36: {  	p1 =	seq.s32 s10, $0x1;
	s10 =	sld [smem:$0x3FA6];
	_ =	sdelay $0x3  }
0x37: {  	[smem:$0x3FA6] =	sst s10  }
0x38: {  	s10 =	sld [smem:$0x3FA7]  }
0x39: {  	_ = 	snop;
	(pc) =	sbr.ind lr, $3  }
0x3a: {  	_ = 	snop  }
0x3b: {  	_ = 	snop  }
0x3c: {  	p2 =	seq.s32 s10, $0x1;
	s10 =	sld [smem:$0x3FA6]  }
0x3d: {  	_ =	shalt  }
0x3e: {  	_ =	shalt  }
0x3f: {  	_ =	shalt  }
0x40: {  	_ =	shalt  }
0x41: {  	_ =	shalt  }
0x42: {  	_ =	shalt  }
0x43: {  	_ =	shalt  }
0x44: {  	_ =	shalt  }
0x45: {  	_ =	shalt  }
0x46: {  	_ =	shalt  }
0x47: {  	_ =	shalt  }
0x48: {  	_ =	shalt  }
0x49: {  	_ =	shalt  }
0x4a: {  	_ =	shalt  }
0x4b: {  	_ =	shalt  }
0x4c: {  	_ =	shalt  }
0x4d: {  	_ =	shalt  }
0x4e: {  	_ =	shalt  }
0x4f: {  	_ =	shalt  }
0x50: {  	_ =	shalt  }
0x51: {  	_ =	shalt  }
0x52: {  	_ =	shalt  }
0x53: {  	_ =	shalt  }
0x54: {  	_ =	shalt  }
0x55: {  	_ =	shalt  }
0x56: {  	_ =	shalt  }
0x57: {  	_ =	shalt  }
0x58: {  	_ =	shalt  }
0x59: {  	_ =	shalt  }
0x5a: {  	_ =	shalt  }
0x5b: {  	_ =	shalt  }
0x5c: {  	_ =	shalt  }
0x5d: {  	_ =	shalt  }
0x5e: {  	_ =	shalt  }
0x5f: {  	_ =	shalt  }
0x60: {  	_ =	shalt  }
0x61: {  	_ =	shalt  }
0x62: {  	_ =	shalt  }
0x63: {  	_ =	shalt  }
0x64: {  	_ =	shalt  }
0x65: {  	_ =	shalt  }
0x66: {  	_ =	shalt  }
0x67: {  	_ =	shalt  }
0x68: {  	_ =	shalt  }
0x69: {  	_ =	shalt  }
0x6a: {  	_ =	shalt  }
0x6b: {  	_ =	shalt  }
0x6c: {  	_ =	shalt  }
0x6d: {  	_ =	shalt  }
0x6e: {  	_ =	shalt  }
0x6f: {  	_ =	shalt  }
0x70: {  	_ =	shalt  }
0x71: {  	_ =	shalt  }
0x72: {  	_ =	shalt  }
0x73: {  	_ =	shalt  }
0x74: {  	_ =	shalt  }
0x75: {  	_ =	shalt  }
0x76: {  	_ =	shalt  }
0x77: {  	_ =	shalt  }
0x78: {  	_ =	shalt  }
0x79: {  	_ =	shalt  }
0x7a: {  	_ =	shalt  }
0x7b: {  	_ =	shalt  }
0x7c: {  	_ =	shalt  }
0x7d: {  	_ =	shalt  }
0x7e: {  	_ =	shalt  }
0x7f: {  	_ =	shalt  }
0x80: {  	_ =	shalt  }
0x81: {  	_ =	shalt  }
0x82: {  	_ =	shalt  }
0x83: {  	_ =	shalt  }
0x84: {  	_ =	shalt  }
0x85: {  	_ =	shalt  }
0x86: {  	_ =	shalt  }
0x87: {  	_ =	shalt  }
.Lfunc_end0:
.L_simem_size_0:
called_computation_lowered:
.L_overlay_start_0:
0x88: {  	s2 =	sld [smem:$0x3FD9]  }
0x89: {  	s3 =	sld [smem:$0x3FFE];
	_ =	sdelay $0x1  }
0x8a: {  	s1 =	srdreg.scid  }
0x8b: {  	s0 =	sand.u32 $0x1, s1  }
0x8c: {  	s16 =	sshll.u32 s0, $0xA;
	s2 =	sadd.s32 s3, s2  }
0x8d: {  	s2 =	sadd.s32 s2, s16  }
0x8e: {  	[smem:$0x3FB2] =	sst s2  }
0x8f: {  	_ = 	snop  }
0x90: {  	(tm) =	ssettm $0x1  }
0x91: {  	s17 =	sld [smem:$0x3FFB];
	_ =	sdelay $0x3  }
0x92: {  	_ =	strace s17  }
0x93: {  	s2 =	sld [smem:$0x3FFC];
	_ =	sdelay $0x3  }
0x94: {  	_ =	strace s2  }
0x95: {  	s2 =	sld [smem:$0x3FFD];
	_ =	sdelay $0x3  }
0x96: {  	_ =	strace s2  }
0x97: {  	_ =	strace $0x8FFFFFFF  }
0x98: {  	s18 =	sld [smem:$0x3FDB];
	_ =	sdelay $0x1  }
0x99: {  	s19 =	simm.s32 $_scs_section_size  }
0x9a: {  	s4 =	simm.s32 $_size__tile_overlayer_lowered;
	s5 =	simm.s32 $_tile_overlayer_lowered  }
0x9b: {  	s22 =	simm.s32 $0x1BFF;
	s21 =	sshll.u32 s5, $0x1;
	s2 =	sadd.s32 s19, s18  }
0x9c: {  	s6 =	simm.s32 $0x0;
	s20 =	sshll.u32 s4, $0x1;
	s4 =	sadd.s32 s21, s2  }
0x9d: {  	[timem:s6], [sflag:s22] =	dma.local [hbm:s4], s20  }
0x9e: {  	_ =	swait.ge [sflag:s22], s20  }
0x9f: {  	s3 =	ssub.s32 $0x0, s20;
	[sflag:s22] =	ssyncset.done $0x0  }
0xa0: {  	[sflag:s22] =	ssyncadd.s32 s3;
	_ =	sdelay $0x1  }
0xa1: {  	s23 =	simm.s32 $0x1B8B  }
0xa2: {  	_ =	swait.ge [sflag:s23], $0x1  }
0xa3: {  	[sflag:s23] =	ssyncset.done $0x0  }
0xa4: {  	s25 =	simm.s32 $0x1B8E;
	s24 =	sld [smem:$0x3FFE];
	[sflag:s23] =	ssyncadd.s32 $0xFFFFFFFF  }
0xa5: {  	s26 =	simm.s32 $execute0_lowered;
	[smem:$0x3FD2] =	sst s25  }
0xa6: {  	s4 =	sshll.u32 s26, $0x1;
	_ =	strace $0x80000046;
	[dreg:$0x1] =	wrdreg $0xFFFFFFFF  }
0xa7: {  	s28 =	simm.s32 $_size_execute0_lowered;
	s2 =	sadd.s32 s2, s4;
	[dreg:$0x0] =	wrdreg $0x0  }
0xa8: {  	s4 =	sshll.u32 s28, $0x1;
	[dreg:$0x2] =	wrdreg s2  }
0xa9: {  	[dreg:$0x3] =	wrdreg s4  }
0xaa: {  	[dreg:$0x4] =	wrdreg $0xC0  }
0xab: {  	_ =	task [dreg:s6], $0x5FFFF  }
0xac: {  	[dreg:$0x1] =	wrdreg $0xFFFFFFFF  }
0xad: {  	[dreg:$0x0] =	wrdreg $0x60  }
0xae: {  	[dreg:$0x2] =	wrdreg s24  }
0xaf: {  	[dreg:$0x3] =	wrdreg $0x30000  }
0xb0: {  	[dreg:$0x4] =	wrdreg $0x9  }
0xb1: {  	_ =	task.clear_ibuf [dreg:s6], $0x5FFFF;
	_ =	strace $0x90000046  }
0xb2: {  	s29 =	simm.s32 $0x9;
	_ =	strace $0x80000048  }
0xb3: {  	_ =	swait.ge [sflag:s29], $0x1  }
0xb4: {  	[sflag:s29] =	ssyncadd.s32 $0xFFFFFFFF  }
0xb5: {  	_ =	strace $0x90000048  }
0xb6: {  	_ =	sfence  }
0xb7: {  	s30 =	sld [smem:$0x0];
	_ =	sdelay $0x2  }
0xb8: {  	s31 =	sshll.u32 s1, $0xD;
	s1 =	sshrl.u32 s1, $0x2  }
0xb9: {  	s3 =	sand.u32 $0x4000, s31;
	s1 =	sadd.s32 s1, s30  }
0xba: {  	s0 =	sor.u32 s3, s0;
	s1 =	sshll.u32 s1, $0x11  }
0xbb: {  	s0 =	sor.u32 s1, s0  }
0xbc: {  	s0 =	sadd.s32 $0x8F2B, s0  }
0xbd: {  	[sflag:s0] =	ssyncadd.remote.s32 $0x1  }
0xbe: {  	_ =	sfence.sel $0xFFFF  }
0xbf: {  	[dreg:$0x0] =	wrdreg $0xFFFFFFFF;
	(pc) =	sbr.abs _section_cstart, $3  }
0xc0: {  	[dreg:$0x1] =	wrdreg $0xFFFFFFFF  }
0xc1: {  	_ =	task.clear_ibuf [dreg:s6], $0x2FFFF;
	_ =	strace $0x9FFFFFFF  }
0xc2: {  	(tm) =	ssettm $0x7FFFFFFF  }
0xc3: {  	_ =	shalt  }
tec
execute0_lowered:
.L_overlay_start_1:
0x0: {  	(tag) =	ssettag $0x1  }
0x1: {  	s1 =	srdreg.scid  }
0x2: {  	s0 =	stileid.u32;
	s5 =	rddreg [dreg:$0x0]  }
0x3: {  	s2 =	rddreg [dreg:$0x1];
	s3 =	simm.s32 $0x0;
	s13 =	simm.s32 $0x2  }
0x4: {  	s14 =	simm.s32 $0x80;
	s15 =	simm.s32 $0x1;
	s18 =	simm.s32 $0x10  }
0x5: {  	s4 =	sand.u32 $0x1, s1;
	s28 =	sshll.u32 s0, $0x1;
	s8 =	smul.u32 $0x14000, s0  }
0x6: {  	[smem:$0x7FF] =	sst s3;
	s9 =	smul.u32 $0xA000, s0;
	s16 =	sshll.u32 s0, $0x6  }
0x7: {  	s1 =	sor.u32 s4, s28;
	s7 =	smul.u32 $0x140000, s4;
	s4 =	ssub.s32 $0x2, s4  }
0x8: {  	s16 =	sor.u32 $0x1C02, s16;
	s6 =	smul.u32 $0x500, s1;
	s1 =	rddreg [dreg:$0x2]  }
0x9: {  	_ =	strace $0x80000047;
	s30 =	sshrl.u32 s4, $0x1;
	s31 =	sshrl.u32 s9, $0x2  }
0xa: {  	s29 =	sadd.s32 s8, s7;
	s12 =	ssub.s32 s4, s30;
	s4 =	sadd.s32 s31, s2  }
0xb: {  	s10 =	sadd.s32 s6, s5;
	s6 =	sshrl.u32 s29, $0x3;
	s7 =	sadd.s32 $0x1800, s4  }
0xc: {  	s8 =	sadd.s32 $0x2000, s4;
	s17 =	sshrl.u32 s4, $0x3;
	s11 =	sadd.s32 s6, s5  }
0xd: {  	s5 =	sadd.s32 $0x800, s4;
	s6 =	sadd.s32 $0x1000, s4;
	s9 =	sadd.s32 $0x3C00, s10  }
0xe: {  	v0 =	vimm.f32 $0.0e+00;
	v1 =	vimm.f32 $1.000000000e+00;
	s10 =	sadd.s32 $0x17C00, s11;
	s11 =	smax.u32 s12, $0x1;
	s12 =	simm.s32 $0x2800  }
.LBB2_1:
0xf: {  	s19 =	simm.s32 $0x40;
	s20 =	simm.s32 $0x0  }
.LBB2_2:
0x10: {  	p0 =	sne.s32 s19, $0x1FC0;
	[tilespmem:s20+$0x2800] =	vst v0;
	s20 =	smov.u32 s19;
	s19 =	sadd.s32 $0x40, s19  }
.Ltmp0:
0x11: {  	(pc) =	sbr.rel @p0 .LBB2_2-.Ltmp0, $2  }
0x12: {  	_ =	sdelay $0x2  }
0x13: {  	s20 =	sshra.s32 s20, $0x2  }
0x14: {  	[tilespmem:s20+$0x2800] =	vst v0  }
0x15: {  	[spmem:s4] =	stream.linear.scatter [tilespmem:s12], [sflag:$0x2], $0x800, $0x38;
	[tilespmem:$0x5800] =	vst v63  }
0x16: {  	_ =	swait.ge [sflag:s13], $0x800  }
0x17: {  	[sflag:s13] =	ssyncset.done $0x0  }
0x18: {  	[sflag:s13] =	ssyncadd.s32 $0xFFFFF800  }
0x19: {  	[spmem:s5] =	stream.linear.scatter [tilespmem:s12], [sflag:$0x2], $0x800, $0x38;
	[tilespmem:$0x5800] =	vst v63  }
0x1a: {  	_ =	swait.ge [sflag:s13], $0x800  }
0x1b: {  	[sflag:s13] =	ssyncset.done $0x0  }
0x1c: {  	[sflag:s13] =	ssyncadd.s32 $0xFFFFF800  }
0x1d: {  	[spmem:s6] =	stream.linear.scatter [tilespmem:s12], [sflag:$0x2], $0x800, $0x38;
	[tilespmem:$0x5800] =	vst v63  }
0x1e: {  	_ =	swait.ge [sflag:s13], $0x800  }
0x1f: {  	[sflag:s13] =	ssyncset.done $0x0  }
0x20: {  	[sflag:s13] =	ssyncadd.s32 $0xFFFFF800  }
0x21: {  	[spmem:s7] =	stream.linear.scatter [tilespmem:s12], [sflag:$0x2], $0x800, $0x38;
	[tilespmem:$0x5800] =	vst v63  }
0x22: {  	_ =	swait.ge [sflag:s13], $0x800  }
0x23: {  	[sflag:s13] =	ssyncset.done $0x0  }
0x24: {  	[sflag:s13] =	ssyncadd.s32 $0xFFFFF800  }
0x25: {  	[spmem:s8] =	stream.linear.scatter [tilespmem:s12], [sflag:$0x2], $0x800, $0x38;
	[tilespmem:$0x5800] =	vst v63  }
0x26: {  	_ =	swait.ge [sflag:s13], $0x800  }
0x27: {  	[sflag:s13] =	ssyncset.done $0x0  }
0x28: {  	s19 =	simm.s32 $0x40;
	s20 =	simm.s32 $0x0;
	[sflag:s13] =	ssyncadd.s32 $0xFFFFF800  }
.LBB2_4:
0x29: {  	p0 =	sne.s32 s19, $0x1FC0;
	[tilespmem:s20+$0x2800] =	vst v1;
	s20 =	smov.u32 s19;
	s19 =	sadd.s32 $0x40, s19  }
.Ltmp1:
0x2a: {  	(pc) =	sbr.rel @p0 .LBB2_4-.Ltmp1, $2  }
0x2b: {  	_ =	sdelay $0x2  }
0x2c: {  	s20 =	sshra.s32 s20, $0x2  }
0x2d: {  	[tilespmem:s20+$0x2800] =	vst v1;
	s19 =	simm.s32 $0x0  }
0x2e: {  	[tilespmem:s19], [sflag:$0x2] =	stream.linear.gather [hbm4b:s9+s19], $0x2800, $0x38;
	[tilespmem:$0x5800] =	vst v63  }
0x2f: {  	_ =	swait.ge [sflag:s13], $0x2800  }
0x30: {  	[sflag:s13] =	ssyncset.done $0x0  }
0x31: {  	[sflag:s13] =	ssyncadd.s32 $0xFFFFD800  }
0x32: {  	s26 =	simm.s32 $0x0;
	[bflag:$0x0] =	sbarrier.arrive $0xFFFF  }
0x33: {  	[spmem:s2] =	stream.indirect.scatter.add.f32 [tilespmem:s12], [sflag:$0x1], $0x10, s26, s14, $0xb8;
	[tilespmem:$0x5800] =	vst v63  }
0x34: {  	s28 =	simm.s32 $0x80  }
0x35: {  	[spmem:s2] =	stream.indirect.scatter.add.f32 [tilespmem:s12], [sflag:$0x1], $0x10, s28, s14, $0xb8;
	[tilespmem:$0x5800] =	vst v63  }
0x36: {  	s29 =	simm.s32 $0x100  }
0x37: {  	[spmem:s2] =	stream.indirect.scatter.add.f32 [tilespmem:s12], [sflag:$0x1], $0x10, s29, s14, $0xb8;
	[tilespmem:$0x5800] =	vst v63  }
0x38: {  	s30 =	simm.s32 $0x180  }
0x39: {  	[spmem:s2] =	stream.indirect.scatter.add.f32 [tilespmem:s12], [sflag:$0x1], $0x10, s30, s14, $0xb8;
	[tilespmem:$0x5800] =	vst v63  }
0x3a: {  	s31 =	simm.s32 $0x200  }
0x3b: {  	[spmem:s2] =	stream.indirect.scatter.add.f32 [tilespmem:s12], [sflag:$0x1], $0x10, s31, s14, $0xb8;
	[tilespmem:$0x5800] =	vst v63  }
0x3c: {  	s20 =	simm.s32 $0x280  }
0x3d: {  	[spmem:s2] =	stream.indirect.scatter.add.f32 [tilespmem:s12], [sflag:$0x1], $0x10, s20, s14, $0xb8;
	[tilespmem:$0x5800] =	vst v63  }
0x3e: {  	s21 =	simm.s32 $0x300  }
0x3f: {  	[spmem:s2] =	stream.indirect.scatter.add.f32 [tilespmem:s12], [sflag:$0x1], $0x10, s21, s14, $0xb8;
	[tilespmem:$0x5800] =	vst v63  }
0x40: {  	s22 =	simm.s32 $0x380  }
0x41: {  	[spmem:s2] =	stream.indirect.scatter.add.f32 [tilespmem:s12], [sflag:$0x1], $0x10, s22, s14, $0xb8;
	[tilespmem:$0x5800] =	vst v63  }
0x42: {  	s23 =	simm.s32 $0x400  }
0x43: {  	[spmem:s2] =	stream.indirect.scatter.add.f32 [tilespmem:s12], [sflag:$0x1], $0x10, s23, s14, $0xb8;
	[tilespmem:$0x5800] =	vst v63  }
0x44: {  	s24 =	simm.s32 $0x480  }
0x45: {  	[spmem:s2] =	stream.indirect.scatter.add.f32 [tilespmem:s12], [sflag:$0x1], $0x10, s24, s14, $0xb8;
	[tilespmem:$0x5800] =	vst v63  }
0x46: {  	s25 =	simm.s32 $0x500  }
0x47: {  	[spmem:s2] =	stream.indirect.scatter.add.f32 [tilespmem:s12], [sflag:$0x1], $0x10, s25, s14, $0xb8;
	[tilespmem:$0x5800] =	vst v63  }
0x48: {  	s26 =	simm.s32 $0x580  }
0x49: {  	[spmem:s2] =	stream.indirect.scatter.add.f32 [tilespmem:s12], [sflag:$0x1], $0x10, s26, s14, $0xb8;
	[tilespmem:$0x5800] =	vst v63  }
0x4a: {  	s28 =	simm.s32 $0x600  }
0x4b: {  	[spmem:s2] =	stream.indirect.scatter.add.f32 [tilespmem:s12], [sflag:$0x1], $0x10, s28, s14, $0xb8;
	[tilespmem:$0x5800] =	vst v63  }
0x4c: {  	s29 =	simm.s32 $0x680  }
0x4d: {  	[spmem:s2] =	stream.indirect.scatter.add.f32 [tilespmem:s12], [sflag:$0x1], $0x10, s29, s14, $0xb8;
	[tilespmem:$0x5800] =	vst v63  }
0x4e: {  	s30 =	simm.s32 $0x700  }
0x4f: {  	[spmem:s2] =	stream.indirect.scatter.add.f32 [tilespmem:s12], [sflag:$0x1], $0x10, s30, s14, $0xb8;
	[tilespmem:$0x5800] =	vst v63  }
0x50: {  	s31 =	simm.s32 $0x780  }
0x51: {  	[spmem:s2] =	stream.indirect.scatter.add.f32 [tilespmem:s12], [sflag:$0x1], $0x10, s31, s14, $0xb8;
	[tilespmem:$0x5800] =	vst v63  }
0x52: {  	_ =	swait.ge [sflag:s15], $0x800  }
0x53: {  	[sflag:s15] =	ssyncset.done $0x0  }
0x54: {  	[sflag:s15] =	ssyncadd.s32 $0xFFFFF800  }
0x55: {  	_ =	swait.ge [sflag:s15], $0x800  }
0x56: {  	[sflag:s15] =	ssyncset.done $0x0  }
0x57: {  	[sflag:s15] =	ssyncadd.s32 $0xFFFFF800  }
0x58: {  	_ =	swait.ge [sflag:s15], $0x800  }
0x59: {  	[sflag:s15] =	ssyncset.done $0x0  }
0x5a: {  	[sflag:s15] =	ssyncadd.s32 $0xFFFFF800  }
0x5b: {  	_ =	swait.ge [sflag:s15], $0x800  }
0x5c: {  	[sflag:s15] =	ssyncset.done $0x0  }
0x5d: {  	[sflag:s15] =	ssyncadd.s32 $0xFFFFF800  }
0x5e: {  	_ =	swait.ge [sflag:s15], $0x800  }
0x5f: {  	[sflag:s15] =	ssyncset.done $0x0  }
0x60: {  	[sflag:s15] =	ssyncadd.s32 $0xFFFFF800  }
0x61: {  	_ =	swait.ge [sflag:s15], $0x800  }
0x62: {  	[sflag:s15] =	ssyncset.done $0x0  }
0x63: {  	[sflag:s15] =	ssyncadd.s32 $0xFFFFF800  }
0x64: {  	_ =	swait.ge [sflag:s15], $0x800  }
0x65: {  	[sflag:s15] =	ssyncset.done $0x0  }
0x66: {  	[sflag:s15] =	ssyncadd.s32 $0xFFFFF800  }
0x67: {  	_ =	swait.ge [sflag:s15], $0x800  }
0x68: {  	[sflag:s15] =	ssyncset.done $0x0  }
0x69: {  	[sflag:s15] =	ssyncadd.s32 $0xFFFFF800  }
0x6a: {  	_ =	swait.ge [sflag:s15], $0x800  }
0x6b: {  	[sflag:s15] =	ssyncset.done $0x0  }
0x6c: {  	[sflag:s15] =	ssyncadd.s32 $0xFFFFF800  }
0x6d: {  	_ =	swait.ge [sflag:s15], $0x800  }
0x6e: {  	[sflag:s15] =	ssyncset.done $0x0  }
0x6f: {  	[sflag:s15] =	ssyncadd.s32 $0xFFFFF800  }
0x70: {  	_ =	swait.ge [sflag:s15], $0x800  }
0x71: {  	[sflag:s15] =	ssyncset.done $0x0  }
0x72: {  	[sflag:s15] =	ssyncadd.s32 $0xFFFFF800  }
0x73: {  	_ =	swait.ge [sflag:s15], $0x800  }
0x74: {  	[sflag:s15] =	ssyncset.done $0x0  }
0x75: {  	[sflag:s15] =	ssyncadd.s32 $0xFFFFF800  }
0x76: {  	_ =	swait.ge [sflag:s15], $0x800  }
0x77: {  	[sflag:s15] =	ssyncset.done $0x0  }
0x78: {  	[sflag:s15] =	ssyncadd.s32 $0xFFFFF800  }
0x79: {  	_ =	swait.ge [sflag:s15], $0x800  }
0x7a: {  	[sflag:s15] =	ssyncset.done $0x0  }
0x7b: {  	[sflag:s15] =	ssyncadd.s32 $0xFFFFF800  }
0x7c: {  	_ =	swait.ge [sflag:s15], $0x800  }
0x7d: {  	[sflag:s15] =	ssyncset.done $0x0  }
0x7e: {  	[sflag:s15] =	ssyncadd.s32 $0xFFFFF800  }
0x7f: {  	_ =	swait.ge [sflag:s15], $0x800  }
0x80: {  	s19 =	simm.s32 $0x2000;
	s22 =	simm.s32 $0x4000;
	[sflag:s15] =	ssyncset.done $0x0  }
.LBB2_6:
0x81: {  	s21 =	sshra.s32 s19, $0x2  }
0x82: {  	[sflag:s15] =	ssyncadd.s32 $0xFFFFF800;
	s19 =	smov.u32 s22;
	s20 =	sadd.s32 $0x2000, s22  }
0x83: {  	[spmem:s2] =	stream.indirect.scatter.add.f32 [tilespmem:s12], [sflag:$0x1], $0x10, s21, s14, $0xb8;
	[tilespmem:$0x5800] =	vst v63  }
0x84: {  	p0 =	sne.s32 s22, $0x8000;
	s22 =	sadd.s32 $0x80, s21  }
0x85: {  	[spmem:s2] =	stream.indirect.scatter.add.f32 [tilespmem:s12], [sflag:$0x1], $0x10, s22, s14, $0xb8;
	[tilespmem:$0x5800] =	vst v63  }
0x86: {  	s22 =	sadd.s32 $0x100, s21  }
0x87: {  	[spmem:s2] =	stream.indirect.scatter.add.f32 [tilespmem:s12], [sflag:$0x1], $0x10, s22, s14, $0xb8;
	[tilespmem:$0x5800] =	vst v63  }
0x88: {  	s22 =	sadd.s32 $0x180, s21  }
0x89: {  	[spmem:s2] =	stream.indirect.scatter.add.f32 [tilespmem:s12], [sflag:$0x1], $0x10, s22, s14, $0xb8;
	[tilespmem:$0x5800] =	vst v63  }
0x8a: {  	s22 =	sadd.s32 $0x200, s21  }
0x8b: {  	[spmem:s2] =	stream.indirect.scatter.add.f32 [tilespmem:s12], [sflag:$0x1], $0x10, s22, s14, $0xb8;
	[tilespmem:$0x5800] =	vst v63  }
0x8c: {  	s22 =	sadd.s32 $0x280, s21  }
0x8d: {  	[spmem:s2] =	stream.indirect.scatter.add.f32 [tilespmem:s12], [sflag:$0x1], $0x10, s22, s14, $0xb8;
	[tilespmem:$0x5800] =	vst v63  }
0x8e: {  	s22 =	sadd.s32 $0x300, s21  }
0x8f: {  	[spmem:s2] =	stream.indirect.scatter.add.f32 [tilespmem:s12], [sflag:$0x1], $0x10, s22, s14, $0xb8;
	[tilespmem:$0x5800] =	vst v63  }
0x90: {  	s22 =	sadd.s32 $0x380, s21  }
0x91: {  	[spmem:s2] =	stream.indirect.scatter.add.f32 [tilespmem:s12], [sflag:$0x1], $0x10, s22, s14, $0xb8;
	[tilespmem:$0x5800] =	vst v63  }
0x92: {  	s22 =	sadd.s32 $0x400, s21  }
0x93: {  	[spmem:s2] =	stream.indirect.scatter.add.f32 [tilespmem:s12], [sflag:$0x1], $0x10, s22, s14, $0xb8;
	[tilespmem:$0x5800] =	vst v63  }
0x94: {  	s22 =	sadd.s32 $0x480, s21  }
0x95: {  	[spmem:s2] =	stream.indirect.scatter.add.f32 [tilespmem:s12], [sflag:$0x1], $0x10, s22, s14, $0xb8;
	[tilespmem:$0x5800] =	vst v63  }
0x96: {  	s22 =	sadd.s32 $0x500, s21  }
0x97: {  	[spmem:s2] =	stream.indirect.scatter.add.f32 [tilespmem:s12], [sflag:$0x1], $0x10, s22, s14, $0xb8;
	[tilespmem:$0x5800] =	vst v63  }
0x98: {  	s22 =	sadd.s32 $0x580, s21  }
0x99: {  	[spmem:s2] =	stream.indirect.scatter.add.f32 [tilespmem:s12], [sflag:$0x1], $0x10, s22, s14, $0xb8;
	[tilespmem:$0x5800] =	vst v63  }
0x9a: {  	s22 =	sadd.s32 $0x600, s21  }
0x9b: {  	[spmem:s2] =	stream.indirect.scatter.add.f32 [tilespmem:s12], [sflag:$0x1], $0x10, s22, s14, $0xb8;
	[tilespmem:$0x5800] =	vst v63  }
0x9c: {  	s22 =	sadd.s32 $0x680, s21  }
0x9d: {  	[spmem:s2] =	stream.indirect.scatter.add.f32 [tilespmem:s12], [sflag:$0x1], $0x10, s22, s14, $0xb8;
	[tilespmem:$0x5800] =	vst v63  }
0x9e: {  	s22 =	sadd.s32 $0x700, s21  }
0x9f: {  	[spmem:s2] =	stream.indirect.scatter.add.f32 [tilespmem:s12], [sflag:$0x1], $0x10, s22, s14, $0xb8;
	[tilespmem:$0x5800] =	vst v63  }
0xa0: {  	s21 =	sadd.s32 $0x780, s21  }
0xa1: {  	[spmem:s2] =	stream.indirect.scatter.add.f32 [tilespmem:s12], [sflag:$0x1], $0x10, s21, s14, $0xb8;
	[tilespmem:$0x5800] =	vst v63  }
0xa2: {  	_ =	swait.ge [sflag:s15], $0x800  }
0xa3: {  	[sflag:s15] =	ssyncset.done $0x0  }
0xa4: {  	[sflag:s15] =	ssyncadd.s32 $0xFFFFF800  }
0xa5: {  	_ =	swait.ge [sflag:s15], $0x800  }
0xa6: {  	[sflag:s15] =	ssyncset.done $0x0  }
0xa7: {  	[sflag:s15] =	ssyncadd.s32 $0xFFFFF800  }
0xa8: {  	_ =	swait.ge [sflag:s15], $0x800  }
0xa9: {  	[sflag:s15] =	ssyncset.done $0x0  }
0xaa: {  	[sflag:s15] =	ssyncadd.s32 $0xFFFFF800  }
0xab: {  	_ =	swait.ge [sflag:s15], $0x800  }
0xac: {  	[sflag:s15] =	ssyncset.done $0x0  }
0xad: {  	[sflag:s15] =	ssyncadd.s32 $0xFFFFF800  }
0xae: {  	_ =	swait.ge [sflag:s15], $0x800  }
0xaf: {  	[sflag:s15] =	ssyncset.done $0x0  }
0xb0: {  	[sflag:s15] =	ssyncadd.s32 $0xFFFFF800  }
0xb1: {  	_ =	swait.ge [sflag:s15], $0x800  }
0xb2: {  	[sflag:s15] =	ssyncset.done $0x0  }
0xb3: {  	[sflag:s15] =	ssyncadd.s32 $0xFFFFF800  }
0xb4: {  	_ =	swait.ge [sflag:s15], $0x800  }
0xb5: {  	[sflag:s15] =	ssyncset.done $0x0  }
0xb6: {  	[sflag:s15] =	ssyncadd.s32 $0xFFFFF800  }
0xb7: {  	_ =	swait.ge [sflag:s15], $0x800  }
0xb8: {  	[sflag:s15] =	ssyncset.done $0x0  }
0xb9: {  	[sflag:s15] =	ssyncadd.s32 $0xFFFFF800  }
0xba: {  	_ =	swait.ge [sflag:s15], $0x800  }
0xbb: {  	[sflag:s15] =	ssyncset.done $0x0  }
0xbc: {  	[sflag:s15] =	ssyncadd.s32 $0xFFFFF800  }
0xbd: {  	_ =	swait.ge [sflag:s15], $0x800  }
0xbe: {  	[sflag:s15] =	ssyncset.done $0x0  }
0xbf: {  	[sflag:s15] =	ssyncadd.s32 $0xFFFFF800  }
0xc0: {  	_ =	swait.ge [sflag:s15], $0x800  }
0xc1: {  	[sflag:s15] =	ssyncset.done $0x0  }
0xc2: {  	[sflag:s15] =	ssyncadd.s32 $0xFFFFF800  }
0xc3: {  	_ =	swait.ge [sflag:s15], $0x800  }
0xc4: {  	[sflag:s15] =	ssyncset.done $0x0  }
0xc5: {  	[sflag:s15] =	ssyncadd.s32 $0xFFFFF800  }
0xc6: {  	_ =	swait.ge [sflag:s15], $0x800  }
0xc7: {  	[sflag:s15] =	ssyncset.done $0x0  }
0xc8: {  	[sflag:s15] =	ssyncadd.s32 $0xFFFFF800  }
0xc9: {  	_ =	swait.ge [sflag:s15], $0x800  }
0xca: {  	[sflag:s15] =	ssyncset.done $0x0  }
0xcb: {  	[sflag:s15] =	ssyncadd.s32 $0xFFFFF800  }
.Ltmp2:
0xcc: {  	_ =	swait.ge [sflag:s15], $0x800;
	(pc) =	sbr.rel @p0 .LBB2_6-.Ltmp2, $4  }
0xcd: {  	[sflag:s15] =	ssyncset.done $0x0  }
0xce: {  	[sflag:s15] =	ssyncadd.s32 $0xFFFFF800  }
0xcf: {  	_ =	swait.ge [sflag:s15], $0x800  }
0xd0: {  	s22 =	smov.u32 s20;
	[sflag:s15] =	ssyncset.done $0x0  }
0xd1: {  	s19 =	sshra.s32 s19, $0x2;
	[sflag:s15] =	ssyncadd.s32 $0xFFFFF800  }
0xd2: {  	[spmem:s2] =	stream.indirect.scatter.add.f32 [tilespmem:s12], [sflag:$0x1], $0x10, s19, s14, $0xb8;
	[tilespmem:$0x5800] =	vst v63  }
0xd3: {  	s20 =	sadd.s32 $0x80, s19  }
0xd4: {  	[spmem:s2] =	stream.indirect.scatter.add.f32 [tilespmem:s12], [sflag:$0x1], $0x10, s20, s14, $0xb8;
	[tilespmem:$0x5800] =	vst v63  }
0xd5: {  	s29 =	sadd.s32 $0x100, s19  }
0xd6: {  	[spmem:s2] =	stream.indirect.scatter.add.f32 [tilespmem:s12], [sflag:$0x1], $0x10, s29, s14, $0xb8;
	[tilespmem:$0x5800] =	vst v63  }
0xd7: {  	s30 =	sadd.s32 $0x180, s19  }
0xd8: {  	[spmem:s2] =	stream.indirect.scatter.add.f32 [tilespmem:s12], [sflag:$0x1], $0x10, s30, s14, $0xb8;
	[tilespmem:$0x5800] =	vst v63  }
0xd9: {  	s31 =	sadd.s32 $0x200, s19  }
0xda: {  	[spmem:s2] =	stream.indirect.scatter.add.f32 [tilespmem:s12], [sflag:$0x1], $0x10, s31, s14, $0xb8;
	[tilespmem:$0x5800] =	vst v63  }
0xdb: {  	s21 =	sadd.s32 $0x280, s19  }
0xdc: {  	[spmem:s2] =	stream.indirect.scatter.add.f32 [tilespmem:s12], [sflag:$0x1], $0x10, s21, s14, $0xb8;
	[tilespmem:$0x5800] =	vst v63  }
0xdd: {  	s22 =	sadd.s32 $0x300, s19  }
0xde: {  	[spmem:s2] =	stream.indirect.scatter.add.f32 [tilespmem:s12], [sflag:$0x1], $0x10, s22, s14, $0xb8;
	[tilespmem:$0x5800] =	vst v63  }
0xdf: {  	s23 =	sadd.s32 $0x380, s19  }
0xe0: {  	[spmem:s2] =	stream.indirect.scatter.add.f32 [tilespmem:s12], [sflag:$0x1], $0x10, s23, s14, $0xb8;
	[tilespmem:$0x5800] =	vst v63  }
0xe1: {  	s24 =	sadd.s32 $0x400, s19  }
0xe2: {  	[spmem:s2] =	stream.indirect.scatter.add.f32 [tilespmem:s12], [sflag:$0x1], $0x10, s24, s14, $0xb8;
	[tilespmem:$0x5800] =	vst v63  }
0xe3: {  	s25 =	sadd.s32 $0x480, s19  }
0xe4: {  	[spmem:s2] =	stream.indirect.scatter.add.f32 [tilespmem:s12], [sflag:$0x1], $0x10, s25, s14, $0xb8;
	[tilespmem:$0x5800] =	vst v63  }
0xe5: {  	s26 =	sadd.s32 $0x500, s19  }
0xe6: {  	[spmem:s2] =	stream.indirect.scatter.add.f32 [tilespmem:s12], [sflag:$0x1], $0x10, s26, s14, $0xb8;
	[tilespmem:$0x5800] =	vst v63  }
0xe7: {  	s28 =	sadd.s32 $0x580, s19  }
0xe8: {  	[spmem:s2] =	stream.indirect.scatter.add.f32 [tilespmem:s12], [sflag:$0x1], $0x10, s28, s14, $0xb8;
	[tilespmem:$0x5800] =	vst v63  }
0xe9: {  	s29 =	sadd.s32 $0x600, s19  }
0xea: {  	[spmem:s2] =	stream.indirect.scatter.add.f32 [tilespmem:s12], [sflag:$0x1], $0x10, s29, s14, $0xb8;
	[tilespmem:$0x5800] =	vst v63  }
0xeb: {  	s30 =	sadd.s32 $0x680, s19  }
0xec: {  	[spmem:s2] =	stream.indirect.scatter.add.f32 [tilespmem:s12], [sflag:$0x1], $0x10, s30, s14, $0xb8;
	[tilespmem:$0x5800] =	vst v63  }
0xed: {  	s31 =	sadd.s32 $0x700, s19  }
0xee: {  	[spmem:s2] =	stream.indirect.scatter.add.f32 [tilespmem:s12], [sflag:$0x1], $0x10, s31, s14, $0xb8;
	[tilespmem:$0x5800] =	vst v63  }
0xef: {  	s19 =	sadd.s32 $0x780, s19  }
0xf0: {  	[spmem:s2] =	stream.indirect.scatter.add.f32 [tilespmem:s12], [sflag:$0x1], $0x10, s19, s14, $0xb8;
	[tilespmem:$0x5800] =	vst v63  }
0xf1: {  	_ =	swait.ge [sflag:s15], $0x800  }
0xf2: {  	[sflag:s15] =	ssyncset.done $0x0  }
0xf3: {  	[sflag:s15] =	ssyncadd.s32 $0xFFFFF800  }
0xf4: {  	_ =	swait.ge [sflag:s15], $0x800  }
0xf5: {  	[sflag:s15] =	ssyncset.done $0x0  }
0xf6: {  	[sflag:s15] =	ssyncadd.s32 $0xFFFFF800  }
0xf7: {  	_ =	swait.ge [sflag:s15], $0x800  }
0xf8: {  	[sflag:s15] =	ssyncset.done $0x0  }
0xf9: {  	[sflag:s15] =	ssyncadd.s32 $0xFFFFF800  }
0xfa: {  	_ =	swait.ge [sflag:s15], $0x800  }
0xfb: {  	[sflag:s15] =	ssyncset.done $0x0  }
0xfc: {  	[sflag:s15] =	ssyncadd.s32 $0xFFFFF800  }
0xfd: {  	_ =	swait.ge [sflag:s15], $0x800  }
0xfe: {  	[sflag:s15] =	ssyncset.done $0x0  }
0xff: {  	[sflag:s15] =	ssyncadd.s32 $0xFFFFF800  }
0x100: {  	_ =	swait.ge [sflag:s15], $0x800  }
0x101: {  	[sflag:s15] =	ssyncset.done $0x0  }
0x102: {  	[sflag:s15] =	ssyncadd.s32 $0xFFFFF800  }
0x103: {  	_ =	swait.ge [sflag:s15], $0x800  }
0x104: {  	[sflag:s15] =	ssyncset.done $0x0  }
0x105: {  	[sflag:s15] =	ssyncadd.s32 $0xFFFFF800  }
0x106: {  	_ =	swait.ge [sflag:s15], $0x800  }
0x107: {  	[sflag:s15] =	ssyncset.done $0x0  }
0x108: {  	[sflag:s15] =	ssyncadd.s32 $0xFFFFF800  }
0x109: {  	_ =	swait.ge [sflag:s15], $0x800  }
0x10a: {  	[sflag:s15] =	ssyncset.done $0x0  }
0x10b: {  	[sflag:s15] =	ssyncadd.s32 $0xFFFFF800  }
0x10c: {  	_ =	swait.ge [sflag:s15], $0x800  }
0x10d: {  	[sflag:s15] =	ssyncset.done $0x0  }
0x10e: {  	[sflag:s15] =	ssyncadd.s32 $0xFFFFF800  }
0x10f: {  	_ =	swait.ge [sflag:s15], $0x800  }
0x110: {  	[sflag:s15] =	ssyncset.done $0x0  }
0x111: {  	[sflag:s15] =	ssyncadd.s32 $0xFFFFF800  }
0x112: {  	_ =	swait.ge [sflag:s15], $0x800  }
0x113: {  	[sflag:s15] =	ssyncset.done $0x0  }
0x114: {  	[sflag:s15] =	ssyncadd.s32 $0xFFFFF800  }
0x115: {  	_ =	swait.ge [sflag:s15], $0x800  }
0x116: {  	[sflag:s15] =	ssyncset.done $0x0  }
0x117: {  	[sflag:s15] =	ssyncadd.s32 $0xFFFFF800  }
0x118: {  	_ =	swait.ge [sflag:s15], $0x800  }
0x119: {  	[sflag:s15] =	ssyncset.done $0x0  }
0x11a: {  	[sflag:s15] =	ssyncadd.s32 $0xFFFFF800  }
0x11b: {  	_ =	swait.ge [sflag:s15], $0x800  }
0x11c: {  	[sflag:s15] =	ssyncset.done $0x0  }
0x11d: {  	[sflag:s15] =	ssyncadd.s32 $0xFFFFF800  }
0x11e: {  	_ =	swait.ge [sflag:s15], $0x800  }
0x11f: {  	s3 =	sadd.s32 $0x1, s3;
	[sflag:s15] =	ssyncset.done $0x0  }
0x120: {  	p0 =	sne.s32 s3, s11;
	[sflag:s15] =	ssyncadd.s32 $0xFFFFF800  }
.Ltmp3:
0x121: {  	[bflag:$0x0] =	sbarrier.arrive $0xFFFF;
	(pc) =	sbr.rel @p0 .LBB2_1-.Ltmp3, $4  }
0x122: {  	[hbm:s10@s18], [sflag:s16] =	dma.strided [spmem:s17@s13], $0x500, s15, $0x2   }
0x123: {  	_ =	swait.ge [sflag:s13], $0x500  }
0x124: {  	[sflag:s13] =	ssyncset.done $0x0  }
0x125: {  	[sflag:s13] =	ssyncadd.s32 $0xFFFFFB00  }
0x126: {  	_ =	sfence.sel $0x180000  }
0x127: {  	[bflag:$0x0] =	sbarrier.arrive $0xFFFF  }
0x128: {  	p0 =	sne.s32 s0, $0x0;
	_ =	strace $0x90000047  }
0x129: {  	s0 =	sadd.s32 @!p0 $0x100000, s1;
	[bflag:$0x2] =	sbarrier.arrive $0xFFFF  }
0x12a: {  	[sflag:s0] =	ssyncadd.tile.s32 @!p0 $0x1;
	_ =	shalt  }
.Lfunc_end2:
_tile_overlayer_lowered:
.L_overlay_start_2:
0x12b: {  	(tag) =	ssettag $0x2  }
0x12c: {  	s0 =	rddreg [dreg:$0x0];
	s2 =	stileid.u32  }
0x12d: {  	s1 =	rddreg [dreg:$0x1];
	p0 =	sne.s32 s2, $0x0  }
0x12e: {  	s3 =	rddreg [dreg:$0x2];
	[bflag:$0x3] =	sbarrier.arrive $0xFFFF;
	s2 =	simm.s32 @!p0 $0x1C02  }
0x12f: {  	[timem:s3], [sflag:s2] =	dma.local @!p0 [hbm:s0], s1  }
0x130: {  	s0 =	simm.s32 @!p0 $0x2  }
0x131: {  	_ =	swait.ge @!p0 [sflag:s0], s1  }
0x132: {  	s1 =	ssub.s32 @!p0 $0x0, s1;
	[sflag:s0] =	ssyncset.done @!p0 $0x0  }
0x133: {  	[sflag:s0] =	ssyncadd.s32 @!p0 s1  }
0x134: {  	[bflag:$0x3] =	sbarrier.arrive $0xFFFF  }
0x135: {  	_ =	shalt  }

// kernel: kernel.14.cloned.1.call-start
scs
__scs_entry_jumppad:
0x0: {  	(pc) =	sbr.rel $0x88, $3  }
0x1: {  	(tag) =	ssettag $0x0;
	lr =	simm.s32 $0x1  }
0x2: {  	[smem:$0x3F8B] =	sst lr;
	_ =	strace $0xD0000000  }
0x3: {  	_ = 	snop  }
0x4: {  	_ = 	snop  }
0x5: {  	_ = 	snop  }
0x6: {  	_ = 	snop  }
0x7: {  	_ = 	snop  }
__scs_overlays_trampoline_lowered:
0x8: {  	[smem:$0x3F9A] =	sst s0  }
0x9: {  	[smem:$0x3F9B] =	sst s1  }
0xa: {  	[smem:$0x3F9C] =	sst s2  }
0xb: {  	[smem:$0x3F9D] =	sst s3  }
0xc: {  	[smem:$0x3F9E] =	sst s4  }
0xd: {  	[smem:$0x3F9F] =	sst s5  }
0xe: {  	[smem:$0x3FA0] =	sst s6  }
0xf: {  	[smem:$0x3FA1] =	sst s7  }
0x10: {  	[smem:$0x3FA2] =	sst s8  }
0x11: {  	[smem:$0x3FA3] =	sst s9;
	s0 =	simm.s32 @!p0 $0x0  }
0x12: {  	s1 =	sld [smem:$0x3F89];
	s0 =	simm.s32 @p0 $0x1  }
0x13: {  	[smem:$0x3FA4] =	sst s0;
	s0 =	simm.s32 @!p1 $0x0  }
0x14: {  	s2 =	sld [smem:$0x3F88];
	s0 =	simm.s32 @p1 $0x1  }
0x15: {  	[smem:$0x3FA5] =	sst s0;
	s0 =	simm.s32 @!p2 $0x0  }
0x16: {  	s3 =	sld [smem:$0x3FDB];
	s0 =	simm.s32 @p2 $0x1  }
0x17: {  	s4 =	simm.s32 $0x1BF5;
	[smem:$0x3FA7] =	sst s0  }
0x18: {  	s0 =	sld [smem:$0x3F8A];
	_ =	swait.ge [sflag:s4], $0x0  }
0x19: {  	s7 =	sld [smem:$0x3F8B]  }
0x1a: {  	s8 =	sadd.s32 $0xFFFFE003, lr  }
0x1b: {  	s9 =	sadd.s32 $0xFFFFFEF7, lr;
	s5 =	simm.s32 $0xFFFFFFFF;
	p2 =	slt.u32 s8, $0xFFFFF086  }
0x1c: {  	p1 =	slt.u32 s9, $0xF7A;
	s5 =	simm.s32 @!p2 $0x0  }
0x1d: {  	s5 =	simm.s32 @p1 $0x1;
	p0 =	seq.s32 s7, s2  }
0x1e: {  	s7 =	smul.u32 @!p0 $0xF7A, s2;
	p2 =	seq.s32 @!p0 s5, $0x0  }
0x1f: {  	s9 =	smul.u32 $0xF7A, s1;
	s8 =	simm.s32 @!p0 $0x1BF5;
	p2 =	por !p2, p0  }
0x20: {  	[sflag:s8] =	ssyncset.s32 @!p0 $0xFFFFF086;
	s6 =	sadd.s32 @!p0 s3, s7;
	s7 =	simm.s32 @!p0 $0x108  }
0x21: {  	s3 =	sadd.s32 s3, s9;
	s6 =	sadd.s32 @!p0 $0x88, s6;
	s7 =	simm.s32 @p2 $0x1082  }
0x22: {  	[simem:s7], [sflag:s8] =	dma.local @!p0 [hbm:s6], $0xF7A  }
0x23: {  	s9 =	sor.u32 $0xD0000000, s2;
	s6 =	simm.s32 $0x108;
	_ =	swait.ge @!p0 [sflag:s8], $0x0  }
0x24: {  	s3 =	sadd.s32 $0x88, s3;
	s6 =	simm.s32 @!p1 $0x1082;
	[sflag:s4] =	ssyncset.s32 $0xFFFFF086  }
0x25: {  	[simem:s6], [sflag:s4] =	dma.local [hbm:s3], $0xF7A  }
0x26: {  	[smem:$0x3F8B] =	sst s1;
	(tag) =	ssettag s2;
	_ =	strace s9  }
0x27: {  	s1 =	sld [smem:$0x3F9B]  }
0x28: {  	s2 =	sld [smem:$0x3F9C]  }
0x29: {  	s4 =	sld [smem:$0x3F9E]  }
0x2a: {  	p0 =	seq.s32 s5, $0x0;
	s5 =	sld [smem:$0x3F9F]  }
0x2b: {  	s6 =	sld [smem:$0x3FA0]  }
0x2c: {  	s7 =	sld [smem:$0x3FA1]  }
0x2d: {  	s3 =	simm.s32 $0x108;
	s8 =	sld [smem:$0x3FA2]  }
0x2e: {  	s3 =	simm.s32 @!p0 $0x1082;
	s9 =	sld [smem:$0x3FA3]  }
0x2f: {  	lr =	sadd.s32 s0, s3;
	s0 =	sld [smem:$0x3F9A]  }
0x30: {  	s3 =	sld [smem:$0x3F9D]  }
0x31: {  	[smem:$0x3FA6] =	sst s10  }
0x32: {  	s10 =	sld [smem:$0x3FA4];
	_ =	sdelay $0x3  }
0x33: {  	p0 =	seq.s32 s10, $0x1;
	s10 =	sld [smem:$0x3FA6];
	_ =	sdelay $0x3  }
0x34: {  	[smem:$0x3FA6] =	sst s10  }
0x35: {  	s10 =	sld [smem:$0x3FA5];
	_ =	sdelay $0x3  }
0x36: {  	p1 =	seq.s32 s10, $0x1;
	s10 =	sld [smem:$0x3FA6];
	_ =	sdelay $0x3  }
0x37: {  	[smem:$0x3FA6] =	sst s10  }
0x38: {  	s10 =	sld [smem:$0x3FA7]  }
0x39: {  	_ = 	snop;
	(pc) =	sbr.ind lr, $3  }
0x3a: {  	_ = 	snop  }
0x3b: {  	_ = 	snop  }
0x3c: {  	p2 =	seq.s32 s10, $0x1;
	s10 =	sld [smem:$0x3FA6]  }
0x3d: {  	_ =	shalt  }
0x3e: {  	_ =	shalt  }
0x3f: {  	_ =	shalt  }
0x40: {  	_ =	shalt  }
0x41: {  	_ =	shalt  }
0x42: {  	_ =	shalt  }
0x43: {  	_ =	shalt  }
0x44: {  	_ =	shalt  }
0x45: {  	_ =	shalt  }
0x46: {  	_ =	shalt  }
0x47: {  	_ =	shalt  }
0x48: {  	_ =	shalt  }
0x49: {  	_ =	shalt  }
0x4a: {  	_ =	shalt  }
0x4b: {  	_ =	shalt  }
0x4c: {  	_ =	shalt  }
0x4d: {  	_ =	shalt  }
0x4e: {  	_ =	shalt  }
0x4f: {  	_ =	shalt  }
0x50: {  	_ =	shalt  }
0x51: {  	_ =	shalt  }
0x52: {  	_ =	shalt  }
0x53: {  	_ =	shalt  }
0x54: {  	_ =	shalt  }
0x55: {  	_ =	shalt  }
0x56: {  	_ =	shalt  }
0x57: {  	_ =	shalt  }
0x58: {  	_ =	shalt  }
0x59: {  	_ =	shalt  }
0x5a: {  	_ =	shalt  }
0x5b: {  	_ =	shalt  }
0x5c: {  	_ =	shalt  }
0x5d: {  	_ =	shalt  }
0x5e: {  	_ =	shalt  }
0x5f: {  	_ =	shalt  }
0x60: {  	_ =	shalt  }
0x61: {  	_ =	shalt  }
0x62: {  	_ =	shalt  }
0x63: {  	_ =	shalt  }
0x64: {  	_ =	shalt  }
0x65: {  	_ =	shalt  }
0x66: {  	_ =	shalt  }
0x67: {  	_ =	shalt  }
0x68: {  	_ =	shalt  }
0x69: {  	_ =	shalt  }
0x6a: {  	_ =	shalt  }
0x6b: {  	_ =	shalt  }
0x6c: {  	_ =	shalt  }
0x6d: {  	_ =	shalt  }
0x6e: {  	_ =	shalt  }
0x6f: {  	_ =	shalt  }
0x70: {  	_ =	shalt  }
0x71: {  	_ =	shalt  }
0x72: {  	_ =	shalt  }
0x73: {  	_ =	shalt  }
0x74: {  	_ =	shalt  }
0x75: {  	_ =	shalt  }
0x76: {  	_ =	shalt  }
0x77: {  	_ =	shalt  }
0x78: {  	_ =	shalt  }
0x79: {  	_ =	shalt  }
0x7a: {  	_ =	shalt  }
0x7b: {  	_ =	shalt  }
0x7c: {  	_ =	shalt  }
0x7d: {  	_ =	shalt  }
0x7e: {  	_ =	shalt  }
0x7f: {  	_ =	shalt  }
0x80: {  	_ =	shalt  }
0x81: {  	_ =	shalt  }
0x82: {  	_ =	shalt  }
0x83: {  	_ =	shalt  }
0x84: {  	_ =	shalt  }
0x85: {  	_ =	shalt  }
0x86: {  	_ =	shalt  }
0x87: {  	_ =	shalt  }
.Lfunc_end0:
.L_simem_size_0:
called_computation.1_lowered:
.L_overlay_start_0:
0x88: {  	s2 =	sld [smem:$0x3FD9]  }
0x89: {  	s3 =	sld [smem:$0x3FFE];
	_ =	sdelay $0x1  }
0x8a: {  	s1 =	srdreg.scid  }
0x8b: {  	s0 =	sand.u32 $0x1, s1  }
0x8c: {  	s16 =	sshll.u32 s0, $0xA;
	s2 =	sadd.s32 s3, s2  }
0x8d: {  	s2 =	sadd.s32 s2, s16  }
0x8e: {  	[smem:$0x3FB2] =	sst s2  }
0x8f: {  	_ = 	snop  }
0x90: {  	(tm) =	ssettm $0x1  }
0x91: {  	s17 =	sld [smem:$0x3FFB];
	_ =	sdelay $0x3  }
0x92: {  	_ =	strace s17  }
0x93: {  	s2 =	sld [smem:$0x3FFC];
	_ =	sdelay $0x3  }
0x94: {  	_ =	strace s2  }
0x95: {  	s2 =	sld [smem:$0x3FFD];
	_ =	sdelay $0x3  }
0x96: {  	_ =	strace s2  }
0x97: {  	_ =	strace $0x8FFFFFFF  }
0x98: {  	s18 =	sld [smem:$0x3FDB];
	_ =	sdelay $0x1  }
0x99: {  	s19 =	simm.s32 $_scs_section_size  }
0x9a: {  	s4 =	simm.s32 $_size__tile_overlayer_lowered;
	s5 =	simm.s32 $_tile_overlayer_lowered  }
0x9b: {  	s22 =	simm.s32 $0x1BFF;
	s21 =	sshll.u32 s5, $0x1;
	s2 =	sadd.s32 s19, s18  }
0x9c: {  	s6 =	simm.s32 $0x0;
	s20 =	sshll.u32 s4, $0x1;
	s4 =	sadd.s32 s21, s2  }
0x9d: {  	[timem:s6], [sflag:s22] =	dma.local [hbm:s4], s20  }
0x9e: {  	_ =	swait.ge [sflag:s22], s20  }
0x9f: {  	s3 =	ssub.s32 $0x0, s20;
	[sflag:s22] =	ssyncset.done $0x0  }
0xa0: {  	[sflag:s22] =	ssyncadd.s32 s3;
	_ =	sdelay $0x1  }
0xa1: {  	s23 =	simm.s32 $0x1B8B  }
0xa2: {  	_ =	swait.ge [sflag:s23], $0x1  }
0xa3: {  	[sflag:s23] =	ssyncset.done $0x0  }
0xa4: {  	s25 =	simm.s32 $0x1B8E;
	s24 =	sld [smem:$0x3FFE];
	[sflag:s23] =	ssyncadd.s32 $0xFFFFFFFF  }
0xa5: {  	s26 =	simm.s32 $execute0_lowered;
	[smem:$0x3FD2] =	sst s25  }
0xa6: {  	s4 =	sshll.u32 s26, $0x1;
	_ =	strace $0x80000049;
	[dreg:$0x1] =	wrdreg $0xFFFFFFFF  }
0xa7: {  	s28 =	simm.s32 $_size_execute0_lowered;
	s2 =	sadd.s32 s2, s4;
	[dreg:$0x0] =	wrdreg $0x0  }
0xa8: {  	s4 =	sshll.u32 s28, $0x1;
	[dreg:$0x2] =	wrdreg s2  }
0xa9: {  	[dreg:$0x3] =	wrdreg s4  }
0xaa: {  	[dreg:$0x4] =	wrdreg $0xC0  }
0xab: {  	_ =	task [dreg:s6], $0x5FFFF  }
0xac: {  	[dreg:$0x1] =	wrdreg $0xFFFFFFFF  }
0xad: {  	[dreg:$0x0] =	wrdreg $0x60  }
0xae: {  	[dreg:$0x2] =	wrdreg s24  }
0xaf: {  	[dreg:$0x3] =	wrdreg $0x110000  }
0xb0: {  	[dreg:$0x4] =	wrdreg $0x9  }
0xb1: {  	_ =	task.clear_ibuf [dreg:s6], $0x5FFFF;
	_ =	strace $0x90000049  }
0xb2: {  	s29 =	simm.s32 $0x9;
	_ =	strace $0x8000004B  }
0xb3: {  	_ =	swait.ge [sflag:s29], $0x1  }
0xb4: {  	[sflag:s29] =	ssyncadd.s32 $0xFFFFFFFF  }
0xb5: {  	_ =	strace $0x9000004B  }
0xb6: {  	_ =	sfence  }
0xb7: {  	s30 =	sld [smem:$0x0];
	_ =	sdelay $0x2  }
0xb8: {  	s31 =	sshll.u32 s1, $0xD;
	s1 =	sshrl.u32 s1, $0x2  }
0xb9: {  	s3 =	sand.u32 $0x4000, s31;
	s1 =	sadd.s32 s1, s30  }
0xba: {  	s0 =	sor.u32 s3, s0;
	s1 =	sshll.u32 s1, $0x11  }
0xbb: {  	s0 =	sor.u32 s1, s0  }
0xbc: {  	s0 =	sadd.s32 $0x8F2B, s0  }
0xbd: {  	[sflag:s0] =	ssyncadd.remote.s32 $0x1  }
0xbe: {  	_ =	sfence.sel $0xFFFF  }
0xbf: {  	[dreg:$0x0] =	wrdreg $0xFFFFFFFF;
	(pc) =	sbr.abs _section_cstart, $3  }
0xc0: {  	[dreg:$0x1] =	wrdreg $0xFFFFFFFF  }
0xc1: {  	_ =	task.clear_ibuf [dreg:s6], $0x2FFFF;
	_ =	strace $0x9FFFFFFF  }
0xc2: {  	(tm) =	ssettm $0x7FFFFFFF  }
0xc3: {  	_ =	shalt  }
tec
execute0_lowered:
.L_overlay_start_1:
0x0: {  	(tag) =	ssettag $0x1  }
0x1: {  	s0 =	srdreg.scid  }
0x2: {  	s8 =	stileid.u32;
	s5 =	rddreg [dreg:$0x0]  }
0x3: {  	s2 =	rddreg [dreg:$0x1];
	s3 =	simm.s32 $0x0;
	s14 =	simm.s32 $0x5000  }
0x4: {  	s15 =	simm.s32 $0x5;
	s17 =	simm.s32 $0x80;
	s18 =	simm.s32 $0x8000  }
0x5: {  	s20 =	simm.s32 $0xB000;
	s22 =	simm.s32 $0xE000;
	s23 =	simm.s32 $0x1  }
0x6: {  	s24 =	simm.s32 $0x2;
	s25 =	simm.s32 $0x3;
	s28 =	simm.s32 $0x4E00  }
0x7: {  	s29 =	simm.s32 $0x4E80;
	s30 =	simm.s32 $0x4F00;
	s31 =	simm.s32 $0x4F80  }
0x8: {  	s0 =	sand.u32 $0x1, s0;
	s1 =	sshll.u32 s8, $0x1;
	s7 =	smul.u32 $0x14000, s8  }
0x9: {  	[smem:$0x7FF] =	sst s3;
	s4 =	sadd.s32 $0x17C00, s5;
	s8 =	smul.u32 $0x3C000, s8  }
0xa: {  	s1 =	sor.u32 s0, s1;
	s6 =	smul.u32 $0x140000, s0;
	s0 =	ssub.s32 $0x2, s0  }
0xb: {  	_ =	strace $0x8000004A;
	s1 =	smul.u32 $0x500, s1;
	s26 =	sshrl.u32 s0, $0x1  }
0xc: {  	s8 =	sshrl.u32 s8, $0x2;
	s6 =	sadd.s32 s7, s6;
	s0 =	ssub.s32 s0, s26  }
0xd: {  	s26 =	simm.s32 $0x4;
	s1 =	sadd.s32 s1, s5;
	s6 =	sshrl.u32 s6, $0x3  }
0xe: {  	s13 =	smax.u32 s0, $0x1;
	s0 =	simm.s32 $0xC;
	s12 =	sadd.s32 s6, s5  }
0xf: {  	s5 =	sadd.s32 s8, s2;
	s10 =	sadd.s32 $0xDC00, s1;
	s11 =	sadd.s32 $0x3C00, s1  }
0x10: {  	s1 =	simm.s32 $0x10;
	s6 =	sadd.s32 $0x3000, s5;
	s7 =	sadd.s32 $0x6000, s5  }
0x11: {  	v0 =	vimm.f32 $0.0e+00;
	s8 =	sadd.s32 $0x9000, s5;
	s9 =	sadd.s32 $0xC000, s5;
	s12 =	sadd.s32 $0x35200, s12  }
.LBB2_1:
0x12: {  	s16 =	simm.s32 $0x0  }
0x13: {  	[tilespmem:s16+$0x5050] =	vst v0  }
0x14: {  	[tilespmem:s16+$0x5000] =	vst v0  }
0x15: {  	[tilespmem:s16+$0x5010] =	vst v0  }
0x16: {  	[tilespmem:s16+$0x5020] =	vst v0  }
0x17: {  	s19 =	simm.s32 $0x180;
	[tilespmem:s16+$0x5030] =	vst v0  }
.LBB2_2:
0x18: {  	p0 =	sne.s32 s19, $0xBE80;
	[tilespmem:s16+$0x5040] =	vst v0;
	s16 =	sshra.s32 s19, $0x2;
	s19 =	sadd.s32 $0x180, s19  }
.Ltmp0:
0x19: {  	[tilespmem:s16+$0x5050] =	vst v0;
	(pc) =	sbr.rel @p0 .LBB2_2-.Ltmp0, $4  }
0x1a: {  	[tilespmem:s16+$0x5000] =	vst v0  }
0x1b: {  	[tilespmem:s16+$0x5010] =	vst v0  }
0x1c: {  	[tilespmem:s16+$0x5020] =	vst v0  }
0x1d: {  	[tilespmem:s16+$0x5030] =	vst v0  }
0x1e: {  	[tilespmem:s16+$0x5040] =	vst v0  }
0x1f: {  	[spmem:s5] =	stream.linear.scatter [tilespmem:s14], [sflag:$0x5], $0x3000, $0x38;
	v63 =	vld [tilespmem:$0x0]  }
0x20: {  	_ =	swait.ge [sflag:s15], $0x3000  }
0x21: {  	[sflag:s15] =	ssyncset.done $0x0  }
0x22: {  	[sflag:s15] =	ssyncadd.s32 $0xFFFFD000  }
0x23: {  	[spmem:s6] =	stream.linear.scatter [tilespmem:s14], [sflag:$0x5], $0x3000, $0x38;
	v63 =	vld [tilespmem:$0x0]  }
0x24: {  	_ =	swait.ge [sflag:s15], $0x3000  }
0x25: {  	[sflag:s15] =	ssyncset.done $0x0  }
0x26: {  	[sflag:s15] =	ssyncadd.s32 $0xFFFFD000  }
0x27: {  	[spmem:s7] =	stream.linear.scatter [tilespmem:s14], [sflag:$0x5], $0x3000, $0x38;
	v63 =	vld [tilespmem:$0x0]  }
0x28: {  	_ =	swait.ge [sflag:s15], $0x3000  }
0x29: {  	[sflag:s15] =	ssyncset.done $0x0  }
0x2a: {  	[sflag:s15] =	ssyncadd.s32 $0xFFFFD000  }
0x2b: {  	[spmem:s8] =	stream.linear.scatter [tilespmem:s14], [sflag:$0x5], $0x3000, $0x38;
	v63 =	vld [tilespmem:$0x0]  }
0x2c: {  	_ =	swait.ge [sflag:s15], $0x3000  }
0x2d: {  	[sflag:s15] =	ssyncset.done $0x0  }
0x2e: {  	[sflag:s15] =	ssyncadd.s32 $0xFFFFD000  }
0x2f: {  	[spmem:s9] =	stream.linear.scatter [tilespmem:s14], [sflag:$0x5], $0x3000, $0x38;
	v63 =	vld [tilespmem:$0x0]  }
0x30: {  	_ =	swait.ge [sflag:s15], $0x3000  }
0x31: {  	[sflag:s15] =	ssyncset.done $0x0  }
0x32: {  	s21 =	simm.s32 $0x0;
	[sflag:s15] =	ssyncadd.s32 $0xFFFFD000  }
0x33: {  	[tilespmem:s21], [sflag:$0x5] =	stream.linear.gather [hbm4b:s10+s21], $0x2800, $0x38;
	v63 =	vld [tilespmem:$0x0]  }
0x34: {  	_ =	swait.ge [sflag:s15], $0x2800  }
0x35: {  	[sflag:s15] =	ssyncset.done $0x0  }
0x36: {  	s19 =	simm.s32 $0x2800;
	[sflag:s15] =	ssyncadd.s32 $0xFFFFD800  }
0x37: {  	[tilespmem:s19], [sflag:$0x5] =	stream.linear.gather [hbm4b:s11+s21], $0x2800, $0x38;
	v63 =	vld [tilespmem:$0x0]  }
0x38: {  	_ =	swait.ge [sflag:s15], $0x2800  }
0x39: {  	[sflag:s15] =	ssyncset.done $0x0  }
0x3a: {  	[sflag:s15] =	ssyncadd.s32 $0xFFFFD800  }
0x3b: {  	[bflag:$0x0] =	sbarrier.arrive $0xFFFF  }
0x3c: {  	[tilespmem:s14], [sflag:$0x1] =	stream.indirect.gather [hbm4b:s4+s17], $0x60, s21, s17, $0xb8;
	v63 =	vld [tilespmem:$0x0]  }
0x3d: {  	_ = 	snop  }
0x3e: {  	[tilespmem:s18], [sflag:$0x2] =	stream.indirect.gather [hbm4b:s4+s17], $0x60, s17, s17, $0xb8;
	v63 =	vld [tilespmem:$0x0]  }
0x3f: {  	s21 =	simm.s32 $0x100  }
0x40: {  	[tilespmem:s20], [sflag:$0x3] =	stream.indirect.gather [hbm4b:s4+s17], $0x60, s21, s17, $0xb8;
	v63 =	vld [tilespmem:$0x0]  }
0x41: {  	s19 =	simm.s32 $0x180  }
0x42: {  	[tilespmem:s22], [sflag:$0x4] =	stream.indirect.gather [hbm4b:s4+s17], $0x60, s19, s17, $0xb8;
	v63 =	vld [tilespmem:$0x0]  }
0x43: {  	_ =	swait.ge [sflag:s23], $0x3000  }
0x44: {  	[sflag:s23] =	ssyncset.done $0x0  }
0x45: {  	s21 =	simm.s32 $0x2800;
	[sflag:s23] =	ssyncadd.s32 $0xFFFFD000  }
0x46: {  	[spmem:s2] =	stream.indirect.scatter.add.f32 [tilespmem:s14], [sflag:$0x5], $0x60, s21, s17, $0xb8;
	v63 =	vld [tilespmem:$0x0]  }
0x47: {  	_ =	swait.ge [sflag:s15], $0x3000  }
0x48: {  	[sflag:s15] =	ssyncset.done $0x0  }
0x49: {  	s19 =	simm.s32 $0x200;
	[sflag:s15] =	ssyncadd.s32 $0xFFFFD000  }
0x4a: {  	[tilespmem:s14], [sflag:$0x1] =	stream.indirect.gather [hbm4b:s4+s17], $0x60, s19, s17, $0xb8;
	v63 =	vld [tilespmem:$0x0]  }
0x4b: {  	_ =	swait.ge [sflag:s24], $0x3000  }
0x4c: {  	[sflag:s24] =	ssyncset.done $0x0  }
0x4d: {  	s21 =	simm.s32 $0x2880;
	[sflag:s24] =	ssyncadd.s32 $0xFFFFD000  }
0x4e: {  	[spmem:s2] =	stream.indirect.scatter.add.f32 [tilespmem:s18], [sflag:$0x5], $0x60, s21, s17, $0xb8;
	v63 =	vld [tilespmem:$0x0]  }
0x4f: {  	_ =	swait.ge [sflag:s15], $0x3000  }
0x50: {  	[sflag:s15] =	ssyncset.done $0x0  }
0x51: {  	s19 =	simm.s32 $0x280;
	[sflag:s15] =	ssyncadd.s32 $0xFFFFD000  }
0x52: {  	[tilespmem:s18], [sflag:$0x2] =	stream.indirect.gather [hbm4b:s4+s17], $0x60, s19, s17, $0xb8;
	v63 =	vld [tilespmem:$0x0]  }
0x53: {  	_ =	swait.ge [sflag:s25], $0x3000  }
0x54: {  	[sflag:s25] =	ssyncset.done $0x0  }
0x55: {  	s21 =	simm.s32 $0x2900;
	[sflag:s25] =	ssyncadd.s32 $0xFFFFD000  }
0x56: {  	[spmem:s2] =	stream.indirect.scatter.add.f32 [tilespmem:s20], [sflag:$0x5], $0x60, s21, s17, $0xb8;
	v63 =	vld [tilespmem:$0x0]  }
0x57: {  	_ =	swait.ge [sflag:s15], $0x3000  }
0x58: {  	[sflag:s15] =	ssyncset.done $0x0  }
0x59: {  	s19 =	simm.s32 $0x300;
	[sflag:s15] =	ssyncadd.s32 $0xFFFFD000  }
0x5a: {  	[tilespmem:s20], [sflag:$0x3] =	stream.indirect.gather [hbm4b:s4+s17], $0x60, s19, s17, $0xb8;
	v63 =	vld [tilespmem:$0x0]  }
0x5b: {  	_ =	swait.ge [sflag:s26], $0x3000  }
0x5c: {  	[sflag:s26] =	ssyncset.done $0x0  }
0x5d: {  	s21 =	simm.s32 $0x2980;
	[sflag:s26] =	ssyncadd.s32 $0xFFFFD000  }
0x5e: {  	[spmem:s2] =	stream.indirect.scatter.add.f32 [tilespmem:s22], [sflag:$0x5], $0x60, s21, s17, $0xb8;
	v63 =	vld [tilespmem:$0x0]  }
0x5f: {  	_ =	swait.ge [sflag:s15], $0x3000  }
0x60: {  	[sflag:s15] =	ssyncset.done $0x0  }
0x61: {  	s16 =	simm.s32 $0x800;
	s19 =	simm.s32 $0x380;
	[sflag:s15] =	ssyncadd.s32 $0xFFFFD000  }
.LBB2_4:
0x62: {  	[tilespmem:s22], [sflag:$0x4] =	stream.indirect.gather [hbm4b:s4+s17], $0x60, s19, s17, $0xb8;
	v63 =	vld [tilespmem:$0x0]  }
0x63: {  	s19 =	smov.u32 s16  }
0x64: {  	p0 =	sne.s32 s16, $0x9000;
	s16 =	sadd.s32 $0x800, s16;
	_ =	swait.ge [sflag:s23], $0x3000  }
0x65: {  	s19 =	sshra.s32 s19, $0x2;
	[sflag:s23] =	ssyncset.done $0x0  }
0x66: {  	s21 =	sadd.s32 $0x2800, s19;
	[sflag:s23] =	ssyncadd.s32 $0xFFFFD000  }
0x67: {  	[spmem:s2] =	stream.indirect.scatter.add.f32 [tilespmem:s14], [sflag:$0x5], $0x60, s21, s17, $0xb8;
	v63 =	vld [tilespmem:$0x0]  }
0x68: {  	_ =	swait.ge [sflag:s15], $0x3000  }
0x69: {  	[sflag:s15] =	ssyncset.done $0x0  }
0x6a: {  	s21 =	sadd.s32 $0x200, s19;
	[sflag:s15] =	ssyncadd.s32 $0xFFFFD000  }
0x6b: {  	[tilespmem:s14], [sflag:$0x1] =	stream.indirect.gather [hbm4b:s4+s17], $0x60, s21, s17, $0xb8;
	v63 =	vld [tilespmem:$0x0]  }
0x6c: {  	_ =	swait.ge [sflag:s24], $0x3000  }
0x6d: {  	[sflag:s24] =	ssyncset.done $0x0  }
0x6e: {  	s21 =	sadd.s32 $0x2880, s19;
	[sflag:s24] =	ssyncadd.s32 $0xFFFFD000  }
0x6f: {  	[spmem:s2] =	stream.indirect.scatter.add.f32 [tilespmem:s18], [sflag:$0x5], $0x60, s21, s17, $0xb8;
	v63 =	vld [tilespmem:$0x0]  }
0x70: {  	_ =	swait.ge [sflag:s15], $0x3000  }
0x71: {  	[sflag:s15] =	ssyncset.done $0x0  }
0x72: {  	s21 =	sadd.s32 $0x280, s19;
	[sflag:s15] =	ssyncadd.s32 $0xFFFFD000  }
0x73: {  	[tilespmem:s18], [sflag:$0x2] =	stream.indirect.gather [hbm4b:s4+s17], $0x60, s21, s17, $0xb8;
	v63 =	vld [tilespmem:$0x0]  }
0x74: {  	_ =	swait.ge [sflag:s25], $0x3000  }
0x75: {  	[sflag:s25] =	ssyncset.done $0x0  }
0x76: {  	s21 =	sadd.s32 $0x2900, s19;
	[sflag:s25] =	ssyncadd.s32 $0xFFFFD000  }
0x77: {  	[spmem:s2] =	stream.indirect.scatter.add.f32 [tilespmem:s20], [sflag:$0x5], $0x60, s21, s17, $0xb8;
	v63 =	vld [tilespmem:$0x0]  }
0x78: {  	_ =	swait.ge [sflag:s15], $0x3000  }
0x79: {  	[sflag:s15] =	ssyncset.done $0x0  }
0x7a: {  	s21 =	sadd.s32 $0x300, s19;
	[sflag:s15] =	ssyncadd.s32 $0xFFFFD000  }
0x7b: {  	[tilespmem:s20], [sflag:$0x3] =	stream.indirect.gather [hbm4b:s4+s17], $0x60, s21, s17, $0xb8;
	v63 =	vld [tilespmem:$0x0]  }
0x7c: {  	_ =	swait.ge [sflag:s26], $0x3000  }
0x7d: {  	[sflag:s26] =	ssyncset.done $0x0  }
.Ltmp1:
0x7e: {  	s21 =	sadd.s32 $0x2980, s19;
	[sflag:s26] =	ssyncadd.s32 $0xFFFFD000;
	(pc) =	sbr.rel @p0 .LBB2_4-.Ltmp1, $4  }
0x7f: {  	[spmem:s2] =	stream.indirect.scatter.add.f32 [tilespmem:s22], [sflag:$0x5], $0x60, s21, s17, $0xb8;
	v63 =	vld [tilespmem:$0x0]  }
0x80: {  	_ =	swait.ge [sflag:s15], $0x3000  }
0x81: {  	[sflag:s15] =	ssyncset.done $0x0  }
0x82: {  	s19 =	sadd.s32 $0x380, s19;
	[sflag:s15] =	ssyncadd.s32 $0xFFFFD000  }
0x83: {  	[tilespmem:s22], [sflag:$0x4] =	stream.indirect.gather [hbm4b:s4+s17], $0x60, s19, s17, $0xb8;
	v63 =	vld [tilespmem:$0x0]  }
0x84: {  	_ =	swait.ge [sflag:s23], $0x3000  }
0x85: {  	[sflag:s23] =	ssyncset.done $0x0  }
0x86: {  	[sflag:s23] =	ssyncadd.s32 $0xFFFFD000  }
0x87: {  	[spmem:s2] =	stream.indirect.scatter.add.f32 [tilespmem:s14], [sflag:$0x5], $0x60, s28, s17, $0xb8;
	v63 =	vld [tilespmem:$0x0]  }
0x88: {  	_ =	swait.ge [sflag:s15], $0x3000  }
0x89: {  	[sflag:s15] =	ssyncset.done $0x0  }
0x8a: {  	[sflag:s15] =	ssyncadd.s32 $0xFFFFD000  }
0x8b: {  	_ =	swait.ge [sflag:s24], $0x3000  }
0x8c: {  	[sflag:s24] =	ssyncset.done $0x0  }
0x8d: {  	[sflag:s24] =	ssyncadd.s32 $0xFFFFD000  }
0x8e: {  	[spmem:s2] =	stream.indirect.scatter.add.f32 [tilespmem:s18], [sflag:$0x5], $0x60, s29, s17, $0xb8;
	v63 =	vld [tilespmem:$0x0]  }
0x8f: {  	_ =	swait.ge [sflag:s15], $0x3000  }
0x90: {  	[sflag:s15] =	ssyncset.done $0x0  }
0x91: {  	[sflag:s15] =	ssyncadd.s32 $0xFFFFD000  }
0x92: {  	_ =	swait.ge [sflag:s25], $0x3000  }
0x93: {  	[sflag:s25] =	ssyncset.done $0x0  }
0x94: {  	[sflag:s25] =	ssyncadd.s32 $0xFFFFD000  }
0x95: {  	[spmem:s2] =	stream.indirect.scatter.add.f32 [tilespmem:s20], [sflag:$0x5], $0x60, s30, s17, $0xb8;
	v63 =	vld [tilespmem:$0x0]  }
0x96: {  	_ =	swait.ge [sflag:s15], $0x3000  }
0x97: {  	[sflag:s15] =	ssyncset.done $0x0  }
0x98: {  	[sflag:s15] =	ssyncadd.s32 $0xFFFFD000  }
0x99: {  	_ =	swait.ge [sflag:s26], $0x3000  }
0x9a: {  	[sflag:s26] =	ssyncset.done $0x0  }
0x9b: {  	[sflag:s26] =	ssyncadd.s32 $0xFFFFD000  }
0x9c: {  	[spmem:s2] =	stream.indirect.scatter.add.f32 [tilespmem:s22], [sflag:$0x5], $0x60, s31, s17, $0xb8;
	v63 =	vld [tilespmem:$0x0]  }
0x9d: {  	s16 =	stileid.u32;
	_ =	swait.ge [sflag:s15], $0x3000  }
0x9e: {  	s21 =	sshrl.u32 s5, $0x3;
	s3 =	sadd.s32 $0x1, s3;
	[sflag:s15] =	ssyncset.done $0x0  }
0x9f: {  	s16 =	sshll.u32 s16, $0x6;
	p0 =	sne.s32 s3, s13;
	[sflag:s15] =	ssyncadd.s32 $0xFFFFD000  }
.Ltmp2:
0xa0: {  	s16 =	sor.u32 $0x1C05, s16;
	[bflag:$0x0] =	sbarrier.arrive $0xFFFF;
	(pc) =	sbr.rel @p0 .LBB2_1-.Ltmp2, $4  }
0xa1: {  	[hbm:s12@s1], [sflag:s16] =	dma.strided [spmem:s21@s0], $0x1E00, s23, $0xc   }
0xa2: {  	_ =	swait.ge [sflag:s15], $0x1E00  }
0xa3: {  	[sflag:s15] =	ssyncset.done $0x0  }
0xa4: {  	[sflag:s15] =	ssyncadd.s32 $0xFFFFE200  }
0xa5: {  	_ =	sfence.sel $0x180000  }
0xa6: {  	[bflag:$0x0] =	sbarrier.arrive $0xFFFF  }
0xa7: {  	_ =	strace $0x9000004A  }
0xa8: {  	s0 =	stileid.u32;
	[bflag:$0x2] =	sbarrier.arrive $0xFFFF  }
0xa9: {  	p0 =	sne.s32 s0, $0x0;
	s0 =	rddreg [dreg:$0x2]  }
0xaa: {  	s0 =	sadd.s32 @!p0 $0x100000, s0  }
0xab: {  	[sflag:s0] =	ssyncadd.tile.s32 @!p0 $0x1;
	_ =	shalt  }
.Lfunc_end2:
_tile_overlayer_lowered:
.L_overlay_start_2:
0xac: {  	(tag) =	ssettag $0x2  }
0xad: {  	s0 =	rddreg [dreg:$0x0];
	s2 =	stileid.u32  }
0xae: {  	s1 =	rddreg [dreg:$0x1];
	p0 =	sne.s32 s2, $0x0  }
0xaf: {  	s3 =	rddreg [dreg:$0x2];
	[bflag:$0x3] =	sbarrier.arrive $0xFFFF;
	s2 =	simm.s32 @!p0 $0x1C05  }
0xb0: {  	[timem:s3], [sflag:s2] =	dma.local @!p0 [hbm:s0], s1  }
0xb1: {  	s0 =	simm.s32 @!p0 $0x5  }
0xb2: {  	_ =	swait.ge @!p0 [sflag:s0], s1  }
0xb3: {  	s1 =	ssub.s32 @!p0 $0x0, s1;
	[sflag:s0] =	ssyncset.done @!p0 $0x0  }
0xb4: {  	[sflag:s0] =	ssyncadd.s32 @!p0 s1  }
0xb5: {  	[bflag:$0x3] =	sbarrier.arrive $0xFFFF  }
0xb6: {  	_ =	shalt  }

// kernel: kernel.17.cloned.1.call-start
scs
__scs_entry_jumppad:
0x0: {  	(pc) =	sbr.rel $0x88, $3  }
0x1: {  	(tag) =	ssettag $0x0;
	lr =	simm.s32 $0x1  }
0x2: {  	[smem:$0x3F8B] =	sst lr;
	_ =	strace $0xD0000000  }
0x3: {  	_ = 	snop  }
0x4: {  	_ = 	snop  }
0x5: {  	_ = 	snop  }
0x6: {  	_ = 	snop  }
0x7: {  	_ = 	snop  }
__scs_overlays_trampoline_lowered:
0x8: {  	[smem:$0x3F9A] =	sst s0  }
0x9: {  	[smem:$0x3F9B] =	sst s1  }
0xa: {  	[smem:$0x3F9C] =	sst s2  }
0xb: {  	[smem:$0x3F9D] =	sst s3  }
0xc: {  	[smem:$0x3F9E] =	sst s4  }
0xd: {  	[smem:$0x3F9F] =	sst s5  }
0xe: {  	[smem:$0x3FA0] =	sst s6  }
0xf: {  	[smem:$0x3FA1] =	sst s7  }
0x10: {  	[smem:$0x3FA2] =	sst s8  }
0x11: {  	[smem:$0x3FA3] =	sst s9;
	s0 =	simm.s32 @!p0 $0x0  }
0x12: {  	s1 =	sld [smem:$0x3F89];
	s0 =	simm.s32 @p0 $0x1  }
0x13: {  	[smem:$0x3FA4] =	sst s0;
	s0 =	simm.s32 @!p1 $0x0  }
0x14: {  	s2 =	sld [smem:$0x3F88];
	s0 =	simm.s32 @p1 $0x1  }
0x15: {  	[smem:$0x3FA5] =	sst s0;
	s0 =	simm.s32 @!p2 $0x0  }
0x16: {  	s3 =	sld [smem:$0x3FDB];
	s0 =	simm.s32 @p2 $0x1  }
0x17: {  	s4 =	simm.s32 $0x1BF5;
	[smem:$0x3FA7] =	sst s0  }
0x18: {  	s0 =	sld [smem:$0x3F8A];
	_ =	swait.ge [sflag:s4], $0x0  }
0x19: {  	s7 =	sld [smem:$0x3F8B]  }
0x1a: {  	s8 =	sadd.s32 $0xFFFFE003, lr  }
0x1b: {  	s9 =	sadd.s32 $0xFFFFFEF7, lr;
	s5 =	simm.s32 $0xFFFFFFFF;
	p2 =	slt.u32 s8, $0xFFFFF086  }
0x1c: {  	p1 =	slt.u32 s9, $0xF7A;
	s5 =	simm.s32 @!p2 $0x0  }
0x1d: {  	s5 =	simm.s32 @p1 $0x1;
	p0 =	seq.s32 s7, s2  }
0x1e: {  	s7 =	smul.u32 @!p0 $0xF7A, s2;
	p2 =	seq.s32 @!p0 s5, $0x0  }
0x1f: {  	s9 =	smul.u32 $0xF7A, s1;
	s8 =	simm.s32 @!p0 $0x1BF5;
	p2 =	por !p2, p0  }
0x20: {  	[sflag:s8] =	ssyncset.s32 @!p0 $0xFFFFF086;
	s6 =	sadd.s32 @!p0 s3, s7;
	s7 =	simm.s32 @!p0 $0x108  }
0x21: {  	s3 =	sadd.s32 s3, s9;
	s6 =	sadd.s32 @!p0 $0x88, s6;
	s7 =	simm.s32 @p2 $0x1082  }
0x22: {  	[simem:s7], [sflag:s8] =	dma.local @!p0 [hbm:s6], $0xF7A  }
0x23: {  	s9 =	sor.u32 $0xD0000000, s2;
	s6 =	simm.s32 $0x108;
	_ =	swait.ge @!p0 [sflag:s8], $0x0  }
0x24: {  	s3 =	sadd.s32 $0x88, s3;
	s6 =	simm.s32 @!p1 $0x1082;
	[sflag:s4] =	ssyncset.s32 $0xFFFFF086  }
0x25: {  	[simem:s6], [sflag:s4] =	dma.local [hbm:s3], $0xF7A  }
0x26: {  	[smem:$0x3F8B] =	sst s1;
	(tag) =	ssettag s2;
	_ =	strace s9  }
0x27: {  	s1 =	sld [smem:$0x3F9B]  }
0x28: {  	s2 =	sld [smem:$0x3F9C]  }
0x29: {  	s4 =	sld [smem:$0x3F9E]  }
0x2a: {  	p0 =	seq.s32 s5, $0x0;
	s5 =	sld [smem:$0x3F9F]  }
0x2b: {  	s6 =	sld [smem:$0x3FA0]  }
0x2c: {  	s7 =	sld [smem:$0x3FA1]  }
0x2d: {  	s3 =	simm.s32 $0x108;
	s8 =	sld [smem:$0x3FA2]  }
0x2e: {  	s3 =	simm.s32 @!p0 $0x1082;
	s9 =	sld [smem:$0x3FA3]  }
0x2f: {  	lr =	sadd.s32 s0, s3;
	s0 =	sld [smem:$0x3F9A]  }
0x30: {  	s3 =	sld [smem:$0x3F9D]  }
0x31: {  	[smem:$0x3FA6] =	sst s10  }
0x32: {  	s10 =	sld [smem:$0x3FA4];
	_ =	sdelay $0x3  }
0x33: {  	p0 =	seq.s32 s10, $0x1;
	s10 =	sld [smem:$0x3FA6];
	_ =	sdelay $0x3  }
0x34: {  	[smem:$0x3FA6] =	sst s10  }
0x35: {  	s10 =	sld [smem:$0x3FA5];
	_ =	sdelay $0x3  }
0x36: {  	p1 =	seq.s32 s10, $0x1;
	s10 =	sld [smem:$0x3FA6];
	_ =	sdelay $0x3  }
0x37: {  	[smem:$0x3FA6] =	sst s10  }
0x38: {  	s10 =	sld [smem:$0x3FA7]  }
0x39: {  	_ = 	snop;
	(pc) =	sbr.ind lr, $3  }
0x3a: {  	_ = 	snop  }
0x3b: {  	_ = 	snop  }
0x3c: {  	p2 =	seq.s32 s10, $0x1;
	s10 =	sld [smem:$0x3FA6]  }
0x3d: {  	_ =	shalt  }
0x3e: {  	_ =	shalt  }
0x3f: {  	_ =	shalt  }
0x40: {  	_ =	shalt  }
0x41: {  	_ =	shalt  }
0x42: {  	_ =	shalt  }
0x43: {  	_ =	shalt  }
0x44: {  	_ =	shalt  }
0x45: {  	_ =	shalt  }
0x46: {  	_ =	shalt  }
0x47: {  	_ =	shalt  }
0x48: {  	_ =	shalt  }
0x49: {  	_ =	shalt  }
0x4a: {  	_ =	shalt  }
0x4b: {  	_ =	shalt  }
0x4c: {  	_ =	shalt  }
0x4d: {  	_ =	shalt  }
0x4e: {  	_ =	shalt  }
0x4f: {  	_ =	shalt  }
0x50: {  	_ =	shalt  }
0x51: {  	_ =	shalt  }
0x52: {  	_ =	shalt  }
0x53: {  	_ =	shalt  }
0x54: {  	_ =	shalt  }
0x55: {  	_ =	shalt  }
0x56: {  	_ =	shalt  }
0x57: {  	_ =	shalt  }
0x58: {  	_ =	shalt  }
0x59: {  	_ =	shalt  }
0x5a: {  	_ =	shalt  }
0x5b: {  	_ =	shalt  }
0x5c: {  	_ =	shalt  }
0x5d: {  	_ =	shalt  }
0x5e: {  	_ =	shalt  }
0x5f: {  	_ =	shalt  }
0x60: {  	_ =	shalt  }
0x61: {  	_ =	shalt  }
0x62: {  	_ =	shalt  }
0x63: {  	_ =	shalt  }
0x64: {  	_ =	shalt  }
0x65: {  	_ =	shalt  }
0x66: {  	_ =	shalt  }
0x67: {  	_ =	shalt  }
0x68: {  	_ =	shalt  }
0x69: {  	_ =	shalt  }
0x6a: {  	_ =	shalt  }
0x6b: {  	_ =	shalt  }
0x6c: {  	_ =	shalt  }
0x6d: {  	_ =	shalt  }
0x6e: {  	_ =	shalt  }
0x6f: {  	_ =	shalt  }
0x70: {  	_ =	shalt  }
0x71: {  	_ =	shalt  }
0x72: {  	_ =	shalt  }
0x73: {  	_ =	shalt  }
0x74: {  	_ =	shalt  }
0x75: {  	_ =	shalt  }
0x76: {  	_ =	shalt  }
0x77: {  	_ =	shalt  }
0x78: {  	_ =	shalt  }
0x79: {  	_ =	shalt  }
0x7a: {  	_ =	shalt  }
0x7b: {  	_ =	shalt  }
0x7c: {  	_ =	shalt  }
0x7d: {  	_ =	shalt  }
0x7e: {  	_ =	shalt  }
0x7f: {  	_ =	shalt  }
0x80: {  	_ =	shalt  }
0x81: {  	_ =	shalt  }
0x82: {  	_ =	shalt  }
0x83: {  	_ =	shalt  }
0x84: {  	_ =	shalt  }
0x85: {  	_ =	shalt  }
0x86: {  	_ =	shalt  }
0x87: {  	_ =	shalt  }
.Lfunc_end0:
.L_simem_size_0:
called_computation.2_lowered:
.L_overlay_start_0:
0x88: {  	s2 =	sld [smem:$0x3FD9]  }
0x89: {  	s3 =	sld [smem:$0x3FFE];
	_ =	sdelay $0x1  }
0x8a: {  	s1 =	srdreg.scid  }
0x8b: {  	s0 =	sand.u32 $0x1, s1  }
0x8c: {  	s16 =	sshll.u32 s0, $0xA;
	s2 =	sadd.s32 s3, s2  }
0x8d: {  	s2 =	sadd.s32 s2, s16  }
0x8e: {  	[smem:$0x3FB2] =	sst s2  }
0x8f: {  	_ = 	snop  }
0x90: {  	(tm) =	ssettm $0x1  }
0x91: {  	s17 =	sld [smem:$0x3FFB];
	_ =	sdelay $0x3  }
0x92: {  	_ =	strace s17  }
0x93: {  	s2 =	sld [smem:$0x3FFC];
	_ =	sdelay $0x3  }
0x94: {  	_ =	strace s2  }
0x95: {  	s2 =	sld [smem:$0x3FFD];
	_ =	sdelay $0x3  }
0x96: {  	_ =	strace s2  }
0x97: {  	_ =	strace $0x8FFFFFFF  }
0x98: {  	s18 =	sld [smem:$0x3FDB];
	_ =	sdelay $0x1  }
0x99: {  	s19 =	simm.s32 $_scs_section_size  }
0x9a: {  	s4 =	simm.s32 $_size__tile_overlayer_lowered;
	s5 =	simm.s32 $_tile_overlayer_lowered  }
0x9b: {  	s22 =	simm.s32 $0x1BFF;
	s21 =	sshll.u32 s5, $0x1;
	s2 =	sadd.s32 s19, s18  }
0x9c: {  	s6 =	simm.s32 $0x0;
	s20 =	sshll.u32 s4, $0x1;
	s4 =	sadd.s32 s21, s2  }
0x9d: {  	[timem:s6], [sflag:s22] =	dma.local [hbm:s4], s20  }
0x9e: {  	_ =	swait.ge [sflag:s22], s20  }
0x9f: {  	s3 =	ssub.s32 $0x0, s20;
	[sflag:s22] =	ssyncset.done $0x0  }
0xa0: {  	[sflag:s22] =	ssyncadd.s32 s3;
	_ =	sdelay $0x1  }
0xa1: {  	s23 =	simm.s32 $0x1B8B  }
0xa2: {  	_ =	swait.ge [sflag:s23], $0x1  }
0xa3: {  	[sflag:s23] =	ssyncset.done $0x0  }
0xa4: {  	s25 =	simm.s32 $0x1B8E;
	s24 =	sld [smem:$0x3FFE];
	[sflag:s23] =	ssyncadd.s32 $0xFFFFFFFF  }
0xa5: {  	s26 =	simm.s32 $execute0_lowered;
	[smem:$0x3FD2] =	sst s25  }
0xa6: {  	s4 =	sshll.u32 s26, $0x1;
	_ =	strace $0x8000004C;
	[dreg:$0x1] =	wrdreg $0xFFFFFFFF  }
0xa7: {  	s28 =	simm.s32 $_size_execute0_lowered;
	s2 =	sadd.s32 s2, s4;
	[dreg:$0x0] =	wrdreg $0x0  }
0xa8: {  	s4 =	sshll.u32 s28, $0x1;
	[dreg:$0x2] =	wrdreg s2  }
0xa9: {  	[dreg:$0x3] =	wrdreg s4  }
0xaa: {  	[dreg:$0x4] =	wrdreg $0xC0  }
0xab: {  	_ =	task [dreg:s6], $0x5FFFF  }
0xac: {  	[dreg:$0x1] =	wrdreg $0xFFFFFFFF  }
0xad: {  	[dreg:$0x0] =	wrdreg $0x60  }
0xae: {  	[dreg:$0x2] =	wrdreg s24  }
0xaf: {  	[dreg:$0x3] =	wrdreg $0xB0000  }
0xb0: {  	[dreg:$0x4] =	wrdreg $0x9  }
0xb1: {  	_ =	task.clear_ibuf [dreg:s6], $0x5FFFF;
	_ =	strace $0x9000004C  }
0xb2: {  	s29 =	simm.s32 $0x9;
	_ =	strace $0x8000004E  }
0xb3: {  	_ =	swait.ge [sflag:s29], $0x1  }
0xb4: {  	[sflag:s29] =	ssyncadd.s32 $0xFFFFFFFF  }
0xb5: {  	_ =	strace $0x9000004E  }
0xb6: {  	_ =	sfence  }
0xb7: {  	s30 =	sld [smem:$0x0];
	_ =	sdelay $0x2  }
0xb8: {  	s31 =	sshll.u32 s1, $0xD;
	s1 =	sshrl.u32 s1, $0x2  }
0xb9: {  	s3 =	sand.u32 $0x4000, s31;
	s1 =	sadd.s32 s1, s30  }
0xba: {  	s0 =	sor.u32 s3, s0;
	s1 =	sshll.u32 s1, $0x11  }
0xbb: {  	s0 =	sor.u32 s1, s0  }
0xbc: {  	s0 =	sadd.s32 $0x8F2B, s0  }
0xbd: {  	[sflag:s0] =	ssyncadd.remote.s32 $0x1  }
0xbe: {  	_ =	sfence.sel $0xFFFF  }
0xbf: {  	[dreg:$0x0] =	wrdreg $0xFFFFFFFF;
	(pc) =	sbr.abs _section_cstart, $3  }
0xc0: {  	[dreg:$0x1] =	wrdreg $0xFFFFFFFF  }
0xc1: {  	_ =	task.clear_ibuf [dreg:s6], $0x2FFFF;
	_ =	strace $0x9FFFFFFF  }
0xc2: {  	(tm) =	ssettm $0x7FFFFFFF  }
0xc3: {  	_ =	shalt  }
tec
execute0_lowered:
.L_overlay_start_1:
0x0: {  	(tag) =	ssettag $0x1  }
0x1: {  	s0 =	srdreg.scid  }
0x2: {  	s8 =	stileid.u32;
	s5 =	rddreg [dreg:$0x0]  }
0x3: {  	s2 =	rddreg [dreg:$0x1];
	s3 =	simm.s32 $0x0;
	s14 =	simm.s32 $0x5000  }
0x4: {  	s15 =	simm.s32 $0x5;
	s17 =	simm.s32 $0x80;
	s18 =	simm.s32 $0x6800  }
0x5: {  	s20 =	simm.s32 $0x8000;
	s22 =	simm.s32 $0x9800;
	s23 =	simm.s32 $0x1  }
0x6: {  	s24 =	simm.s32 $0x2;
	s25 =	simm.s32 $0x3;
	s28 =	simm.s32 $0x4E00  }
0x7: {  	s29 =	simm.s32 $0x4E80;
	s30 =	simm.s32 $0x4F00;
	s31 =	simm.s32 $0x4F80  }
0x8: {  	s0 =	sand.u32 $0x1, s0;
	s1 =	sshll.u32 s8, $0x1;
	s7 =	smul.u32 $0x14000, s8  }
0x9: {  	[smem:$0x7FF] =	sst s3;
	s4 =	sadd.s32 $0x17C00, s5;
	s8 =	smul.u32 $0x1E000, s8  }
0xa: {  	s1 =	sor.u32 s0, s1;
	s6 =	smul.u32 $0x140000, s0;
	s0 =	ssub.s32 $0x2, s0  }
0xb: {  	_ =	strace $0x8000004D;
	s1 =	smul.u32 $0x500, s1;
	s26 =	sshrl.u32 s0, $0x1  }
0xc: {  	s8 =	sshrl.u32 s8, $0x2;
	s6 =	sadd.s32 s7, s6;
	s0 =	ssub.s32 s0, s26  }
0xd: {  	s26 =	simm.s32 $0x4;
	s1 =	sadd.s32 s1, s5;
	s6 =	sshrl.u32 s6, $0x3  }
0xe: {  	s13 =	smax.u32 s0, $0x1;
	s0 =	simm.s32 $0x6;
	s12 =	sadd.s32 s6, s5  }
0xf: {  	s5 =	sadd.s32 s8, s2;
	s10 =	sadd.s32 $0xDC00, s1;
	s11 =	sadd.s32 $0x3C00, s1  }
0x10: {  	s1 =	simm.s32 $0x10;
	s6 =	sadd.s32 $0x1800, s5;
	s7 =	sadd.s32 $0x3000, s5  }
0x11: {  	v0 =	vimm.f32 $0.0e+00;
	s8 =	sadd.s32 $0x4800, s5;
	s9 =	sadd.s32 $0x6000, s5;
	s12 =	sadd.s32 $0x26800, s12  }
.LBB2_1:
0x12: {  	s16 =	simm.s32 $0xC0;
	s19 =	simm.s32 $0x0  }
.LBB2_2:
0x13: {  	p0 =	sne.s32 s16, $0x5F40;
	[tilespmem:s19+$0x5020] =	vst v0;
	s21 =	smov.u32 s16;
	s16 =	sadd.s32 $0xC0, s16  }
.Ltmp0:
0x14: {  	[tilespmem:s19+$0x5000] =	vst v0;
	(pc) =	sbr.rel @p0 .LBB2_2-.Ltmp0, $2  }
0x15: {  	[tilespmem:s19+$0x5010] =	vst v0;
	_ =	sdelay $0x2  }
0x16: {  	s19 =	sshra.s32 s21, $0x2  }
0x17: {  	[tilespmem:s19+$0x5020] =	vst v0  }
0x18: {  	[tilespmem:s19+$0x5000] =	vst v0  }
0x19: {  	[tilespmem:s19+$0x5010] =	vst v0  }
0x1a: {  	[spmem:s5] =	stream.linear.scatter [tilespmem:s14], [sflag:$0x5], $0x1800, $0x38;
	[tilespmem:$0x12800] =	vst v63  }
0x1b: {  	_ =	swait.ge [sflag:s15], $0x1800  }
0x1c: {  	[sflag:s15] =	ssyncset.done $0x0  }
0x1d: {  	[sflag:s15] =	ssyncadd.s32 $0xFFFFE800  }
0x1e: {  	[spmem:s6] =	stream.linear.scatter [tilespmem:s14], [sflag:$0x5], $0x1800, $0x38;
	[tilespmem:$0x12800] =	vst v63  }
0x1f: {  	_ =	swait.ge [sflag:s15], $0x1800  }
0x20: {  	[sflag:s15] =	ssyncset.done $0x0  }
0x21: {  	[sflag:s15] =	ssyncadd.s32 $0xFFFFE800  }
0x22: {  	[spmem:s7] =	stream.linear.scatter [tilespmem:s14], [sflag:$0x5], $0x1800, $0x38;
	[tilespmem:$0x12800] =	vst v63  }
0x23: {  	_ =	swait.ge [sflag:s15], $0x1800  }
0x24: {  	[sflag:s15] =	ssyncset.done $0x0  }
0x25: {  	[sflag:s15] =	ssyncadd.s32 $0xFFFFE800  }
0x26: {  	[spmem:s8] =	stream.linear.scatter [tilespmem:s14], [sflag:$0x5], $0x1800, $0x38;
	[tilespmem:$0x12800] =	vst v63  }
0x27: {  	_ =	swait.ge [sflag:s15], $0x1800  }
0x28: {  	[sflag:s15] =	ssyncset.done $0x0  }
0x29: {  	[sflag:s15] =	ssyncadd.s32 $0xFFFFE800  }
0x2a: {  	[spmem:s9] =	stream.linear.scatter [tilespmem:s14], [sflag:$0x5], $0x1800, $0x38;
	[tilespmem:$0x12800] =	vst v63  }
0x2b: {  	_ =	swait.ge [sflag:s15], $0x1800  }
0x2c: {  	[sflag:s15] =	ssyncset.done $0x0  }
0x2d: {  	s16 =	simm.s32 $0x0;
	[sflag:s15] =	ssyncadd.s32 $0xFFFFE800  }
0x2e: {  	[tilespmem:s16], [sflag:$0x5] =	stream.linear.gather [hbm4b:s10+s16], $0x2800, $0x38;
	[tilespmem:$0x12800] =	vst v63  }
0x2f: {  	_ =	swait.ge [sflag:s15], $0x2800  }
0x30: {  	[sflag:s15] =	ssyncset.done $0x0  }
0x31: {  	s21 =	simm.s32 $0x2800;
	[sflag:s15] =	ssyncadd.s32 $0xFFFFD800  }
0x32: {  	[tilespmem:s21], [sflag:$0x5] =	stream.linear.gather [hbm4b:s11+s16], $0x2800, $0x38;
	[tilespmem:$0x12800] =	vst v63  }
0x33: {  	_ =	swait.ge [sflag:s15], $0x2800  }
0x34: {  	[sflag:s15] =	ssyncset.done $0x0  }
0x35: {  	[sflag:s15] =	ssyncadd.s32 $0xFFFFD800  }
0x36: {  	[bflag:$0x0] =	sbarrier.arrive $0xFFFF  }
0x37: {  	[tilespmem:s14], [sflag:$0x1] =	stream.indirect.gather [hbm4b:s4+s17], $0x30, s16, s17, $0xb8;
	[tilespmem:$0x12800] =	vst v63  }
0x38: {  	_ = 	snop  }
0x39: {  	[tilespmem:s18], [sflag:$0x2] =	stream.indirect.gather [hbm4b:s4+s17], $0x30, s17, s17, $0xb8;
	[tilespmem:$0x12800] =	vst v63  }
0x3a: {  	s21 =	simm.s32 $0x100  }
0x3b: {  	[tilespmem:s20], [sflag:$0x3] =	stream.indirect.gather [hbm4b:s4+s17], $0x30, s21, s17, $0xb8;
	[tilespmem:$0x12800] =	vst v63  }
0x3c: {  	s19 =	simm.s32 $0x180  }
0x3d: {  	[tilespmem:s22], [sflag:$0x4] =	stream.indirect.gather [hbm4b:s4+s17], $0x30, s19, s17, $0xb8;
	[tilespmem:$0x12800] =	vst v63  }
0x3e: {  	_ =	swait.ge [sflag:s23], $0x1800  }
0x3f: {  	[sflag:s23] =	ssyncset.done $0x0  }
0x40: {  	s21 =	simm.s32 $0x2800;
	[sflag:s23] =	ssyncadd.s32 $0xFFFFE800  }
0x41: {  	[spmem:s2] =	stream.indirect.scatter.add.f32 [tilespmem:s14], [sflag:$0x5], $0x30, s21, s17, $0xb8;
	[tilespmem:$0x12800] =	vst v63  }
0x42: {  	_ =	swait.ge [sflag:s15], $0x1800  }
0x43: {  	[sflag:s15] =	ssyncset.done $0x0  }
0x44: {  	s19 =	simm.s32 $0x200;
	[sflag:s15] =	ssyncadd.s32 $0xFFFFE800  }
0x45: {  	[tilespmem:s14], [sflag:$0x1] =	stream.indirect.gather [hbm4b:s4+s17], $0x30, s19, s17, $0xb8;
	[tilespmem:$0x12800] =	vst v63  }
0x46: {  	_ =	swait.ge [sflag:s24], $0x1800  }
0x47: {  	[sflag:s24] =	ssyncset.done $0x0  }
0x48: {  	s21 =	simm.s32 $0x2880;
	[sflag:s24] =	ssyncadd.s32 $0xFFFFE800  }
0x49: {  	[spmem:s2] =	stream.indirect.scatter.add.f32 [tilespmem:s18], [sflag:$0x5], $0x30, s21, s17, $0xb8;
	[tilespmem:$0x12800] =	vst v63  }
0x4a: {  	_ =	swait.ge [sflag:s15], $0x1800  }
0x4b: {  	[sflag:s15] =	ssyncset.done $0x0  }
0x4c: {  	s19 =	simm.s32 $0x280;
	[sflag:s15] =	ssyncadd.s32 $0xFFFFE800  }
0x4d: {  	[tilespmem:s18], [sflag:$0x2] =	stream.indirect.gather [hbm4b:s4+s17], $0x30, s19, s17, $0xb8;
	[tilespmem:$0x12800] =	vst v63  }
0x4e: {  	_ =	swait.ge [sflag:s25], $0x1800  }
0x4f: {  	[sflag:s25] =	ssyncset.done $0x0  }
0x50: {  	s21 =	simm.s32 $0x2900;
	[sflag:s25] =	ssyncadd.s32 $0xFFFFE800  }
0x51: {  	[spmem:s2] =	stream.indirect.scatter.add.f32 [tilespmem:s20], [sflag:$0x5], $0x30, s21, s17, $0xb8;
	[tilespmem:$0x12800] =	vst v63  }
0x52: {  	_ =	swait.ge [sflag:s15], $0x1800  }
0x53: {  	[sflag:s15] =	ssyncset.done $0x0  }
0x54: {  	s19 =	simm.s32 $0x300;
	[sflag:s15] =	ssyncadd.s32 $0xFFFFE800  }
0x55: {  	[tilespmem:s20], [sflag:$0x3] =	stream.indirect.gather [hbm4b:s4+s17], $0x30, s19, s17, $0xb8;
	[tilespmem:$0x12800] =	vst v63  }
0x56: {  	_ =	swait.ge [sflag:s26], $0x1800  }
0x57: {  	[sflag:s26] =	ssyncset.done $0x0  }
0x58: {  	s21 =	simm.s32 $0x2980;
	[sflag:s26] =	ssyncadd.s32 $0xFFFFE800  }
0x59: {  	[spmem:s2] =	stream.indirect.scatter.add.f32 [tilespmem:s22], [sflag:$0x5], $0x30, s21, s17, $0xb8;
	[tilespmem:$0x12800] =	vst v63  }
0x5a: {  	_ =	swait.ge [sflag:s15], $0x1800  }
0x5b: {  	[sflag:s15] =	ssyncset.done $0x0  }
0x5c: {  	s16 =	simm.s32 $0x800;
	s19 =	simm.s32 $0x380;
	[sflag:s15] =	ssyncadd.s32 $0xFFFFE800  }
.LBB2_4:
0x5d: {  	[tilespmem:s22], [sflag:$0x4] =	stream.indirect.gather [hbm4b:s4+s17], $0x30, s19, s17, $0xb8;
	[tilespmem:$0x12800] =	vst v63  }
0x5e: {  	s19 =	smov.u32 s16  }
0x5f: {  	p0 =	sne.s32 s16, $0x9000;
	s16 =	sadd.s32 $0x800, s16;
	_ =	swait.ge [sflag:s23], $0x1800  }
0x60: {  	s19 =	sshra.s32 s19, $0x2;
	[sflag:s23] =	ssyncset.done $0x0  }
0x61: {  	s21 =	sadd.s32 $0x2800, s19;
	[sflag:s23] =	ssyncadd.s32 $0xFFFFE800  }
0x62: {  	[spmem:s2] =	stream.indirect.scatter.add.f32 [tilespmem:s14], [sflag:$0x5], $0x30, s21, s17, $0xb8;
	[tilespmem:$0x12800] =	vst v63  }
0x63: {  	_ =	swait.ge [sflag:s15], $0x1800  }
0x64: {  	[sflag:s15] =	ssyncset.done $0x0  }
0x65: {  	s21 =	sadd.s32 $0x200, s19;
	[sflag:s15] =	ssyncadd.s32 $0xFFFFE800  }
0x66: {  	[tilespmem:s14], [sflag:$0x1] =	stream.indirect.gather [hbm4b:s4+s17], $0x30, s21, s17, $0xb8;
	[tilespmem:$0x12800] =	vst v63  }
0x67: {  	_ =	swait.ge [sflag:s24], $0x1800  }
0x68: {  	[sflag:s24] =	ssyncset.done $0x0  }
0x69: {  	s21 =	sadd.s32 $0x2880, s19;
	[sflag:s24] =	ssyncadd.s32 $0xFFFFE800  }
0x6a: {  	[spmem:s2] =	stream.indirect.scatter.add.f32 [tilespmem:s18], [sflag:$0x5], $0x30, s21, s17, $0xb8;
	[tilespmem:$0x12800] =	vst v63  }
0x6b: {  	_ =	swait.ge [sflag:s15], $0x1800  }
0x6c: {  	[sflag:s15] =	ssyncset.done $0x0  }
0x6d: {  	s21 =	sadd.s32 $0x280, s19;
	[sflag:s15] =	ssyncadd.s32 $0xFFFFE800  }
0x6e: {  	[tilespmem:s18], [sflag:$0x2] =	stream.indirect.gather [hbm4b:s4+s17], $0x30, s21, s17, $0xb8;
	[tilespmem:$0x12800] =	vst v63  }
0x6f: {  	_ =	swait.ge [sflag:s25], $0x1800  }
0x70: {  	[sflag:s25] =	ssyncset.done $0x0  }
0x71: {  	s21 =	sadd.s32 $0x2900, s19;
	[sflag:s25] =	ssyncadd.s32 $0xFFFFE800  }
0x72: {  	[spmem:s2] =	stream.indirect.scatter.add.f32 [tilespmem:s20], [sflag:$0x5], $0x30, s21, s17, $0xb8;
	[tilespmem:$0x12800] =	vst v63  }
0x73: {  	_ =	swait.ge [sflag:s15], $0x1800  }
0x74: {  	[sflag:s15] =	ssyncset.done $0x0  }
0x75: {  	s21 =	sadd.s32 $0x300, s19;
	[sflag:s15] =	ssyncadd.s32 $0xFFFFE800  }
0x76: {  	[tilespmem:s20], [sflag:$0x3] =	stream.indirect.gather [hbm4b:s4+s17], $0x30, s21, s17, $0xb8;
	[tilespmem:$0x12800] =	vst v63  }
0x77: {  	_ =	swait.ge [sflag:s26], $0x1800  }
0x78: {  	[sflag:s26] =	ssyncset.done $0x0  }
.Ltmp1:
0x79: {  	s21 =	sadd.s32 $0x2980, s19;
	[sflag:s26] =	ssyncadd.s32 $0xFFFFE800;
	(pc) =	sbr.rel @p0 .LBB2_4-.Ltmp1, $4  }
0x7a: {  	[spmem:s2] =	stream.indirect.scatter.add.f32 [tilespmem:s22], [sflag:$0x5], $0x30, s21, s17, $0xb8;
	[tilespmem:$0x12800] =	vst v63  }
0x7b: {  	_ =	swait.ge [sflag:s15], $0x1800  }
0x7c: {  	[sflag:s15] =	ssyncset.done $0x0  }
0x7d: {  	s19 =	sadd.s32 $0x380, s19;
	[sflag:s15] =	ssyncadd.s32 $0xFFFFE800  }
0x7e: {  	[tilespmem:s22], [sflag:$0x4] =	stream.indirect.gather [hbm4b:s4+s17], $0x30, s19, s17, $0xb8;
	[tilespmem:$0x12800] =	vst v63  }
0x7f: {  	_ =	swait.ge [sflag:s23], $0x1800  }
0x80: {  	[sflag:s23] =	ssyncset.done $0x0  }
0x81: {  	[sflag:s23] =	ssyncadd.s32 $0xFFFFE800  }
0x82: {  	[spmem:s2] =	stream.indirect.scatter.add.f32 [tilespmem:s14], [sflag:$0x5], $0x30, s28, s17, $0xb8;
	[tilespmem:$0x12800] =	vst v63  }
0x83: {  	_ =	swait.ge [sflag:s15], $0x1800  }
0x84: {  	[sflag:s15] =	ssyncset.done $0x0  }
0x85: {  	[sflag:s15] =	ssyncadd.s32 $0xFFFFE800  }
0x86: {  	_ =	swait.ge [sflag:s24], $0x1800  }
0x87: {  	[sflag:s24] =	ssyncset.done $0x0  }
0x88: {  	[sflag:s24] =	ssyncadd.s32 $0xFFFFE800  }
0x89: {  	[spmem:s2] =	stream.indirect.scatter.add.f32 [tilespmem:s18], [sflag:$0x5], $0x30, s29, s17, $0xb8;
	[tilespmem:$0x12800] =	vst v63  }
0x8a: {  	_ =	swait.ge [sflag:s15], $0x1800  }
0x8b: {  	[sflag:s15] =	ssyncset.done $0x0  }
0x8c: {  	[sflag:s15] =	ssyncadd.s32 $0xFFFFE800  }
0x8d: {  	_ =	swait.ge [sflag:s25], $0x1800  }
0x8e: {  	[sflag:s25] =	ssyncset.done $0x0  }
0x8f: {  	[sflag:s25] =	ssyncadd.s32 $0xFFFFE800  }
0x90: {  	[spmem:s2] =	stream.indirect.scatter.add.f32 [tilespmem:s20], [sflag:$0x5], $0x30, s30, s17, $0xb8;
	[tilespmem:$0x12800] =	vst v63  }
0x91: {  	_ =	swait.ge [sflag:s15], $0x1800  }
0x92: {  	[sflag:s15] =	ssyncset.done $0x0  }
0x93: {  	[sflag:s15] =	ssyncadd.s32 $0xFFFFE800  }
0x94: {  	_ =	swait.ge [sflag:s26], $0x1800  }
0x95: {  	[sflag:s26] =	ssyncset.done $0x0  }
0x96: {  	[sflag:s26] =	ssyncadd.s32 $0xFFFFE800  }
0x97: {  	[spmem:s2] =	stream.indirect.scatter.add.f32 [tilespmem:s22], [sflag:$0x5], $0x30, s31, s17, $0xb8;
	[tilespmem:$0x12800] =	vst v63  }
0x98: {  	s16 =	stileid.u32;
	_ =	swait.ge [sflag:s15], $0x1800  }
0x99: {  	s21 =	sshrl.u32 s5, $0x3;
	s3 =	sadd.s32 $0x1, s3;
	[sflag:s15] =	ssyncset.done $0x0  }
0x9a: {  	s16 =	sshll.u32 s16, $0x6;
	p0 =	sne.s32 s3, s13;
	[sflag:s15] =	ssyncadd.s32 $0xFFFFE800  }
.Ltmp2:
0x9b: {  	s16 =	sor.u32 $0x1C05, s16;
	[bflag:$0x0] =	sbarrier.arrive $0xFFFF;
	(pc) =	sbr.rel @p0 .LBB2_1-.Ltmp2, $4  }
0x9c: {  	[hbm:s12@s1], [sflag:s16] =	dma.strided [spmem:s21@s0], $0xF00, s23, $0x6   }
0x9d: {  	_ =	swait.ge [sflag:s15], $0xF00  }
0x9e: {  	[sflag:s15] =	ssyncset.done $0x0  }
0x9f: {  	[sflag:s15] =	ssyncadd.s32 $0xFFFFF100  }
0xa0: {  	_ =	sfence.sel $0x180000  }
0xa1: {  	[bflag:$0x0] =	sbarrier.arrive $0xFFFF  }
0xa2: {  	_ =	strace $0x9000004D  }
0xa3: {  	s0 =	stileid.u32;
	[bflag:$0x2] =	sbarrier.arrive $0xFFFF  }
0xa4: {  	p0 =	sne.s32 s0, $0x0;
	s0 =	rddreg [dreg:$0x2]  }
0xa5: {  	s0 =	sadd.s32 @!p0 $0x100000, s0  }
0xa6: {  	[sflag:s0] =	ssyncadd.tile.s32 @!p0 $0x1;
	_ =	shalt  }
.Lfunc_end2:
_tile_overlayer_lowered:
.L_overlay_start_2:
0xa7: {  	(tag) =	ssettag $0x2  }
0xa8: {  	s0 =	rddreg [dreg:$0x0];
	s2 =	stileid.u32  }
0xa9: {  	s1 =	rddreg [dreg:$0x1];
	p0 =	sne.s32 s2, $0x0  }
0xaa: {  	s3 =	rddreg [dreg:$0x2];
	[bflag:$0x3] =	sbarrier.arrive $0xFFFF;
	s2 =	simm.s32 @!p0 $0x1C05  }
0xab: {  	[timem:s3], [sflag:s2] =	dma.local @!p0 [hbm:s0], s1  }
0xac: {  	s0 =	simm.s32 @!p0 $0x5  }
0xad: {  	_ =	swait.ge @!p0 [sflag:s0], s1  }
0xae: {  	s1 =	ssub.s32 @!p0 $0x0, s1;
	[sflag:s0] =	ssyncset.done @!p0 $0x0  }
0xaf: {  	[sflag:s0] =	ssyncadd.s32 @!p0 s1  }
0xb0: {  	[bflag:$0x3] =	sbarrier.arrive $0xFFFF  }
0xb1: {  	_ =	shalt  }

// kernel: kernel.20.cloned.1.call-start
scs
__scs_entry_jumppad:
0x0: {  	(pc) =	sbr.rel $0x88, $3  }
0x1: {  	(tag) =	ssettag $0x0;
	lr =	simm.s32 $0x1  }
0x2: {  	[smem:$0x3F8B] =	sst lr;
	_ =	strace $0xD0000000  }
0x3: {  	_ = 	snop  }
0x4: {  	_ = 	snop  }
0x5: {  	_ = 	snop  }
0x6: {  	_ = 	snop  }
0x7: {  	_ = 	snop  }
__scs_overlays_trampoline_lowered:
0x8: {  	[smem:$0x3F9A] =	sst s0  }
0x9: {  	[smem:$0x3F9B] =	sst s1  }
0xa: {  	[smem:$0x3F9C] =	sst s2  }
0xb: {  	[smem:$0x3F9D] =	sst s3  }
0xc: {  	[smem:$0x3F9E] =	sst s4  }
0xd: {  	[smem:$0x3F9F] =	sst s5  }
0xe: {  	[smem:$0x3FA0] =	sst s6  }
0xf: {  	[smem:$0x3FA1] =	sst s7  }
0x10: {  	[smem:$0x3FA2] =	sst s8  }
0x11: {  	[smem:$0x3FA3] =	sst s9;
	s0 =	simm.s32 @!p0 $0x0  }
0x12: {  	s1 =	sld [smem:$0x3F89];
	s0 =	simm.s32 @p0 $0x1  }
0x13: {  	[smem:$0x3FA4] =	sst s0;
	s0 =	simm.s32 @!p1 $0x0  }
0x14: {  	s2 =	sld [smem:$0x3F88];
	s0 =	simm.s32 @p1 $0x1  }
0x15: {  	[smem:$0x3FA5] =	sst s0;
	s0 =	simm.s32 @!p2 $0x0  }
0x16: {  	s3 =	sld [smem:$0x3FDB];
	s0 =	simm.s32 @p2 $0x1  }
0x17: {  	s4 =	simm.s32 $0x1BF5;
	[smem:$0x3FA7] =	sst s0  }
0x18: {  	s0 =	sld [smem:$0x3F8A];
	_ =	swait.ge [sflag:s4], $0x0  }
0x19: {  	s7 =	sld [smem:$0x3F8B]  }
0x1a: {  	s8 =	sadd.s32 $0xFFFFE003, lr  }
0x1b: {  	s9 =	sadd.s32 $0xFFFFFEF7, lr;
	s5 =	simm.s32 $0xFFFFFFFF;
	p2 =	slt.u32 s8, $0xFFFFF086  }
0x1c: {  	p1 =	slt.u32 s9, $0xF7A;
	s5 =	simm.s32 @!p2 $0x0  }
0x1d: {  	s5 =	simm.s32 @p1 $0x1;
	p0 =	seq.s32 s7, s2  }
0x1e: {  	s7 =	smul.u32 @!p0 $0xF7A, s2;
	p2 =	seq.s32 @!p0 s5, $0x0  }
0x1f: {  	s9 =	smul.u32 $0xF7A, s1;
	s8 =	simm.s32 @!p0 $0x1BF5;
	p2 =	por !p2, p0  }
0x20: {  	[sflag:s8] =	ssyncset.s32 @!p0 $0xFFFFF086;
	s6 =	sadd.s32 @!p0 s3, s7;
	s7 =	simm.s32 @!p0 $0x108  }
0x21: {  	s3 =	sadd.s32 s3, s9;
	s6 =	sadd.s32 @!p0 $0x88, s6;
	s7 =	simm.s32 @p2 $0x1082  }
0x22: {  	[simem:s7], [sflag:s8] =	dma.local @!p0 [hbm:s6], $0xF7A  }
0x23: {  	s9 =	sor.u32 $0xD0000000, s2;
	s6 =	simm.s32 $0x108;
	_ =	swait.ge @!p0 [sflag:s8], $0x0  }
0x24: {  	s3 =	sadd.s32 $0x88, s3;
	s6 =	simm.s32 @!p1 $0x1082;
	[sflag:s4] =	ssyncset.s32 $0xFFFFF086  }
0x25: {  	[simem:s6], [sflag:s4] =	dma.local [hbm:s3], $0xF7A  }
0x26: {  	[smem:$0x3F8B] =	sst s1;
	(tag) =	ssettag s2;
	_ =	strace s9  }
0x27: {  	s1 =	sld [smem:$0x3F9B]  }
0x28: {  	s2 =	sld [smem:$0x3F9C]  }
0x29: {  	s4 =	sld [smem:$0x3F9E]  }
0x2a: {  	p0 =	seq.s32 s5, $0x0;
	s5 =	sld [smem:$0x3F9F]  }
0x2b: {  	s6 =	sld [smem:$0x3FA0]  }
0x2c: {  	s7 =	sld [smem:$0x3FA1]  }
0x2d: {  	s3 =	simm.s32 $0x108;
	s8 =	sld [smem:$0x3FA2]  }
0x2e: {  	s3 =	simm.s32 @!p0 $0x1082;
	s9 =	sld [smem:$0x3FA3]  }
0x2f: {  	lr =	sadd.s32 s0, s3;
	s0 =	sld [smem:$0x3F9A]  }
0x30: {  	s3 =	sld [smem:$0x3F9D]  }
0x31: {  	[smem:$0x3FA6] =	sst s10  }
0x32: {  	s10 =	sld [smem:$0x3FA4];
	_ =	sdelay $0x3  }
0x33: {  	p0 =	seq.s32 s10, $0x1;
	s10 =	sld [smem:$0x3FA6];
	_ =	sdelay $0x3  }
0x34: {  	[smem:$0x3FA6] =	sst s10  }
0x35: {  	s10 =	sld [smem:$0x3FA5];
	_ =	sdelay $0x3  }
0x36: {  	p1 =	seq.s32 s10, $0x1;
	s10 =	sld [smem:$0x3FA6];
	_ =	sdelay $0x3  }
0x37: {  	[smem:$0x3FA6] =	sst s10  }
0x38: {  	s10 =	sld [smem:$0x3FA7]  }
0x39: {  	_ = 	snop;
	(pc) =	sbr.ind lr, $3  }
0x3a: {  	_ = 	snop  }
0x3b: {  	_ = 	snop  }
0x3c: {  	p2 =	seq.s32 s10, $0x1;
	s10 =	sld [smem:$0x3FA6]  }
0x3d: {  	_ =	shalt  }
0x3e: {  	_ =	shalt  }
0x3f: {  	_ =	shalt  }
0x40: {  	_ =	shalt  }
0x41: {  	_ =	shalt  }
0x42: {  	_ =	shalt  }
0x43: {  	_ =	shalt  }
0x44: {  	_ =	shalt  }
0x45: {  	_ =	shalt  }
0x46: {  	_ =	shalt  }
0x47: {  	_ =	shalt  }
0x48: {  	_ =	shalt  }
0x49: {  	_ =	shalt  }
0x4a: {  	_ =	shalt  }
0x4b: {  	_ =	shalt  }
0x4c: {  	_ =	shalt  }
0x4d: {  	_ =	shalt  }
0x4e: {  	_ =	shalt  }
0x4f: {  	_ =	shalt  }
0x50: {  	_ =	shalt  }
0x51: {  	_ =	shalt  }
0x52: {  	_ =	shalt  }
0x53: {  	_ =	shalt  }
0x54: {  	_ =	shalt  }
0x55: {  	_ =	shalt  }
0x56: {  	_ =	shalt  }
0x57: {  	_ =	shalt  }
0x58: {  	_ =	shalt  }
0x59: {  	_ =	shalt  }
0x5a: {  	_ =	shalt  }
0x5b: {  	_ =	shalt  }
0x5c: {  	_ =	shalt  }
0x5d: {  	_ =	shalt  }
0x5e: {  	_ =	shalt  }
0x5f: {  	_ =	shalt  }
0x60: {  	_ =	shalt  }
0x61: {  	_ =	shalt  }
0x62: {  	_ =	shalt  }
0x63: {  	_ =	shalt  }
0x64: {  	_ =	shalt  }
0x65: {  	_ =	shalt  }
0x66: {  	_ =	shalt  }
0x67: {  	_ =	shalt  }
0x68: {  	_ =	shalt  }
0x69: {  	_ =	shalt  }
0x6a: {  	_ =	shalt  }
0x6b: {  	_ =	shalt  }
0x6c: {  	_ =	shalt  }
0x6d: {  	_ =	shalt  }
0x6e: {  	_ =	shalt  }
0x6f: {  	_ =	shalt  }
0x70: {  	_ =	shalt  }
0x71: {  	_ =	shalt  }
0x72: {  	_ =	shalt  }
0x73: {  	_ =	shalt  }
0x74: {  	_ =	shalt  }
0x75: {  	_ =	shalt  }
0x76: {  	_ =	shalt  }
0x77: {  	_ =	shalt  }
0x78: {  	_ =	shalt  }
0x79: {  	_ =	shalt  }
0x7a: {  	_ =	shalt  }
0x7b: {  	_ =	shalt  }
0x7c: {  	_ =	shalt  }
0x7d: {  	_ =	shalt  }
0x7e: {  	_ =	shalt  }
0x7f: {  	_ =	shalt  }
0x80: {  	_ =	shalt  }
0x81: {  	_ =	shalt  }
0x82: {  	_ =	shalt  }
0x83: {  	_ =	shalt  }
0x84: {  	_ =	shalt  }
0x85: {  	_ =	shalt  }
0x86: {  	_ =	shalt  }
0x87: {  	_ =	shalt  }
.Lfunc_end0:
.L_simem_size_0:
called_computation.3_lowered:
.L_overlay_start_0:
0x88: {  	s2 =	sld [smem:$0x3FD9]  }
0x89: {  	s3 =	sld [smem:$0x3FFE];
	_ =	sdelay $0x1  }
0x8a: {  	s1 =	srdreg.scid  }
0x8b: {  	s0 =	sand.u32 $0x1, s1  }
0x8c: {  	s16 =	sshll.u32 s0, $0xA;
	s2 =	sadd.s32 s3, s2  }
0x8d: {  	s2 =	sadd.s32 s2, s16  }
0x8e: {  	[smem:$0x3FB2] =	sst s2  }
0x8f: {  	_ = 	snop  }
0x90: {  	(tm) =	ssettm $0x1  }
0x91: {  	s17 =	sld [smem:$0x3FFB];
	_ =	sdelay $0x3  }
0x92: {  	_ =	strace s17  }
0x93: {  	s2 =	sld [smem:$0x3FFC];
	_ =	sdelay $0x3  }
0x94: {  	_ =	strace s2  }
0x95: {  	s2 =	sld [smem:$0x3FFD];
	_ =	sdelay $0x3  }
0x96: {  	_ =	strace s2  }
0x97: {  	_ =	strace $0x8FFFFFFF  }
0x98: {  	s18 =	sld [smem:$0x3FDB];
	_ =	sdelay $0x1  }
0x99: {  	s19 =	simm.s32 $_scs_section_size  }
0x9a: {  	s4 =	simm.s32 $_size__tile_overlayer_lowered;
	s5 =	simm.s32 $_tile_overlayer_lowered  }
0x9b: {  	s22 =	simm.s32 $0x1BFF;
	s21 =	sshll.u32 s5, $0x1;
	s2 =	sadd.s32 s19, s18  }
0x9c: {  	s6 =	simm.s32 $0x0;
	s20 =	sshll.u32 s4, $0x1;
	s4 =	sadd.s32 s21, s2  }
0x9d: {  	[timem:s6], [sflag:s22] =	dma.local [hbm:s4], s20  }
0x9e: {  	_ =	swait.ge [sflag:s22], s20  }
0x9f: {  	s3 =	ssub.s32 $0x0, s20;
	[sflag:s22] =	ssyncset.done $0x0  }
0xa0: {  	[sflag:s22] =	ssyncadd.s32 s3;
	_ =	sdelay $0x1  }
0xa1: {  	s23 =	simm.s32 $0x1B8B  }
0xa2: {  	_ =	swait.ge [sflag:s23], $0x1  }
0xa3: {  	[sflag:s23] =	ssyncset.done $0x0  }
0xa4: {  	s25 =	simm.s32 $0x1B8E;
	s24 =	sld [smem:$0x3FFE];
	[sflag:s23] =	ssyncadd.s32 $0xFFFFFFFF  }
0xa5: {  	s26 =	simm.s32 $execute0_lowered;
	[smem:$0x3FD2] =	sst s25  }
0xa6: {  	s4 =	sshll.u32 s26, $0x1;
	_ =	strace $0x8000004F;
	[dreg:$0x1] =	wrdreg $0xFFFFFFFF  }
0xa7: {  	s28 =	simm.s32 $_size_execute0_lowered;
	s2 =	sadd.s32 s2, s4;
	[dreg:$0x0] =	wrdreg $0x0  }
0xa8: {  	s4 =	sshll.u32 s28, $0x1;
	[dreg:$0x2] =	wrdreg s2  }
0xa9: {  	[dreg:$0x3] =	wrdreg s4  }
0xaa: {  	[dreg:$0x4] =	wrdreg $0xC0  }
0xab: {  	_ =	task [dreg:s6], $0x5FFFF  }
0xac: {  	[dreg:$0x1] =	wrdreg $0xFFFFFFFF  }
0xad: {  	[dreg:$0x0] =	wrdreg $0x60  }
0xae: {  	[dreg:$0x2] =	wrdreg s24  }
0xaf: {  	[dreg:$0x3] =	wrdreg $0x90000  }
0xb0: {  	[dreg:$0x4] =	wrdreg $0x9  }
0xb1: {  	_ =	task.clear_ibuf [dreg:s6], $0x5FFFF;
	_ =	strace $0x9000004F  }
0xb2: {  	s29 =	simm.s32 $0x9;
	_ =	strace $0x80000051  }
0xb3: {  	_ =	swait.ge [sflag:s29], $0x1  }
0xb4: {  	[sflag:s29] =	ssyncadd.s32 $0xFFFFFFFF  }
0xb5: {  	_ =	strace $0x90000051  }
0xb6: {  	_ =	sfence  }
0xb7: {  	s30 =	sld [smem:$0x0];
	_ =	sdelay $0x2  }
0xb8: {  	s31 =	sshll.u32 s1, $0xD;
	s1 =	sshrl.u32 s1, $0x2  }
0xb9: {  	s3 =	sand.u32 $0x4000, s31;
	s1 =	sadd.s32 s1, s30  }
0xba: {  	s0 =	sor.u32 s3, s0;
	s1 =	sshll.u32 s1, $0x11  }
0xbb: {  	s0 =	sor.u32 s1, s0  }
0xbc: {  	s0 =	sadd.s32 $0x8F2B, s0  }
0xbd: {  	[sflag:s0] =	ssyncadd.remote.s32 $0x1  }
0xbe: {  	_ =	sfence.sel $0xFFFF  }
0xbf: {  	[dreg:$0x0] =	wrdreg $0xFFFFFFFF;
	(pc) =	sbr.abs _section_cstart, $3  }
0xc0: {  	[dreg:$0x1] =	wrdreg $0xFFFFFFFF  }
0xc1: {  	_ =	task.clear_ibuf [dreg:s6], $0x2FFFF;
	_ =	strace $0x9FFFFFFF  }
0xc2: {  	(tm) =	ssettm $0x7FFFFFFF  }
0xc3: {  	_ =	shalt  }
tec
execute0_lowered:
.L_overlay_start_1:
0x0: {  	(tag) =	ssettag $0x1  }
0x1: {  	s0 =	srdreg.scid;
	s5 =	rddreg [dreg:$0x0]  }
0x2: {  	s4 =	stileid.u32;
	s2 =	rddreg [dreg:$0x1];
	s3 =	simm.s32 $0x0  }
0x3: {  	s14 =	simm.s32 $0x5000;
	s15 =	simm.s32 $0x5;
	s17 =	simm.s32 $0x80  }
0x4: {  	s18 =	simm.s32 $0x6000;
	s20 =	simm.s32 $0x7000;
	s21 =	simm.s32 $0x180  }
0x5: {  	s22 =	simm.s32 $0x8000;
	s23 =	simm.s32 $0x1;
	s24 =	simm.s32 $0x2  }
0x6: {  	s25 =	simm.s32 $0x3;
	s28 =	simm.s32 $0x4E00;
	s29 =	simm.s32 $0x4E80  }
0x7: {  	s30 =	simm.s32 $0x4F00;
	s31 =	simm.s32 $0x4F80;
	s0 =	sand.u32 $0x1, s0  }
0x8: {  	s1 =	sshll.u32 s4, $0x1;
	s6 =	smul.u32 $0x14000, s4;
	[smem:$0x7FF] =	sst s3  }
0x9: {  	s4 =	sadd.s32 $0x17C00, s5;
	s1 =	sor.u32 s0, s1;
	s7 =	smul.u32 $0x140000, s0  }
0xa: {  	_ =	strace $0x80000050;
	s0 =	ssub.s32 $0x2, s0;
	s1 =	smul.u32 $0x500, s1  }
0xb: {  	s26 =	sshrl.u32 s0, $0x1;
	s7 =	sadd.s32 s6, s7;
	s6 =	sshrl.u32 s6, $0x2  }
0xc: {  	s0 =	ssub.s32 s0, s26;
	s26 =	simm.s32 $0x4;
	s7 =	sshrl.u32 s7, $0x3  }
0xd: {  	s1 =	sadd.s32 s1, s5;
	s13 =	smax.u32 s0, $0x1;
	s12 =	sadd.s32 s7, s5  }
0xe: {  	s5 =	sadd.s32 s6, s2;
	s10 =	sadd.s32 $0xDC00, s1;
	s11 =	sadd.s32 $0x3C00, s1  }
0xf: {  	s1 =	simm.s32 $0x10;
	s6 =	sadd.s32 $0x1000, s5;
	s7 =	sadd.s32 $0x2000, s5  }
0x10: {  	v0 =	vimm.f32 $0.0e+00;
	s8 =	sadd.s32 $0x3000, s5;
	s9 =	sadd.s32 $0x4000, s5;
	s12 =	sadd.s32 $0x21A00, s12  }
.LBB2_1:
0x11: {  	s0 =	simm.s32 $0x80;
	s16 =	simm.s32 $0x0  }
.LBB2_2:
0x12: {  	p0 =	sne.s32 s0, $0x3F80;
	[tilespmem:s16+$0x5000] =	vst v0;
	s19 =	smov.u32 s0;
	s0 =	sadd.s32 $0x80, s0  }
.Ltmp0:
0x13: {  	[tilespmem:s16+$0x5010] =	vst v0;
	(pc) =	sbr.rel @p0 .LBB2_2-.Ltmp0, $2  }
0x14: {  	_ =	sdelay $0x2  }
0x15: {  	s16 =	sshra.s32 s19, $0x2  }
0x16: {  	[tilespmem:s16+$0x5000] =	vst v0  }
0x17: {  	[tilespmem:s16+$0x5010] =	vst v0  }
0x18: {  	[spmem:s5] =	stream.linear.scatter [tilespmem:s14], [sflag:$0x5], $0x1000, $0x38;
	[tilespmem:$0xE000] =	vst v63  }
0x19: {  	_ =	swait.ge [sflag:s15], $0x1000  }
0x1a: {  	[sflag:s15] =	ssyncset.done $0x0  }
0x1b: {  	[sflag:s15] =	ssyncadd.s32 $0xFFFFF000  }
0x1c: {  	[spmem:s6] =	stream.linear.scatter [tilespmem:s14], [sflag:$0x5], $0x1000, $0x38;
	[tilespmem:$0xE000] =	vst v63  }
0x1d: {  	_ =	swait.ge [sflag:s15], $0x1000  }
0x1e: {  	[sflag:s15] =	ssyncset.done $0x0  }
0x1f: {  	[sflag:s15] =	ssyncadd.s32 $0xFFFFF000  }
0x20: {  	[spmem:s7] =	stream.linear.scatter [tilespmem:s14], [sflag:$0x5], $0x1000, $0x38;
	[tilespmem:$0xE000] =	vst v63  }
0x21: {  	_ =	swait.ge [sflag:s15], $0x1000  }
0x22: {  	[sflag:s15] =	ssyncset.done $0x0  }
0x23: {  	[sflag:s15] =	ssyncadd.s32 $0xFFFFF000  }
0x24: {  	[spmem:s8] =	stream.linear.scatter [tilespmem:s14], [sflag:$0x5], $0x1000, $0x38;
	[tilespmem:$0xE000] =	vst v63  }
0x25: {  	_ =	swait.ge [sflag:s15], $0x1000  }
0x26: {  	[sflag:s15] =	ssyncset.done $0x0  }
0x27: {  	[sflag:s15] =	ssyncadd.s32 $0xFFFFF000  }
0x28: {  	[spmem:s9] =	stream.linear.scatter [tilespmem:s14], [sflag:$0x5], $0x1000, $0x38;
	[tilespmem:$0xE000] =	vst v63  }
0x29: {  	_ =	swait.ge [sflag:s15], $0x1000  }
0x2a: {  	[sflag:s15] =	ssyncset.done $0x0  }
0x2b: {  	s0 =	simm.s32 $0x0;
	[sflag:s15] =	ssyncadd.s32 $0xFFFFF000  }
0x2c: {  	[tilespmem:s0], [sflag:$0x5] =	stream.linear.gather [hbm4b:s10+s0], $0x2800, $0x38;
	[tilespmem:$0xE000] =	vst v63  }
0x2d: {  	_ =	swait.ge [sflag:s15], $0x2800  }
0x2e: {  	[sflag:s15] =	ssyncset.done $0x0  }
0x2f: {  	s19 =	simm.s32 $0x2800;
	[sflag:s15] =	ssyncadd.s32 $0xFFFFD800  }
0x30: {  	[tilespmem:s19], [sflag:$0x5] =	stream.linear.gather [hbm4b:s11+s0], $0x2800, $0x38;
	[tilespmem:$0xE000] =	vst v63  }
0x31: {  	_ =	swait.ge [sflag:s15], $0x2800  }
0x32: {  	[sflag:s15] =	ssyncset.done $0x0  }
0x33: {  	[sflag:s15] =	ssyncadd.s32 $0xFFFFD800  }
0x34: {  	[bflag:$0x0] =	sbarrier.arrive $0xFFFF  }
0x35: {  	[tilespmem:s14], [sflag:$0x1] =	stream.indirect.gather [hbm4b:s4+s17], $0x20, s0, s17, $0xb8;
	[tilespmem:$0xE000] =	vst v63  }
0x36: {  	_ = 	snop  }
0x37: {  	[tilespmem:s18], [sflag:$0x2] =	stream.indirect.gather [hbm4b:s4+s17], $0x20, s17, s17, $0xb8;
	[tilespmem:$0xE000] =	vst v63  }
0x38: {  	s16 =	simm.s32 $0x100  }
0x39: {  	[tilespmem:s20], [sflag:$0x3] =	stream.indirect.gather [hbm4b:s4+s17], $0x20, s16, s17, $0xb8;
	[tilespmem:$0xE000] =	vst v63  }
0x3a: {  	_ = 	snop  }
0x3b: {  	[tilespmem:s22], [sflag:$0x4] =	stream.indirect.gather [hbm4b:s4+s17], $0x20, s21, s17, $0xb8;
	[tilespmem:$0xE000] =	vst v63  }
0x3c: {  	_ =	swait.ge [sflag:s23], $0x1000  }
0x3d: {  	[sflag:s23] =	ssyncset.done $0x0  }
0x3e: {  	s19 =	simm.s32 $0x2800;
	[sflag:s23] =	ssyncadd.s32 $0xFFFFF000  }
0x3f: {  	[spmem:s2] =	stream.indirect.scatter.add.f32 [tilespmem:s14], [sflag:$0x5], $0x20, s19, s17, $0xb8;
	[tilespmem:$0xE000] =	vst v63  }
0x40: {  	_ =	swait.ge [sflag:s15], $0x1000  }
0x41: {  	[sflag:s15] =	ssyncset.done $0x0  }
0x42: {  	s16 =	simm.s32 $0x200;
	[sflag:s15] =	ssyncadd.s32 $0xFFFFF000  }
0x43: {  	[tilespmem:s14], [sflag:$0x1] =	stream.indirect.gather [hbm4b:s4+s17], $0x20, s16, s17, $0xb8;
	[tilespmem:$0xE000] =	vst v63  }
0x44: {  	_ =	swait.ge [sflag:s24], $0x1000  }
0x45: {  	[sflag:s24] =	ssyncset.done $0x0  }
0x46: {  	s19 =	simm.s32 $0x2880;
	[sflag:s24] =	ssyncadd.s32 $0xFFFFF000  }
0x47: {  	[spmem:s2] =	stream.indirect.scatter.add.f32 [tilespmem:s18], [sflag:$0x5], $0x20, s19, s17, $0xb8;
	[tilespmem:$0xE000] =	vst v63  }
0x48: {  	_ =	swait.ge [sflag:s15], $0x1000  }
0x49: {  	[sflag:s15] =	ssyncset.done $0x0  }
0x4a: {  	s16 =	simm.s32 $0x280;
	[sflag:s15] =	ssyncadd.s32 $0xFFFFF000  }
0x4b: {  	[tilespmem:s18], [sflag:$0x2] =	stream.indirect.gather [hbm4b:s4+s17], $0x20, s16, s17, $0xb8;
	[tilespmem:$0xE000] =	vst v63  }
0x4c: {  	_ =	swait.ge [sflag:s25], $0x1000  }
0x4d: {  	[sflag:s25] =	ssyncset.done $0x0  }
0x4e: {  	s19 =	simm.s32 $0x2900;
	[sflag:s25] =	ssyncadd.s32 $0xFFFFF000  }
0x4f: {  	[spmem:s2] =	stream.indirect.scatter.add.f32 [tilespmem:s20], [sflag:$0x5], $0x20, s19, s17, $0xb8;
	[tilespmem:$0xE000] =	vst v63  }
0x50: {  	_ =	swait.ge [sflag:s15], $0x1000  }
0x51: {  	[sflag:s15] =	ssyncset.done $0x0  }
0x52: {  	s16 =	simm.s32 $0x300;
	[sflag:s15] =	ssyncadd.s32 $0xFFFFF000  }
0x53: {  	[tilespmem:s20], [sflag:$0x3] =	stream.indirect.gather [hbm4b:s4+s17], $0x20, s16, s17, $0xb8;
	[tilespmem:$0xE000] =	vst v63  }
0x54: {  	_ =	swait.ge [sflag:s26], $0x1000  }
0x55: {  	[sflag:s26] =	ssyncset.done $0x0  }
0x56: {  	s19 =	simm.s32 $0x2980;
	[sflag:s26] =	ssyncadd.s32 $0xFFFFF000  }
0x57: {  	[spmem:s2] =	stream.indirect.scatter.add.f32 [tilespmem:s22], [sflag:$0x5], $0x20, s19, s17, $0xb8;
	[tilespmem:$0xE000] =	vst v63  }
0x58: {  	_ =	swait.ge [sflag:s15], $0x1000  }
0x59: {  	[sflag:s15] =	ssyncset.done $0x0  }
0x5a: {  	s0 =	simm.s32 $0x800;
	s16 =	simm.s32 $0x380;
	[sflag:s15] =	ssyncadd.s32 $0xFFFFF000  }
.LBB2_4:
0x5b: {  	[tilespmem:s22], [sflag:$0x4] =	stream.indirect.gather [hbm4b:s4+s17], $0x20, s16, s17, $0xb8;
	[tilespmem:$0xE000] =	vst v63  }
0x5c: {  	s16 =	smov.u32 s0  }
0x5d: {  	p0 =	sne.s32 s0, $0x9000;
	s0 =	sadd.s32 $0x800, s0;
	_ =	swait.ge [sflag:s23], $0x1000  }
0x5e: {  	s16 =	sshra.s32 s16, $0x2;
	[sflag:s23] =	ssyncset.done $0x0  }
0x5f: {  	s19 =	sadd.s32 $0x2800, s16;
	[sflag:s23] =	ssyncadd.s32 $0xFFFFF000  }
0x60: {  	[spmem:s2] =	stream.indirect.scatter.add.f32 [tilespmem:s14], [sflag:$0x5], $0x20, s19, s17, $0xb8;
	[tilespmem:$0xE000] =	vst v63  }
0x61: {  	_ =	swait.ge [sflag:s15], $0x1000  }
0x62: {  	[sflag:s15] =	ssyncset.done $0x0  }
0x63: {  	s19 =	sadd.s32 $0x200, s16;
	[sflag:s15] =	ssyncadd.s32 $0xFFFFF000  }
0x64: {  	[tilespmem:s14], [sflag:$0x1] =	stream.indirect.gather [hbm4b:s4+s17], $0x20, s19, s17, $0xb8;
	[tilespmem:$0xE000] =	vst v63  }
0x65: {  	_ =	swait.ge [sflag:s24], $0x1000  }
0x66: {  	[sflag:s24] =	ssyncset.done $0x0  }
0x67: {  	s19 =	sadd.s32 $0x2880, s16;
	[sflag:s24] =	ssyncadd.s32 $0xFFFFF000  }
0x68: {  	[spmem:s2] =	stream.indirect.scatter.add.f32 [tilespmem:s18], [sflag:$0x5], $0x20, s19, s17, $0xb8;
	[tilespmem:$0xE000] =	vst v63  }
0x69: {  	_ =	swait.ge [sflag:s15], $0x1000  }
0x6a: {  	[sflag:s15] =	ssyncset.done $0x0  }
0x6b: {  	s19 =	sadd.s32 $0x280, s16;
	[sflag:s15] =	ssyncadd.s32 $0xFFFFF000  }
0x6c: {  	[tilespmem:s18], [sflag:$0x2] =	stream.indirect.gather [hbm4b:s4+s17], $0x20, s19, s17, $0xb8;
	[tilespmem:$0xE000] =	vst v63  }
0x6d: {  	_ =	swait.ge [sflag:s25], $0x1000  }
0x6e: {  	[sflag:s25] =	ssyncset.done $0x0  }
0x6f: {  	s19 =	sadd.s32 $0x2900, s16;
	[sflag:s25] =	ssyncadd.s32 $0xFFFFF000  }
0x70: {  	[spmem:s2] =	stream.indirect.scatter.add.f32 [tilespmem:s20], [sflag:$0x5], $0x20, s19, s17, $0xb8;
	[tilespmem:$0xE000] =	vst v63  }
0x71: {  	_ =	swait.ge [sflag:s15], $0x1000  }
0x72: {  	[sflag:s15] =	ssyncset.done $0x0  }
0x73: {  	s19 =	sadd.s32 $0x300, s16;
	[sflag:s15] =	ssyncadd.s32 $0xFFFFF000  }
0x74: {  	[tilespmem:s20], [sflag:$0x3] =	stream.indirect.gather [hbm4b:s4+s17], $0x20, s19, s17, $0xb8;
	[tilespmem:$0xE000] =	vst v63  }
0x75: {  	_ =	swait.ge [sflag:s26], $0x1000  }
0x76: {  	[sflag:s26] =	ssyncset.done $0x0  }
.Ltmp1:
0x77: {  	s19 =	sadd.s32 $0x2980, s16;
	[sflag:s26] =	ssyncadd.s32 $0xFFFFF000;
	(pc) =	sbr.rel @p0 .LBB2_4-.Ltmp1, $4  }
0x78: {  	[spmem:s2] =	stream.indirect.scatter.add.f32 [tilespmem:s22], [sflag:$0x5], $0x20, s19, s17, $0xb8;
	[tilespmem:$0xE000] =	vst v63  }
0x79: {  	_ =	swait.ge [sflag:s15], $0x1000  }
0x7a: {  	[sflag:s15] =	ssyncset.done $0x0  }
0x7b: {  	s16 =	sadd.s32 $0x380, s16;
	[sflag:s15] =	ssyncadd.s32 $0xFFFFF000  }
0x7c: {  	[tilespmem:s22], [sflag:$0x4] =	stream.indirect.gather [hbm4b:s4+s17], $0x20, s16, s17, $0xb8;
	[tilespmem:$0xE000] =	vst v63  }
0x7d: {  	_ =	swait.ge [sflag:s23], $0x1000  }
0x7e: {  	[sflag:s23] =	ssyncset.done $0x0  }
0x7f: {  	[sflag:s23] =	ssyncadd.s32 $0xFFFFF000  }
0x80: {  	[spmem:s2] =	stream.indirect.scatter.add.f32 [tilespmem:s14], [sflag:$0x5], $0x20, s28, s17, $0xb8;
	[tilespmem:$0xE000] =	vst v63  }
0x81: {  	_ =	swait.ge [sflag:s15], $0x1000  }
0x82: {  	[sflag:s15] =	ssyncset.done $0x0  }
0x83: {  	[sflag:s15] =	ssyncadd.s32 $0xFFFFF000  }
0x84: {  	_ =	swait.ge [sflag:s24], $0x1000  }
0x85: {  	[sflag:s24] =	ssyncset.done $0x0  }
0x86: {  	[sflag:s24] =	ssyncadd.s32 $0xFFFFF000  }
0x87: {  	[spmem:s2] =	stream.indirect.scatter.add.f32 [tilespmem:s18], [sflag:$0x5], $0x20, s29, s17, $0xb8;
	[tilespmem:$0xE000] =	vst v63  }
0x88: {  	_ =	swait.ge [sflag:s15], $0x1000  }
0x89: {  	[sflag:s15] =	ssyncset.done $0x0  }
0x8a: {  	[sflag:s15] =	ssyncadd.s32 $0xFFFFF000  }
0x8b: {  	_ =	swait.ge [sflag:s25], $0x1000  }
0x8c: {  	[sflag:s25] =	ssyncset.done $0x0  }
0x8d: {  	[sflag:s25] =	ssyncadd.s32 $0xFFFFF000  }
0x8e: {  	[spmem:s2] =	stream.indirect.scatter.add.f32 [tilespmem:s20], [sflag:$0x5], $0x20, s30, s17, $0xb8;
	[tilespmem:$0xE000] =	vst v63  }
0x8f: {  	_ =	swait.ge [sflag:s15], $0x1000  }
0x90: {  	[sflag:s15] =	ssyncset.done $0x0  }
0x91: {  	[sflag:s15] =	ssyncadd.s32 $0xFFFFF000  }
0x92: {  	_ =	swait.ge [sflag:s26], $0x1000  }
0x93: {  	[sflag:s26] =	ssyncset.done $0x0  }
0x94: {  	[sflag:s26] =	ssyncadd.s32 $0xFFFFF000  }
0x95: {  	[spmem:s2] =	stream.indirect.scatter.add.f32 [tilespmem:s22], [sflag:$0x5], $0x20, s31, s17, $0xb8;
	[tilespmem:$0xE000] =	vst v63  }
0x96: {  	s0 =	stileid.u32;
	_ =	swait.ge [sflag:s15], $0x1000  }
0x97: {  	s19 =	sshrl.u32 s5, $0x3;
	s3 =	sadd.s32 $0x1, s3;
	[sflag:s15] =	ssyncset.done $0x0  }
0x98: {  	s0 =	sshll.u32 s0, $0x6;
	p0 =	sne.s32 s3, s13;
	[sflag:s15] =	ssyncadd.s32 $0xFFFFF000  }
.Ltmp2:
0x99: {  	s0 =	sor.u32 $0x1C05, s0;
	[bflag:$0x0] =	sbarrier.arrive $0xFFFF;
	(pc) =	sbr.rel @p0 .LBB2_1-.Ltmp2, $4  }
0x9a: {  	[hbm:s12@s1], [sflag:s0] =	dma.strided [spmem:s19@s26], $0xA00, s23, $0x4   }
0x9b: {  	_ =	swait.ge [sflag:s15], $0xA00  }
0x9c: {  	[sflag:s15] =	ssyncset.done $0x0  }
0x9d: {  	[sflag:s15] =	ssyncadd.s32 $0xFFFFF600  }
0x9e: {  	_ =	sfence.sel $0x180000  }
0x9f: {  	[bflag:$0x0] =	sbarrier.arrive $0xFFFF  }
0xa0: {  	_ =	strace $0x90000050  }
0xa1: {  	s0 =	stileid.u32;
	[bflag:$0x2] =	sbarrier.arrive $0xFFFF  }
0xa2: {  	p0 =	sne.s32 s0, $0x0;
	s0 =	rddreg [dreg:$0x2]  }
0xa3: {  	s0 =	sadd.s32 @!p0 $0x100000, s0  }
0xa4: {  	[sflag:s0] =	ssyncadd.tile.s32 @!p0 $0x1;
	_ =	shalt  }
.Lfunc_end2:
_tile_overlayer_lowered:
.L_overlay_start_2:
0xa5: {  	(tag) =	ssettag $0x2  }
0xa6: {  	s0 =	rddreg [dreg:$0x0];
	s2 =	stileid.u32  }
0xa7: {  	s1 =	rddreg [dreg:$0x1];
	p0 =	sne.s32 s2, $0x0  }
0xa8: {  	s3 =	rddreg [dreg:$0x2];
	[bflag:$0x3] =	sbarrier.arrive $0xFFFF;
	s2 =	simm.s32 @!p0 $0x1C05  }
0xa9: {  	[timem:s3], [sflag:s2] =	dma.local @!p0 [hbm:s0], s1  }
0xaa: {  	s0 =	simm.s32 @!p0 $0x5  }
0xab: {  	_ =	swait.ge @!p0 [sflag:s0], s1  }
0xac: {  	s1 =	ssub.s32 @!p0 $0x0, s1;
	[sflag:s0] =	ssyncset.done @!p0 $0x0  }
0xad: {  	[sflag:s0] =	ssyncadd.s32 @!p0 s1  }
0xae: {  	[bflag:$0x3] =	sbarrier.arrive $0xFFFF  }
0xaf: {  	_ =	shalt  }

</sc_bundles>
